<compile_context>
chip_gen: v7x
topology: tpu7x:2x2x1
jax: 0.10.2.dev20260603
libtpu: 0.0.44.dev20260713+nightly
codegen_flags: <defaults>
</compile_context>

<pallas_src>
import functools

import jax
import jax.numpy as jnp
from jax import lax
from jax.experimental import pallas as pl
from jax.experimental.pallas import tpu as pltpu
from jax.experimental.pallas import tpu_sc as plsc

B = 16384
H = 50
D = 32
NC = 2
NS = 16
NW = NC * NS
ROWS_W = B // NW
S = 8
N_ROUNDS = ROWS_W // S

_mesh = plsc.VectorSubcoreMesh(core_axis_name="c", subcore_axis_name="s")


@functools.partial(
    pl.kernel,
    out_type=jax.ShapeDtypeStruct((B, H, D), jnp.float32),
    mesh=_mesh,
    compiler_params=pltpu.CompilerParams(use_tc_tiling_on_sc=False),
    scratch_types=[
        pltpu.VMEM((ROWS_W, H), jnp.int32),
        pltpu.VMEM((S, 2, 1, H, D), jnp.float32),
        pltpu.SemaphoreType.DMA((S,)),
        pltpu.SemaphoreType.DMA((S,)),
    ],
)
def _gather(idx_hbm, table_hbm, out_hbm, idx_v, buf, gsem, ssem):
    wid = lax.axis_index("s") * NC + lax.axis_index("c")
    base = wid * ROWS_W

    pltpu.sync_copy(idx_hbm.at[pl.ds(base, ROWS_W)], idx_v)

    def fire(r, half, s):
        pltpu.async_copy(
            table_hbm.at[idx_v.at[r]], buf.at[s].at[half].at[0], gsem.at[s]
        )

    def wait_gather(r, half, s):
        pltpu.make_async_copy(
            table_hbm.at[idx_v.at[r]], buf.at[s].at[half].at[0], gsem.at[s]
        ).wait()

    def store(r, half, s):
        pltpu.async_copy(
            buf.at[s].at[half], out_hbm.at[pl.ds(base + r, 1)], ssem.at[s]
        )

    def drain_one_store(half, s):
        pltpu.make_async_copy(
            table_hbm.at[pl.ds(0, H)], buf.at[s].at[half].at[0], ssem.at[s]
        ).wait()

    for s in range(S):
        fire(s, 0, s)

    for s in range(S):
        wait_gather(s, 0, s)
        store(s, 0, s)
        fire(s + S, 1, s)

    def round_body(r, carry):
        h = r % 2
        hn = 1 - h
        for s in range(S):
            j = r * S + s
            wait_gather(j, h, s)
            store(j, h, s)
            drain_one_store(hn, s)
            fire(j + S, hn, s)
        return carry

    lax.fori_loop(1, N_ROUNDS - 1, round_body, 0)

    hl = (N_ROUNDS - 1) % 2
    for s in range(S):
        j = (N_ROUNDS - 1) * S + s
        wait_gather(j, hl, s)
        store(j, hl, s)

    for s in range(S):
        drain_one_store(0, s)
        drain_one_store(1, s)


def kernel(input, weight):
    return _gather(input.astype(jnp.int32), weight)

# --- scband reference (transcript-rebuilt; emitter-appended) ---
"""Pipeline reference for scband-nnembedding-18622978196268 (READ-ONLY COPY).

The authoritative reference and input builder live on the scoring server;
editing this copy changes nothing except your own understanding.
"""

import jax, jax.numpy as jnp
import numpy as np

NUM_EMBEDDINGS = 1000000
EMBEDDING_DIM = 32
PADDING_IDX = 0
BATCH = 16384
HIST_LEN = 50

def setup_inputs(seed: int = 0) -> dict:
    key = jax.random.key(seed)
    k_idx, k_w = jax.random.split(key)
    input = jax.random.randint(k_idx, (BATCH, HIST_LEN), 0, NUM_EMBEDDINGS, dtype=jnp.int64 if jax.config.jax_enable_x64 else jnp.int32)
    weight = jax.random.normal(k_w, (NUM_EMBEDDINGS, EMBEDDING_DIM), dtype=jnp.float32) * (EMBEDDING_DIM ** -0.5)
    # padding_idx row zeroed at init (matches reset_parameters)
    weight = weight.at[PADDING_IDX].set(0.0)
    return {"input": input, "weight": weight}

def reference(input, weight):
    # F.embedding with padding_idx=0, max_norm=None -> plain row gather
    return jnp.take(weight, input, axis=0)

if __name__ == "__main__":
    import jax
    _d = setup_inputs()
    print(jax.jit(kernel)(*tuple(_d.values())))

</pallas_src>

<mosaic_0001>
#map = affine_map<(d0, d1) -> (0, 0)>
#map1 = affine_map<(d0, d1) -> (0, 0, 0)>
module attributes {stable_mosaic.version = 14 : i64} {
  func.func @_gather(%arg0: i32, %arg1: i32, %arg2: memref<16384x50xi32, #tpu.memory_space<hbm>>, %arg3: memref<1000000x32xf32, #tpu.memory_space<hbm>>, %arg4: memref<16384x50x32xf32, #tpu.memory_space<hbm>>, %arg5: memref<512x50xi32, #tpu.memory_space<vmem>>, %arg6: memref<8x2x1x50x32xf32, #tpu.memory_space<vmem>>, %arg7: memref<8x!tpu.dma_semaphore, #tpu.memory_space<semaphore_mem>>, %arg8: memref<8x!tpu.dma_semaphore, #tpu.memory_space<semaphore_mem>>) attributes {dimension_semantics = [#tpu.dimension_semantics<core_parallel>, #tpu.dimension_semantics<subcore_parallel>], iteration_bounds = array<i64: 2, 16>, scalar_prefetch = 0 : i64, scratch_operands = 4 : i64, tpu.core_type = #tpu.core_type<sc_vector_subcore>, window_params = [{transform_indices = #map}, {transform_indices = #map}, {transform_indices = #map1}]} {
    %mul3A = arith.constant 2 : i32
    %mul3A_0 = arith.muli %arg1, %mul3A : i32
    %add3A = arith.addi %mul3A_0, %arg0 : i32
    %mul3A_1 = arith.constant 512 : i32
    %mul3A_2 = arith.muli %add3A, %mul3A_1 : i32
    "tpu.region"() ({
      %run_scoped3A = tpu.sem_alloc : memref<!tpu.dma_semaphore, #tpu.memory_space<semaphore_mem>>
      %dma_start3A_2134 = arith.constant 0 : i32
      %dma_start3A_2135 = tpu.memref_slice %arg2[%mul3A_2, %dma_start3A_2134] : memref<16384x50xi32, #tpu.memory_space<hbm>> -> memref<512x50xi32, #tpu.memory_space<hbm>>
      %dma_start3A_2136 = arith.constant 0 : i32
      %dma_start3A_2137 = tpu.memref_slice %arg2[%mul3A_2, %dma_start3A_2136] : memref<16384x50xi32, #tpu.memory_space<hbm>> -> memref<512x50xi32, #tpu.memory_space<hbm>>
      tpu.enqueue_dma source(%dma_start3A_2137 : memref<512x50xi32, #tpu.memory_space<hbm>>) target(%arg5 : memref<512x50xi32, #tpu.memory_space<vmem>>) target_semaphore(%run_scoped3A : memref<!tpu.dma_semaphore, #tpu.memory_space<semaphore_mem>>)
      %dma_wait3A_2138 = arith.constant 0 : i32
      %dma_wait3A_2139 = tpu.memref_slice %arg2[%mul3A_2, %dma_wait3A_2138] : memref<16384x50xi32, #tpu.memory_space<hbm>> -> memref<512x50xi32, #tpu.memory_space<hbm>>
      %dma_wait3A_2140 = arith.constant 0 : i32
      %dma_wait3A_2141 = tpu.memref_slice %arg2[%mul3A_2, %dma_wait3A_2140] : memref<16384x50xi32, #tpu.memory_space<hbm>> -> memref<512x50xi32, #tpu.memory_space<hbm>>
      tpu.wait_dma2 semaphore(%run_scoped3A : memref<!tpu.dma_semaphore, #tpu.memory_space<semaphore_mem>>) src(%dma_wait3A_2141 : memref<512x50xi32, #tpu.memory_space<hbm>>) dst(%arg5 : memref<512x50xi32, #tpu.memory_space<vmem>>)
      tpu.yield
    }) : () -> ()
    %dma_start3A = arith.constant 0 : i32
    %dma_start3A_3 = arith.constant 0 : i32
    %dma_start3A_4 = arith.constant 0 : i32
    %dma_start3A_5 = arith.constant 0 : i32
    %dma_start3A_6 = arith.constant 0 : i32
    %dma_start3A_7 = arith.constant 0 : i32
    %dma_start3A_8 = arith.constant 0 : i32
    %dma_start3A_9 = arith.constant 0 : i32
    %dma_start3A_10 = arith.constant 0 : i32
    %dma_start3A_11 = tpu.memref_slice %arg6[%dma_start3A_3, %dma_start3A_7, %dma_start3A_8, %dma_start3A_9, %dma_start3A_10] : memref<8x2x1x50x32xf32, #tpu.memory_space<vmem>> -> memref<1x2x1x50x32xf32, #tpu.memory_space<vmem>>
    %dma_start3A_12 = tpu.memref_squeeze %dma_start3A_11 : memref<1x2x1x50x32xf32, #tpu.memory_space<vmem>> -> memref<2x1x50x32xf32, #tpu.memory_space<vmem>>
    %dma_start3A_13 = arith.constant 0 : i32
    %dma_start3A_14 = arith.constant 0 : i32
    %dma_start3A_15 = arith.constant 0 : i32
    %dma_start3A_16 = tpu.memref_slice %dma_start3A_12[%dma_start3A_4, %dma_start3A_13, %dma_start3A_14, %dma_start3A_15] : memref<2x1x50x32xf32, #tpu.memory_space<vmem>> -> memref<1x1x50x32xf32, #tpu.memory_space<vmem>>
    %dma_start3A_17 = tpu.memref_squeeze %dma_start3A_16 : memref<1x1x50x32xf32, #tpu.memory_space<vmem>> -> memref<1x50x32xf32, #tpu.memory_space<vmem>>
    %dma_start3A_18 = arith.constant 0 : i32
    %dma_start3A_19 = arith.constant 0 : i32
    %dma_start3A_20 = tpu.memref_slice %dma_start3A_17[%dma_start3A_5, %dma_start3A_18, %dma_start3A_19] : memref<1x50x32xf32, #tpu.memory_space<vmem>> -> memref<1x50x32xf32, #tpu.memory_space<vmem>>
    %dma_start3A_21 = tpu.memref_squeeze %dma_start3A_20 : memref<1x50x32xf32, #tpu.memory_space<vmem>> -> memref<50x32xf32, #tpu.memory_space<vmem>>
    %dma_start3A_22 = arith.constant 0 : i32
    %dma_start3A_23 = tpu.memref_slice %arg5[%dma_start3A, %dma_start3A_22] : memref<512x50xi32, #tpu.memory_space<vmem>> -> memref<1x50xi32, #tpu.memory_space<vmem>>
    %dma_start3A_24 = tpu.memref_squeeze %dma_start3A_23 : memref<1x50xi32, #tpu.memory_space<vmem>> -> memref<50xi32, #tpu.memory_space<vmem>>
    %dma_start3A_25 = arith.constant 0 : i32
    %dma_start3A_26 = arith.constant 0 : i32
    %dma_start3A_27 = tpu.memref_slice %arg3[%dma_start3A_25, %dma_start3A_26] : memref<1000000x32xf32, #tpu.memory_space<hbm>> -> memref<1000000x32xf32, #tpu.memory_space<hbm>>
    %dma_start3A_28 = tpu.memref_slice %arg7[%dma_start3A_6] : memref<8x!tpu.dma_semaphore, #tpu.memory_space<semaphore_mem>> -> memref<1x!tpu.dma_semaphore, #tpu.memory_space<semaphore_mem>>
    %dma_start3A_29 = tpu.memref_squeeze %dma_start3A_28 : memref<1x!tpu.dma_semaphore, #tpu.memory_space<semaphore_mem>> -> memref<!tpu.dma_semaphore, #tpu.memory_space<semaphore_mem>>
    tpu.enqueue_indirect_dma source(%dma_start3A_27 : memref<1000000x32xf32, #tpu.memory_space<hbm>>) target(%dma_start3A_21 : memref<50x32xf32, #tpu.memory_space<vmem>>) offsets(%dma_start3A_24 : memref<50xi32, #tpu.memory_space<vmem>>) semaphore(%dma_start3A_29 : memref<!tpu.dma_semaphore, #tpu.memory_space<semaphore_mem>>)
    %dma_start3A_30 = arith.constant 1 : i32
    %dma_start3A_31 = arith.constant 1 : i32
    %dma_start3A_32 = arith.constant 0 : i32
    %dma_start3A_33 = arith.constant 0 : i32
    %dma_start3A_34 = arith.constant 1 : i32
    %dma_start3A_35 = arith.constant 0 : i32
    %dma_start3A_36 = arith.constant 0 : i32
    %dma_start3A_37 = arith.constant 0 : i32
    %dma_start3A_38 = arith.constant 0 : i32
    %dma_start3A_39 = tpu.memref_slice %arg6[%dma_start3A_31, %dma_start3A_35, %dma_start3A_36, %dma_start3A_37, %dma_start3A_38] : memref<8x2x1x50x32xf32, #tpu.memory_space<vmem>> -> memref<1x2x1x50x32xf32, #tpu.memory_space<vmem>>
    %dma_start3A_40 = tpu.memref_squeeze %dma_start3A_39 : memref<1x2x1x50x32xf32, #tpu.memory_space<vmem>> -> memref<2x1x50x32xf32, #tpu.memory_space<vmem>>
    %dma_start3A_41 = arith.constant 0 : i32
    %dma_start3A_42 = arith.constant 0 : i32
    %dma_start3A_43 = arith.constant 0 : i32
    %dma_start3A_44 = tpu.memref_slice %dma_start3A_40[%dma_start3A_32, %dma_start3A_41, %dma_start3A_42, %dma_start3A_43] : memref<2x1x50x32xf32, #tpu.memory_space<vmem>> -> memref<1x1x50x32xf32, #tpu.memory_space<vmem>>
    %dma_start3A_45 = tpu.memref_squeeze %dma_start3A_44 : memref<1x1x50x32xf32, #tpu.memory_space<vmem>> -> memref<1x50x32xf32, #tpu.memory_space<vmem>>
    %dma_start3A_46 = arith.constant 0 : i32
    %dma_start3A_47 = arith.constant 0 : i32
    %dma_start3A_48 = tpu.memref_slice %dma_start3A_45[%dma_start3A_33, %dma_start3A_46, %dma_start3A_47] : memref<1x50x32xf32, #tpu.memory_space<vmem>> -> memref<1x50x32xf32, #tpu.memory_space<vmem>>
    %dma_start3A_49 = tpu.memref_squeeze %dma_start3A_48 : memref<1x50x32xf32, #tpu.memory_space<vmem>> -> memref<50x32xf32, #tpu.memory_space<vmem>>
    %dma_start3A_50 = arith.constant 0 : i32
    %dma_start3A_51 = tpu.memref_slice %arg5[%dma_start3A_30, %dma_start3A_50] : memref<512x50xi32, #tpu.memory_space<vmem>> -> memref<1x50xi32, #tpu.memory_space<vmem>>
    %dma_start3A_52 = tpu.memref_squeeze %dma_start3A_51 : memref<1x50xi32, #tpu.memory_space<vmem>> -> memref<50xi32, #tpu.memory_space<vmem>>
    %dma_start3A_53 = arith.constant 0 : i32
    %dma_start3A_54 = arith.constant 0 : i32
    %dma_start3A_55 = tpu.memref_slice %arg3[%dma_start3A_53, %dma_start3A_54] : memref<1000000x32xf32, #tpu.memory_space<hbm>> -> memref<1000000x32xf32, #tpu.memory_space<hbm>>
    %dma_start3A_56 = tpu.memref_slice %arg7[%dma_start3A_34] : memref<8x!tpu.dma_semaphore, #tpu.memory_space<semaphore_mem>> -> memref<1x!tpu.dma_semaphore, #tpu.memory_space<semaphore_mem>>
    %dma_start3A_57 = tpu.memref_squeeze %dma_start3A_56 : memref<1x!tpu.dma_semaphore, #tpu.memory_space<semaphore_mem>> -> memref<!tpu.dma_semaphore, #tpu.memory_space<semaphore_mem>>
    tpu.enqueue_indirect_dma source(%dma_start3A_55 : memref<1000000x32xf32, #tpu.memory_space<hbm>>) target(%dma_start3A_49 : memref<50x32xf32, #tpu.memory_space<vmem>>) offsets(%dma_start3A_52 : memref<50xi32, #tpu.memory_space<vmem>>) semaphore(%dma_start3A_57 : memref<!tpu.dma_semaphore, #tpu.memory_space<semaphore_mem>>)
    %dma_start3A_58 = arith.constant 2 : i32
    %dma_start3A_59 = arith.constant 2 : i32
    %dma_start3A_60 = arith.constant 0 : i32
    %dma_start3A_61 = arith.constant 0 : i32
    %dma_start3A_62 = arith.constant 2 : i32
    %dma_start3A_63 = arith.constant 0 : i32
    %dma_start3A_64 = arith.constant 0 : i32
    %dma_start3A_65 = arith.constant 0 : i32
    %dma_start3A_66 = arith.constant 0 : i32
    %dma_start3A_67 = tpu.memref_slice %arg6[%dma_start3A_59, %dma_start3A_63, %dma_start3A_64, %dma_start3A_65, %dma_start3A_66] : memref<8x2x1x50x32xf32, #tpu.memory_space<vmem>> -> memref<1x2x1x50x32xf32, #tpu.memory_space<vmem>>
    %dma_start3A_68 = tpu.memref_squeeze %dma_start3A_67 : memref<1x2x1x50x32xf32, #tpu.memory_space<vmem>> -> memref<2x1x50x32xf32, #tpu.memory_space<vmem>>
    %dma_start3A_69 = arith.constant 0 : i32
    %dma_start3A_70 = arith.constant 0 : i32
    %dma_start3A_71 = arith.constant 0 : i32
    %dma_start3A_72 = tpu.memref_slice %dma_start3A_68[%dma_start3A_60, %dma_start3A_69, %dma_start3A_70, %dma_start3A_71] : memref<2x1x50x32xf32, #tpu.memory_space<vmem>> -> memref<1x1x50x32xf32, #tpu.memory_space<vmem>>
    %dma_start3A_73 = tpu.memref_squeeze %dma_start3A_72 : memref<1x1x50x32xf32, #tpu.memory_space<vmem>> -> memref<1x50x32xf32, #tpu.memory_space<vmem>>
    %dma_start3A_74 = arith.constant 0 : i32
    %dma_start3A_75 = arith.constant 0 : i32
    %dma_start3A_76 = tpu.memref_slice %dma_start3A_73[%dma_start3A_61, %dma_start3A_74, %dma_start3A_75] : memref<1x50x32xf32, #tpu.memory_space<vmem>> -> memref<1x50x32xf32, #tpu.memory_space<vmem>>
    %dma_start3A_77 = tpu.memref_squeeze %dma_start3A_76 : memref<1x50x32xf32, #tpu.memory_space<vmem>> -> memref<50x32xf32, #tpu.memory_space<vmem>>
    %dma_start3A_78 = arith.constant 0 : i32
    %dma_start3A_79 = tpu.memref_slice %arg5[%dma_start3A_58, %dma_start3A_78] : memref<512x50xi32, #tpu.memory_space<vmem>> -> memref<1x50xi32, #tpu.memory_space<vmem>>
    %dma_start3A_80 = tpu.memref_squeeze %dma_start3A_79 : memref<1x50xi32, #tpu.memory_space<vmem>> -> memref<50xi32, #tpu.memory_space<vmem>>
    %dma_start3A_81 = arith.constant 0 : i32
    %dma_start3A_82 = arith.constant 0 : i32
    %dma_start3A_83 = tpu.memref_slice %arg3[%dma_start3A_81, %dma_start3A_82] : memref<1000000x32xf32, #tpu.memory_space<hbm>> -> memref<1000000x32xf32, #tpu.memory_space<hbm>>
    %dma_start3A_84 = tpu.memref_slice %arg7[%dma_start3A_62] : memref<8x!tpu.dma_semaphore, #tpu.memory_space<semaphore_mem>> -> memref<1x!tpu.dma_semaphore, #tpu.memory_space<semaphore_mem>>
    %dma_start3A_85 = tpu.memref_squeeze %dma_start3A_84 : memref<1x!tpu.dma_semaphore, #tpu.memory_space<semaphore_mem>> -> memref<!tpu.dma_semaphore, #tpu.memory_space<semaphore_mem>>
    tpu.enqueue_indirect_dma source(%dma_start3A_83 : memref<1000000x32xf32, #tpu.memory_space<hbm>>) target(%dma_start3A_77 : memref<50x32xf32, #tpu.memory_space<vmem>>) offsets(%dma_start3A_80 : memref<50xi32, #tpu.memory_space<vmem>>) semaphore(%dma_start3A_85 : memref<!tpu.dma_semaphore, #tpu.memory_space<semaphore_mem>>)
    %dma_start3A_86 = arith.constant 3 : i32
    %dma_start3A_87 = arith.constant 3 : i32
    %dma_start3A_88 = arith.constant 0 : i32
    %dma_start3A_89 = arith.constant 0 : i32
    %dma_start3A_90 = arith.constant 3 : i32
    %dma_start3A_91 = arith.constant 0 : i32
    %dma_start3A_92 = arith.constant 0 : i32
    %dma_start3A_93 = arith.constant 0 : i32
    %dma_start3A_94 = arith.constant 0 : i32
    %dma_start3A_95 = tpu.memref_slice %arg6[%dma_start3A_87, %dma_start3A_91, %dma_start3A_92, %dma_start3A_93, %dma_start3A_94] : memref<8x2x1x50x32xf32, #tpu.memory_space<vmem>> -> memref<1x2x1x50x32xf32, #tpu.memory_space<vmem>>
    %dma_start3A_96 = tpu.memref_squeeze %dma_start3A_95 : memref<1x2x1x50x32xf32, #tpu.memory_space<vmem>> -> memref<2x1x50x32xf32, #tpu.memory_space<vmem>>
    %dma_start3A_97 = arith.constant 0 : i32
    %dma_start3A_98 = arith.constant 0 : i32
    %dma_start3A_99 = arith.constant 0 : i32
    %dma_start3A_100 = tpu.memref_slice %dma_start3A_96[%dma_start3A_88, %dma_start3A_97, %dma_start3A_98, %dma_start3A_99] : memref<2x1x50x32xf32, #tpu.memory_space<vmem>> -> memref<1x1x50x32xf32, #tpu.memory_space<vmem>>
    %dma_start3A_101 = tpu.memref_squeeze %dma_start3A_100 : memref<1x1x50x32xf32, #tpu.memory_space<vmem>> -> memref<1x50x32xf32, #tpu.memory_space<vmem>>
    %dma_start3A_102 = arith.constant 0 : i32
    %dma_start3A_103 = arith.constant 0 : i32
    %dma_start3A_104 = tpu.memref_slice %dma_start3A_101[%dma_start3A_89, %dma_start3A_102, %dma_start3A_103] : memref<1x50x32xf32, #tpu.memory_space<vmem>> -> memref<1x50x32xf32, #tpu.memory_space<vmem>>
    %dma_start3A_105 = tpu.memref_squeeze %dma_start3A_104 : memref<1x50x32xf32, #tpu.memory_space<vmem>> -> memref<50x32xf32, #tpu.memory_space<vmem>>
    %dma_start3A_106 = arith.constant 0 : i32
    %dma_start3A_107 = tpu.memref_slice %arg5[%dma_start3A_86, %dma_start3A_106] : memref<512x50xi32, #tpu.memory_space<vmem>> -> memref<1x50xi32, #tpu.memory_space<vmem>>
    %dma_start3A_108 = tpu.memref_squeeze %dma_start3A_107 : memref<1x50xi32, #tpu.memory_space<vmem>> -> memref<50xi32, #tpu.memory_space<vmem>>
    %dma_start3A_109 = arith.constant 0 : i32
    %dma_start3A_110 = arith.constant 0 : i32
    %dma_start3A_111 = tpu.memref_slice %arg3[%dma_start3A_109, %dma_start3A_110] : memref<1000000x32xf32, #tpu.memory_space<hbm>> -> memref<1000000x32xf32, #tpu.memory_space<hbm>>
    %dma_start3A_112 = tpu.memref_slice %arg7[%dma_start3A_90] : memref<8x!tpu.dma_semaphore, #tpu.memory_space<semaphore_mem>> -> memref<1x!tpu.dma_semaphore, #tpu.memory_space<semaphore_mem>>
    %dma_start3A_113 = tpu.memref_squeeze %dma_start3A_112 : memref<1x!tpu.dma_semaphore, #tpu.memory_space<semaphore_mem>> -> memref<!tpu.dma_semaphore, #tpu.memory_space<semaphore_mem>>
    tpu.enqueue_indirect_dma source(%dma_start3A_111 : memref<1000000x32xf32, #tpu.memory_space<hbm>>) target(%dma_start3A_105 : memref<50x32xf32, #tpu.memory_space<vmem>>) offsets(%dma_start3A_108 : memref<50xi32, #tpu.memory_space<vmem>>) semaphore(%dma_start3A_113 : memref<!tpu.dma_semaphore, #tpu.memory_space<semaphore_mem>>)
    %dma_start3A_114 = arith.constant 4 : i32
    %dma_start3A_115 = arith.constant 4 : i32
    %dma_start3A_116 = arith.constant 0 : i32
    %dma_start3A_117 = arith.constant 0 : i32
    %dma_start3A_118 = arith.constant 4 : i32
    %dma_start3A_119 = arith.constant 0 : i32
    %dma_start3A_120 = arith.constant 0 : i32
    %dma_start3A_121 = arith.constant 0 : i32
    %dma_start3A_122 = arith.constant 0 : i32
    %dma_start3A_123 = tpu.memref_slice %arg6[%dma_start3A_115, %dma_start3A_119, %dma_start3A_120, %dma_start3A_121, %dma_start3A_122] : memref<8x2x1x50x32xf32, #tpu.memory_space<vmem>> -> memref<1x2x1x50x32xf32, #tpu.memory_space<vmem>>
    %dma_start3A_124 = tpu.memref_squeeze %dma_start3A_123 : memref<1x2x1x50x32xf32, #tpu.memory_space<vmem>> -> memref<2x1x50x32xf32, #tpu.memory_space<vmem>>
    %dma_start3A_125 = arith.constant 0 : i32
    %dma_start3A_126 = arith.constant 0 : i32
    %dma_start3A_127 = arith.constant 0 : i32
    %dma_start3A_128 = tpu.memref_slice %dma_start3A_124[%dma_start3A_116, %dma_start3A_125, %dma_start3A_126, %dma_start3A_127] : memref<2x1x50x32xf32, #tpu.memory_space<vmem>> -> memref<1x1x50x32xf32, #tpu.memory_space<vmem>>
    %dma_start3A_129 = tpu.memref_squeeze %dma_start3A_128 : memref<1x1x50x32xf32, #tpu.memory_space<vmem>> -> memref<1x50x32xf32, #tpu.memory_space<vmem>>
    %dma_start3A_130 = arith.constant 0 : i32
    %dma_start3A_131 = arith.constant 0 : i32
    %dma_start3A_132 = tpu.memref_slice %dma_start3A_129[%dma_start3A_117, %dma_start3A_130, %dma_start3A_131] : memref<1x50x32xf32, #tpu.memory_space<vmem>> -> memref<1x50x32xf32, #tpu.memory_space<vmem>>
    %dma_start3A_133 = tpu.memref_squeeze %dma_start3A_132 : memref<1x50x32xf32, #tpu.memory_space<vmem>> -> memref<50x32xf32, #tpu.memory_space<vmem>>
    %dma_start3A_134 = arith.constant 0 : i32
    %dma_start3A_135 = tpu.memref_slice %arg5[%dma_start3A_114, %dma_start3A_134] : memref<512x50xi32, #tpu.memory_space<vmem>> -> memref<1x50xi32, #tpu.memory_space<vmem>>
    %dma_start3A_136 = tpu.memref_squeeze %dma_start3A_135 : memref<1x50xi32, #tpu.memory_space<vmem>> -> memref<50xi32, #tpu.memory_space<vmem>>
    %dma_start3A_137 = arith.constant 0 : i32
    %dma_start3A_138 = arith.constant 0 : i32
    %dma_start3A_139 = tpu.memref_slice %arg3[%dma_start3A_137, %dma_start3A_138] : memref<1000000x32xf32, #tpu.memory_space<hbm>> -> memref<1000000x32xf32, #tpu.memory_space<hbm>>
    %dma_start3A_140 = tpu.memref_slice %arg7[%dma_start3A_118] : memref<8x!tpu.dma_semaphore, #tpu.memory_space<semaphore_mem>> -> memref<1x!tpu.dma_semaphore, #tpu.memory_space<semaphore_mem>>
    %dma_start3A_141 = tpu.memref_squeeze %dma_start3A_140 : memref<1x!tpu.dma_semaphore, #tpu.memory_space<semaphore_mem>> -> memref<!tpu.dma_semaphore, #tpu.memory_space<semaphore_mem>>
    tpu.enqueue_indirect_dma source(%dma_start3A_139 : memref<1000000x32xf32, #tpu.memory_space<hbm>>) target(%dma_start3A_133 : memref<50x32xf32, #tpu.memory_space<vmem>>) offsets(%dma_start3A_136 : memref<50xi32, #tpu.memory_space<vmem>>) semaphore(%dma_start3A_141 : memref<!tpu.dma_semaphore, #tpu.memory_space<semaphore_mem>>)
    %dma_start3A_142 = arith.constant 5 : i32
    %dma_start3A_143 = arith.constant 5 : i32
    %dma_start3A_144 = arith.constant 0 : i32
    %dma_start3A_145 = arith.constant 0 : i32
    %dma_start3A_146 = arith.constant 5 : i32
    %dma_start3A_147 = arith.constant 0 : i32
    %dma_start3A_148 = arith.constant 0 : i32
    %dma_start3A_149 = arith.constant 0 : i32
    %dma_start3A_150 = arith.constant 0 : i32
    %dma_start3A_151 = tpu.memref_slice %arg6[%dma_start3A_143, %dma_start3A_147, %dma_start3A_148, %dma_start3A_149, %dma_start3A_150] : memref<8x2x1x50x32xf32, #tpu.memory_space<vmem>> -> memref<1x2x1x50x32xf32, #tpu.memory_space<vmem>>
    %dma_start3A_152 = tpu.memref_squeeze %dma_start3A_151 : memref<1x2x1x50x32xf32, #tpu.memory_space<vmem>> -> memref<2x1x50x32xf32, #tpu.memory_space<vmem>>
    %dma_start3A_153 = arith.constant 0 : i32
    %dma_start3A_154 = arith.constant 0 : i32
    %dma_start3A_155 = arith.constant 0 : i32
    %dma_start3A_156 = tpu.memref_slice %dma_start3A_152[%dma_start3A_144, %dma_start3A_153, %dma_start3A_154, %dma_start3A_155] : memref<2x1x50x32xf32, #tpu.memory_space<vmem>> -> memref<1x1x50x32xf32, #tpu.memory_space<vmem>>
    %dma_start3A_157 = tpu.memref_squeeze %dma_start3A_156 : memref<1x1x50x32xf32, #tpu.memory_space<vmem>> -> memref<1x50x32xf32, #tpu.memory_space<vmem>>
    %dma_start3A_158 = arith.constant 0 : i32
    %dma_start3A_159 = arith.constant 0 : i32
    %dma_start3A_160 = tpu.memref_slice %dma_start3A_157[%dma_start3A_145, %dma_start3A_158, %dma_start3A_159] : memref<1x50x32xf32, #tpu.memory_space<vmem>> -> memref<1x50x32xf32, #tpu.memory_space<vmem>>
    %dma_start3A_161 = tpu.memref_squeeze %dma_start3A_160 : memref<1x50x32xf32, #tpu.memory_space<vmem>> -> memref<50x32xf32, #tpu.memory_space<vmem>>
    %dma_start3A_162 = arith.constant 0 : i32
    %dma_start3A_163 = tpu.memref_slice %arg5[%dma_start3A_142, %dma_start3A_162] : memref<512x50xi32, #tpu.memory_space<vmem>> -> memref<1x50xi32, #tpu.memory_space<vmem>>
    %dma_start3A_164 = tpu.memref_squeeze %dma_start3A_163 : memref<1x50xi32, #tpu.memory_space<vmem>> -> memref<50xi32, #tpu.memory_space<vmem>>
    %dma_start3A_165 = arith.constant 0 : i32
    %dma_start3A_166 = arith.constant 0 : i32
    %dma_start3A_167 = tpu.memref_slice %arg3[%dma_start3A_165, %dma_start3A_166] : memref<1000000x32xf32, #tpu.memory_space<hbm>> -> memref<1000000x32xf32, #tpu.memory_space<hbm>>
    %dma_start3A_168 = tpu.memref_slice %arg7[%dma_start3A_146] : memref<8x!tpu.dma_semaphore, #tpu.memory_space<semaphore_mem>> -> memref<1x!tpu.dma_semaphore, #tpu.memory_space<semaphore_mem>>
    %dma_start3A_169 = tpu.memref_squeeze %dma_start3A_168 : memref<1x!tpu.dma_semaphore, #tpu.memory_space<semaphore_mem>> -> memref<!tpu.dma_semaphore, #tpu.memory_space<semaphore_mem>>
    tpu.enqueue_indirect_dma source(%dma_start3A_167 : memref<1000000x32xf32, #tpu.memory_space<hbm>>) target(%dma_start3A_161 : memref<50x32xf32, #tpu.memory_space<vmem>>) offsets(%dma_start3A_164 : memref<50xi32, #tpu.memory_space<vmem>>) semaphore(%dma_start3A_169 : memref<!tpu.dma_semaphore, #tpu.memory_space<semaphore_mem>>)
    %dma_start3A_170 = arith.constant 6 : i32
    %dma_start3A_171 = arith.constant 6 : i32
    %dma_start3A_172 = arith.constant 0 : i32
    %dma_start3A_173 = arith.constant 0 : i32
    %dma_start3A_174 = arith.constant 6 : i32
    %dma_start3A_175 = arith.constant 0 : i32
    %dma_start3A_176 = arith.constant 0 : i32
    %dma_start3A_177 = arith.constant 0 : i32
    %dma_start3A_178 = arith.constant 0 : i32
    %dma_start3A_179 = tpu.memref_slice %arg6[%dma_start3A_171, %dma_start3A_175, %dma_start3A_176, %dma_start3A_177, %dma_start3A_178] : memref<8x2x1x50x32xf32, #tpu.memory_space<vmem>> -> memref<1x2x1x50x32xf32, #tpu.memory_space<vmem>>
    %dma_start3A_180 = tpu.memref_squeeze %dma_start3A_179 : memref<1x2x1x50x32xf32, #tpu.memory_space<vmem>> -> memref<2x1x50x32xf32, #tpu.memory_space<vmem>>
    %dma_start3A_181 = arith.constant 0 : i32
    %dma_start3A_182 = arith.constant 0 : i32
    %dma_start3A_183 = arith.constant 0 : i32
    %dma_start3A_184 = tpu.memref_slice %dma_start3A_180[%dma_start3A_172, %dma_start3A_181, %dma_start3A_182, %dma_start3A_183] : memref<2x1x50x32xf32, #tpu.memory_space<vmem>> -> memref<1x1x50x32xf32, #tpu.memory_space<vmem>>
    %dma_start3A_185 = tpu.memref_squeeze %dma_start3A_184 : memref<1x1x50x32xf32, #tpu.memory_space<vmem>> -> memref<1x50x32xf32, #tpu.memory_space<vmem>>
    %dma_start3A_186 = arith.constant 0 : i32
    %dma_start3A_187 = arith.constant 0 : i32
    %dma_start3A_188 = tpu.memref_slice %dma_start3A_185[%dma_start3A_173, %dma_start3A_186, %dma_start3A_187] : memref<1x50x32xf32, #tpu.memory_space<vmem>> -> memref<1x50x32xf32, #tpu.memory_space<vmem>>
    %dma_start3A_189 = tpu.memref_squeeze %dma_start3A_188 : memref<1x50x32xf32, #tpu.memory_space<vmem>> -> memref<50x32xf32, #tpu.memory_space<vmem>>
    %dma_start3A_190 = arith.constant 0 : i32
    %dma_start3A_191 = tpu.memref_slice %arg5[%dma_start3A_170, %dma_start3A_190] : memref<512x50xi32, #tpu.memory_space<vmem>> -> memref<1x50xi32, #tpu.memory_space<vmem>>
    %dma_start3A_192 = tpu.memref_squeeze %dma_start3A_191 : memref<1x50xi32, #tpu.memory_space<vmem>> -> memref<50xi32, #tpu.memory_space<vmem>>
    %dma_start3A_193 = arith.constant 0 : i32
    %dma_start3A_194 = arith.constant 0 : i32
    %dma_start3A_195 = tpu.memref_slice %arg3[%dma_start3A_193, %dma_start3A_194] : memref<1000000x32xf32, #tpu.memory_space<hbm>> -> memref<1000000x32xf32, #tpu.memory_space<hbm>>
    %dma_start3A_196 = tpu.memref_slice %arg7[%dma_start3A_174] : memref<8x!tpu.dma_semaphore, #tpu.memory_space<semaphore_mem>> -> memref<1x!tpu.dma_semaphore, #tpu.memory_space<semaphore_mem>>
    %dma_start3A_197 = tpu.memref_squeeze %dma_start3A_196 : memref<1x!tpu.dma_semaphore, #tpu.memory_space<semaphore_mem>> -> memref<!tpu.dma_semaphore, #tpu.memory_space<semaphore_mem>>
    tpu.enqueue_indirect_dma source(%dma_start3A_195 : memref<1000000x32xf32, #tpu.memory_space<hbm>>) target(%dma_start3A_189 : memref<50x32xf32, #tpu.memory_space<vmem>>) offsets(%dma_start3A_192 : memref<50xi32, #tpu.memory_space<vmem>>) semaphore(%dma_start3A_197 : memref<!tpu.dma_semaphore, #tpu.memory_space<semaphore_mem>>)
    %dma_start3A_198 = arith.constant 7 : i32
    %dma_start3A_199 = arith.constant 7 : i32
    %dma_start3A_200 = arith.constant 0 : i32
    %dma_start3A_201 = arith.constant 0 : i32
    %dma_start3A_202 = arith.constant 7 : i32
    %dma_start3A_203 = arith.constant 0 : i32
    %dma_start3A_204 = arith.constant 0 : i32
    %dma_start3A_205 = arith.constant 0 : i32
    %dma_start3A_206 = arith.constant 0 : i32
    %dma_start3A_207 = tpu.memref_slice %arg6[%dma_start3A_199, %dma_start3A_203, %dma_start3A_204, %dma_start3A_205, %dma_start3A_206] : memref<8x2x1x50x32xf32, #tpu.memory_space<vmem>> -> memref<1x2x1x50x32xf32, #tpu.memory_space<vmem>>
    %dma_start3A_208 = tpu.memref_squeeze %dma_start3A_207 : memref<1x2x1x50x32xf32, #tpu.memory_space<vmem>> -> memref<2x1x50x32xf32, #tpu.memory_space<vmem>>
    %dma_start3A_209 = arith.constant 0 : i32
    %dma_start3A_210 = arith.constant 0 : i32
    %dma_start3A_211 = arith.constant 0 : i32
    %dma_start3A_212 = tpu.memref_slice %dma_start3A_208[%dma_start3A_200, %dma_start3A_209, %dma_start3A_210, %dma_start3A_211] : memref<2x1x50x32xf32, #tpu.memory_space<vmem>> -> memref<1x1x50x32xf32, #tpu.memory_space<vmem>>
    %dma_start3A_213 = tpu.memref_squeeze %dma_start3A_212 : memref<1x1x50x32xf32, #tpu.memory_space<vmem>> -> memref<1x50x32xf32, #tpu.memory_space<vmem>>
    %dma_start3A_214 = arith.constant 0 : i32
    %dma_start3A_215 = arith.constant 0 : i32
    %dma_start3A_216 = tpu.memref_slice %dma_start3A_213[%dma_start3A_201, %dma_start3A_214, %dma_start3A_215] : memref<1x50x32xf32, #tpu.memory_space<vmem>> -> memref<1x50x32xf32, #tpu.memory_space<vmem>>
    %dma_start3A_217 = tpu.memref_squeeze %dma_start3A_216 : memref<1x50x32xf32, #tpu.memory_space<vmem>> -> memref<50x32xf32, #tpu.memory_space<vmem>>
    %dma_start3A_218 = arith.constant 0 : i32
    %dma_start3A_219 = tpu.memref_slice %arg5[%dma_start3A_198, %dma_start3A_218] : memref<512x50xi32, #tpu.memory_space<vmem>> -> memref<1x50xi32, #tpu.memory_space<vmem>>
    %dma_start3A_220 = tpu.memref_squeeze %dma_start3A_219 : memref<1x50xi32, #tpu.memory_space<vmem>> -> memref<50xi32, #tpu.memory_space<vmem>>
    %dma_start3A_221 = arith.constant 0 : i32
    %dma_start3A_222 = arith.constant 0 : i32
    %dma_start3A_223 = tpu.memref_slice %arg3[%dma_start3A_221, %dma_start3A_222] : memref<1000000x32xf32, #tpu.memory_space<hbm>> -> memref<1000000x32xf32, #tpu.memory_space<hbm>>
    %dma_start3A_224 = tpu.memref_slice %arg7[%dma_start3A_202] : memref<8x!tpu.dma_semaphore, #tpu.memory_space<semaphore_mem>> -> memref<1x!tpu.dma_semaphore, #tpu.memory_space<semaphore_mem>>
    %dma_start3A_225 = tpu.memref_squeeze %dma_start3A_224 : memref<1x!tpu.dma_semaphore, #tpu.memory_space<semaphore_mem>> -> memref<!tpu.dma_semaphore, #tpu.memory_space<semaphore_mem>>
    tpu.enqueue_indirect_dma source(%dma_start3A_223 : memref<1000000x32xf32, #tpu.memory_space<hbm>>) target(%dma_start3A_217 : memref<50x32xf32, #tpu.memory_space<vmem>>) offsets(%dma_start3A_220 : memref<50xi32, #tpu.memory_space<vmem>>) semaphore(%dma_start3A_225 : memref<!tpu.dma_semaphore, #tpu.memory_space<semaphore_mem>>)
    %dma_wait3A = arith.constant 0 : i32
    %dma_wait3A_226 = arith.constant 0 : i32
    %dma_wait3A_227 = arith.constant 0 : i32
    %dma_wait3A_228 = arith.constant 0 : i32
    %dma_wait3A_229 = arith.constant 0 : i32
    %dma_wait3A_230 = arith.constant 0 : i32
    %dma_wait3A_231 = arith.constant 0 : i32
    %dma_wait3A_232 = arith.constant 0 : i32
    %dma_wait3A_233 = arith.constant 0 : i32
    %dma_wait3A_234 = tpu.memref_slice %arg6[%dma_wait3A_226, %dma_wait3A_230, %dma_wait3A_231, %dma_wait3A_232, %dma_wait3A_233] : memref<8x2x1x50x32xf32, #tpu.memory_space<vmem>> -> memref<1x2x1x50x32xf32, #tpu.memory_space<vmem>>
    %dma_wait3A_235 = tpu.memref_squeeze %dma_wait3A_234 : memref<1x2x1x50x32xf32, #tpu.memory_space<vmem>> -> memref<2x1x50x32xf32, #tpu.memory_space<vmem>>
    %dma_wait3A_236 = arith.constant 0 : i32
    %dma_wait3A_237 = arith.constant 0 : i32
    %dma_wait3A_238 = arith.constant 0 : i32
    %dma_wait3A_239 = tpu.memref_slice %dma_wait3A_235[%dma_wait3A_227, %dma_wait3A_236, %dma_wait3A_237, %dma_wait3A_238] : memref<2x1x50x32xf32, #tpu.memory_space<vmem>> -> memref<1x1x50x32xf32, #tpu.memory_space<vmem>>
    %dma_wait3A_240 = tpu.memref_squeeze %dma_wait3A_239 : memref<1x1x50x32xf32, #tpu.memory_space<vmem>> -> memref<1x50x32xf32, #tpu.memory_space<vmem>>
    %dma_wait3A_241 = arith.constant 0 : i32
    %dma_wait3A_242 = arith.constant 0 : i32
    %dma_wait3A_243 = tpu.memref_slice %dma_wait3A_240[%dma_wait3A_228, %dma_wait3A_241, %dma_wait3A_242] : memref<1x50x32xf32, #tpu.memory_space<vmem>> -> memref<1x50x32xf32, #tpu.memory_space<vmem>>
    %dma_wait3A_244 = tpu.memref_squeeze %dma_wait3A_243 : memref<1x50x32xf32, #tpu.memory_space<vmem>> -> memref<50x32xf32, #tpu.memory_space<vmem>>
    %dma_wait3A_245 = arith.constant 0 : i32
    %dma_wait3A_246 = tpu.memref_slice %arg5[%dma_wait3A, %dma_wait3A_245] : memref<512x50xi32, #tpu.memory_space<vmem>> -> memref<1x50xi32, #tpu.memory_space<vmem>>
    %dma_wait3A_247 = tpu.memref_squeeze %dma_wait3A_246 : memref<1x50xi32, #tpu.memory_space<vmem>> -> memref<50xi32, #tpu.memory_space<vmem>>
    %dma_wait3A_248 = arith.constant 0 : i32
    %dma_wait3A_249 = arith.constant 0 : i32
    %dma_wait3A_250 = tpu.memref_slice %arg3[%dma_wait3A_248, %dma_wait3A_249] : memref<1000000x32xf32, #tpu.memory_space<hbm>> -> memref<1000000x32xf32, #tpu.memory_space<hbm>>
    %dma_wait3A_251 = tpu.memref_slice %arg7[%dma_wait3A_229] : memref<8x!tpu.dma_semaphore, #tpu.memory_space<semaphore_mem>> -> memref<1x!tpu.dma_semaphore, #tpu.memory_space<semaphore_mem>>
    %dma_wait3A_252 = tpu.memref_squeeze %dma_wait3A_251 : memref<1x!tpu.dma_semaphore, #tpu.memory_space<semaphore_mem>> -> memref<!tpu.dma_semaphore, #tpu.memory_space<semaphore_mem>>
    tpu.wait_indirect_dma semaphore(%dma_wait3A_252 : memref<!tpu.dma_semaphore, #tpu.memory_space<semaphore_mem>>) src(%dma_wait3A_250 : memref<1000000x32xf32, #tpu.memory_space<hbm>>) dst(%dma_wait3A_244 : memref<50x32xf32, #tpu.memory_space<vmem>>)
    %add3A_253 = arith.constant 0 : i32
    %add3A_254 = arith.addi %mul3A_2, %add3A_253 : i32
    %dma_start3A_255 = arith.constant 0 : i32
    %dma_start3A_256 = arith.constant 0 : i32
    %dma_start3A_257 = arith.constant 0 : i32
    %dma_start3A_258 = arith.constant 0 : i32
    %dma_start3A_259 = arith.constant 0 : i32
    %dma_start3A_260 = arith.constant 0 : i32
    %dma_start3A_261 = arith.constant 0 : i32
    %dma_start3A_262 = tpu.memref_slice %arg6[%dma_start3A_255, %dma_start3A_258, %dma_start3A_259, %dma_start3A_260, %dma_start3A_261] : memref<8x2x1x50x32xf32, #tpu.memory_space<vmem>> -> memref<1x2x1x50x32xf32, #tpu.memory_space<vmem>>
    %dma_start3A_263 = tpu.memref_squeeze %dma_start3A_262 : memref<1x2x1x50x32xf32, #tpu.memory_space<vmem>> -> memref<2x1x50x32xf32, #tpu.memory_space<vmem>>
    %dma_start3A_264 = arith.constant 0 : i32
    %dma_start3A_265 = arith.constant 0 : i32
    %dma_start3A_266 = arith.constant 0 : i32
    %dma_start3A_267 = tpu.memref_slice %dma_start3A_263[%dma_start3A_256, %dma_start3A_264, %dma_start3A_265, %dma_start3A_266] : memref<2x1x50x32xf32, #tpu.memory_space<vmem>> -> memref<1x1x50x32xf32, #tpu.memory_space<vmem>>
    %dma_start3A_268 = tpu.memref_squeeze %dma_start3A_267 : memref<1x1x50x32xf32, #tpu.memory_space<vmem>> -> memref<1x50x32xf32, #tpu.memory_space<vmem>>
    %dma_start3A_269 = arith.constant 0 : i32
    %dma_start3A_270 = arith.constant 0 : i32
    %dma_start3A_271 = tpu.memref_slice %arg4[%add3A_254, %dma_start3A_269, %dma_start3A_270] : memref<16384x50x32xf32, #tpu.memory_space<hbm>> -> memref<1x50x32xf32, #tpu.memory_space<hbm>>
    %dma_start3A_272 = tpu.memref_slice %arg8[%dma_start3A_257] : memref<8x!tpu.dma_semaphore, #tpu.memory_space<semaphore_mem>> -> memref<1x!tpu.dma_semaphore, #tpu.memory_space<semaphore_mem>>
    %dma_start3A_273 = tpu.memref_squeeze %dma_start3A_272 : memref<1x!tpu.dma_semaphore, #tpu.memory_space<semaphore_mem>> -> memref<!tpu.dma_semaphore, #tpu.memory_space<semaphore_mem>>
    %dma_start3A_274 = arith.constant 0 : i32
    %dma_start3A_275 = arith.constant 0 : i32
    %dma_start3A_276 = tpu.memref_slice %arg4[%add3A_254, %dma_start3A_274, %dma_start3A_275] : memref<16384x50x32xf32, #tpu.memory_space<hbm>> -> memref<1x50x32xf32, #tpu.memory_space<hbm>>
    %dma_start3A_277 = arith.constant 0 : i32
    %dma_start3A_278 = arith.constant 0 : i32
    %dma_start3A_279 = arith.constant 0 : i32
    %dma_start3A_280 = arith.constant 0 : i32
    %dma_start3A_281 = tpu.memref_slice %arg6[%dma_start3A_255, %dma_start3A_277, %dma_start3A_278, %dma_start3A_279, %dma_start3A_280] : memref<8x2x1x50x32xf32, #tpu.memory_space<vmem>> -> memref<1x2x1x50x32xf32, #tpu.memory_space<vmem>>
    %dma_start3A_282 = tpu.memref_squeeze %dma_start3A_281 : memref<1x2x1x50x32xf32, #tpu.memory_space<vmem>> -> memref<2x1x50x32xf32, #tpu.memory_space<vmem>>
    %dma_start3A_283 = arith.constant 0 : i32
    %dma_start3A_284 = arith.constant 0 : i32
    %dma_start3A_285 = arith.constant 0 : i32
    %dma_start3A_286 = tpu.memref_slice %dma_start3A_282[%dma_start3A_256, %dma_start3A_283, %dma_start3A_284, %dma_start3A_285] : memref<2x1x50x32xf32, #tpu.memory_space<vmem>> -> memref<1x1x50x32xf32, #tpu.memory_space<vmem>>
    %dma_start3A_287 = tpu.memref_squeeze %dma_start3A_286 : memref<1x1x50x32xf32, #tpu.memory_space<vmem>> -> memref<1x50x32xf32, #tpu.memory_space<vmem>>
    tpu.enqueue_dma source(%dma_start3A_287 : memref<1x50x32xf32, #tpu.memory_space<vmem>>) target(%dma_start3A_276 : memref<1x50x32xf32, #tpu.memory_space<hbm>>) target_semaphore(%dma_start3A_273 : memref<!tpu.dma_semaphore, #tpu.memory_space<semaphore_mem>>)
    %dma_start3A_288 = arith.constant 8 : i32
    %dma_start3A_289 = arith.constant 0 : i32
    %dma_start3A_290 = arith.constant 1 : i32
    %dma_start3A_291 = arith.constant 0 : i32
    %dma_start3A_292 = arith.constant 0 : i32
    %dma_start3A_293 = arith.constant 0 : i32
    %dma_start3A_294 = arith.constant 0 : i32
    %dma_start3A_295 = arith.constant 0 : i32
    %dma_start3A_296 = arith.constant 0 : i32
    %dma_start3A_297 = tpu.memref_slice %arg6[%dma_start3A_289, %dma_start3A_293, %dma_start3A_294, %dma_start3A_295, %dma_start3A_296] : memref<8x2x1x50x32xf32, #tpu.memory_space<vmem>> -> memref<1x2x1x50x32xf32, #tpu.memory_space<vmem>>
    %dma_start3A_298 = tpu.memref_squeeze %dma_start3A_297 : memref<1x2x1x50x32xf32, #tpu.memory_space<vmem>> -> memref<2x1x50x32xf32, #tpu.memory_space<vmem>>
    %dma_start3A_299 = arith.constant 0 : i32
    %dma_start3A_300 = arith.constant 0 : i32
    %dma_start3A_301 = arith.constant 0 : i32
    %dma_start3A_302 = tpu.memref_slice %dma_start3A_298[%dma_start3A_290, %dma_start3A_299, %dma_start3A_300, %dma_start3A_301] : memref<2x1x50x32xf32, #tpu.memory_space<vmem>> -> memref<1x1x50x32xf32, #tpu.memory_space<vmem>>
    %dma_start3A_303 = tpu.memref_squeeze %dma_start3A_302 : memref<1x1x50x32xf32, #tpu.memory_space<vmem>> -> memref<1x50x32xf32, #tpu.memory_space<vmem>>
    %dma_start3A_304 = arith.constant 0 : i32
    %dma_start3A_305 = arith.constant 0 : i32
    %dma_start3A_306 = tpu.memref_slice %dma_start3A_303[%dma_start3A_291, %dma_start3A_304, %dma_start3A_305] : memref<1x50x32xf32, #tpu.memory_space<vmem>> -> memref<1x50x32xf32, #tpu.memory_space<vmem>>
    %dma_start3A_307 = tpu.memref_squeeze %dma_start3A_306 : memref<1x50x32xf32, #tpu.memory_space<vmem>> -> memref<50x32xf32, #tpu.memory_space<vmem>>
    %dma_start3A_308 = arith.constant 0 : i32
    %dma_start3A_309 = tpu.memref_slice %arg5[%dma_start3A_288, %dma_start3A_308] : memref<512x50xi32, #tpu.memory_space<vmem>> -> memref<1x50xi32, #tpu.memory_space<vmem>>
    %dma_start3A_310 = tpu.memref_squeeze %dma_start3A_309 : memref<1x50xi32, #tpu.memory_space<vmem>> -> memref<50xi32, #tpu.memory_space<vmem>>
    %dma_start3A_311 = arith.constant 0 : i32
    %dma_start3A_312 = arith.constant 0 : i32
    %dma_start3A_313 = tpu.memref_slice %arg3[%dma_start3A_311, %dma_start3A_312] : memref<1000000x32xf32, #tpu.memory_space<hbm>> -> memref<1000000x32xf32, #tpu.memory_space<hbm>>
    %dma_start3A_314 = tpu.memref_slice %arg7[%dma_start3A_292] : memref<8x!tpu.dma_semaphore, #tpu.memory_space<semaphore_mem>> -> memref<1x!tpu.dma_semaphore, #tpu.memory_space<semaphore_mem>>
    %dma_start3A_315 = tpu.memref_squeeze %dma_start3A_314 : memref<1x!tpu.dma_semaphore, #tpu.memory_space<semaphore_mem>> -> memref<!tpu.dma_semaphore, #tpu.memory_space<semaphore_mem>>
    tpu.enqueue_indirect_dma source(%dma_start3A_313 : memref<1000000x32xf32, #tpu.memory_space<hbm>>) target(%dma_start3A_307 : memref<50x32xf32, #tpu.memory_space<vmem>>) offsets(%dma_start3A_310 : memref<50xi32, #tpu.memory_space<vmem>>) semaphore(%dma_start3A_315 : memref<!tpu.dma_semaphore, #tpu.memory_space<semaphore_mem>>)
    %dma_wait3A_316 = arith.constant 1 : i32
    %dma_wait3A_317 = arith.constant 1 : i32
    %dma_wait3A_318 = arith.constant 0 : i32
    %dma_wait3A_319 = arith.constant 0 : i32
    %dma_wait3A_320 = arith.constant 1 : i32
    %dma_wait3A_321 = arith.constant 0 : i32
    %dma_wait3A_322 = arith.constant 0 : i32
    %dma_wait3A_323 = arith.constant 0 : i32
    %dma_wait3A_324 = arith.constant 0 : i32
    %dma_wait3A_325 = tpu.memref_slice %arg6[%dma_wait3A_317, %dma_wait3A_321, %dma_wait3A_322, %dma_wait3A_323, %dma_wait3A_324] : memref<8x2x1x50x32xf32, #tpu.memory_space<vmem>> -> memref<1x2x1x50x32xf32, #tpu.memory_space<vmem>>
    %dma_wait3A_326 = tpu.memref_squeeze %dma_wait3A_325 : memref<1x2x1x50x32xf32, #tpu.memory_space<vmem>> -> memref<2x1x50x32xf32, #tpu.memory_space<vmem>>
    %dma_wait3A_327 = arith.constant 0 : i32
    %dma_wait3A_328 = arith.constant 0 : i32
    %dma_wait3A_329 = arith.constant 0 : i32
    %dma_wait3A_330 = tpu.memref_slice %dma_wait3A_326[%dma_wait3A_318, %dma_wait3A_327, %dma_wait3A_328, %dma_wait3A_329] : memref<2x1x50x32xf32, #tpu.memory_space<vmem>> -> memref<1x1x50x32xf32, #tpu.memory_space<vmem>>
    %dma_wait3A_331 = tpu.memref_squeeze %dma_wait3A_330 : memref<1x1x50x32xf32, #tpu.memory_space<vmem>> -> memref<1x50x32xf32, #tpu.memory_space<vmem>>
    %dma_wait3A_332 = arith.constant 0 : i32
    %dma_wait3A_333 = arith.constant 0 : i32
    %dma_wait3A_334 = tpu.memref_slice %dma_wait3A_331[%dma_wait3A_319, %dma_wait3A_332, %dma_wait3A_333] : memref<1x50x32xf32, #tpu.memory_space<vmem>> -> memref<1x50x32xf32, #tpu.memory_space<vmem>>
    %dma_wait3A_335 = tpu.memref_squeeze %dma_wait3A_334 : memref<1x50x32xf32, #tpu.memory_space<vmem>> -> memref<50x32xf32, #tpu.memory_space<vmem>>
    %dma_wait3A_336 = arith.constant 0 : i32
    %dma_wait3A_337 = tpu.memref_slice %arg5[%dma_wait3A_316, %dma_wait3A_336] : memref<512x50xi32, #tpu.memory_space<vmem>> -> memref<1x50xi32, #tpu.memory_space<vmem>>
    %dma_wait3A_338 = tpu.memref_squeeze %dma_wait3A_337 : memref<1x50xi32, #tpu.memory_space<vmem>> -> memref<50xi32, #tpu.memory_space<vmem>>
    %dma_wait3A_339 = arith.constant 0 : i32
    %dma_wait3A_340 = arith.constant 0 : i32
    %dma_wait3A_341 = tpu.memref_slice %arg3[%dma_wait3A_339, %dma_wait3A_340] : memref<1000000x32xf32, #tpu.memory_space<hbm>> -> memref<1000000x32xf32, #tpu.memory_space<hbm>>
    %dma_wait3A_342 = tpu.memref_slice %arg7[%dma_wait3A_320] : memref<8x!tpu.dma_semaphore, #tpu.memory_space<semaphore_mem>> -> memref<1x!tpu.dma_semaphore, #tpu.memory_space<semaphore_mem>>
    %dma_wait3A_343 = tpu.memref_squeeze %dma_wait3A_342 : memref<1x!tpu.dma_semaphore, #tpu.memory_space<semaphore_mem>> -> memref<!tpu.dma_semaphore, #tpu.memory_space<semaphore_mem>>
    tpu.wait_indirect_dma semaphore(%dma_wait3A_343 : memref<!tpu.dma_semaphore, #tpu.memory_space<semaphore_mem>>) src(%dma_wait3A_341 : memref<1000000x32xf32, #tpu.memory_space<hbm>>) dst(%dma_wait3A_335 : memref<50x32xf32, #tpu.memory_space<vmem>>)
    %add3A_344 = arith.constant 1 : i32
    %add3A_345 = arith.addi %mul3A_2, %add3A_344 : i32
    %dma_start3A_346 = arith.constant 1 : i32
    %dma_start3A_347 = arith.constant 0 : i32
    %dma_start3A_348 = arith.constant 1 : i32
    %dma_start3A_349 = arith.constant 0 : i32
    %dma_start3A_350 = arith.constant 0 : i32
    %dma_start3A_351 = arith.constant 0 : i32
    %dma_start3A_352 = arith.constant 0 : i32
    %dma_start3A_353 = tpu.memref_slice %arg6[%dma_start3A_346, %dma_start3A_349, %dma_start3A_350, %dma_start3A_351, %dma_start3A_352] : memref<8x2x1x50x32xf32, #tpu.memory_space<vmem>> -> memref<1x2x1x50x32xf32, #tpu.memory_space<vmem>>
    %dma_start3A_354 = tpu.memref_squeeze %dma_start3A_353 : memref<1x2x1x50x32xf32, #tpu.memory_space<vmem>> -> memref<2x1x50x32xf32, #tpu.memory_space<vmem>>
    %dma_start3A_355 = arith.constant 0 : i32
    %dma_start3A_356 = arith.constant 0 : i32
    %dma_start3A_357 = arith.constant 0 : i32
    %dma_start3A_358 = tpu.memref_slice %dma_start3A_354[%dma_start3A_347, %dma_start3A_355, %dma_start3A_356, %dma_start3A_357] : memref<2x1x50x32xf32, #tpu.memory_space<vmem>> -> memref<1x1x50x32xf32, #tpu.memory_space<vmem>>
    %dma_start3A_359 = tpu.memref_squeeze %dma_start3A_358 : memref<1x1x50x32xf32, #tpu.memory_space<vmem>> -> memref<1x50x32xf32, #tpu.memory_space<vmem>>
    %dma_start3A_360 = arith.constant 0 : i32
    %dma_start3A_361 = arith.constant 0 : i32
    %dma_start3A_362 = tpu.memref_slice %arg4[%add3A_345, %dma_start3A_360, %dma_start3A_361] : memref<16384x50x32xf32, #tpu.memory_space<hbm>> -> memref<1x50x32xf32, #tpu.memory_space<hbm>>
    %dma_start3A_363 = tpu.memref_slice %arg8[%dma_start3A_348] : memref<8x!tpu.dma_semaphore, #tpu.memory_space<semaphore_mem>> -> memref<1x!tpu.dma_semaphore, #tpu.memory_space<semaphore_mem>>
    %dma_start3A_364 = tpu.memref_squeeze %dma_start3A_363 : memref<1x!tpu.dma_semaphore, #tpu.memory_space<semaphore_mem>> -> memref<!tpu.dma_semaphore, #tpu.memory_space<semaphore_mem>>
    %dma_start3A_365 = arith.constant 0 : i32
    %dma_start3A_366 = arith.constant 0 : i32
    %dma_start3A_367 = tpu.memref_slice %arg4[%add3A_345, %dma_start3A_365, %dma_start3A_366] : memref<16384x50x32xf32, #tpu.memory_space<hbm>> -> memref<1x50x32xf32, #tpu.memory_space<hbm>>
    %dma_start3A_368 = arith.constant 0 : i32
    %dma_start3A_369 = arith.constant 0 : i32
    %dma_start3A_370 = arith.constant 0 : i32
    %dma_start3A_371 = arith.constant 0 : i32
    %dma_start3A_372 = tpu.memref_slice %arg6[%dma_start3A_346, %dma_start3A_368, %dma_start3A_369, %dma_start3A_370, %dma_start3A_371] : memref<8x2x1x50x32xf32, #tpu.memory_space<vmem>> -> memref<1x2x1x50x32xf32, #tpu.memory_space<vmem>>
    %dma_start3A_373 = tpu.memref_squeeze %dma_start3A_372 : memref<1x2x1x50x32xf32, #tpu.memory_space<vmem>> -> memref<2x1x50x32xf32, #tpu.memory_space<vmem>>
    %dma_start3A_374 = arith.constant 0 : i32
    %dma_start3A_375 = arith.constant 0 : i32
    %dma_start3A_376 = arith.constant 0 : i32
    %dma_start3A_377 = tpu.memref_slice %dma_start3A_373[%dma_start3A_347, %dma_start3A_374, %dma_start3A_375, %dma_start3A_376] : memref<2x1x50x32xf32, #tpu.memory_space<vmem>> -> memref<1x1x50x32xf32, #tpu.memory_space<vmem>>
    %dma_start3A_378 = tpu.memref_squeeze %dma_start3A_377 : memref<1x1x50x32xf32, #tpu.memory_space<vmem>> -> memref<1x50x32xf32, #tpu.memory_space<vmem>>
    tpu.enqueue_dma source(%dma_start3A_378 : memref<1x50x32xf32, #tpu.memory_space<vmem>>) target(%dma_start3A_367 : memref<1x50x32xf32, #tpu.memory_space<hbm>>) target_semaphore(%dma_start3A_364 : memref<!tpu.dma_semaphore, #tpu.memory_space<semaphore_mem>>)
    %dma_start3A_379 = arith.constant 9 : i32
    %dma_start3A_380 = arith.constant 1 : i32
    %dma_start3A_381 = arith.constant 1 : i32
    %dma_start3A_382 = arith.constant 0 : i32
    %dma_start3A_383 = arith.constant 1 : i32
    %dma_start3A_384 = arith.constant 0 : i32
    %dma_start3A_385 = arith.constant 0 : i32
    %dma_start3A_386 = arith.constant 0 : i32
    %dma_start3A_387 = arith.constant 0 : i32
    %dma_start3A_388 = tpu.memref_slice %arg6[%dma_start3A_380, %dma_start3A_384, %dma_start3A_385, %dma_start3A_386, %dma_start3A_387] : memref<8x2x1x50x32xf32, #tpu.memory_space<vmem>> -> memref<1x2x1x50x32xf32, #tpu.memory_space<vmem>>
    %dma_start3A_389 = tpu.memref_squeeze %dma_start3A_388 : memref<1x2x1x50x32xf32, #tpu.memory_space<vmem>> -> memref<2x1x50x32xf32, #tpu.memory_space<vmem>>
    %dma_start3A_390 = arith.constant 0 : i32
    %dma_start3A_391 = arith.constant 0 : i32
    %dma_start3A_392 = arith.constant 0 : i32
    %dma_start3A_393 = tpu.memref_slice %dma_start3A_389[%dma_start3A_381, %dma_start3A_390, %dma_start3A_391, %dma_start3A_392] : memref<2x1x50x32xf32, #tpu.memory_space<vmem>> -> memref<1x1x50x32xf32, #tpu.memory_space<vmem>>
    %dma_start3A_394 = tpu.memref_squeeze %dma_start3A_393 : memref<1x1x50x32xf32, #tpu.memory_space<vmem>> -> memref<1x50x32xf32, #tpu.memory_space<vmem>>
    %dma_start3A_395 = arith.constant 0 : i32
    %dma_start3A_396 = arith.constant 0 : i32
    %dma_start3A_397 = tpu.memref_slice %dma_start3A_394[%dma_start3A_382, %dma_start3A_395, %dma_start3A_396] : memref<1x50x32xf32, #tpu.memory_space<vmem>> -> memref<1x50x32xf32, #tpu.memory_space<vmem>>
    %dma_start3A_398 = tpu.memref_squeeze %dma_start3A_397 : memref<1x50x32xf32, #tpu.memory_space<vmem>> -> memref<50x32xf32, #tpu.memory_space<vmem>>
    %dma_start3A_399 = arith.constant 0 : i32
    %dma_start3A_400 = tpu.memref_slice %arg5[%dma_start3A_379, %dma_start3A_399] : memref<512x50xi32, #tpu.memory_space<vmem>> -> memref<1x50xi32, #tpu.memory_space<vmem>>
    %dma_start3A_401 = tpu.memref_squeeze %dma_start3A_400 : memref<1x50xi32, #tpu.memory_space<vmem>> -> memref<50xi32, #tpu.memory_space<vmem>>
    %dma_start3A_402 = arith.constant 0 : i32
    %dma_start3A_403 = arith.constant 0 : i32
    %dma_start3A_404 = tpu.memref_slice %arg3[%dma_start3A_402, %dma_start3A_403] : memref<1000000x32xf32, #tpu.memory_space<hbm>> -> memref<1000000x32xf32, #tpu.memory_space<hbm>>
    %dma_start3A_405 = tpu.memref_slice %arg7[%dma_start3A_383] : memref<8x!tpu.dma_semaphore, #tpu.memory_space<semaphore_mem>> -> memref<1x!tpu.dma_semaphore, #tpu.memory_space<semaphore_mem>>
    %dma_start3A_406 = tpu.memref_squeeze %dma_start3A_405 : memref<1x!tpu.dma_semaphore, #tpu.memory_space<semaphore_mem>> -> memref<!tpu.dma_semaphore, #tpu.memory_space<semaphore_mem>>
    tpu.enqueue_indirect_dma source(%dma_start3A_404 : memref<1000000x32xf32, #tpu.memory_space<hbm>>) target(%dma_start3A_398 : memref<50x32xf32, #tpu.memory_space<vmem>>) offsets(%dma_start3A_401 : memref<50xi32, #tpu.memory_space<vmem>>) semaphore(%dma_start3A_406 : memref<!tpu.dma_semaphore, #tpu.memory_space<semaphore_mem>>)
    %dma_wait3A_407 = arith.constant 2 : i32
    %dma_wait3A_408 = arith.constant 2 : i32
    %dma_wait3A_409 = arith.constant 0 : i32
    %dma_wait3A_410 = arith.constant 0 : i32
    %dma_wait3A_411 = arith.constant 2 : i32
    %dma_wait3A_412 = arith.constant 0 : i32
    %dma_wait3A_413 = arith.constant 0 : i32
    %dma_wait3A_414 = arith.constant 0 : i32
    %dma_wait3A_415 = arith.constant 0 : i32
    %dma_wait3A_416 = tpu.memref_slice %arg6[%dma_wait3A_408, %dma_wait3A_412, %dma_wait3A_413, %dma_wait3A_414, %dma_wait3A_415] : memref<8x2x1x50x32xf32, #tpu.memory_space<vmem>> -> memref<1x2x1x50x32xf32, #tpu.memory_space<vmem>>
    %dma_wait3A_417 = tpu.memref_squeeze %dma_wait3A_416 : memref<1x2x1x50x32xf32, #tpu.memory_space<vmem>> -> memref<2x1x50x32xf32, #tpu.memory_space<vmem>>
    %dma_wait3A_418 = arith.constant 0 : i32
    %dma_wait3A_419 = arith.constant 0 : i32
    %dma_wait3A_420 = arith.constant 0 : i32
    %dma_wait3A_421 = tpu.memref_slice %dma_wait3A_417[%dma_wait3A_409, %dma_wait3A_418, %dma_wait3A_419, %dma_wait3A_420] : memref<2x1x50x32xf32, #tpu.memory_space<vmem>> -> memref<1x1x50x32xf32, #tpu.memory_space<vmem>>
    %dma_wait3A_422 = tpu.memref_squeeze %dma_wait3A_421 : memref<1x1x50x32xf32, #tpu.memory_space<vmem>> -> memref<1x50x32xf32, #tpu.memory_space<vmem>>
    %dma_wait3A_423 = arith.constant 0 : i32
    %dma_wait3A_424 = arith.constant 0 : i32
    %dma_wait3A_425 = tpu.memref_slice %dma_wait3A_422[%dma_wait3A_410, %dma_wait3A_423, %dma_wait3A_424] : memref<1x50x32xf32, #tpu.memory_space<vmem>> -> memref<1x50x32xf32, #tpu.memory_space<vmem>>
    %dma_wait3A_426 = tpu.memref_squeeze %dma_wait3A_425 : memref<1x50x32xf32, #tpu.memory_space<vmem>> -> memref<50x32xf32, #tpu.memory_space<vmem>>
    %dma_wait3A_427 = arith.constant 0 : i32
    %dma_wait3A_428 = tpu.memref_slice %arg5[%dma_wait3A_407, %dma_wait3A_427] : memref<512x50xi32, #tpu.memory_space<vmem>> -> memref<1x50xi32, #tpu.memory_space<vmem>>
    %dma_wait3A_429 = tpu.memref_squeeze %dma_wait3A_428 : memref<1x50xi32, #tpu.memory_space<vmem>> -> memref<50xi32, #tpu.memory_space<vmem>>
    %dma_wait3A_430 = arith.constant 0 : i32
    %dma_wait3A_431 = arith.constant 0 : i32
    %dma_wait3A_432 = tpu.memref_slice %arg3[%dma_wait3A_430, %dma_wait3A_431] : memref<1000000x32xf32, #tpu.memory_space<hbm>> -> memref<1000000x32xf32, #tpu.memory_space<hbm>>
    %dma_wait3A_433 = tpu.memref_slice %arg7[%dma_wait3A_411] : memref<8x!tpu.dma_semaphore, #tpu.memory_space<semaphore_mem>> -> memref<1x!tpu.dma_semaphore, #tpu.memory_space<semaphore_mem>>
    %dma_wait3A_434 = tpu.memref_squeeze %dma_wait3A_433 : memref<1x!tpu.dma_semaphore, #tpu.memory_space<semaphore_mem>> -> memref<!tpu.dma_semaphore, #tpu.memory_space<semaphore_mem>>
    tpu.wait_indirect_dma semaphore(%dma_wait3A_434 : memref<!tpu.dma_semaphore, #tpu.memory_space<semaphore_mem>>) src(%dma_wait3A_432 : memref<1000000x32xf32, #tpu.memory_space<hbm>>) dst(%dma_wait3A_426 : memref<50x32xf32, #tpu.memory_space<vmem>>)
    %add3A_435 = arith.constant 2 : i32
    %add3A_436 = arith.addi %mul3A_2, %add3A_435 : i32
    %dma_start3A_437 = arith.constant 2 : i32
    %dma_start3A_438 = arith.constant 0 : i32
    %dma_start3A_439 = arith.constant 2 : i32
    %dma_start3A_440 = arith.constant 0 : i32
    %dma_start3A_441 = arith.constant 0 : i32
    %dma_start3A_442 = arith.constant 0 : i32
    %dma_start3A_443 = arith.constant 0 : i32
    %dma_start3A_444 = tpu.memref_slice %arg6[%dma_start3A_437, %dma_start3A_440, %dma_start3A_441, %dma_start3A_442, %dma_start3A_443] : memref<8x2x1x50x32xf32, #tpu.memory_space<vmem>> -> memref<1x2x1x50x32xf32, #tpu.memory_space<vmem>>
    %dma_start3A_445 = tpu.memref_squeeze %dma_start3A_444 : memref<1x2x1x50x32xf32, #tpu.memory_space<vmem>> -> memref<2x1x50x32xf32, #tpu.memory_space<vmem>>
    %dma_start3A_446 = arith.constant 0 : i32
    %dma_start3A_447 = arith.constant 0 : i32
    %dma_start3A_448 = arith.constant 0 : i32
    %dma_start3A_449 = tpu.memref_slice %dma_start3A_445[%dma_start3A_438, %dma_start3A_446, %dma_start3A_447, %dma_start3A_448] : memref<2x1x50x32xf32, #tpu.memory_space<vmem>> -> memref<1x1x50x32xf32, #tpu.memory_space<vmem>>
    %dma_start3A_450 = tpu.memref_squeeze %dma_start3A_449 : memref<1x1x50x32xf32, #tpu.memory_space<vmem>> -> memref<1x50x32xf32, #tpu.memory_space<vmem>>
    %dma_start3A_451 = arith.constant 0 : i32
    %dma_start3A_452 = arith.constant 0 : i32
    %dma_start3A_453 = tpu.memref_slice %arg4[%add3A_436, %dma_start3A_451, %dma_start3A_452] : memref<16384x50x32xf32, #tpu.memory_space<hbm>> -> memref<1x50x32xf32, #tpu.memory_space<hbm>>
    %dma_start3A_454 = tpu.memref_slice %arg8[%dma_start3A_439] : memref<8x!tpu.dma_semaphore, #tpu.memory_space<semaphore_mem>> -> memref<1x!tpu.dma_semaphore, #tpu.memory_space<semaphore_mem>>
    %dma_start3A_455 = tpu.memref_squeeze %dma_start3A_454 : memref<1x!tpu.dma_semaphore, #tpu.memory_space<semaphore_mem>> -> memref<!tpu.dma_semaphore, #tpu.memory_space<semaphore_mem>>
    %dma_start3A_456 = arith.constant 0 : i32
    %dma_start3A_457 = arith.constant 0 : i32
    %dma_start3A_458 = tpu.memref_slice %arg4[%add3A_436, %dma_start3A_456, %dma_start3A_457] : memref<16384x50x32xf32, #tpu.memory_space<hbm>> -> memref<1x50x32xf32, #tpu.memory_space<hbm>>
    %dma_start3A_459 = arith.constant 0 : i32
    %dma_start3A_460 = arith.constant 0 : i32
    %dma_start3A_461 = arith.constant 0 : i32
    %dma_start3A_462 = arith.constant 0 : i32
    %dma_start3A_463 = tpu.memref_slice %arg6[%dma_start3A_437, %dma_start3A_459, %dma_start3A_460, %dma_start3A_461, %dma_start3A_462] : memref<8x2x1x50x32xf32, #tpu.memory_space<vmem>> -> memref<1x2x1x50x32xf32, #tpu.memory_space<vmem>>
    %dma_start3A_464 = tpu.memref_squeeze %dma_start3A_463 : memref<1x2x1x50x32xf32, #tpu.memory_space<vmem>> -> memref<2x1x50x32xf32, #tpu.memory_space<vmem>>
    %dma_start3A_465 = arith.constant 0 : i32
    %dma_start3A_466 = arith.constant 0 : i32
    %dma_start3A_467 = arith.constant 0 : i32
    %dma_start3A_468 = tpu.memref_slice %dma_start3A_464[%dma_start3A_438, %dma_start3A_465, %dma_start3A_466, %dma_start3A_467] : memref<2x1x50x32xf32, #tpu.memory_space<vmem>> -> memref<1x1x50x32xf32, #tpu.memory_space<vmem>>
    %dma_start3A_469 = tpu.memref_squeeze %dma_start3A_468 : memref<1x1x50x32xf32, #tpu.memory_space<vmem>> -> memref<1x50x32xf32, #tpu.memory_space<vmem>>
    tpu.enqueue_dma source(%dma_start3A_469 : memref<1x50x32xf32, #tpu.memory_space<vmem>>) target(%dma_start3A_458 : memref<1x50x32xf32, #tpu.memory_space<hbm>>) target_semaphore(%dma_start3A_455 : memref<!tpu.dma_semaphore, #tpu.memory_space<semaphore_mem>>)
    %dma_start3A_470 = arith.constant 10 : i32
    %dma_start3A_471 = arith.constant 2 : i32
    %dma_start3A_472 = arith.constant 1 : i32
    %dma_start3A_473 = arith.constant 0 : i32
    %dma_start3A_474 = arith.constant 2 : i32
    %dma_start3A_475 = arith.constant 0 : i32
    %dma_start3A_476 = arith.constant 0 : i32
    %dma_start3A_477 = arith.constant 0 : i32
    %dma_start3A_478 = arith.constant 0 : i32
    %dma_start3A_479 = tpu.memref_slice %arg6[%dma_start3A_471, %dma_start3A_475, %dma_start3A_476, %dma_start3A_477, %dma_start3A_478] : memref<8x2x1x50x32xf32, #tpu.memory_space<vmem>> -> memref<1x2x1x50x32xf32, #tpu.memory_space<vmem>>
    %dma_start3A_480 = tpu.memref_squeeze %dma_start3A_479 : memref<1x2x1x50x32xf32, #tpu.memory_space<vmem>> -> memref<2x1x50x32xf32, #tpu.memory_space<vmem>>
    %dma_start3A_481 = arith.constant 0 : i32
    %dma_start3A_482 = arith.constant 0 : i32
    %dma_start3A_483 = arith.constant 0 : i32
    %dma_start3A_484 = tpu.memref_slice %dma_start3A_480[%dma_start3A_472, %dma_start3A_481, %dma_start3A_482, %dma_start3A_483] : memref<2x1x50x32xf32, #tpu.memory_space<vmem>> -> memref<1x1x50x32xf32, #tpu.memory_space<vmem>>
    %dma_start3A_485 = tpu.memref_squeeze %dma_start3A_484 : memref<1x1x50x32xf32, #tpu.memory_space<vmem>> -> memref<1x50x32xf32, #tpu.memory_space<vmem>>
    %dma_start3A_486 = arith.constant 0 : i32
    %dma_start3A_487 = arith.constant 0 : i32
    %dma_start3A_488 = tpu.memref_slice %dma_start3A_485[%dma_start3A_473, %dma_start3A_486, %dma_start3A_487] : memref<1x50x32xf32, #tpu.memory_space<vmem>> -> memref<1x50x32xf32, #tpu.memory_space<vmem>>
    %dma_start3A_489 = tpu.memref_squeeze %dma_start3A_488 : memref<1x50x32xf32, #tpu.memory_space<vmem>> -> memref<50x32xf32, #tpu.memory_space<vmem>>
    %dma_start3A_490 = arith.constant 0 : i32
    %dma_start3A_491 = tpu.memref_slice %arg5[%dma_start3A_470, %dma_start3A_490] : memref<512x50xi32, #tpu.memory_space<vmem>> -> memref<1x50xi32, #tpu.memory_space<vmem>>
    %dma_start3A_492 = tpu.memref_squeeze %dma_start3A_491 : memref<1x50xi32, #tpu.memory_space<vmem>> -> memref<50xi32, #tpu.memory_space<vmem>>
    %dma_start3A_493 = arith.constant 0 : i32
    %dma_start3A_494 = arith.constant 0 : i32
    %dma_start3A_495 = tpu.memref_slice %arg3[%dma_start3A_493, %dma_start3A_494] : memref<1000000x32xf32, #tpu.memory_space<hbm>> -> memref<1000000x32xf32, #tpu.memory_space<hbm>>
    %dma_start3A_496 = tpu.memref_slice %arg7[%dma_start3A_474] : memref<8x!tpu.dma_semaphore, #tpu.memory_space<semaphore_mem>> -> memref<1x!tpu.dma_semaphore, #tpu.memory_space<semaphore_mem>>
    %dma_start3A_497 = tpu.memref_squeeze %dma_start3A_496 : memref<1x!tpu.dma_semaphore, #tpu.memory_space<semaphore_mem>> -> memref<!tpu.dma_semaphore, #tpu.memory_space<semaphore_mem>>
    tpu.enqueue_indirect_dma source(%dma_start3A_495 : memref<1000000x32xf32, #tpu.memory_space<hbm>>) target(%dma_start3A_489 : memref<50x32xf32, #tpu.memory_space<vmem>>) offsets(%dma_start3A_492 : memref<50xi32, #tpu.memory_space<vmem>>) semaphore(%dma_start3A_497 : memref<!tpu.dma_semaphore, #tpu.memory_space<semaphore_mem>>)
    %dma_wait3A_498 = arith.constant 3 : i32
    %dma_wait3A_499 = arith.constant 3 : i32
    %dma_wait3A_500 = arith.constant 0 : i32
    %dma_wait3A_501 = arith.constant 0 : i32
    %dma_wait3A_502 = arith.constant 3 : i32
    %dma_wait3A_503 = arith.constant 0 : i32
    %dma_wait3A_504 = arith.constant 0 : i32
    %dma_wait3A_505 = arith.constant 0 : i32
    %dma_wait3A_506 = arith.constant 0 : i32
    %dma_wait3A_507 = tpu.memref_slice %arg6[%dma_wait3A_499, %dma_wait3A_503, %dma_wait3A_504, %dma_wait3A_505, %dma_wait3A_506] : memref<8x2x1x50x32xf32, #tpu.memory_space<vmem>> -> memref<1x2x1x50x32xf32, #tpu.memory_space<vmem>>
    %dma_wait3A_508 = tpu.memref_squeeze %dma_wait3A_507 : memref<1x2x1x50x32xf32, #tpu.memory_space<vmem>> -> memref<2x1x50x32xf32, #tpu.memory_space<vmem>>
    %dma_wait3A_509 = arith.constant 0 : i32
    %dma_wait3A_510 = arith.constant 0 : i32
    %dma_wait3A_511 = arith.constant 0 : i32
    %dma_wait3A_512 = tpu.memref_slice %dma_wait3A_508[%dma_wait3A_500, %dma_wait3A_509, %dma_wait3A_510, %dma_wait3A_511] : memref<2x1x50x32xf32, #tpu.memory_space<vmem>> -> memref<1x1x50x32xf32, #tpu.memory_space<vmem>>
    %dma_wait3A_513 = tpu.memref_squeeze %dma_wait3A_512 : memref<1x1x50x32xf32, #tpu.memory_space<vmem>> -> memref<1x50x32xf32, #tpu.memory_space<vmem>>
    %dma_wait3A_514 = arith.constant 0 : i32
    %dma_wait3A_515 = arith.constant 0 : i32
    %dma_wait3A_516 = tpu.memref_slice %dma_wait3A_513[%dma_wait3A_501, %dma_wait3A_514, %dma_wait3A_515] : memref<1x50x32xf32, #tpu.memory_space<vmem>> -> memref<1x50x32xf32, #tpu.memory_space<vmem>>
    %dma_wait3A_517 = tpu.memref_squeeze %dma_wait3A_516 : memref<1x50x32xf32, #tpu.memory_space<vmem>> -> memref<50x32xf32, #tpu.memory_space<vmem>>
    %dma_wait3A_518 = arith.constant 0 : i32
    %dma_wait3A_519 = tpu.memref_slice %arg5[%dma_wait3A_498, %dma_wait3A_518] : memref<512x50xi32, #tpu.memory_space<vmem>> -> memref<1x50xi32, #tpu.memory_space<vmem>>
    %dma_wait3A_520 = tpu.memref_squeeze %dma_wait3A_519 : memref<1x50xi32, #tpu.memory_space<vmem>> -> memref<50xi32, #tpu.memory_space<vmem>>
    %dma_wait3A_521 = arith.constant 0 : i32
    %dma_wait3A_522 = arith.constant 0 : i32
    %dma_wait3A_523 = tpu.memref_slice %arg3[%dma_wait3A_521, %dma_wait3A_522] : memref<1000000x32xf32, #tpu.memory_space<hbm>> -> memref<1000000x32xf32, #tpu.memory_space<hbm>>
    %dma_wait3A_524 = tpu.memref_slice %arg7[%dma_wait3A_502] : memref<8x!tpu.dma_semaphore, #tpu.memory_space<semaphore_mem>> -> memref<1x!tpu.dma_semaphore, #tpu.memory_space<semaphore_mem>>
    %dma_wait3A_525 = tpu.memref_squeeze %dma_wait3A_524 : memref<1x!tpu.dma_semaphore, #tpu.memory_space<semaphore_mem>> -> memref<!tpu.dma_semaphore, #tpu.memory_space<semaphore_mem>>
    tpu.wait_indirect_dma semaphore(%dma_wait3A_525 : memref<!tpu.dma_semaphore, #tpu.memory_space<semaphore_mem>>) src(%dma_wait3A_523 : memref<1000000x32xf32, #tpu.memory_space<hbm>>) dst(%dma_wait3A_517 : memref<50x32xf32, #tpu.memory_space<vmem>>)
    %add3A_526 = arith.constant 3 : i32
    %add3A_527 = arith.addi %mul3A_2, %add3A_526 : i32
    %dma_start3A_528 = arith.constant 3 : i32
    %dma_start3A_529 = arith.constant 0 : i32
    %dma_start3A_530 = arith.constant 3 : i32
    %dma_start3A_531 = arith.constant 0 : i32
    %dma_start3A_532 = arith.constant 0 : i32
    %dma_start3A_533 = arith.constant 0 : i32
    %dma_start3A_534 = arith.constant 0 : i32
    %dma_start3A_535 = tpu.memref_slice %arg6[%dma_start3A_528, %dma_start3A_531, %dma_start3A_532, %dma_start3A_533, %dma_start3A_534] : memref<8x2x1x50x32xf32, #tpu.memory_space<vmem>> -> memref<1x2x1x50x32xf32, #tpu.memory_space<vmem>>
    %dma_start3A_536 = tpu.memref_squeeze %dma_start3A_535 : memref<1x2x1x50x32xf32, #tpu.memory_space<vmem>> -> memref<2x1x50x32xf32, #tpu.memory_space<vmem>>
    %dma_start3A_537 = arith.constant 0 : i32
    %dma_start3A_538 = arith.constant 0 : i32
    %dma_start3A_539 = arith.constant 0 : i32
    %dma_start3A_540 = tpu.memref_slice %dma_start3A_536[%dma_start3A_529, %dma_start3A_537, %dma_start3A_538, %dma_start3A_539] : memref<2x1x50x32xf32, #tpu.memory_space<vmem>> -> memref<1x1x50x32xf32, #tpu.memory_space<vmem>>
    %dma_start3A_541 = tpu.memref_squeeze %dma_start3A_540 : memref<1x1x50x32xf32, #tpu.memory_space<vmem>> -> memref<1x50x32xf32, #tpu.memory_space<vmem>>
    %dma_start3A_542 = arith.constant 0 : i32
    %dma_start3A_543 = arith.constant 0 : i32
    %dma_start3A_544 = tpu.memref_slice %arg4[%add3A_527, %dma_start3A_542, %dma_start3A_543] : memref<16384x50x32xf32, #tpu.memory_space<hbm>> -> memref<1x50x32xf32, #tpu.memory_space<hbm>>
    %dma_start3A_545 = tpu.memref_slice %arg8[%dma_start3A_530] : memref<8x!tpu.dma_semaphore, #tpu.memory_space<semaphore_mem>> -> memref<1x!tpu.dma_semaphore, #tpu.memory_space<semaphore_mem>>
    %dma_start3A_546 = tpu.memref_squeeze %dma_start3A_545 : memref<1x!tpu.dma_semaphore, #tpu.memory_space<semaphore_mem>> -> memref<!tpu.dma_semaphore, #tpu.memory_space<semaphore_mem>>
    %dma_start3A_547 = arith.constant 0 : i32
    %dma_start3A_548 = arith.constant 0 : i32
    %dma_start3A_549 = tpu.memref_slice %arg4[%add3A_527, %dma_start3A_547, %dma_start3A_548] : memref<16384x50x32xf32, #tpu.memory_space<hbm>> -> memref<1x50x32xf32, #tpu.memory_space<hbm>>
    %dma_start3A_550 = arith.constant 0 : i32
    %dma_start3A_551 = arith.constant 0 : i32
    %dma_start3A_552 = arith.constant 0 : i32
    %dma_start3A_553 = arith.constant 0 : i32
    %dma_start3A_554 = tpu.memref_slice %arg6[%dma_start3A_528, %dma_start3A_550, %dma_start3A_551, %dma_start3A_552, %dma_start3A_553] : memref<8x2x1x50x32xf32, #tpu.memory_space<vmem>> -> memref<1x2x1x50x32xf32, #tpu.memory_space<vmem>>
    %dma_start3A_555 = tpu.memref_squeeze %dma_start3A_554 : memref<1x2x1x50x32xf32, #tpu.memory_space<vmem>> -> memref<2x1x50x32xf32, #tpu.memory_space<vmem>>
    %dma_start3A_556 = arith.constant 0 : i32
    %dma_start3A_557 = arith.constant 0 : i32
    %dma_start3A_558 = arith.constant 0 : i32
    %dma_start3A_559 = tpu.memref_slice %dma_start3A_555[%dma_start3A_529, %dma_start3A_556, %dma_start3A_557, %dma_start3A_558] : memref<2x1x50x32xf32, #tpu.memory_space<vmem>> -> memref<1x1x50x32xf32, #tpu.memory_space<vmem>>
    %dma_start3A_560 = tpu.memref_squeeze %dma_start3A_559 : memref<1x1x50x32xf32, #tpu.memory_space<vmem>> -> memref<1x50x32xf32, #tpu.memory_space<vmem>>
    tpu.enqueue_dma source(%dma_start3A_560 : memref<1x50x32xf32, #tpu.memory_space<vmem>>) target(%dma_start3A_549 : memref<1x50x32xf32, #tpu.memory_space<hbm>>) target_semaphore(%dma_start3A_546 : memref<!tpu.dma_semaphore, #tpu.memory_space<semaphore_mem>>)
    %dma_start3A_561 = arith.constant 11 : i32
    %dma_start3A_562 = arith.constant 3 : i32
    %dma_start3A_563 = arith.constant 1 : i32
    %dma_start3A_564 = arith.constant 0 : i32
    %dma_start3A_565 = arith.constant 3 : i32
    %dma_start3A_566 = arith.constant 0 : i32
    %dma_start3A_567 = arith.constant 0 : i32
    %dma_start3A_568 = arith.constant 0 : i32
    %dma_start3A_569 = arith.constant 0 : i32
    %dma_start3A_570 = tpu.memref_slice %arg6[%dma_start3A_562, %dma_start3A_566, %dma_start3A_567, %dma_start3A_568, %dma_start3A_569] : memref<8x2x1x50x32xf32, #tpu.memory_space<vmem>> -> memref<1x2x1x50x32xf32, #tpu.memory_space<vmem>>
    %dma_start3A_571 = tpu.memref_squeeze %dma_start3A_570 : memref<1x2x1x50x32xf32, #tpu.memory_space<vmem>> -> memref<2x1x50x32xf32, #tpu.memory_space<vmem>>
    %dma_start3A_572 = arith.constant 0 : i32
    %dma_start3A_573 = arith.constant 0 : i32
    %dma_start3A_574 = arith.constant 0 : i32
    %dma_start3A_575 = tpu.memref_slice %dma_start3A_571[%dma_start3A_563, %dma_start3A_572, %dma_start3A_573, %dma_start3A_574] : memref<2x1x50x32xf32, #tpu.memory_space<vmem>> -> memref<1x1x50x32xf32, #tpu.memory_space<vmem>>
    %dma_start3A_576 = tpu.memref_squeeze %dma_start3A_575 : memref<1x1x50x32xf32, #tpu.memory_space<vmem>> -> memref<1x50x32xf32, #tpu.memory_space<vmem>>
    %dma_start3A_577 = arith.constant 0 : i32
    %dma_start3A_578 = arith.constant 0 : i32
    %dma_start3A_579 = tpu.memref_slice %dma_start3A_576[%dma_start3A_564, %dma_start3A_577, %dma_start3A_578] : memref<1x50x32xf32, #tpu.memory_space<vmem>> -> memref<1x50x32xf32, #tpu.memory_space<vmem>>
    %dma_start3A_580 = tpu.memref_squeeze %dma_start3A_579 : memref<1x50x32xf32, #tpu.memory_space<vmem>> -> memref<50x32xf32, #tpu.memory_space<vmem>>
    %dma_start3A_581 = arith.constant 0 : i32
    %dma_start3A_582 = tpu.memref_slice %arg5[%dma_start3A_561, %dma_start3A_581] : memref<512x50xi32, #tpu.memory_space<vmem>> -> memref<1x50xi32, #tpu.memory_space<vmem>>
    %dma_start3A_583 = tpu.memref_squeeze %dma_start3A_582 : memref<1x50xi32, #tpu.memory_space<vmem>> -> memref<50xi32, #tpu.memory_space<vmem>>
    %dma_start3A_584 = arith.constant 0 : i32
    %dma_start3A_585 = arith.constant 0 : i32
    %dma_start3A_586 = tpu.memref_slice %arg3[%dma_start3A_584, %dma_start3A_585] : memref<1000000x32xf32, #tpu.memory_space<hbm>> -> memref<1000000x32xf32, #tpu.memory_space<hbm>>
    %dma_start3A_587 = tpu.memref_slice %arg7[%dma_start3A_565] : memref<8x!tpu.dma_semaphore, #tpu.memory_space<semaphore_mem>> -> memref<1x!tpu.dma_semaphore, #tpu.memory_space<semaphore_mem>>
    %dma_start3A_588 = tpu.memref_squeeze %dma_start3A_587 : memref<1x!tpu.dma_semaphore, #tpu.memory_space<semaphore_mem>> -> memref<!tpu.dma_semaphore, #tpu.memory_space<semaphore_mem>>
    tpu.enqueue_indirect_dma source(%dma_start3A_586 : memref<1000000x32xf32, #tpu.memory_space<hbm>>) target(%dma_start3A_580 : memref<50x32xf32, #tpu.memory_space<vmem>>) offsets(%dma_start3A_583 : memref<50xi32, #tpu.memory_space<vmem>>) semaphore(%dma_start3A_588 : memref<!tpu.dma_semaphore, #tpu.memory_space<semaphore_mem>>)
    %dma_wait3A_589 = arith.constant 4 : i32
    %dma_wait3A_590 = arith.constant 4 : i32
    %dma_wait3A_591 = arith.constant 0 : i32
    %dma_wait3A_592 = arith.constant 0 : i32
    %dma_wait3A_593 = arith.constant 4 : i32
    %dma_wait3A_594 = arith.constant 0 : i32
    %dma_wait3A_595 = arith.constant 0 : i32
    %dma_wait3A_596 = arith.constant 0 : i32
    %dma_wait3A_597 = arith.constant 0 : i32
    %dma_wait3A_598 = tpu.memref_slice %arg6[%dma_wait3A_590, %dma_wait3A_594, %dma_wait3A_595, %dma_wait3A_596, %dma_wait3A_597] : memref<8x2x1x50x32xf32, #tpu.memory_space<vmem>> -> memref<1x2x1x50x32xf32, #tpu.memory_space<vmem>>
    %dma_wait3A_599 = tpu.memref_squeeze %dma_wait3A_598 : memref<1x2x1x50x32xf32, #tpu.memory_space<vmem>> -> memref<2x1x50x32xf32, #tpu.memory_space<vmem>>
    %dma_wait3A_600 = arith.constant 0 : i32
    %dma_wait3A_601 = arith.constant 0 : i32
    %dma_wait3A_602 = arith.constant 0 : i32
    %dma_wait3A_603 = tpu.memref_slice %dma_wait3A_599[%dma_wait3A_591, %dma_wait3A_600, %dma_wait3A_601, %dma_wait3A_602] : memref<2x1x50x32xf32, #tpu.memory_space<vmem>> -> memref<1x1x50x32xf32, #tpu.memory_space<vmem>>
    %dma_wait3A_604 = tpu.memref_squeeze %dma_wait3A_603 : memref<1x1x50x32xf32, #tpu.memory_space<vmem>> -> memref<1x50x32xf32, #tpu.memory_space<vmem>>
    %dma_wait3A_605 = arith.constant 0 : i32
    %dma_wait3A_606 = arith.constant 0 : i32
    %dma_wait3A_607 = tpu.memref_slice %dma_wait3A_604[%dma_wait3A_592, %dma_wait3A_605, %dma_wait3A_606] : memref<1x50x32xf32, #tpu.memory_space<vmem>> -> memref<1x50x32xf32, #tpu.memory_space<vmem>>
    %dma_wait3A_608 = tpu.memref_squeeze %dma_wait3A_607 : memref<1x50x32xf32, #tpu.memory_space<vmem>> -> memref<50x32xf32, #tpu.memory_space<vmem>>
    %dma_wait3A_609 = arith.constant 0 : i32
    %dma_wait3A_610 = tpu.memref_slice %arg5[%dma_wait3A_589, %dma_wait3A_609] : memref<512x50xi32, #tpu.memory_space<vmem>> -> memref<1x50xi32, #tpu.memory_space<vmem>>
    %dma_wait3A_611 = tpu.memref_squeeze %dma_wait3A_610 : memref<1x50xi32, #tpu.memory_space<vmem>> -> memref<50xi32, #tpu.memory_space<vmem>>
    %dma_wait3A_612 = arith.constant 0 : i32
    %dma_wait3A_613 = arith.constant 0 : i32
    %dma_wait3A_614 = tpu.memref_slice %arg3[%dma_wait3A_612, %dma_wait3A_613] : memref<1000000x32xf32, #tpu.memory_space<hbm>> -> memref<1000000x32xf32, #tpu.memory_space<hbm>>
    %dma_wait3A_615 = tpu.memref_slice %arg7[%dma_wait3A_593] : memref<8x!tpu.dma_semaphore, #tpu.memory_space<semaphore_mem>> -> memref<1x!tpu.dma_semaphore, #tpu.memory_space<semaphore_mem>>
    %dma_wait3A_616 = tpu.memref_squeeze %dma_wait3A_615 : memref<1x!tpu.dma_semaphore, #tpu.memory_space<semaphore_mem>> -> memref<!tpu.dma_semaphore, #tpu.memory_space<semaphore_mem>>
    tpu.wait_indirect_dma semaphore(%dma_wait3A_616 : memref<!tpu.dma_semaphore, #tpu.memory_space<semaphore_mem>>) src(%dma_wait3A_614 : memref<1000000x32xf32, #tpu.memory_space<hbm>>) dst(%dma_wait3A_608 : memref<50x32xf32, #tpu.memory_space<vmem>>)
    %add3A_617 = arith.constant 4 : i32
    %add3A_618 = arith.addi %mul3A_2, %add3A_617 : i32
    %dma_start3A_619 = arith.constant 4 : i32
    %dma_start3A_620 = arith.constant 0 : i32
    %dma_start3A_621 = arith.constant 4 : i32
    %dma_start3A_622 = arith.constant 0 : i32
    %dma_start3A_623 = arith.constant 0 : i32
    %dma_start3A_624 = arith.constant 0 : i32
    %dma_start3A_625 = arith.constant 0 : i32
    %dma_start3A_626 = tpu.memref_slice %arg6[%dma_start3A_619, %dma_start3A_622, %dma_start3A_623, %dma_start3A_624, %dma_start3A_625] : memref<8x2x1x50x32xf32, #tpu.memory_space<vmem>> -> memref<1x2x1x50x32xf32, #tpu.memory_space<vmem>>
    %dma_start3A_627 = tpu.memref_squeeze %dma_start3A_626 : memref<1x2x1x50x32xf32, #tpu.memory_space<vmem>> -> memref<2x1x50x32xf32, #tpu.memory_space<vmem>>
    %dma_start3A_628 = arith.constant 0 : i32
    %dma_start3A_629 = arith.constant 0 : i32
    %dma_start3A_630 = arith.constant 0 : i32
    %dma_start3A_631 = tpu.memref_slice %dma_start3A_627[%dma_start3A_620, %dma_start3A_628, %dma_start3A_629, %dma_start3A_630] : memref<2x1x50x32xf32, #tpu.memory_space<vmem>> -> memref<1x1x50x32xf32, #tpu.memory_space<vmem>>
    %dma_start3A_632 = tpu.memref_squeeze %dma_start3A_631 : memref<1x1x50x32xf32, #tpu.memory_space<vmem>> -> memref<1x50x32xf32, #tpu.memory_space<vmem>>
    %dma_start3A_633 = arith.constant 0 : i32
    %dma_start3A_634 = arith.constant 0 : i32
    %dma_start3A_635 = tpu.memref_slice %arg4[%add3A_618, %dma_start3A_633, %dma_start3A_634] : memref<16384x50x32xf32, #tpu.memory_space<hbm>> -> memref<1x50x32xf32, #tpu.memory_space<hbm>>
    %dma_start3A_636 = tpu.memref_slice %arg8[%dma_start3A_621] : memref<8x!tpu.dma_semaphore, #tpu.memory_space<semaphore_mem>> -> memref<1x!tpu.dma_semaphore, #tpu.memory_space<semaphore_mem>>
    %dma_start3A_637 = tpu.memref_squeeze %dma_start3A_636 : memref<1x!tpu.dma_semaphore, #tpu.memory_space<semaphore_mem>> -> memref<!tpu.dma_semaphore, #tpu.memory_space<semaphore_mem>>
    %dma_start3A_638 = arith.constant 0 : i32
    %dma_start3A_639 = arith.constant 0 : i32
    %dma_start3A_640 = tpu.memref_slice %arg4[%add3A_618, %dma_start3A_638, %dma_start3A_639] : memref<16384x50x32xf32, #tpu.memory_space<hbm>> -> memref<1x50x32xf32, #tpu.memory_space<hbm>>
    %dma_start3A_641 = arith.constant 0 : i32
    %dma_start3A_642 = arith.constant 0 : i32
    %dma_start3A_643 = arith.constant 0 : i32
    %dma_start3A_644 = arith.constant 0 : i32
    %dma_start3A_645 = tpu.memref_slice %arg6[%dma_start3A_619, %dma_start3A_641, %dma_start3A_642, %dma_start3A_643, %dma_start3A_644] : memref<8x2x1x50x32xf32, #tpu.memory_space<vmem>> -> memref<1x2x1x50x32xf32, #tpu.memory_space<vmem>>
    %dma_start3A_646 = tpu.memref_squeeze %dma_start3A_645 : memref<1x2x1x50x32xf32, #tpu.memory_space<vmem>> -> memref<2x1x50x32xf32, #tpu.memory_space<vmem>>
    %dma_start3A_647 = arith.constant 0 : i32
    %dma_start3A_648 = arith.constant 0 : i32
    %dma_start3A_649 = arith.constant 0 : i32
    %dma_start3A_650 = tpu.memref_slice %dma_start3A_646[%dma_start3A_620, %dma_start3A_647, %dma_start3A_648, %dma_start3A_649] : memref<2x1x50x32xf32, #tpu.memory_space<vmem>> -> memref<1x1x50x32xf32, #tpu.memory_space<vmem>>
    %dma_start3A_651 = tpu.memref_squeeze %dma_start3A_650 : memref<1x1x50x32xf32, #tpu.memory_space<vmem>> -> memref<1x50x32xf32, #tpu.memory_space<vmem>>
    tpu.enqueue_dma source(%dma_start3A_651 : memref<1x50x32xf32, #tpu.memory_space<vmem>>) target(%dma_start3A_640 : memref<1x50x32xf32, #tpu.memory_space<hbm>>) target_semaphore(%dma_start3A_637 : memref<!tpu.dma_semaphore, #tpu.memory_space<semaphore_mem>>)
    %dma_start3A_652 = arith.constant 12 : i32
    %dma_start3A_653 = arith.constant 4 : i32
    %dma_start3A_654 = arith.constant 1 : i32
    %dma_start3A_655 = arith.constant 0 : i32
    %dma_start3A_656 = arith.constant 4 : i32
    %dma_start3A_657 = arith.constant 0 : i32
    %dma_start3A_658 = arith.constant 0 : i32
    %dma_start3A_659 = arith.constant 0 : i32
    %dma_start3A_660 = arith.constant 0 : i32
    %dma_start3A_661 = tpu.memref_slice %arg6[%dma_start3A_653, %dma_start3A_657, %dma_start3A_658, %dma_start3A_659, %dma_start3A_660] : memref<8x2x1x50x32xf32, #tpu.memory_space<vmem>> -> memref<1x2x1x50x32xf32, #tpu.memory_space<vmem>>
    %dma_start3A_662 = tpu.memref_squeeze %dma_start3A_661 : memref<1x2x1x50x32xf32, #tpu.memory_space<vmem>> -> memref<2x1x50x32xf32, #tpu.memory_space<vmem>>
    %dma_start3A_663 = arith.constant 0 : i32
    %dma_start3A_664 = arith.constant 0 : i32
    %dma_start3A_665 = arith.constant 0 : i32
    %dma_start3A_666 = tpu.memref_slice %dma_start3A_662[%dma_start3A_654, %dma_start3A_663, %dma_start3A_664, %dma_start3A_665] : memref<2x1x50x32xf32, #tpu.memory_space<vmem>> -> memref<1x1x50x32xf32, #tpu.memory_space<vmem>>
    %dma_start3A_667 = tpu.memref_squeeze %dma_start3A_666 : memref<1x1x50x32xf32, #tpu.memory_space<vmem>> -> memref<1x50x32xf32, #tpu.memory_space<vmem>>
    %dma_start3A_668 = arith.constant 0 : i32
    %dma_start3A_669 = arith.constant 0 : i32
    %dma_start3A_670 = tpu.memref_slice %dma_start3A_667[%dma_start3A_655, %dma_start3A_668, %dma_start3A_669] : memref<1x50x32xf32, #tpu.memory_space<vmem>> -> memref<1x50x32xf32, #tpu.memory_space<vmem>>
    %dma_start3A_671 = tpu.memref_squeeze %dma_start3A_670 : memref<1x50x32xf32, #tpu.memory_space<vmem>> -> memref<50x32xf32, #tpu.memory_space<vmem>>
    %dma_start3A_672 = arith.constant 0 : i32
    %dma_start3A_673 = tpu.memref_slice %arg5[%dma_start3A_652, %dma_start3A_672] : memref<512x50xi32, #tpu.memory_space<vmem>> -> memref<1x50xi32, #tpu.memory_space<vmem>>
    %dma_start3A_674 = tpu.memref_squeeze %dma_start3A_673 : memref<1x50xi32, #tpu.memory_space<vmem>> -> memref<50xi32, #tpu.memory_space<vmem>>
    %dma_start3A_675 = arith.constant 0 : i32
    %dma_start3A_676 = arith.constant 0 : i32
    %dma_start3A_677 = tpu.memref_slice %arg3[%dma_start3A_675, %dma_start3A_676] : memref<1000000x32xf32, #tpu.memory_space<hbm>> -> memref<1000000x32xf32, #tpu.memory_space<hbm>>
    %dma_start3A_678 = tpu.memref_slice %arg7[%dma_start3A_656] : memref<8x!tpu.dma_semaphore, #tpu.memory_space<semaphore_mem>> -> memref<1x!tpu.dma_semaphore, #tpu.memory_space<semaphore_mem>>
    %dma_start3A_679 = tpu.memref_squeeze %dma_start3A_678 : memref<1x!tpu.dma_semaphore, #tpu.memory_space<semaphore_mem>> -> memref<!tpu.dma_semaphore, #tpu.memory_space<semaphore_mem>>
    tpu.enqueue_indirect_dma source(%dma_start3A_677 : memref<1000000x32xf32, #tpu.memory_space<hbm>>) target(%dma_start3A_671 : memref<50x32xf32, #tpu.memory_space<vmem>>) offsets(%dma_start3A_674 : memref<50xi32, #tpu.memory_space<vmem>>) semaphore(%dma_start3A_679 : memref<!tpu.dma_semaphore, #tpu.memory_space<semaphore_mem>>)
    %dma_wait3A_680 = arith.constant 5 : i32
    %dma_wait3A_681 = arith.constant 5 : i32
    %dma_wait3A_682 = arith.constant 0 : i32
    %dma_wait3A_683 = arith.constant 0 : i32
    %dma_wait3A_684 = arith.constant 5 : i32
    %dma_wait3A_685 = arith.constant 0 : i32
    %dma_wait3A_686 = arith.constant 0 : i32
    %dma_wait3A_687 = arith.constant 0 : i32
    %dma_wait3A_688 = arith.constant 0 : i32
    %dma_wait3A_689 = tpu.memref_slice %arg6[%dma_wait3A_681, %dma_wait3A_685, %dma_wait3A_686, %dma_wait3A_687, %dma_wait3A_688] : memref<8x2x1x50x32xf32, #tpu.memory_space<vmem>> -> memref<1x2x1x50x32xf32, #tpu.memory_space<vmem>>
    %dma_wait3A_690 = tpu.memref_squeeze %dma_wait3A_689 : memref<1x2x1x50x32xf32, #tpu.memory_space<vmem>> -> memref<2x1x50x32xf32, #tpu.memory_space<vmem>>
    %dma_wait3A_691 = arith.constant 0 : i32
    %dma_wait3A_692 = arith.constant 0 : i32
    %dma_wait3A_693 = arith.constant 0 : i32
    %dma_wait3A_694 = tpu.memref_slice %dma_wait3A_690[%dma_wait3A_682, %dma_wait3A_691, %dma_wait3A_692, %dma_wait3A_693] : memref<2x1x50x32xf32, #tpu.memory_space<vmem>> -> memref<1x1x50x32xf32, #tpu.memory_space<vmem>>
    %dma_wait3A_695 = tpu.memref_squeeze %dma_wait3A_694 : memref<1x1x50x32xf32, #tpu.memory_space<vmem>> -> memref<1x50x32xf32, #tpu.memory_space<vmem>>
    %dma_wait3A_696 = arith.constant 0 : i32
    %dma_wait3A_697 = arith.constant 0 : i32
    %dma_wait3A_698 = tpu.memref_slice %dma_wait3A_695[%dma_wait3A_683, %dma_wait3A_696, %dma_wait3A_697] : memref<1x50x32xf32, #tpu.memory_space<vmem>> -> memref<1x50x32xf32, #tpu.memory_space<vmem>>
    %dma_wait3A_699 = tpu.memref_squeeze %dma_wait3A_698 : memref<1x50x32xf32, #tpu.memory_space<vmem>> -> memref<50x32xf32, #tpu.memory_space<vmem>>
    %dma_wait3A_700 = arith.constant 0 : i32
    %dma_wait3A_701 = tpu.memref_slice %arg5[%dma_wait3A_680, %dma_wait3A_700] : memref<512x50xi32, #tpu.memory_space<vmem>> -> memref<1x50xi32, #tpu.memory_space<vmem>>
    %dma_wait3A_702 = tpu.memref_squeeze %dma_wait3A_701 : memref<1x50xi32, #tpu.memory_space<vmem>> -> memref<50xi32, #tpu.memory_space<vmem>>
    %dma_wait3A_703 = arith.constant 0 : i32
    %dma_wait3A_704 = arith.constant 0 : i32
    %dma_wait3A_705 = tpu.memref_slice %arg3[%dma_wait3A_703, %dma_wait3A_704] : memref<1000000x32xf32, #tpu.memory_space<hbm>> -> memref<1000000x32xf32, #tpu.memory_space<hbm>>
    %dma_wait3A_706 = tpu.memref_slice %arg7[%dma_wait3A_684] : memref<8x!tpu.dma_semaphore, #tpu.memory_space<semaphore_mem>> -> memref<1x!tpu.dma_semaphore, #tpu.memory_space<semaphore_mem>>
    %dma_wait3A_707 = tpu.memref_squeeze %dma_wait3A_706 : memref<1x!tpu.dma_semaphore, #tpu.memory_space<semaphore_mem>> -> memref<!tpu.dma_semaphore, #tpu.memory_space<semaphore_mem>>
    tpu.wait_indirect_dma semaphore(%dma_wait3A_707 : memref<!tpu.dma_semaphore, #tpu.memory_space<semaphore_mem>>) src(%dma_wait3A_705 : memref<1000000x32xf32, #tpu.memory_space<hbm>>) dst(%dma_wait3A_699 : memref<50x32xf32, #tpu.memory_space<vmem>>)
    %add3A_708 = arith.constant 5 : i32
    %add3A_709 = arith.addi %mul3A_2, %add3A_708 : i32
    %dma_start3A_710 = arith.constant 5 : i32
    %dma_start3A_711 = arith.constant 0 : i32
    %dma_start3A_712 = arith.constant 5 : i32
    %dma_start3A_713 = arith.constant 0 : i32
    %dma_start3A_714 = arith.constant 0 : i32
    %dma_start3A_715 = arith.constant 0 : i32
    %dma_start3A_716 = arith.constant 0 : i32
    %dma_start3A_717 = tpu.memref_slice %arg6[%dma_start3A_710, %dma_start3A_713, %dma_start3A_714, %dma_start3A_715, %dma_start3A_716] : memref<8x2x1x50x32xf32, #tpu.memory_space<vmem>> -> memref<1x2x1x50x32xf32, #tpu.memory_space<vmem>>
    %dma_start3A_718 = tpu.memref_squeeze %dma_start3A_717 : memref<1x2x1x50x32xf32, #tpu.memory_space<vmem>> -> memref<2x1x50x32xf32, #tpu.memory_space<vmem>>
    %dma_start3A_719 = arith.constant 0 : i32
    %dma_start3A_720 = arith.constant 0 : i32
    %dma_start3A_721 = arith.constant 0 : i32
    %dma_start3A_722 = tpu.memref_slice %dma_start3A_718[%dma_start3A_711, %dma_start3A_719, %dma_start3A_720, %dma_start3A_721] : memref<2x1x50x32xf32, #tpu.memory_space<vmem>> -> memref<1x1x50x32xf32, #tpu.memory_space<vmem>>
    %dma_start3A_723 = tpu.memref_squeeze %dma_start3A_722 : memref<1x1x50x32xf32, #tpu.memory_space<vmem>> -> memref<1x50x32xf32, #tpu.memory_space<vmem>>
    %dma_start3A_724 = arith.constant 0 : i32
    %dma_start3A_725 = arith.constant 0 : i32
    %dma_start3A_726 = tpu.memref_slice %arg4[%add3A_709, %dma_start3A_724, %dma_start3A_725] : memref<16384x50x32xf32, #tpu.memory_space<hbm>> -> memref<1x50x32xf32, #tpu.memory_space<hbm>>
    %dma_start3A_727 = tpu.memref_slice %arg8[%dma_start3A_712] : memref<8x!tpu.dma_semaphore, #tpu.memory_space<semaphore_mem>> -> memref<1x!tpu.dma_semaphore, #tpu.memory_space<semaphore_mem>>
    %dma_start3A_728 = tpu.memref_squeeze %dma_start3A_727 : memref<1x!tpu.dma_semaphore, #tpu.memory_space<semaphore_mem>> -> memref<!tpu.dma_semaphore, #tpu.memory_space<semaphore_mem>>
    %dma_start3A_729 = arith.constant 0 : i32
    %dma_start3A_730 = arith.constant 0 : i32
    %dma_start3A_731 = tpu.memref_slice %arg4[%add3A_709, %dma_start3A_729, %dma_start3A_730] : memref<16384x50x32xf32, #tpu.memory_space<hbm>> -> memref<1x50x32xf32, #tpu.memory_space<hbm>>
    %dma_start3A_732 = arith.constant 0 : i32
    %dma_start3A_733 = arith.constant 0 : i32
    %dma_start3A_734 = arith.constant 0 : i32
    %dma_start3A_735 = arith.constant 0 : i32
    %dma_start3A_736 = tpu.memref_slice %arg6[%dma_start3A_710, %dma_start3A_732, %dma_start3A_733, %dma_start3A_734, %dma_start3A_735] : memref<8x2x1x50x32xf32, #tpu.memory_space<vmem>> -> memref<1x2x1x50x32xf32, #tpu.memory_space<vmem>>
    %dma_start3A_737 = tpu.memref_squeeze %dma_start3A_736 : memref<1x2x1x50x32xf32, #tpu.memory_space<vmem>> -> memref<2x1x50x32xf32, #tpu.memory_space<vmem>>
    %dma_start3A_738 = arith.constant 0 : i32
    %dma_start3A_739 = arith.constant 0 : i32
    %dma_start3A_740 = arith.constant 0 : i32
    %dma_start3A_741 = tpu.memref_slice %dma_start3A_737[%dma_start3A_711, %dma_start3A_738, %dma_start3A_739, %dma_start3A_740] : memref<2x1x50x32xf32, #tpu.memory_space<vmem>> -> memref<1x1x50x32xf32, #tpu.memory_space<vmem>>
    %dma_start3A_742 = tpu.memref_squeeze %dma_start3A_741 : memref<1x1x50x32xf32, #tpu.memory_space<vmem>> -> memref<1x50x32xf32, #tpu.memory_space<vmem>>
    tpu.enqueue_dma source(%dma_start3A_742 : memref<1x50x32xf32, #tpu.memory_space<vmem>>) target(%dma_start3A_731 : memref<1x50x32xf32, #tpu.memory_space<hbm>>) target_semaphore(%dma_start3A_728 : memref<!tpu.dma_semaphore, #tpu.memory_space<semaphore_mem>>)
    %dma_start3A_743 = arith.constant 13 : i32
    %dma_start3A_744 = arith.constant 5 : i32
    %dma_start3A_745 = arith.constant 1 : i32
    %dma_start3A_746 = arith.constant 0 : i32
    %dma_start3A_747 = arith.constant 5 : i32
    %dma_start3A_748 = arith.constant 0 : i32
    %dma_start3A_749 = arith.constant 0 : i32
    %dma_start3A_750 = arith.constant 0 : i32
    %dma_start3A_751 = arith.constant 0 : i32
    %dma_start3A_752 = tpu.memref_slice %arg6[%dma_start3A_744, %dma_start3A_748, %dma_start3A_749, %dma_start3A_750, %dma_start3A_751] : memref<8x2x1x50x32xf32, #tpu.memory_space<vmem>> -> memref<1x2x1x50x32xf32, #tpu.memory_space<vmem>>
    %dma_start3A_753 = tpu.memref_squeeze %dma_start3A_752 : memref<1x2x1x50x32xf32, #tpu.memory_space<vmem>> -> memref<2x1x50x32xf32, #tpu.memory_space<vmem>>
    %dma_start3A_754 = arith.constant 0 : i32
    %dma_start3A_755 = arith.constant 0 : i32
    %dma_start3A_756 = arith.constant 0 : i32
    %dma_start3A_757 = tpu.memref_slice %dma_start3A_753[%dma_start3A_745, %dma_start3A_754, %dma_start3A_755, %dma_start3A_756] : memref<2x1x50x32xf32, #tpu.memory_space<vmem>> -> memref<1x1x50x32xf32, #tpu.memory_space<vmem>>
    %dma_start3A_758 = tpu.memref_squeeze %dma_start3A_757 : memref<1x1x50x32xf32, #tpu.memory_space<vmem>> -> memref<1x50x32xf32, #tpu.memory_space<vmem>>
    %dma_start3A_759 = arith.constant 0 : i32
    %dma_start3A_760 = arith.constant 0 : i32
    %dma_start3A_761 = tpu.memref_slice %dma_start3A_758[%dma_start3A_746, %dma_start3A_759, %dma_start3A_760] : memref<1x50x32xf32, #tpu.memory_space<vmem>> -> memref<1x50x32xf32, #tpu.memory_space<vmem>>
    %dma_start3A_762 = tpu.memref_squeeze %dma_start3A_761 : memref<1x50x32xf32, #tpu.memory_space<vmem>> -> memref<50x32xf32, #tpu.memory_space<vmem>>
    %dma_start3A_763 = arith.constant 0 : i32
    %dma_start3A_764 = tpu.memref_slice %arg5[%dma_start3A_743, %dma_start3A_763] : memref<512x50xi32, #tpu.memory_space<vmem>> -> memref<1x50xi32, #tpu.memory_space<vmem>>
    %dma_start3A_765 = tpu.memref_squeeze %dma_start3A_764 : memref<1x50xi32, #tpu.memory_space<vmem>> -> memref<50xi32, #tpu.memory_space<vmem>>
    %dma_start3A_766 = arith.constant 0 : i32
    %dma_start3A_767 = arith.constant 0 : i32
    %dma_start3A_768 = tpu.memref_slice %arg3[%dma_start3A_766, %dma_start3A_767] : memref<1000000x32xf32, #tpu.memory_space<hbm>> -> memref<1000000x32xf32, #tpu.memory_space<hbm>>
    %dma_start3A_769 = tpu.memref_slice %arg7[%dma_start3A_747] : memref<8x!tpu.dma_semaphore, #tpu.memory_space<semaphore_mem>> -> memref<1x!tpu.dma_semaphore, #tpu.memory_space<semaphore_mem>>
    %dma_start3A_770 = tpu.memref_squeeze %dma_start3A_769 : memref<1x!tpu.dma_semaphore, #tpu.memory_space<semaphore_mem>> -> memref<!tpu.dma_semaphore, #tpu.memory_space<semaphore_mem>>
    tpu.enqueue_indirect_dma source(%dma_start3A_768 : memref<1000000x32xf32, #tpu.memory_space<hbm>>) target(%dma_start3A_762 : memref<50x32xf32, #tpu.memory_space<vmem>>) offsets(%dma_start3A_765 : memref<50xi32, #tpu.memory_space<vmem>>) semaphore(%dma_start3A_770 : memref<!tpu.dma_semaphore, #tpu.memory_space<semaphore_mem>>)
    %dma_wait3A_771 = arith.constant 6 : i32
    %dma_wait3A_772 = arith.constant 6 : i32
    %dma_wait3A_773 = arith.constant 0 : i32
    %dma_wait3A_774 = arith.constant 0 : i32
    %dma_wait3A_775 = arith.constant 6 : i32
    %dma_wait3A_776 = arith.constant 0 : i32
    %dma_wait3A_777 = arith.constant 0 : i32
    %dma_wait3A_778 = arith.constant 0 : i32
    %dma_wait3A_779 = arith.constant 0 : i32
    %dma_wait3A_780 = tpu.memref_slice %arg6[%dma_wait3A_772, %dma_wait3A_776, %dma_wait3A_777, %dma_wait3A_778, %dma_wait3A_779] : memref<8x2x1x50x32xf32, #tpu.memory_space<vmem>> -> memref<1x2x1x50x32xf32, #tpu.memory_space<vmem>>
    %dma_wait3A_781 = tpu.memref_squeeze %dma_wait3A_780 : memref<1x2x1x50x32xf32, #tpu.memory_space<vmem>> -> memref<2x1x50x32xf32, #tpu.memory_space<vmem>>
    %dma_wait3A_782 = arith.constant 0 : i32
    %dma_wait3A_783 = arith.constant 0 : i32
    %dma_wait3A_784 = arith.constant 0 : i32
    %dma_wait3A_785 = tpu.memref_slice %dma_wait3A_781[%dma_wait3A_773, %dma_wait3A_782, %dma_wait3A_783, %dma_wait3A_784] : memref<2x1x50x32xf32, #tpu.memory_space<vmem>> -> memref<1x1x50x32xf32, #tpu.memory_space<vmem>>
    %dma_wait3A_786 = tpu.memref_squeeze %dma_wait3A_785 : memref<1x1x50x32xf32, #tpu.memory_space<vmem>> -> memref<1x50x32xf32, #tpu.memory_space<vmem>>
    %dma_wait3A_787 = arith.constant 0 : i32
    %dma_wait3A_788 = arith.constant 0 : i32
    %dma_wait3A_789 = tpu.memref_slice %dma_wait3A_786[%dma_wait3A_774, %dma_wait3A_787, %dma_wait3A_788] : memref<1x50x32xf32, #tpu.memory_space<vmem>> -> memref<1x50x32xf32, #tpu.memory_space<vmem>>
    %dma_wait3A_790 = tpu.memref_squeeze %dma_wait3A_789 : memref<1x50x32xf32, #tpu.memory_space<vmem>> -> memref<50x32xf32, #tpu.memory_space<vmem>>
    %dma_wait3A_791 = arith.constant 0 : i32
    %dma_wait3A_792 = tpu.memref_slice %arg5[%dma_wait3A_771, %dma_wait3A_791] : memref<512x50xi32, #tpu.memory_space<vmem>> -> memref<1x50xi32, #tpu.memory_space<vmem>>
    %dma_wait3A_793 = tpu.memref_squeeze %dma_wait3A_792 : memref<1x50xi32, #tpu.memory_space<vmem>> -> memref<50xi32, #tpu.memory_space<vmem>>
    %dma_wait3A_794 = arith.constant 0 : i32
    %dma_wait3A_795 = arith.constant 0 : i32
    %dma_wait3A_796 = tpu.memref_slice %arg3[%dma_wait3A_794, %dma_wait3A_795] : memref<1000000x32xf32, #tpu.memory_space<hbm>> -> memref<1000000x32xf32, #tpu.memory_space<hbm>>
    %dma_wait3A_797 = tpu.memref_slice %arg7[%dma_wait3A_775] : memref<8x!tpu.dma_semaphore, #tpu.memory_space<semaphore_mem>> -> memref<1x!tpu.dma_semaphore, #tpu.memory_space<semaphore_mem>>
    %dma_wait3A_798 = tpu.memref_squeeze %dma_wait3A_797 : memref<1x!tpu.dma_semaphore, #tpu.memory_space<semaphore_mem>> -> memref<!tpu.dma_semaphore, #tpu.memory_space<semaphore_mem>>
    tpu.wait_indirect_dma semaphore(%dma_wait3A_798 : memref<!tpu.dma_semaphore, #tpu.memory_space<semaphore_mem>>) src(%dma_wait3A_796 : memref<1000000x32xf32, #tpu.memory_space<hbm>>) dst(%dma_wait3A_790 : memref<50x32xf32, #tpu.memory_space<vmem>>)
    %add3A_799 = arith.constant 6 : i32
    %add3A_800 = arith.addi %mul3A_2, %add3A_799 : i32
    %dma_start3A_801 = arith.constant 6 : i32
    %dma_start3A_802 = arith.constant 0 : i32
    %dma_start3A_803 = arith.constant 6 : i32
    %dma_start3A_804 = arith.constant 0 : i32
    %dma_start3A_805 = arith.constant 0 : i32
    %dma_start3A_806 = arith.constant 0 : i32
    %dma_start3A_807 = arith.constant 0 : i32
    %dma_start3A_808 = tpu.memref_slice %arg6[%dma_start3A_801, %dma_start3A_804, %dma_start3A_805, %dma_start3A_806, %dma_start3A_807] : memref<8x2x1x50x32xf32, #tpu.memory_space<vmem>> -> memref<1x2x1x50x32xf32, #tpu.memory_space<vmem>>
    %dma_start3A_809 = tpu.memref_squeeze %dma_start3A_808 : memref<1x2x1x50x32xf32, #tpu.memory_space<vmem>> -> memref<2x1x50x32xf32, #tpu.memory_space<vmem>>
    %dma_start3A_810 = arith.constant 0 : i32
    %dma_start3A_811 = arith.constant 0 : i32
    %dma_start3A_812 = arith.constant 0 : i32
    %dma_start3A_813 = tpu.memref_slice %dma_start3A_809[%dma_start3A_802, %dma_start3A_810, %dma_start3A_811, %dma_start3A_812] : memref<2x1x50x32xf32, #tpu.memory_space<vmem>> -> memref<1x1x50x32xf32, #tpu.memory_space<vmem>>
    %dma_start3A_814 = tpu.memref_squeeze %dma_start3A_813 : memref<1x1x50x32xf32, #tpu.memory_space<vmem>> -> memref<1x50x32xf32, #tpu.memory_space<vmem>>
    %dma_start3A_815 = arith.constant 0 : i32
    %dma_start3A_816 = arith.constant 0 : i32
    %dma_start3A_817 = tpu.memref_slice %arg4[%add3A_800, %dma_start3A_815, %dma_start3A_816] : memref<16384x50x32xf32, #tpu.memory_space<hbm>> -> memref<1x50x32xf32, #tpu.memory_space<hbm>>
    %dma_start3A_818 = tpu.memref_slice %arg8[%dma_start3A_803] : memref<8x!tpu.dma_semaphore, #tpu.memory_space<semaphore_mem>> -> memref<1x!tpu.dma_semaphore, #tpu.memory_space<semaphore_mem>>
    %dma_start3A_819 = tpu.memref_squeeze %dma_start3A_818 : memref<1x!tpu.dma_semaphore, #tpu.memory_space<semaphore_mem>> -> memref<!tpu.dma_semaphore, #tpu.memory_space<semaphore_mem>>
    %dma_start3A_820 = arith.constant 0 : i32
    %dma_start3A_821 = arith.constant 0 : i32
    %dma_start3A_822 = tpu.memref_slice %arg4[%add3A_800, %dma_start3A_820, %dma_start3A_821] : memref<16384x50x32xf32, #tpu.memory_space<hbm>> -> memref<1x50x32xf32, #tpu.memory_space<hbm>>
    %dma_start3A_823 = arith.constant 0 : i32
    %dma_start3A_824 = arith.constant 0 : i32
    %dma_start3A_825 = arith.constant 0 : i32
    %dma_start3A_826 = arith.constant 0 : i32
    %dma_start3A_827 = tpu.memref_slice %arg6[%dma_start3A_801, %dma_start3A_823, %dma_start3A_824, %dma_start3A_825, %dma_start3A_826] : memref<8x2x1x50x32xf32, #tpu.memory_space<vmem>> -> memref<1x2x1x50x32xf32, #tpu.memory_space<vmem>>
    %dma_start3A_828 = tpu.memref_squeeze %dma_start3A_827 : memref<1x2x1x50x32xf32, #tpu.memory_space<vmem>> -> memref<2x1x50x32xf32, #tpu.memory_space<vmem>>
    %dma_start3A_829 = arith.constant 0 : i32
    %dma_start3A_830 = arith.constant 0 : i32
    %dma_start3A_831 = arith.constant 0 : i32
    %dma_start3A_832 = tpu.memref_slice %dma_start3A_828[%dma_start3A_802, %dma_start3A_829, %dma_start3A_830, %dma_start3A_831] : memref<2x1x50x32xf32, #tpu.memory_space<vmem>> -> memref<1x1x50x32xf32, #tpu.memory_space<vmem>>
    %dma_start3A_833 = tpu.memref_squeeze %dma_start3A_832 : memref<1x1x50x32xf32, #tpu.memory_space<vmem>> -> memref<1x50x32xf32, #tpu.memory_space<vmem>>
    tpu.enqueue_dma source(%dma_start3A_833 : memref<1x50x32xf32, #tpu.memory_space<vmem>>) target(%dma_start3A_822 : memref<1x50x32xf32, #tpu.memory_space<hbm>>) target_semaphore(%dma_start3A_819 : memref<!tpu.dma_semaphore, #tpu.memory_space<semaphore_mem>>)
    %dma_start3A_834 = arith.constant 14 : i32
    %dma_start3A_835 = arith.constant 6 : i32
    %dma_start3A_836 = arith.constant 1 : i32
    %dma_start3A_837 = arith.constant 0 : i32
    %dma_start3A_838 = arith.constant 6 : i32
    %dma_start3A_839 = arith.constant 0 : i32
    %dma_start3A_840 = arith.constant 0 : i32
    %dma_start3A_841 = arith.constant 0 : i32
    %dma_start3A_842 = arith.constant 0 : i32
    %dma_start3A_843 = tpu.memref_slice %arg6[%dma_start3A_835, %dma_start3A_839, %dma_start3A_840, %dma_start3A_841, %dma_start3A_842] : memref<8x2x1x50x32xf32, #tpu.memory_space<vmem>> -> memref<1x2x1x50x32xf32, #tpu.memory_space<vmem>>
    %dma_start3A_844 = tpu.memref_squeeze %dma_start3A_843 : memref<1x2x1x50x32xf32, #tpu.memory_space<vmem>> -> memref<2x1x50x32xf32, #tpu.memory_space<vmem>>
    %dma_start3A_845 = arith.constant 0 : i32
    %dma_start3A_846 = arith.constant 0 : i32
    %dma_start3A_847 = arith.constant 0 : i32
    %dma_start3A_848 = tpu.memref_slice %dma_start3A_844[%dma_start3A_836, %dma_start3A_845, %dma_start3A_846, %dma_start3A_847] : memref<2x1x50x32xf32, #tpu.memory_space<vmem>> -> memref<1x1x50x32xf32, #tpu.memory_space<vmem>>
    %dma_start3A_849 = tpu.memref_squeeze %dma_start3A_848 : memref<1x1x50x32xf32, #tpu.memory_space<vmem>> -> memref<1x50x32xf32, #tpu.memory_space<vmem>>
    %dma_start3A_850 = arith.constant 0 : i32
    %dma_start3A_851 = arith.constant 0 : i32
    %dma_start3A_852 = tpu.memref_slice %dma_start3A_849[%dma_start3A_837, %dma_start3A_850, %dma_start3A_851] : memref<1x50x32xf32, #tpu.memory_space<vmem>> -> memref<1x50x32xf32, #tpu.memory_space<vmem>>
    %dma_start3A_853 = tpu.memref_squeeze %dma_start3A_852 : memref<1x50x32xf32, #tpu.memory_space<vmem>> -> memref<50x32xf32, #tpu.memory_space<vmem>>
    %dma_start3A_854 = arith.constant 0 : i32
    %dma_start3A_855 = tpu.memref_slice %arg5[%dma_start3A_834, %dma_start3A_854] : memref<512x50xi32, #tpu.memory_space<vmem>> -> memref<1x50xi32, #tpu.memory_space<vmem>>
    %dma_start3A_856 = tpu.memref_squeeze %dma_start3A_855 : memref<1x50xi32, #tpu.memory_space<vmem>> -> memref<50xi32, #tpu.memory_space<vmem>>
    %dma_start3A_857 = arith.constant 0 : i32
    %dma_start3A_858 = arith.constant 0 : i32
    %dma_start3A_859 = tpu.memref_slice %arg3[%dma_start3A_857, %dma_start3A_858] : memref<1000000x32xf32, #tpu.memory_space<hbm>> -> memref<1000000x32xf32, #tpu.memory_space<hbm>>
    %dma_start3A_860 = tpu.memref_slice %arg7[%dma_start3A_838] : memref<8x!tpu.dma_semaphore, #tpu.memory_space<semaphore_mem>> -> memref<1x!tpu.dma_semaphore, #tpu.memory_space<semaphore_mem>>
    %dma_start3A_861 = tpu.memref_squeeze %dma_start3A_860 : memref<1x!tpu.dma_semaphore, #tpu.memory_space<semaphore_mem>> -> memref<!tpu.dma_semaphore, #tpu.memory_space<semaphore_mem>>
    tpu.enqueue_indirect_dma source(%dma_start3A_859 : memref<1000000x32xf32, #tpu.memory_space<hbm>>) target(%dma_start3A_853 : memref<50x32xf32, #tpu.memory_space<vmem>>) offsets(%dma_start3A_856 : memref<50xi32, #tpu.memory_space<vmem>>) semaphore(%dma_start3A_861 : memref<!tpu.dma_semaphore, #tpu.memory_space<semaphore_mem>>)
    %dma_wait3A_862 = arith.constant 7 : i32
    %dma_wait3A_863 = arith.constant 7 : i32
    %dma_wait3A_864 = arith.constant 0 : i32
    %dma_wait3A_865 = arith.constant 0 : i32
    %dma_wait3A_866 = arith.constant 7 : i32
    %dma_wait3A_867 = arith.constant 0 : i32
    %dma_wait3A_868 = arith.constant 0 : i32
    %dma_wait3A_869 = arith.constant 0 : i32
    %dma_wait3A_870 = arith.constant 0 : i32
    %dma_wait3A_871 = tpu.memref_slice %arg6[%dma_wait3A_863, %dma_wait3A_867, %dma_wait3A_868, %dma_wait3A_869, %dma_wait3A_870] : memref<8x2x1x50x32xf32, #tpu.memory_space<vmem>> -> memref<1x2x1x50x32xf32, #tpu.memory_space<vmem>>
    %dma_wait3A_872 = tpu.memref_squeeze %dma_wait3A_871 : memref<1x2x1x50x32xf32, #tpu.memory_space<vmem>> -> memref<2x1x50x32xf32, #tpu.memory_space<vmem>>
    %dma_wait3A_873 = arith.constant 0 : i32
    %dma_wait3A_874 = arith.constant 0 : i32
    %dma_wait3A_875 = arith.constant 0 : i32
    %dma_wait3A_876 = tpu.memref_slice %dma_wait3A_872[%dma_wait3A_864, %dma_wait3A_873, %dma_wait3A_874, %dma_wait3A_875] : memref<2x1x50x32xf32, #tpu.memory_space<vmem>> -> memref<1x1x50x32xf32, #tpu.memory_space<vmem>>
    %dma_wait3A_877 = tpu.memref_squeeze %dma_wait3A_876 : memref<1x1x50x32xf32, #tpu.memory_space<vmem>> -> memref<1x50x32xf32, #tpu.memory_space<vmem>>
    %dma_wait3A_878 = arith.constant 0 : i32
    %dma_wait3A_879 = arith.constant 0 : i32
    %dma_wait3A_880 = tpu.memref_slice %dma_wait3A_877[%dma_wait3A_865, %dma_wait3A_878, %dma_wait3A_879] : memref<1x50x32xf32, #tpu.memory_space<vmem>> -> memref<1x50x32xf32, #tpu.memory_space<vmem>>
    %dma_wait3A_881 = tpu.memref_squeeze %dma_wait3A_880 : memref<1x50x32xf32, #tpu.memory_space<vmem>> -> memref<50x32xf32, #tpu.memory_space<vmem>>
    %dma_wait3A_882 = arith.constant 0 : i32
    %dma_wait3A_883 = tpu.memref_slice %arg5[%dma_wait3A_862, %dma_wait3A_882] : memref<512x50xi32, #tpu.memory_space<vmem>> -> memref<1x50xi32, #tpu.memory_space<vmem>>
    %dma_wait3A_884 = tpu.memref_squeeze %dma_wait3A_883 : memref<1x50xi32, #tpu.memory_space<vmem>> -> memref<50xi32, #tpu.memory_space<vmem>>
    %dma_wait3A_885 = arith.constant 0 : i32
    %dma_wait3A_886 = arith.constant 0 : i32
    %dma_wait3A_887 = tpu.memref_slice %arg3[%dma_wait3A_885, %dma_wait3A_886] : memref<1000000x32xf32, #tpu.memory_space<hbm>> -> memref<1000000x32xf32, #tpu.memory_space<hbm>>
    %dma_wait3A_888 = tpu.memref_slice %arg7[%dma_wait3A_866] : memref<8x!tpu.dma_semaphore, #tpu.memory_space<semaphore_mem>> -> memref<1x!tpu.dma_semaphore, #tpu.memory_space<semaphore_mem>>
    %dma_wait3A_889 = tpu.memref_squeeze %dma_wait3A_888 : memref<1x!tpu.dma_semaphore, #tpu.memory_space<semaphore_mem>> -> memref<!tpu.dma_semaphore, #tpu.memory_space<semaphore_mem>>
    tpu.wait_indirect_dma semaphore(%dma_wait3A_889 : memref<!tpu.dma_semaphore, #tpu.memory_space<semaphore_mem>>) src(%dma_wait3A_887 : memref<1000000x32xf32, #tpu.memory_space<hbm>>) dst(%dma_wait3A_881 : memref<50x32xf32, #tpu.memory_space<vmem>>)
    %add3A_890 = arith.constant 7 : i32
    %add3A_891 = arith.addi %mul3A_2, %add3A_890 : i32
    %dma_start3A_892 = arith.constant 7 : i32
    %dma_start3A_893 = arith.constant 0 : i32
    %dma_start3A_894 = arith.constant 7 : i32
    %dma_start3A_895 = arith.constant 0 : i32
    %dma_start3A_896 = arith.constant 0 : i32
    %dma_start3A_897 = arith.constant 0 : i32
    %dma_start3A_898 = arith.constant 0 : i32
    %dma_start3A_899 = tpu.memref_slice %arg6[%dma_start3A_892, %dma_start3A_895, %dma_start3A_896, %dma_start3A_897, %dma_start3A_898] : memref<8x2x1x50x32xf32, #tpu.memory_space<vmem>> -> memref<1x2x1x50x32xf32, #tpu.memory_space<vmem>>
    %dma_start3A_900 = tpu.memref_squeeze %dma_start3A_899 : memref<1x2x1x50x32xf32, #tpu.memory_space<vmem>> -> memref<2x1x50x32xf32, #tpu.memory_space<vmem>>
    %dma_start3A_901 = arith.constant 0 : i32
    %dma_start3A_902 = arith.constant 0 : i32
    %dma_start3A_903 = arith.constant 0 : i32
    %dma_start3A_904 = tpu.memref_slice %dma_start3A_900[%dma_start3A_893, %dma_start3A_901, %dma_start3A_902, %dma_start3A_903] : memref<2x1x50x32xf32, #tpu.memory_space<vmem>> -> memref<1x1x50x32xf32, #tpu.memory_space<vmem>>
    %dma_start3A_905 = tpu.memref_squeeze %dma_start3A_904 : memref<1x1x50x32xf32, #tpu.memory_space<vmem>> -> memref<1x50x32xf32, #tpu.memory_space<vmem>>
    %dma_start3A_906 = arith.constant 0 : i32
    %dma_start3A_907 = arith.constant 0 : i32
    %dma_start3A_908 = tpu.memref_slice %arg4[%add3A_891, %dma_start3A_906, %dma_start3A_907] : memref<16384x50x32xf32, #tpu.memory_space<hbm>> -> memref<1x50x32xf32, #tpu.memory_space<hbm>>
    %dma_start3A_909 = tpu.memref_slice %arg8[%dma_start3A_894] : memref<8x!tpu.dma_semaphore, #tpu.memory_space<semaphore_mem>> -> memref<1x!tpu.dma_semaphore, #tpu.memory_space<semaphore_mem>>
    %dma_start3A_910 = tpu.memref_squeeze %dma_start3A_909 : memref<1x!tpu.dma_semaphore, #tpu.memory_space<semaphore_mem>> -> memref<!tpu.dma_semaphore, #tpu.memory_space<semaphore_mem>>
    %dma_start3A_911 = arith.constant 0 : i32
    %dma_start3A_912 = arith.constant 0 : i32
    %dma_start3A_913 = tpu.memref_slice %arg4[%add3A_891, %dma_start3A_911, %dma_start3A_912] : memref<16384x50x32xf32, #tpu.memory_space<hbm>> -> memref<1x50x32xf32, #tpu.memory_space<hbm>>
    %dma_start3A_914 = arith.constant 0 : i32
    %dma_start3A_915 = arith.constant 0 : i32
    %dma_start3A_916 = arith.constant 0 : i32
    %dma_start3A_917 = arith.constant 0 : i32
    %dma_start3A_918 = tpu.memref_slice %arg6[%dma_start3A_892, %dma_start3A_914, %dma_start3A_915, %dma_start3A_916, %dma_start3A_917] : memref<8x2x1x50x32xf32, #tpu.memory_space<vmem>> -> memref<1x2x1x50x32xf32, #tpu.memory_space<vmem>>
    %dma_start3A_919 = tpu.memref_squeeze %dma_start3A_918 : memref<1x2x1x50x32xf32, #tpu.memory_space<vmem>> -> memref<2x1x50x32xf32, #tpu.memory_space<vmem>>
    %dma_start3A_920 = arith.constant 0 : i32
    %dma_start3A_921 = arith.constant 0 : i32
    %dma_start3A_922 = arith.constant 0 : i32
    %dma_start3A_923 = tpu.memref_slice %dma_start3A_919[%dma_start3A_893, %dma_start3A_920, %dma_start3A_921, %dma_start3A_922] : memref<2x1x50x32xf32, #tpu.memory_space<vmem>> -> memref<1x1x50x32xf32, #tpu.memory_space<vmem>>
    %dma_start3A_924 = tpu.memref_squeeze %dma_start3A_923 : memref<1x1x50x32xf32, #tpu.memory_space<vmem>> -> memref<1x50x32xf32, #tpu.memory_space<vmem>>
    tpu.enqueue_dma source(%dma_start3A_924 : memref<1x50x32xf32, #tpu.memory_space<vmem>>) target(%dma_start3A_913 : memref<1x50x32xf32, #tpu.memory_space<hbm>>) target_semaphore(%dma_start3A_910 : memref<!tpu.dma_semaphore, #tpu.memory_space<semaphore_mem>>)
    %dma_start3A_925 = arith.constant 15 : i32
    %dma_start3A_926 = arith.constant 7 : i32
    %dma_start3A_927 = arith.constant 1 : i32
    %dma_start3A_928 = arith.constant 0 : i32
    %dma_start3A_929 = arith.constant 7 : i32
    %dma_start3A_930 = arith.constant 0 : i32
    %dma_start3A_931 = arith.constant 0 : i32
    %dma_start3A_932 = arith.constant 0 : i32
    %dma_start3A_933 = arith.constant 0 : i32
    %dma_start3A_934 = tpu.memref_slice %arg6[%dma_start3A_926, %dma_start3A_930, %dma_start3A_931, %dma_start3A_932, %dma_start3A_933] : memref<8x2x1x50x32xf32, #tpu.memory_space<vmem>> -> memref<1x2x1x50x32xf32, #tpu.memory_space<vmem>>
    %dma_start3A_935 = tpu.memref_squeeze %dma_start3A_934 : memref<1x2x1x50x32xf32, #tpu.memory_space<vmem>> -> memref<2x1x50x32xf32, #tpu.memory_space<vmem>>
    %dma_start3A_936 = arith.constant 0 : i32
    %dma_start3A_937 = arith.constant 0 : i32
    %dma_start3A_938 = arith.constant 0 : i32
    %dma_start3A_939 = tpu.memref_slice %dma_start3A_935[%dma_start3A_927, %dma_start3A_936, %dma_start3A_937, %dma_start3A_938] : memref<2x1x50x32xf32, #tpu.memory_space<vmem>> -> memref<1x1x50x32xf32, #tpu.memory_space<vmem>>
    %dma_start3A_940 = tpu.memref_squeeze %dma_start3A_939 : memref<1x1x50x32xf32, #tpu.memory_space<vmem>> -> memref<1x50x32xf32, #tpu.memory_space<vmem>>
    %dma_start3A_941 = arith.constant 0 : i32
    %dma_start3A_942 = arith.constant 0 : i32
    %dma_start3A_943 = tpu.memref_slice %dma_start3A_940[%dma_start3A_928, %dma_start3A_941, %dma_start3A_942] : memref<1x50x32xf32, #tpu.memory_space<vmem>> -> memref<1x50x32xf32, #tpu.memory_space<vmem>>
    %dma_start3A_944 = tpu.memref_squeeze %dma_start3A_943 : memref<1x50x32xf32, #tpu.memory_space<vmem>> -> memref<50x32xf32, #tpu.memory_space<vmem>>
    %dma_start3A_945 = arith.constant 0 : i32
    %dma_start3A_946 = tpu.memref_slice %arg5[%dma_start3A_925, %dma_start3A_945] : memref<512x50xi32, #tpu.memory_space<vmem>> -> memref<1x50xi32, #tpu.memory_space<vmem>>
    %dma_start3A_947 = tpu.memref_squeeze %dma_start3A_946 : memref<1x50xi32, #tpu.memory_space<vmem>> -> memref<50xi32, #tpu.memory_space<vmem>>
    %dma_start3A_948 = arith.constant 0 : i32
    %dma_start3A_949 = arith.constant 0 : i32
    %dma_start3A_950 = tpu.memref_slice %arg3[%dma_start3A_948, %dma_start3A_949] : memref<1000000x32xf32, #tpu.memory_space<hbm>> -> memref<1000000x32xf32, #tpu.memory_space<hbm>>
    %dma_start3A_951 = tpu.memref_slice %arg7[%dma_start3A_929] : memref<8x!tpu.dma_semaphore, #tpu.memory_space<semaphore_mem>> -> memref<1x!tpu.dma_semaphore, #tpu.memory_space<semaphore_mem>>
    %dma_start3A_952 = tpu.memref_squeeze %dma_start3A_951 : memref<1x!tpu.dma_semaphore, #tpu.memory_space<semaphore_mem>> -> memref<!tpu.dma_semaphore, #tpu.memory_space<semaphore_mem>>
    tpu.enqueue_indirect_dma source(%dma_start3A_950 : memref<1000000x32xf32, #tpu.memory_space<hbm>>) target(%dma_start3A_944 : memref<50x32xf32, #tpu.memory_space<vmem>>) offsets(%dma_start3A_947 : memref<50xi32, #tpu.memory_space<vmem>>) semaphore(%dma_start3A_952 : memref<!tpu.dma_semaphore, #tpu.memory_space<semaphore_mem>>)
    %scan3A = arith.constant 0 : i32
    %scan3A_953 = arith.constant 1 : i32
    %scan3A_954 = arith.constant 62 : i32
    %scan3A_955 = arith.addi %scan3A_953, %scan3A_954 : i32
    %scan3A_956 = arith.constant 1 : i32
    scf.for %scan3A_2134 = %scan3A_953 to %scan3A_955 step %scan3A_956  : i32 {
      %jit3A = arith.constant 2 : i32
      %eq3A = arith.constant 0 : i32
      %eq3A_2135 = arith.cmpi eq, %jit3A, %eq3A : i32
      %jit3A_2136 = arith.constant 1 : i32
      %select_n3A = arith.select %eq3A_2135, %jit3A_2136, %jit3A : i32
      %rem3A = arith.remsi %scan3A_2134, %select_n3A : i32
      %ne3A = arith.constant 0 : i32
      %ne3A_2137 = arith.cmpi ne, %rem3A, %ne3A : i32
      %lt3A = arith.constant 0 : i32
      %lt3A_2138 = arith.cmpi slt, %rem3A, %lt3A : i32
      %lt3A_2139 = arith.constant 0 : i32
      %lt3A_2140 = arith.cmpi slt, %select_n3A, %lt3A_2139 : i32
      %ne3A_2141 = arith.xori %lt3A_2138, %lt3A_2140 : i1
      %and3A = arith.andi %ne3A_2141, %ne3A_2137 : i1
      %add3A_2142 = arith.addi %rem3A, %select_n3A : i32
      %select_n3A_2143 = arith.select %and3A, %add3A_2142, %rem3A : i32
      %sub3A = arith.constant 1 : i32
      %sub3A_2144 = arith.subi %sub3A, %select_n3A_2143 : i32
      %mul3A_2145 = arith.constant 8 : i32
      %mul3A_2146 = arith.muli %scan3A_2134, %mul3A_2145 : i32
      %add3A_2147 = arith.constant 0 : i32
      %add3A_2148 = arith.addi %mul3A_2146, %add3A_2147 : i32
      %dma_wait3A_2149 = arith.constant 0 : i32
      %dma_wait3A_2150 = arith.constant 0 : i32
      %dma_wait3A_2151 = arith.constant 0 : i32
      %dma_wait3A_2152 = arith.constant 0 : i32
      %dma_wait3A_2153 = arith.constant 0 : i32
      %dma_wait3A_2154 = arith.constant 0 : i32
      %dma_wait3A_2155 = arith.constant 0 : i32
      %dma_wait3A_2156 = tpu.memref_slice %arg6[%dma_wait3A_2149, %dma_wait3A_2152, %dma_wait3A_2153, %dma_wait3A_2154, %dma_wait3A_2155] : memref<8x2x1x50x32xf32, #tpu.memory_space<vmem>> -> memref<1x2x1x50x32xf32, #tpu.memory_space<vmem>>
      %dma_wait3A_2157 = tpu.memref_squeeze %dma_wait3A_2156 : memref<1x2x1x50x32xf32, #tpu.memory_space<vmem>> -> memref<2x1x50x32xf32, #tpu.memory_space<vmem>>
      %dma_wait3A_2158 = arith.constant 0 : i32
      %dma_wait3A_2159 = arith.constant 0 : i32
      %dma_wait3A_2160 = arith.constant 0 : i32
      %dma_wait3A_2161 = tpu.memref_slice %dma_wait3A_2157[%select_n3A_2143, %dma_wait3A_2158, %dma_wait3A_2159, %dma_wait3A_2160] : memref<2x1x50x32xf32, #tpu.memory_space<vmem>> -> memref<1x1x50x32xf32, #tpu.memory_space<vmem>>
      %dma_wait3A_2162 = tpu.memref_squeeze %dma_wait3A_2161 : memref<1x1x50x32xf32, #tpu.memory_space<vmem>> -> memref<1x50x32xf32, #tpu.memory_space<vmem>>
      %dma_wait3A_2163 = arith.constant 0 : i32
      %dma_wait3A_2164 = arith.constant 0 : i32
      %dma_wait3A_2165 = tpu.memref_slice %dma_wait3A_2162[%dma_wait3A_2150, %dma_wait3A_2163, %dma_wait3A_2164] : memref<1x50x32xf32, #tpu.memory_space<vmem>> -> memref<1x50x32xf32, #tpu.memory_space<vmem>>
      %dma_wait3A_2166 = tpu.memref_squeeze %dma_wait3A_2165 : memref<1x50x32xf32, #tpu.memory_space<vmem>> -> memref<50x32xf32, #tpu.memory_space<vmem>>
      %dma_wait3A_2167 = arith.constant 0 : i32
      %dma_wait3A_2168 = tpu.memref_slice %arg5[%add3A_2148, %dma_wait3A_2167] : memref<512x50xi32, #tpu.memory_space<vmem>> -> memref<1x50xi32, #tpu.memory_space<vmem>>
      %dma_wait3A_2169 = tpu.memref_squeeze %dma_wait3A_2168 : memref<1x50xi32, #tpu.memory_space<vmem>> -> memref<50xi32, #tpu.memory_space<vmem>>
      %dma_wait3A_2170 = arith.constant 0 : i32
      %dma_wait3A_2171 = arith.constant 0 : i32
      %dma_wait3A_2172 = tpu.memref_slice %arg3[%dma_wait3A_2170, %dma_wait3A_2171] : memref<1000000x32xf32, #tpu.memory_space<hbm>> -> memref<1000000x32xf32, #tpu.memory_space<hbm>>
      %dma_wait3A_2173 = tpu.memref_slice %arg7[%dma_wait3A_2151] : memref<8x!tpu.dma_semaphore, #tpu.memory_space<semaphore_mem>> -> memref<1x!tpu.dma_semaphore, #tpu.memory_space<semaphore_mem>>
      %dma_wait3A_2174 = tpu.memref_squeeze %dma_wait3A_2173 : memref<1x!tpu.dma_semaphore, #tpu.memory_space<semaphore_mem>> -> memref<!tpu.dma_semaphore, #tpu.memory_space<semaphore_mem>>
      tpu.wait_indirect_dma semaphore(%dma_wait3A_2174 : memref<!tpu.dma_semaphore, #tpu.memory_space<semaphore_mem>>) src(%dma_wait3A_2172 : memref<1000000x32xf32, #tpu.memory_space<hbm>>) dst(%dma_wait3A_2166 : memref<50x32xf32, #tpu.memory_space<vmem>>)
      %add3A_2175 = arith.addi %mul3A_2, %add3A_2148 : i32
      %dma_start3A_2176 = arith.constant 0 : i32
      %dma_start3A_2177 = arith.constant 0 : i32
      %dma_start3A_2178 = arith.constant 0 : i32
      %dma_start3A_2179 = arith.constant 0 : i32
      %dma_start3A_2180 = arith.constant 0 : i32
      %dma_start3A_2181 = arith.constant 0 : i32
      %dma_start3A_2182 = tpu.memref_slice %arg6[%dma_start3A_2176, %dma_start3A_2178, %dma_start3A_2179, %dma_start3A_2180, %dma_start3A_2181] : memref<8x2x1x50x32xf32, #tpu.memory_space<vmem>> -> memref<1x2x1x50x32xf32, #tpu.memory_space<vmem>>
      %dma_start3A_2183 = tpu.memref_squeeze %dma_start3A_2182 : memref<1x2x1x50x32xf32, #tpu.memory_space<vmem>> -> memref<2x1x50x32xf32, #tpu.memory_space<vmem>>
      %dma_start3A_2184 = arith.constant 0 : i32
      %dma_start3A_2185 = arith.constant 0 : i32
      %dma_start3A_2186 = arith.constant 0 : i32
      %dma_start3A_2187 = tpu.memref_slice %dma_start3A_2183[%select_n3A_2143, %dma_start3A_2184, %dma_start3A_2185, %dma_start3A_2186] : memref<2x1x50x32xf32, #tpu.memory_space<vmem>> -> memref<1x1x50x32xf32, #tpu.memory_space<vmem>>
      %dma_start3A_2188 = tpu.memref_squeeze %dma_start3A_2187 : memref<1x1x50x32xf32, #tpu.memory_space<vmem>> -> memref<1x50x32xf32, #tpu.memory_space<vmem>>
      %dma_start3A_2189 = arith.constant 0 : i32
      %dma_start3A_2190 = arith.constant 0 : i32
      %dma_start3A_2191 = tpu.memref_slice %arg4[%add3A_2175, %dma_start3A_2189, %dma_start3A_2190] : memref<16384x50x32xf32, #tpu.memory_space<hbm>> -> memref<1x50x32xf32, #tpu.memory_space<hbm>>
      %dma_start3A_2192 = tpu.memref_slice %arg8[%dma_start3A_2177] : memref<8x!tpu.dma_semaphore, #tpu.memory_space<semaphore_mem>> -> memref<1x!tpu.dma_semaphore, #tpu.memory_space<semaphore_mem>>
      %dma_start3A_2193 = tpu.memref_squeeze %dma_start3A_2192 : memref<1x!tpu.dma_semaphore, #tpu.memory_space<semaphore_mem>> -> memref<!tpu.dma_semaphore, #tpu.memory_space<semaphore_mem>>
      %dma_start3A_2194 = arith.constant 0 : i32
      %dma_start3A_2195 = arith.constant 0 : i32
      %dma_start3A_2196 = tpu.memref_slice %arg4[%add3A_2175, %dma_start3A_2194, %dma_start3A_2195] : memref<16384x50x32xf32, #tpu.memory_space<hbm>> -> memref<1x50x32xf32, #tpu.memory_space<hbm>>
      %dma_start3A_2197 = arith.constant 0 : i32
      %dma_start3A_2198 = arith.constant 0 : i32
      %dma_start3A_2199 = arith.constant 0 : i32
      %dma_start3A_2200 = arith.constant 0 : i32
      %dma_start3A_2201 = tpu.memref_slice %arg6[%dma_start3A_2176, %dma_start3A_2197, %dma_start3A_2198, %dma_start3A_2199, %dma_start3A_2200] : memref<8x2x1x50x32xf32, #tpu.memory_space<vmem>> -> memref<1x2x1x50x32xf32, #tpu.memory_space<vmem>>
      %dma_start3A_2202 = tpu.memref_squeeze %dma_start3A_2201 : memref<1x2x1x50x32xf32, #tpu.memory_space<vmem>> -> memref<2x1x50x32xf32, #tpu.memory_space<vmem>>
      %dma_start3A_2203 = arith.constant 0 : i32
      %dma_start3A_2204 = arith.constant 0 : i32
      %dma_start3A_2205 = arith.constant 0 : i32
      %dma_start3A_2206 = tpu.memref_slice %dma_start3A_2202[%select_n3A_2143, %dma_start3A_2203, %dma_start3A_2204, %dma_start3A_2205] : memref<2x1x50x32xf32, #tpu.memory_space<vmem>> -> memref<1x1x50x32xf32, #tpu.memory_space<vmem>>
      %dma_start3A_2207 = tpu.memref_squeeze %dma_start3A_2206 : memref<1x1x50x32xf32, #tpu.memory_space<vmem>> -> memref<1x50x32xf32, #tpu.memory_space<vmem>>
      tpu.enqueue_dma source(%dma_start3A_2207 : memref<1x50x32xf32, #tpu.memory_space<vmem>>) target(%dma_start3A_2196 : memref<1x50x32xf32, #tpu.memory_space<hbm>>) target_semaphore(%dma_start3A_2193 : memref<!tpu.dma_semaphore, #tpu.memory_space<semaphore_mem>>)
      %dma_wait3A_2208 = arith.constant 0 : i32
      %dma_wait3A_2209 = arith.constant 0 : i32
      %dma_wait3A_2210 = arith.constant 0 : i32
      %dma_wait3A_2211 = arith.constant 0 : i32
      %dma_wait3A_2212 = arith.constant 0 : i32
      %dma_wait3A_2213 = arith.constant 0 : i32
      %dma_wait3A_2214 = arith.constant 0 : i32
      %dma_wait3A_2215 = tpu.memref_slice %arg6[%dma_wait3A_2208, %dma_wait3A_2211, %dma_wait3A_2212, %dma_wait3A_2213, %dma_wait3A_2214] : memref<8x2x1x50x32xf32, #tpu.memory_space<vmem>> -> memref<1x2x1x50x32xf32, #tpu.memory_space<vmem>>
      %dma_wait3A_2216 = tpu.memref_squeeze %dma_wait3A_2215 : memref<1x2x1x50x32xf32, #tpu.memory_space<vmem>> -> memref<2x1x50x32xf32, #tpu.memory_space<vmem>>
      %dma_wait3A_2217 = arith.constant 0 : i32
      %dma_wait3A_2218 = arith.constant 0 : i32
      %dma_wait3A_2219 = arith.constant 0 : i32
      %dma_wait3A_2220 = tpu.memref_slice %dma_wait3A_2216[%sub3A_2144, %dma_wait3A_2217, %dma_wait3A_2218, %dma_wait3A_2219] : memref<2x1x50x32xf32, #tpu.memory_space<vmem>> -> memref<1x1x50x32xf32, #tpu.memory_space<vmem>>
      %dma_wait3A_2221 = tpu.memref_squeeze %dma_wait3A_2220 : memref<1x1x50x32xf32, #tpu.memory_space<vmem>> -> memref<1x50x32xf32, #tpu.memory_space<vmem>>
      %dma_wait3A_2222 = arith.constant 0 : i32
      %dma_wait3A_2223 = arith.constant 0 : i32
      %dma_wait3A_2224 = tpu.memref_slice %dma_wait3A_2221[%dma_wait3A_2209, %dma_wait3A_2222, %dma_wait3A_2223] : memref<1x50x32xf32, #tpu.memory_space<vmem>> -> memref<1x50x32xf32, #tpu.memory_space<vmem>>
      %dma_wait3A_2225 = tpu.memref_squeeze %dma_wait3A_2224 : memref<1x50x32xf32, #tpu.memory_space<vmem>> -> memref<50x32xf32, #tpu.memory_space<vmem>>
      %dma_wait3A_2226 = arith.constant 0 : i32
      %dma_wait3A_2227 = arith.constant 0 : i32
      %dma_wait3A_2228 = tpu.memref_slice %arg3[%dma_wait3A_2226, %dma_wait3A_2227] : memref<1000000x32xf32, #tpu.memory_space<hbm>> -> memref<50x32xf32, #tpu.memory_space<hbm>>
      %dma_wait3A_2229 = tpu.memref_slice %arg8[%dma_wait3A_2210] : memref<8x!tpu.dma_semaphore, #tpu.memory_space<semaphore_mem>> -> memref<1x!tpu.dma_semaphore, #tpu.memory_space<semaphore_mem>>
      %dma_wait3A_2230 = tpu.memref_squeeze %dma_wait3A_2229 : memref<1x!tpu.dma_semaphore, #tpu.memory_space<semaphore_mem>> -> memref<!tpu.dma_semaphore, #tpu.memory_space<semaphore_mem>>
      %dma_wait3A_2231 = arith.constant 0 : i32
      %dma_wait3A_2232 = arith.constant 0 : i32
      %dma_wait3A_2233 = arith.constant 0 : i32
      %dma_wait3A_2234 = arith.constant 0 : i32
      %dma_wait3A_2235 = tpu.memref_slice %arg6[%dma_wait3A_2208, %dma_wait3A_2231, %dma_wait3A_2232, %dma_wait3A_2233, %dma_wait3A_2234] : memref<8x2x1x50x32xf32, #tpu.memory_space<vmem>> -> memref<1x2x1x50x32xf32, #tpu.memory_space<vmem>>
      %dma_wait3A_2236 = tpu.memref_squeeze %dma_wait3A_2235 : memref<1x2x1x50x32xf32, #tpu.memory_space<vmem>> -> memref<2x1x50x32xf32, #tpu.memory_space<vmem>>
      %dma_wait3A_2237 = arith.constant 0 : i32
      %dma_wait3A_2238 = arith.constant 0 : i32
      %dma_wait3A_2239 = arith.constant 0 : i32
      %dma_wait3A_2240 = tpu.memref_slice %dma_wait3A_2236[%sub3A_2144, %dma_wait3A_2237, %dma_wait3A_2238, %dma_wait3A_2239] : memref<2x1x50x32xf32, #tpu.memory_space<vmem>> -> memref<1x1x50x32xf32, #tpu.memory_space<vmem>>
      %dma_wait3A_2241 = tpu.memref_squeeze %dma_wait3A_2240 : memref<1x1x50x32xf32, #tpu.memory_space<vmem>> -> memref<1x50x32xf32, #tpu.memory_space<vmem>>
      %dma_wait3A_2242 = arith.constant 0 : i32
      %dma_wait3A_2243 = arith.constant 0 : i32
      %dma_wait3A_2244 = tpu.memref_slice %dma_wait3A_2241[%dma_wait3A_2209, %dma_wait3A_2242, %dma_wait3A_2243] : memref<1x50x32xf32, #tpu.memory_space<vmem>> -> memref<1x50x32xf32, #tpu.memory_space<vmem>>
      %dma_wait3A_2245 = tpu.memref_squeeze %dma_wait3A_2244 : memref<1x50x32xf32, #tpu.memory_space<vmem>> -> memref<50x32xf32, #tpu.memory_space<vmem>>
      %dma_wait3A_2246 = arith.constant 0 : i32
      %dma_wait3A_2247 = arith.constant 0 : i32
      %dma_wait3A_2248 = tpu.memref_slice %arg3[%dma_wait3A_2246, %dma_wait3A_2247] : memref<1000000x32xf32, #tpu.memory_space<hbm>> -> memref<50x32xf32, #tpu.memory_space<hbm>>
      tpu.wait_dma2 semaphore(%dma_wait3A_2230 : memref<!tpu.dma_semaphore, #tpu.memory_space<semaphore_mem>>) src(%dma_wait3A_2248 : memref<50x32xf32, #tpu.memory_space<hbm>>) dst(%dma_wait3A_2245 : memref<50x32xf32, #tpu.memory_space<vmem>>)
      %add3A_2249 = arith.constant 8 : i32
      %add3A_2250 = arith.addi %add3A_2148, %add3A_2249 : i32
      %dma_start3A_2251 = arith.constant 0 : i32
      %dma_start3A_2252 = arith.constant 0 : i32
      %dma_start3A_2253 = arith.constant 0 : i32
      %dma_start3A_2254 = arith.constant 0 : i32
      %dma_start3A_2255 = arith.constant 0 : i32
      %dma_start3A_2256 = arith.constant 0 : i32
      %dma_start3A_2257 = arith.constant 0 : i32
      %dma_start3A_2258 = tpu.memref_slice %arg6[%dma_start3A_2251, %dma_start3A_2254, %dma_start3A_2255, %dma_start3A_2256, %dma_start3A_2257] : memref<8x2x1x50x32xf32, #tpu.memory_space<vmem>> -> memref<1x2x1x50x32xf32, #tpu.memory_space<vmem>>
      %dma_start3A_2259 = tpu.memref_squeeze %dma_start3A_2258 : memref<1x2x1x50x32xf32, #tpu.memory_space<vmem>> -> memref<2x1x50x32xf32, #tpu.memory_space<vmem>>
      %dma_start3A_2260 = arith.constant 0 : i32
      %dma_start3A_2261 = arith.constant 0 : i32
      %dma_start3A_2262 = arith.constant 0 : i32
      %dma_start3A_2263 = tpu.memref_slice %dma_start3A_2259[%sub3A_2144, %dma_start3A_2260, %dma_start3A_2261, %dma_start3A_2262] : memref<2x1x50x32xf32, #tpu.memory_space<vmem>> -> memref<1x1x50x32xf32, #tpu.memory_space<vmem>>
      %dma_start3A_2264 = tpu.memref_squeeze %dma_start3A_2263 : memref<1x1x50x32xf32, #tpu.memory_space<vmem>> -> memref<1x50x32xf32, #tpu.memory_space<vmem>>
      %dma_start3A_2265 = arith.constant 0 : i32
      %dma_start3A_2266 = arith.constant 0 : i32
      %dma_start3A_2267 = tpu.memref_slice %dma_start3A_2264[%dma_start3A_2252, %dma_start3A_2265, %dma_start3A_2266] : memref<1x50x32xf32, #tpu.memory_space<vmem>> -> memref<1x50x32xf32, #tpu.memory_space<vmem>>
      %dma_start3A_2268 = tpu.memref_squeeze %dma_start3A_2267 : memref<1x50x32xf32, #tpu.memory_space<vmem>> -> memref<50x32xf32, #tpu.memory_space<vmem>>
      %dma_start3A_2269 = arith.constant 0 : i32
      %dma_start3A_2270 = tpu.memref_slice %arg5[%add3A_2250, %dma_start3A_2269] : memref<512x50xi32, #tpu.memory_space<vmem>> -> memref<1x50xi32, #tpu.memory_space<vmem>>
      %dma_start3A_2271 = tpu.memref_squeeze %dma_start3A_2270 : memref<1x50xi32, #tpu.memory_space<vmem>> -> memref<50xi32, #tpu.memory_space<vmem>>
      %dma_start3A_2272 = arith.constant 0 : i32
      %dma_start3A_2273 = arith.constant 0 : i32
      %dma_start3A_2274 = tpu.memref_slice %arg3[%dma_start3A_2272, %dma_start3A_2273] : memref<1000000x32xf32, #tpu.memory_space<hbm>> -> memref<1000000x32xf32, #tpu.memory_space<hbm>>
      %dma_start3A_2275 = tpu.memref_slice %arg7[%dma_start3A_2253] : memref<8x!tpu.dma_semaphore, #tpu.memory_space<semaphore_mem>> -> memref<1x!tpu.dma_semaphore, #tpu.memory_space<semaphore_mem>>
      %dma_start3A_2276 = tpu.memref_squeeze %dma_start3A_2275 : memref<1x!tpu.dma_semaphore, #tpu.memory_space<semaphore_mem>> -> memref<!tpu.dma_semaphore, #tpu.memory_space<semaphore_mem>>
      tpu.enqueue_indirect_dma source(%dma_start3A_2274 : memref<1000000x32xf32, #tpu.memory_space<hbm>>) target(%dma_start3A_2268 : memref<50x32xf32, #tpu.memory_space<vmem>>) offsets(%dma_start3A_2271 : memref<50xi32, #tpu.memory_space<vmem>>) semaphore(%dma_start3A_2276 : memref<!tpu.dma_semaphore, #tpu.memory_space<semaphore_mem>>)
      %mul3A_2277 = arith.constant 8 : i32
      %mul3A_2278 = arith.muli %scan3A_2134, %mul3A_2277 : i32
      %add3A_2279 = arith.constant 1 : i32
      %add3A_2280 = arith.addi %mul3A_2278, %add3A_2279 : i32
      %dma_wait3A_2281 = arith.constant 1 : i32
      %dma_wait3A_2282 = arith.constant 0 : i32
      %dma_wait3A_2283 = arith.constant 1 : i32
      %dma_wait3A_2284 = arith.constant 0 : i32
      %dma_wait3A_2285 = arith.constant 0 : i32
      %dma_wait3A_2286 = arith.constant 0 : i32
      %dma_wait3A_2287 = arith.constant 0 : i32
      %dma_wait3A_2288 = tpu.memref_slice %arg6[%dma_wait3A_2281, %dma_wait3A_2284, %dma_wait3A_2285, %dma_wait3A_2286, %dma_wait3A_2287] : memref<8x2x1x50x32xf32, #tpu.memory_space<vmem>> -> memref<1x2x1x50x32xf32, #tpu.memory_space<vmem>>
      %dma_wait3A_2289 = tpu.memref_squeeze %dma_wait3A_2288 : memref<1x2x1x50x32xf32, #tpu.memory_space<vmem>> -> memref<2x1x50x32xf32, #tpu.memory_space<vmem>>
      %dma_wait3A_2290 = arith.constant 0 : i32
      %dma_wait3A_2291 = arith.constant 0 : i32
      %dma_wait3A_2292 = arith.constant 0 : i32
      %dma_wait3A_2293 = tpu.memref_slice %dma_wait3A_2289[%select_n3A_2143, %dma_wait3A_2290, %dma_wait3A_2291, %dma_wait3A_2292] : memref<2x1x50x32xf32, #tpu.memory_space<vmem>> -> memref<1x1x50x32xf32, #tpu.memory_space<vmem>>
      %dma_wait3A_2294 = tpu.memref_squeeze %dma_wait3A_2293 : memref<1x1x50x32xf32, #tpu.memory_space<vmem>> -> memref<1x50x32xf32, #tpu.memory_space<vmem>>
      %dma_wait3A_2295 = arith.constant 0 : i32
      %dma_wait3A_2296 = arith.constant 0 : i32
      %dma_wait3A_2297 = tpu.memref_slice %dma_wait3A_2294[%dma_wait3A_2282, %dma_wait3A_2295, %dma_wait3A_2296] : memref<1x50x32xf32, #tpu.memory_space<vmem>> -> memref<1x50x32xf32, #tpu.memory_space<vmem>>
      %dma_wait3A_2298 = tpu.memref_squeeze %dma_wait3A_2297 : memref<1x50x32xf32, #tpu.memory_space<vmem>> -> memref<50x32xf32, #tpu.memory_space<vmem>>
      %dma_wait3A_2299 = arith.constant 0 : i32
      %dma_wait3A_2300 = tpu.memref_slice %arg5[%add3A_2280, %dma_wait3A_2299] : memref<512x50xi32, #tpu.memory_space<vmem>> -> memref<1x50xi32, #tpu.memory_space<vmem>>
      %dma_wait3A_2301 = tpu.memref_squeeze %dma_wait3A_2300 : memref<1x50xi32, #tpu.memory_space<vmem>> -> memref<50xi32, #tpu.memory_space<vmem>>
      %dma_wait3A_2302 = arith.constant 0 : i32
      %dma_wait3A_2303 = arith.constant 0 : i32
      %dma_wait3A_2304 = tpu.memref_slice %arg3[%dma_wait3A_2302, %dma_wait3A_2303] : memref<1000000x32xf32, #tpu.memory_space<hbm>> -> memref<1000000x32xf32, #tpu.memory_space<hbm>>
      %dma_wait3A_2305 = tpu.memref_slice %arg7[%dma_wait3A_2283] : memref<8x!tpu.dma_semaphore, #tpu.memory_space<semaphore_mem>> -> memref<1x!tpu.dma_semaphore, #tpu.memory_space<semaphore_mem>>
      %dma_wait3A_2306 = tpu.memref_squeeze %dma_wait3A_2305 : memref<1x!tpu.dma_semaphore, #tpu.memory_space<semaphore_mem>> -> memref<!tpu.dma_semaphore, #tpu.memory_space<semaphore_mem>>
      tpu.wait_indirect_dma semaphore(%dma_wait3A_2306 : memref<!tpu.dma_semaphore, #tpu.memory_space<semaphore_mem>>) src(%dma_wait3A_2304 : memref<1000000x32xf32, #tpu.memory_space<hbm>>) dst(%dma_wait3A_2298 : memref<50x32xf32, #tpu.memory_space<vmem>>)
      %add3A_2307 = arith.addi %mul3A_2, %add3A_2280 : i32
      %dma_start3A_2308 = arith.constant 1 : i32
      %dma_start3A_2309 = arith.constant 1 : i32
      %dma_start3A_2310 = arith.constant 0 : i32
      %dma_start3A_2311 = arith.constant 0 : i32
      %dma_start3A_2312 = arith.constant 0 : i32
      %dma_start3A_2313 = arith.constant 0 : i32
      %dma_start3A_2314 = tpu.memref_slice %arg6[%dma_start3A_2308, %dma_start3A_2310, %dma_start3A_2311, %dma_start3A_2312, %dma_start3A_2313] : memref<8x2x1x50x32xf32, #tpu.memory_space<vmem>> -> memref<1x2x1x50x32xf32, #tpu.memory_space<vmem>>
      %dma_start3A_2315 = tpu.memref_squeeze %dma_start3A_2314 : memref<1x2x1x50x32xf32, #tpu.memory_space<vmem>> -> memref<2x1x50x32xf32, #tpu.memory_space<vmem>>
      %dma_start3A_2316 = arith.constant 0 : i32
      %dma_start3A_2317 = arith.constant 0 : i32
      %dma_start3A_2318 = arith.constant 0 : i32
      %dma_start3A_2319 = tpu.memref_slice %dma_start3A_2315[%select_n3A_2143, %dma_start3A_2316, %dma_start3A_2317, %dma_start3A_2318] : memref<2x1x50x32xf32, #tpu.memory_space<vmem>> -> memref<1x1x50x32xf32, #tpu.memory_space<vmem>>
      %dma_start3A_2320 = tpu.memref_squeeze %dma_start3A_2319 : memref<1x1x50x32xf32, #tpu.memory_space<vmem>> -> memref<1x50x32xf32, #tpu.memory_space<vmem>>
      %dma_start3A_2321 = arith.constant 0 : i32
      %dma_start3A_2322 = arith.constant 0 : i32
      %dma_start3A_2323 = tpu.memref_slice %arg4[%add3A_2307, %dma_start3A_2321, %dma_start3A_2322] : memref<16384x50x32xf32, #tpu.memory_space<hbm>> -> memref<1x50x32xf32, #tpu.memory_space<hbm>>
      %dma_start3A_2324 = tpu.memref_slice %arg8[%dma_start3A_2309] : memref<8x!tpu.dma_semaphore, #tpu.memory_space<semaphore_mem>> -> memref<1x!tpu.dma_semaphore, #tpu.memory_space<semaphore_mem>>
      %dma_start3A_2325 = tpu.memref_squeeze %dma_start3A_2324 : memref<1x!tpu.dma_semaphore, #tpu.memory_space<semaphore_mem>> -> memref<!tpu.dma_semaphore, #tpu.memory_space<semaphore_mem>>
      %dma_start3A_2326 = arith.constant 0 : i32
      %dma_start3A_2327 = arith.constant 0 : i32
      %dma_start3A_2328 = tpu.memref_slice %arg4[%add3A_2307, %dma_start3A_2326, %dma_start3A_2327] : memref<16384x50x32xf32, #tpu.memory_space<hbm>> -> memref<1x50x32xf32, #tpu.memory_space<hbm>>
      %dma_start3A_2329 = arith.constant 0 : i32
      %dma_start3A_2330 = arith.constant 0 : i32
      %dma_start3A_2331 = arith.constant 0 : i32
      %dma_start3A_2332 = arith.constant 0 : i32
      %dma_start3A_2333 = tpu.memref_slice %arg6[%dma_start3A_2308, %dma_start3A_2329, %dma_start3A_2330, %dma_start3A_2331, %dma_start3A_2332] : memref<8x2x1x50x32xf32, #tpu.memory_space<vmem>> -> memref<1x2x1x50x32xf32, #tpu.memory_space<vmem>>
      %dma_start3A_2334 = tpu.memref_squeeze %dma_start3A_2333 : memref<1x2x1x50x32xf32, #tpu.memory_space<vmem>> -> memref<2x1x50x32xf32, #tpu.memory_space<vmem>>
      %dma_start3A_2335 = arith.constant 0 : i32
      %dma_start3A_2336 = arith.constant 0 : i32
      %dma_start3A_2337 = arith.constant 0 : i32
      %dma_start3A_2338 = tpu.memref_slice %dma_start3A_2334[%select_n3A_2143, %dma_start3A_2335, %dma_start3A_2336, %dma_start3A_2337] : memref<2x1x50x32xf32, #tpu.memory_space<vmem>> -> memref<1x1x50x32xf32, #tpu.memory_space<vmem>>
      %dma_start3A_2339 = tpu.memref_squeeze %dma_start3A_2338 : memref<1x1x50x32xf32, #tpu.memory_space<vmem>> -> memref<1x50x32xf32, #tpu.memory_space<vmem>>
      tpu.enqueue_dma source(%dma_start3A_2339 : memref<1x50x32xf32, #tpu.memory_space<vmem>>) target(%dma_start3A_2328 : memref<1x50x32xf32, #tpu.memory_space<hbm>>) target_semaphore(%dma_start3A_2325 : memref<!tpu.dma_semaphore, #tpu.memory_space<semaphore_mem>>)
      %dma_wait3A_2340 = arith.constant 1 : i32
      %dma_wait3A_2341 = arith.constant 0 : i32
      %dma_wait3A_2342 = arith.constant 1 : i32
      %dma_wait3A_2343 = arith.constant 0 : i32
      %dma_wait3A_2344 = arith.constant 0 : i32
      %dma_wait3A_2345 = arith.constant 0 : i32
      %dma_wait3A_2346 = arith.constant 0 : i32
      %dma_wait3A_2347 = tpu.memref_slice %arg6[%dma_wait3A_2340, %dma_wait3A_2343, %dma_wait3A_2344, %dma_wait3A_2345, %dma_wait3A_2346] : memref<8x2x1x50x32xf32, #tpu.memory_space<vmem>> -> memref<1x2x1x50x32xf32, #tpu.memory_space<vmem>>
      %dma_wait3A_2348 = tpu.memref_squeeze %dma_wait3A_2347 : memref<1x2x1x50x32xf32, #tpu.memory_space<vmem>> -> memref<2x1x50x32xf32, #tpu.memory_space<vmem>>
      %dma_wait3A_2349 = arith.constant 0 : i32
      %dma_wait3A_2350 = arith.constant 0 : i32
      %dma_wait3A_2351 = arith.constant 0 : i32
      %dma_wait3A_2352 = tpu.memref_slice %dma_wait3A_2348[%sub3A_2144, %dma_wait3A_2349, %dma_wait3A_2350, %dma_wait3A_2351] : memref<2x1x50x32xf32, #tpu.memory_space<vmem>> -> memref<1x1x50x32xf32, #tpu.memory_space<vmem>>
      %dma_wait3A_2353 = tpu.memref_squeeze %dma_wait3A_2352 : memref<1x1x50x32xf32, #tpu.memory_space<vmem>> -> memref<1x50x32xf32, #tpu.memory_space<vmem>>
      %dma_wait3A_2354 = arith.constant 0 : i32
      %dma_wait3A_2355 = arith.constant 0 : i32
      %dma_wait3A_2356 = tpu.memref_slice %dma_wait3A_2353[%dma_wait3A_2341, %dma_wait3A_2354, %dma_wait3A_2355] : memref<1x50x32xf32, #tpu.memory_space<vmem>> -> memref<1x50x32xf32, #tpu.memory_space<vmem>>
      %dma_wait3A_2357 = tpu.memref_squeeze %dma_wait3A_2356 : memref<1x50x32xf32, #tpu.memory_space<vmem>> -> memref<50x32xf32, #tpu.memory_space<vmem>>
      %dma_wait3A_2358 = arith.constant 0 : i32
      %dma_wait3A_2359 = arith.constant 0 : i32
      %dma_wait3A_2360 = tpu.memref_slice %arg3[%dma_wait3A_2358, %dma_wait3A_2359] : memref<1000000x32xf32, #tpu.memory_space<hbm>> -> memref<50x32xf32, #tpu.memory_space<hbm>>
      %dma_wait3A_2361 = tpu.memref_slice %arg8[%dma_wait3A_2342] : memref<8x!tpu.dma_semaphore, #tpu.memory_space<semaphore_mem>> -> memref<1x!tpu.dma_semaphore, #tpu.memory_space<semaphore_mem>>
      %dma_wait3A_2362 = tpu.memref_squeeze %dma_wait3A_2361 : memref<1x!tpu.dma_semaphore, #tpu.memory_space<semaphore_mem>> -> memref<!tpu.dma_semaphore, #tpu.memory_space<semaphore_mem>>
      %dma_wait3A_2363 = arith.constant 0 : i32
      %dma_wait3A_2364 = arith.constant 0 : i32
      %dma_wait3A_2365 = arith.constant 0 : i32
      %dma_wait3A_2366 = arith.constant 0 : i32
      %dma_wait3A_2367 = tpu.memref_slice %arg6[%dma_wait3A_2340, %dma_wait3A_2363, %dma_wait3A_2364, %dma_wait3A_2365, %dma_wait3A_2366] : memref<8x2x1x50x32xf32, #tpu.memory_space<vmem>> -> memref<1x2x1x50x32xf32, #tpu.memory_space<vmem>>
      %dma_wait3A_2368 = tpu.memref_squeeze %dma_wait3A_2367 : memref<1x2x1x50x32xf32, #tpu.memory_space<vmem>> -> memref<2x1x50x32xf32, #tpu.memory_space<vmem>>
      %dma_wait3A_2369 = arith.constant 0 : i32
      %dma_wait3A_2370 = arith.constant 0 : i32
      %dma_wait3A_2371 = arith.constant 0 : i32
      %dma_wait3A_2372 = tpu.memref_slice %dma_wait3A_2368[%sub3A_2144, %dma_wait3A_2369, %dma_wait3A_2370, %dma_wait3A_2371] : memref<2x1x50x32xf32, #tpu.memory_space<vmem>> -> memref<1x1x50x32xf32, #tpu.memory_space<vmem>>
      %dma_wait3A_2373 = tpu.memref_squeeze %dma_wait3A_2372 : memref<1x1x50x32xf32, #tpu.memory_space<vmem>> -> memref<1x50x32xf32, #tpu.memory_space<vmem>>
      %dma_wait3A_2374 = arith.constant 0 : i32
      %dma_wait3A_2375 = arith.constant 0 : i32
      %dma_wait3A_2376 = tpu.memref_slice %dma_wait3A_2373[%dma_wait3A_2341, %dma_wait3A_2374, %dma_wait3A_2375] : memref<1x50x32xf32, #tpu.memory_space<vmem>> -> memref<1x50x32xf32, #tpu.memory_space<vmem>>
      %dma_wait3A_2377 = tpu.memref_squeeze %dma_wait3A_2376 : memref<1x50x32xf32, #tpu.memory_space<vmem>> -> memref<50x32xf32, #tpu.memory_space<vmem>>
      %dma_wait3A_2378 = arith.constant 0 : i32
      %dma_wait3A_2379 = arith.constant 0 : i32
      %dma_wait3A_2380 = tpu.memref_slice %arg3[%dma_wait3A_2378, %dma_wait3A_2379] : memref<1000000x32xf32, #tpu.memory_space<hbm>> -> memref<50x32xf32, #tpu.memory_space<hbm>>
      tpu.wait_dma2 semaphore(%dma_wait3A_2362 : memref<!tpu.dma_semaphore, #tpu.memory_space<semaphore_mem>>) src(%dma_wait3A_2380 : memref<50x32xf32, #tpu.memory_space<hbm>>) dst(%dma_wait3A_2377 : memref<50x32xf32, #tpu.memory_space<vmem>>)
      %add3A_2381 = arith.constant 8 : i32
      %add3A_2382 = arith.addi %add3A_2280, %add3A_2381 : i32
      %dma_start3A_2383 = arith.constant 1 : i32
      %dma_start3A_2384 = arith.constant 0 : i32
      %dma_start3A_2385 = arith.constant 1 : i32
      %dma_start3A_2386 = arith.constant 0 : i32
      %dma_start3A_2387 = arith.constant 0 : i32
      %dma_start3A_2388 = arith.constant 0 : i32
      %dma_start3A_2389 = arith.constant 0 : i32
      %dma_start3A_2390 = tpu.memref_slice %arg6[%dma_start3A_2383, %dma_start3A_2386, %dma_start3A_2387, %dma_start3A_2388, %dma_start3A_2389] : memref<8x2x1x50x32xf32, #tpu.memory_space<vmem>> -> memref<1x2x1x50x32xf32, #tpu.memory_space<vmem>>
      %dma_start3A_2391 = tpu.memref_squeeze %dma_start3A_2390 : memref<1x2x1x50x32xf32, #tpu.memory_space<vmem>> -> memref<2x1x50x32xf32, #tpu.memory_space<vmem>>
      %dma_start3A_2392 = arith.constant 0 : i32
      %dma_start3A_2393 = arith.constant 0 : i32
      %dma_start3A_2394 = arith.constant 0 : i32
      %dma_start3A_2395 = tpu.memref_slice %dma_start3A_2391[%sub3A_2144, %dma_start3A_2392, %dma_start3A_2393, %dma_start3A_2394] : memref<2x1x50x32xf32, #tpu.memory_space<vmem>> -> memref<1x1x50x32xf32, #tpu.memory_space<vmem>>
      %dma_start3A_2396 = tpu.memref_squeeze %dma_start3A_2395 : memref<1x1x50x32xf32, #tpu.memory_space<vmem>> -> memref<1x50x32xf32, #tpu.memory_space<vmem>>
      %dma_start3A_2397 = arith.constant 0 : i32
      %dma_start3A_2398 = arith.constant 0 : i32
      %dma_start3A_2399 = tpu.memref_slice %dma_start3A_2396[%dma_start3A_2384, %dma_start3A_2397, %dma_start3A_2398] : memref<1x50x32xf32, #tpu.memory_space<vmem>> -> memref<1x50x32xf32, #tpu.memory_space<vmem>>
      %dma_start3A_2400 = tpu.memref_squeeze %dma_start3A_2399 : memref<1x50x32xf32, #tpu.memory_space<vmem>> -> memref<50x32xf32, #tpu.memory_space<vmem>>
      %dma_start3A_2401 = arith.constant 0 : i32
      %dma_start3A_2402 = tpu.memref_slice %arg5[%add3A_2382, %dma_start3A_2401] : memref<512x50xi32, #tpu.memory_space<vmem>> -> memref<1x50xi32, #tpu.memory_space<vmem>>
      %dma_start3A_2403 = tpu.memref_squeeze %dma_start3A_2402 : memref<1x50xi32, #tpu.memory_space<vmem>> -> memref<50xi32, #tpu.memory_space<vmem>>
      %dma_start3A_2404 = arith.constant 0 : i32
      %dma_start3A_2405 = arith.constant 0 : i32
      %dma_start3A_2406 = tpu.memref_slice %arg3[%dma_start3A_2404, %dma_start3A_2405] : memref<1000000x32xf32, #tpu.memory_space<hbm>> -> memref<1000000x32xf32, #tpu.memory_space<hbm>>
      %dma_start3A_2407 = tpu.memref_slice %arg7[%dma_start3A_2385] : memref<8x!tpu.dma_semaphore, #tpu.memory_space<semaphore_mem>> -> memref<1x!tpu.dma_semaphore, #tpu.memory_space<semaphore_mem>>
      %dma_start3A_2408 = tpu.memref_squeeze %dma_start3A_2407 : memref<1x!tpu.dma_semaphore, #tpu.memory_space<semaphore_mem>> -> memref<!tpu.dma_semaphore, #tpu.memory_space<semaphore_mem>>
      tpu.enqueue_indirect_dma source(%dma_start3A_2406 : memref<1000000x32xf32, #tpu.memory_space<hbm>>) target(%dma_start3A_2400 : memref<50x32xf32, #tpu.memory_space<vmem>>) offsets(%dma_start3A_2403 : memref<50xi32, #tpu.memory_space<vmem>>) semaphore(%dma_start3A_2408 : memref<!tpu.dma_semaphore, #tpu.memory_space<semaphore_mem>>)
      %mul3A_2409 = arith.constant 8 : i32
      %mul3A_2410 = arith.muli %scan3A_2134, %mul3A_2409 : i32
      %add3A_2411 = arith.constant 2 : i32
      %add3A_2412 = arith.addi %mul3A_2410, %add3A_2411 : i32
      %dma_wait3A_2413 = arith.constant 2 : i32
      %dma_wait3A_2414 = arith.constant 0 : i32
      %dma_wait3A_2415 = arith.constant 2 : i32
      %dma_wait3A_2416 = arith.constant 0 : i32
      %dma_wait3A_2417 = arith.constant 0 : i32
      %dma_wait3A_2418 = arith.constant 0 : i32
      %dma_wait3A_2419 = arith.constant 0 : i32
      %dma_wait3A_2420 = tpu.memref_slice %arg6[%dma_wait3A_2413, %dma_wait3A_2416, %dma_wait3A_2417, %dma_wait3A_2418, %dma_wait3A_2419] : memref<8x2x1x50x32xf32, #tpu.memory_space<vmem>> -> memref<1x2x1x50x32xf32, #tpu.memory_space<vmem>>
      %dma_wait3A_2421 = tpu.memref_squeeze %dma_wait3A_2420 : memref<1x2x1x50x32xf32, #tpu.memory_space<vmem>> -> memref<2x1x50x32xf32, #tpu.memory_space<vmem>>
      %dma_wait3A_2422 = arith.constant 0 : i32
      %dma_wait3A_2423 = arith.constant 0 : i32
      %dma_wait3A_2424 = arith.constant 0 : i32
      %dma_wait3A_2425 = tpu.memref_slice %dma_wait3A_2421[%select_n3A_2143, %dma_wait3A_2422, %dma_wait3A_2423, %dma_wait3A_2424] : memref<2x1x50x32xf32, #tpu.memory_space<vmem>> -> memref<1x1x50x32xf32, #tpu.memory_space<vmem>>
      %dma_wait3A_2426 = tpu.memref_squeeze %dma_wait3A_2425 : memref<1x1x50x32xf32, #tpu.memory_space<vmem>> -> memref<1x50x32xf32, #tpu.memory_space<vmem>>
      %dma_wait3A_2427 = arith.constant 0 : i32
      %dma_wait3A_2428 = arith.constant 0 : i32
      %dma_wait3A_2429 = tpu.memref_slice %dma_wait3A_2426[%dma_wait3A_2414, %dma_wait3A_2427, %dma_wait3A_2428] : memref<1x50x32xf32, #tpu.memory_space<vmem>> -> memref<1x50x32xf32, #tpu.memory_space<vmem>>
      %dma_wait3A_2430 = tpu.memref_squeeze %dma_wait3A_2429 : memref<1x50x32xf32, #tpu.memory_space<vmem>> -> memref<50x32xf32, #tpu.memory_space<vmem>>
      %dma_wait3A_2431 = arith.constant 0 : i32
      %dma_wait3A_2432 = tpu.memref_slice %arg5[%add3A_2412, %dma_wait3A_2431] : memref<512x50xi32, #tpu.memory_space<vmem>> -> memref<1x50xi32, #tpu.memory_space<vmem>>
      %dma_wait3A_2433 = tpu.memref_squeeze %dma_wait3A_2432 : memref<1x50xi32, #tpu.memory_space<vmem>> -> memref<50xi32, #tpu.memory_space<vmem>>
      %dma_wait3A_2434 = arith.constant 0 : i32
      %dma_wait3A_2435 = arith.constant 0 : i32
      %dma_wait3A_2436 = tpu.memref_slice %arg3[%dma_wait3A_2434, %dma_wait3A_2435] : memref<1000000x32xf32, #tpu.memory_space<hbm>> -> memref<1000000x32xf32, #tpu.memory_space<hbm>>
      %dma_wait3A_2437 = tpu.memref_slice %arg7[%dma_wait3A_2415] : memref<8x!tpu.dma_semaphore, #tpu.memory_space<semaphore_mem>> -> memref<1x!tpu.dma_semaphore, #tpu.memory_space<semaphore_mem>>
      %dma_wait3A_2438 = tpu.memref_squeeze %dma_wait3A_2437 : memref<1x!tpu.dma_semaphore, #tpu.memory_space<semaphore_mem>> -> memref<!tpu.dma_semaphore, #tpu.memory_space<semaphore_mem>>
      tpu.wait_indirect_dma semaphore(%dma_wait3A_2438 : memref<!tpu.dma_semaphore, #tpu.memory_space<semaphore_mem>>) src(%dma_wait3A_2436 : memref<1000000x32xf32, #tpu.memory_space<hbm>>) dst(%dma_wait3A_2430 : memref<50x32xf32, #tpu.memory_space<vmem>>)
      %add3A_2439 = arith.addi %mul3A_2, %add3A_2412 : i32
      %dma_start3A_2440 = arith.constant 2 : i32
      %dma_start3A_2441 = arith.constant 2 : i32
      %dma_start3A_2442 = arith.constant 0 : i32
      %dma_start3A_2443 = arith.constant 0 : i32
      %dma_start3A_2444 = arith.constant 0 : i32
      %dma_start3A_2445 = arith.constant 0 : i32
      %dma_start3A_2446 = tpu.memref_slice %arg6[%dma_start3A_2440, %dma_start3A_2442, %dma_start3A_2443, %dma_start3A_2444, %dma_start3A_2445] : memref<8x2x1x50x32xf32, #tpu.memory_space<vmem>> -> memref<1x2x1x50x32xf32, #tpu.memory_space<vmem>>
      %dma_start3A_2447 = tpu.memref_squeeze %dma_start3A_2446 : memref<1x2x1x50x32xf32, #tpu.memory_space<vmem>> -> memref<2x1x50x32xf32, #tpu.memory_space<vmem>>
      %dma_start3A_2448 = arith.constant 0 : i32
      %dma_start3A_2449 = arith.constant 0 : i32
      %dma_start3A_2450 = arith.constant 0 : i32
      %dma_start3A_2451 = tpu.memref_slice %dma_start3A_2447[%select_n3A_2143, %dma_start3A_2448, %dma_start3A_2449, %dma_start3A_2450] : memref<2x1x50x32xf32, #tpu.memory_space<vmem>> -> memref<1x1x50x32xf32, #tpu.memory_space<vmem>>
      %dma_start3A_2452 = tpu.memref_squeeze %dma_start3A_2451 : memref<1x1x50x32xf32, #tpu.memory_space<vmem>> -> memref<1x50x32xf32, #tpu.memory_space<vmem>>
      %dma_start3A_2453 = arith.constant 0 : i32
      %dma_start3A_2454 = arith.constant 0 : i32
      %dma_start3A_2455 = tpu.memref_slice %arg4[%add3A_2439, %dma_start3A_2453, %dma_start3A_2454] : memref<16384x50x32xf32, #tpu.memory_space<hbm>> -> memref<1x50x32xf32, #tpu.memory_space<hbm>>
      %dma_start3A_2456 = tpu.memref_slice %arg8[%dma_start3A_2441] : memref<8x!tpu.dma_semaphore, #tpu.memory_space<semaphore_mem>> -> memref<1x!tpu.dma_semaphore, #tpu.memory_space<semaphore_mem>>
      %dma_start3A_2457 = tpu.memref_squeeze %dma_start3A_2456 : memref<1x!tpu.dma_semaphore, #tpu.memory_space<semaphore_mem>> -> memref<!tpu.dma_semaphore, #tpu.memory_space<semaphore_mem>>
      %dma_start3A_2458 = arith.constant 0 : i32
      %dma_start3A_2459 = arith.constant 0 : i32
      %dma_start3A_2460 = tpu.memref_slice %arg4[%add3A_2439, %dma_start3A_2458, %dma_start3A_2459] : memref<16384x50x32xf32, #tpu.memory_space<hbm>> -> memref<1x50x32xf32, #tpu.memory_space<hbm>>
      %dma_start3A_2461 = arith.constant 0 : i32
      %dma_start3A_2462 = arith.constant 0 : i32
      %dma_start3A_2463 = arith.constant 0 : i32
      %dma_start3A_2464 = arith.constant 0 : i32
      %dma_start3A_2465 = tpu.memref_slice %arg6[%dma_start3A_2440, %dma_start3A_2461, %dma_start3A_2462, %dma_start3A_2463, %dma_start3A_2464] : memref<8x2x1x50x32xf32, #tpu.memory_space<vmem>> -> memref<1x2x1x50x32xf32, #tpu.memory_space<vmem>>
      %dma_start3A_2466 = tpu.memref_squeeze %dma_start3A_2465 : memref<1x2x1x50x32xf32, #tpu.memory_space<vmem>> -> memref<2x1x50x32xf32, #tpu.memory_space<vmem>>
      %dma_start3A_2467 = arith.constant 0 : i32
      %dma_start3A_2468 = arith.constant 0 : i32
      %dma_start3A_2469 = arith.constant 0 : i32
      %dma_start3A_2470 = tpu.memref_slice %dma_start3A_2466[%select_n3A_2143, %dma_start3A_2467, %dma_start3A_2468, %dma_start3A_2469] : memref<2x1x50x32xf32, #tpu.memory_space<vmem>> -> memref<1x1x50x32xf32, #tpu.memory_space<vmem>>
      %dma_start3A_2471 = tpu.memref_squeeze %dma_start3A_2470 : memref<1x1x50x32xf32, #tpu.memory_space<vmem>> -> memref<1x50x32xf32, #tpu.memory_space<vmem>>
      tpu.enqueue_dma source(%dma_start3A_2471 : memref<1x50x32xf32, #tpu.memory_space<vmem>>) target(%dma_start3A_2460 : memref<1x50x32xf32, #tpu.memory_space<hbm>>) target_semaphore(%dma_start3A_2457 : memref<!tpu.dma_semaphore, #tpu.memory_space<semaphore_mem>>)
      %dma_wait3A_2472 = arith.constant 2 : i32
      %dma_wait3A_2473 = arith.constant 0 : i32
      %dma_wait3A_2474 = arith.constant 2 : i32
      %dma_wait3A_2475 = arith.constant 0 : i32
      %dma_wait3A_2476 = arith.constant 0 : i32
      %dma_wait3A_2477 = arith.constant 0 : i32
      %dma_wait3A_2478 = arith.constant 0 : i32
      %dma_wait3A_2479 = tpu.memref_slice %arg6[%dma_wait3A_2472, %dma_wait3A_2475, %dma_wait3A_2476, %dma_wait3A_2477, %dma_wait3A_2478] : memref<8x2x1x50x32xf32, #tpu.memory_space<vmem>> -> memref<1x2x1x50x32xf32, #tpu.memory_space<vmem>>
      %dma_wait3A_2480 = tpu.memref_squeeze %dma_wait3A_2479 : memref<1x2x1x50x32xf32, #tpu.memory_space<vmem>> -> memref<2x1x50x32xf32, #tpu.memory_space<vmem>>
      %dma_wait3A_2481 = arith.constant 0 : i32
      %dma_wait3A_2482 = arith.constant 0 : i32
      %dma_wait3A_2483 = arith.constant 0 : i32
      %dma_wait3A_2484 = tpu.memref_slice %dma_wait3A_2480[%sub3A_2144, %dma_wait3A_2481, %dma_wait3A_2482, %dma_wait3A_2483] : memref<2x1x50x32xf32, #tpu.memory_space<vmem>> -> memref<1x1x50x32xf32, #tpu.memory_space<vmem>>
      %dma_wait3A_2485 = tpu.memref_squeeze %dma_wait3A_2484 : memref<1x1x50x32xf32, #tpu.memory_space<vmem>> -> memref<1x50x32xf32, #tpu.memory_space<vmem>>
      %dma_wait3A_2486 = arith.constant 0 : i32
      %dma_wait3A_2487 = arith.constant 0 : i32
      %dma_wait3A_2488 = tpu.memref_slice %dma_wait3A_2485[%dma_wait3A_2473, %dma_wait3A_2486, %dma_wait3A_2487] : memref<1x50x32xf32, #tpu.memory_space<vmem>> -> memref<1x50x32xf32, #tpu.memory_space<vmem>>
      %dma_wait3A_2489 = tpu.memref_squeeze %dma_wait3A_2488 : memref<1x50x32xf32, #tpu.memory_space<vmem>> -> memref<50x32xf32, #tpu.memory_space<vmem>>
      %dma_wait3A_2490 = arith.constant 0 : i32
      %dma_wait3A_2491 = arith.constant 0 : i32
      %dma_wait3A_2492 = tpu.memref_slice %arg3[%dma_wait3A_2490, %dma_wait3A_2491] : memref<1000000x32xf32, #tpu.memory_space<hbm>> -> memref<50x32xf32, #tpu.memory_space<hbm>>
      %dma_wait3A_2493 = tpu.memref_slice %arg8[%dma_wait3A_2474] : memref<8x!tpu.dma_semaphore, #tpu.memory_space<semaphore_mem>> -> memref<1x!tpu.dma_semaphore, #tpu.memory_space<semaphore_mem>>
      %dma_wait3A_2494 = tpu.memref_squeeze %dma_wait3A_2493 : memref<1x!tpu.dma_semaphore, #tpu.memory_space<semaphore_mem>> -> memref<!tpu.dma_semaphore, #tpu.memory_space<semaphore_mem>>
      %dma_wait3A_2495 = arith.constant 0 : i32
      %dma_wait3A_2496 = arith.constant 0 : i32
      %dma_wait3A_2497 = arith.constant 0 : i32
      %dma_wait3A_2498 = arith.constant 0 : i32
      %dma_wait3A_2499 = tpu.memref_slice %arg6[%dma_wait3A_2472, %dma_wait3A_2495, %dma_wait3A_2496, %dma_wait3A_2497, %dma_wait3A_2498] : memref<8x2x1x50x32xf32, #tpu.memory_space<vmem>> -> memref<1x2x1x50x32xf32, #tpu.memory_space<vmem>>
      %dma_wait3A_2500 = tpu.memref_squeeze %dma_wait3A_2499 : memref<1x2x1x50x32xf32, #tpu.memory_space<vmem>> -> memref<2x1x50x32xf32, #tpu.memory_space<vmem>>
      %dma_wait3A_2501 = arith.constant 0 : i32
      %dma_wait3A_2502 = arith.constant 0 : i32
      %dma_wait3A_2503 = arith.constant 0 : i32
      %dma_wait3A_2504 = tpu.memref_slice %dma_wait3A_2500[%sub3A_2144, %dma_wait3A_2501, %dma_wait3A_2502, %dma_wait3A_2503] : memref<2x1x50x32xf32, #tpu.memory_space<vmem>> -> memref<1x1x50x32xf32, #tpu.memory_space<vmem>>
      %dma_wait3A_2505 = tpu.memref_squeeze %dma_wait3A_2504 : memref<1x1x50x32xf32, #tpu.memory_space<vmem>> -> memref<1x50x32xf32, #tpu.memory_space<vmem>>
      %dma_wait3A_2506 = arith.constant 0 : i32
      %dma_wait3A_2507 = arith.constant 0 : i32
      %dma_wait3A_2508 = tpu.memref_slice %dma_wait3A_2505[%dma_wait3A_2473, %dma_wait3A_2506, %dma_wait3A_2507] : memref<1x50x32xf32, #tpu.memory_space<vmem>> -> memref<1x50x32xf32, #tpu.memory_space<vmem>>
      %dma_wait3A_2509 = tpu.memref_squeeze %dma_wait3A_2508 : memref<1x50x32xf32, #tpu.memory_space<vmem>> -> memref<50x32xf32, #tpu.memory_space<vmem>>
      %dma_wait3A_2510 = arith.constant 0 : i32
      %dma_wait3A_2511 = arith.constant 0 : i32
      %dma_wait3A_2512 = tpu.memref_slice %arg3[%dma_wait3A_2510, %dma_wait3A_2511] : memref<1000000x32xf32, #tpu.memory_space<hbm>> -> memref<50x32xf32, #tpu.memory_space<hbm>>
      tpu.wait_dma2 semaphore(%dma_wait3A_2494 : memref<!tpu.dma_semaphore, #tpu.memory_space<semaphore_mem>>) src(%dma_wait3A_2512 : memref<50x32xf32, #tpu.memory_space<hbm>>) dst(%dma_wait3A_2509 : memref<50x32xf32, #tpu.memory_space<vmem>>)
      %add3A_2513 = arith.constant 8 : i32
      %add3A_2514 = arith.addi %add3A_2412, %add3A_2513 : i32
      %dma_start3A_2515 = arith.constant 2 : i32
      %dma_start3A_2516 = arith.constant 0 : i32
      %dma_start3A_2517 = arith.constant 2 : i32
      %dma_start3A_2518 = arith.constant 0 : i32
      %dma_start3A_2519 = arith.constant 0 : i32
      %dma_start3A_2520 = arith.constant 0 : i32
      %dma_start3A_2521 = arith.constant 0 : i32
      %dma_start3A_2522 = tpu.memref_slice %arg6[%dma_start3A_2515, %dma_start3A_2518, %dma_start3A_2519, %dma_start3A_2520, %dma_start3A_2521] : memref<8x2x1x50x32xf32, #tpu.memory_space<vmem>> -> memref<1x2x1x50x32xf32, #tpu.memory_space<vmem>>
      %dma_start3A_2523 = tpu.memref_squeeze %dma_start3A_2522 : memref<1x2x1x50x32xf32, #tpu.memory_space<vmem>> -> memref<2x1x50x32xf32, #tpu.memory_space<vmem>>
      %dma_start3A_2524 = arith.constant 0 : i32
      %dma_start3A_2525 = arith.constant 0 : i32
      %dma_start3A_2526 = arith.constant 0 : i32
      %dma_start3A_2527 = tpu.memref_slice %dma_start3A_2523[%sub3A_2144, %dma_start3A_2524, %dma_start3A_2525, %dma_start3A_2526] : memref<2x1x50x32xf32, #tpu.memory_space<vmem>> -> memref<1x1x50x32xf32, #tpu.memory_space<vmem>>
      %dma_start3A_2528 = tpu.memref_squeeze %dma_start3A_2527 : memref<1x1x50x32xf32, #tpu.memory_space<vmem>> -> memref<1x50x32xf32, #tpu.memory_space<vmem>>
      %dma_start3A_2529 = arith.constant 0 : i32
      %dma_start3A_2530 = arith.constant 0 : i32
      %dma_start3A_2531 = tpu.memref_slice %dma_start3A_2528[%dma_start3A_2516, %dma_start3A_2529, %dma_start3A_2530] : memref<1x50x32xf32, #tpu.memory_space<vmem>> -> memref<1x50x32xf32, #tpu.memory_space<vmem>>
      %dma_start3A_2532 = tpu.memref_squeeze %dma_start3A_2531 : memref<1x50x32xf32, #tpu.memory_space<vmem>> -> memref<50x32xf32, #tpu.memory_space<vmem>>
      %dma_start3A_2533 = arith.constant 0 : i32
      %dma_start3A_2534 = tpu.memref_slice %arg5[%add3A_2514, %dma_start3A_2533] : memref<512x50xi32, #tpu.memory_space<vmem>> -> memref<1x50xi32, #tpu.memory_space<vmem>>
      %dma_start3A_2535 = tpu.memref_squeeze %dma_start3A_2534 : memref<1x50xi32, #tpu.memory_space<vmem>> -> memref<50xi32, #tpu.memory_space<vmem>>
      %dma_start3A_2536 = arith.constant 0 : i32
      %dma_start3A_2537 = arith.constant 0 : i32
      %dma_start3A_2538 = tpu.memref_slice %arg3[%dma_start3A_2536, %dma_start3A_2537] : memref<1000000x32xf32, #tpu.memory_space<hbm>> -> memref<1000000x32xf32, #tpu.memory_space<hbm>>
      %dma_start3A_2539 = tpu.memref_slice %arg7[%dma_start3A_2517] : memref<8x!tpu.dma_semaphore, #tpu.memory_space<semaphore_mem>> -> memref<1x!tpu.dma_semaphore, #tpu.memory_space<semaphore_mem>>
      %dma_start3A_2540 = tpu.memref_squeeze %dma_start3A_2539 : memref<1x!tpu.dma_semaphore, #tpu.memory_space<semaphore_mem>> -> memref<!tpu.dma_semaphore, #tpu.memory_space<semaphore_mem>>
      tpu.enqueue_indirect_dma source(%dma_start3A_2538 : memref<1000000x32xf32, #tpu.memory_space<hbm>>) target(%dma_start3A_2532 : memref<50x32xf32, #tpu.memory_space<vmem>>) offsets(%dma_start3A_2535 : memref<50xi32, #tpu.memory_space<vmem>>) semaphore(%dma_start3A_2540 : memref<!tpu.dma_semaphore, #tpu.memory_space<semaphore_mem>>)
      %mul3A_2541 = arith.constant 8 : i32
      %mul3A_2542 = arith.muli %scan3A_2134, %mul3A_2541 : i32
      %add3A_2543 = arith.constant 3 : i32
      %add3A_2544 = arith.addi %mul3A_2542, %add3A_2543 : i32
      %dma_wait3A_2545 = arith.constant 3 : i32
      %dma_wait3A_2546 = arith.constant 0 : i32
      %dma_wait3A_2547 = arith.constant 3 : i32
      %dma_wait3A_2548 = arith.constant 0 : i32
      %dma_wait3A_2549 = arith.constant 0 : i32
      %dma_wait3A_2550 = arith.constant 0 : i32
      %dma_wait3A_2551 = arith.constant 0 : i32
      %dma_wait3A_2552 = tpu.memref_slice %arg6[%dma_wait3A_2545, %dma_wait3A_2548, %dma_wait3A_2549, %dma_wait3A_2550, %dma_wait3A_2551] : memref<8x2x1x50x32xf32, #tpu.memory_space<vmem>> -> memref<1x2x1x50x32xf32, #tpu.memory_space<vmem>>
      %dma_wait3A_2553 = tpu.memref_squeeze %dma_wait3A_2552 : memref<1x2x1x50x32xf32, #tpu.memory_space<vmem>> -> memref<2x1x50x32xf32, #tpu.memory_space<vmem>>
      %dma_wait3A_2554 = arith.constant 0 : i32
      %dma_wait3A_2555 = arith.constant 0 : i32
      %dma_wait3A_2556 = arith.constant 0 : i32
      %dma_wait3A_2557 = tpu.memref_slice %dma_wait3A_2553[%select_n3A_2143, %dma_wait3A_2554, %dma_wait3A_2555, %dma_wait3A_2556] : memref<2x1x50x32xf32, #tpu.memory_space<vmem>> -> memref<1x1x50x32xf32, #tpu.memory_space<vmem>>
      %dma_wait3A_2558 = tpu.memref_squeeze %dma_wait3A_2557 : memref<1x1x50x32xf32, #tpu.memory_space<vmem>> -> memref<1x50x32xf32, #tpu.memory_space<vmem>>
      %dma_wait3A_2559 = arith.constant 0 : i32
      %dma_wait3A_2560 = arith.constant 0 : i32
      %dma_wait3A_2561 = tpu.memref_slice %dma_wait3A_2558[%dma_wait3A_2546, %dma_wait3A_2559, %dma_wait3A_2560] : memref<1x50x32xf32, #tpu.memory_space<vmem>> -> memref<1x50x32xf32, #tpu.memory_space<vmem>>
      %dma_wait3A_2562 = tpu.memref_squeeze %dma_wait3A_2561 : memref<1x50x32xf32, #tpu.memory_space<vmem>> -> memref<50x32xf32, #tpu.memory_space<vmem>>
      %dma_wait3A_2563 = arith.constant 0 : i32
      %dma_wait3A_2564 = tpu.memref_slice %arg5[%add3A_2544, %dma_wait3A_2563] : memref<512x50xi32, #tpu.memory_space<vmem>> -> memref<1x50xi32, #tpu.memory_space<vmem>>
      %dma_wait3A_2565 = tpu.memref_squeeze %dma_wait3A_2564 : memref<1x50xi32, #tpu.memory_space<vmem>> -> memref<50xi32, #tpu.memory_space<vmem>>
      %dma_wait3A_2566 = arith.constant 0 : i32
      %dma_wait3A_2567 = arith.constant 0 : i32
      %dma_wait3A_2568 = tpu.memref_slice %arg3[%dma_wait3A_2566, %dma_wait3A_2567] : memref<1000000x32xf32, #tpu.memory_space<hbm>> -> memref<1000000x32xf32, #tpu.memory_space<hbm>>
      %dma_wait3A_2569 = tpu.memref_slice %arg7[%dma_wait3A_2547] : memref<8x!tpu.dma_semaphore, #tpu.memory_space<semaphore_mem>> -> memref<1x!tpu.dma_semaphore, #tpu.memory_space<semaphore_mem>>
      %dma_wait3A_2570 = tpu.memref_squeeze %dma_wait3A_2569 : memref<1x!tpu.dma_semaphore, #tpu.memory_space<semaphore_mem>> -> memref<!tpu.dma_semaphore, #tpu.memory_space<semaphore_mem>>
      tpu.wait_indirect_dma semaphore(%dma_wait3A_2570 : memref<!tpu.dma_semaphore, #tpu.memory_space<semaphore_mem>>) src(%dma_wait3A_2568 : memref<1000000x32xf32, #tpu.memory_space<hbm>>) dst(%dma_wait3A_2562 : memref<50x32xf32, #tpu.memory_space<vmem>>)
      %add3A_2571 = arith.addi %mul3A_2, %add3A_2544 : i32
      %dma_start3A_2572 = arith.constant 3 : i32
      %dma_start3A_2573 = arith.constant 3 : i32
      %dma_start3A_2574 = arith.constant 0 : i32
      %dma_start3A_2575 = arith.constant 0 : i32
      %dma_start3A_2576 = arith.constant 0 : i32
      %dma_start3A_2577 = arith.constant 0 : i32
      %dma_start3A_2578 = tpu.memref_slice %arg6[%dma_start3A_2572, %dma_start3A_2574, %dma_start3A_2575, %dma_start3A_2576, %dma_start3A_2577] : memref<8x2x1x50x32xf32, #tpu.memory_space<vmem>> -> memref<1x2x1x50x32xf32, #tpu.memory_space<vmem>>
      %dma_start3A_2579 = tpu.memref_squeeze %dma_start3A_2578 : memref<1x2x1x50x32xf32, #tpu.memory_space<vmem>> -> memref<2x1x50x32xf32, #tpu.memory_space<vmem>>
      %dma_start3A_2580 = arith.constant 0 : i32
      %dma_start3A_2581 = arith.constant 0 : i32
      %dma_start3A_2582 = arith.constant 0 : i32
      %dma_start3A_2583 = tpu.memref_slice %dma_start3A_2579[%select_n3A_2143, %dma_start3A_2580, %dma_start3A_2581, %dma_start3A_2582] : memref<2x1x50x32xf32, #tpu.memory_space<vmem>> -> memref<1x1x50x32xf32, #tpu.memory_space<vmem>>
      %dma_start3A_2584 = tpu.memref_squeeze %dma_start3A_2583 : memref<1x1x50x32xf32, #tpu.memory_space<vmem>> -> memref<1x50x32xf32, #tpu.memory_space<vmem>>
      %dma_start3A_2585 = arith.constant 0 : i32
      %dma_start3A_2586 = arith.constant 0 : i32
      %dma_start3A_2587 = tpu.memref_slice %arg4[%add3A_2571, %dma_start3A_2585, %dma_start3A_2586] : memref<16384x50x32xf32, #tpu.memory_space<hbm>> -> memref<1x50x32xf32, #tpu.memory_space<hbm>>
      %dma_start3A_2588 = tpu.memref_slice %arg8[%dma_start3A_2573] : memref<8x!tpu.dma_semaphore, #tpu.memory_space<semaphore_mem>> -> memref<1x!tpu.dma_semaphore, #tpu.memory_space<semaphore_mem>>
      %dma_start3A_2589 = tpu.memref_squeeze %dma_start3A_2588 : memref<1x!tpu.dma_semaphore, #tpu.memory_space<semaphore_mem>> -> memref<!tpu.dma_semaphore, #tpu.memory_space<semaphore_mem>>
      %dma_start3A_2590 = arith.constant 0 : i32
      %dma_start3A_2591 = arith.constant 0 : i32
      %dma_start3A_2592 = tpu.memref_slice %arg4[%add3A_2571, %dma_start3A_2590, %dma_start3A_2591] : memref<16384x50x32xf32, #tpu.memory_space<hbm>> -> memref<1x50x32xf32, #tpu.memory_space<hbm>>
      %dma_start3A_2593 = arith.constant 0 : i32
      %dma_start3A_2594 = arith.constant 0 : i32
      %dma_start3A_2595 = arith.constant 0 : i32
      %dma_start3A_2596 = arith.constant 0 : i32
      %dma_start3A_2597 = tpu.memref_slice %arg6[%dma_start3A_2572, %dma_start3A_2593, %dma_start3A_2594, %dma_start3A_2595, %dma_start3A_2596] : memref<8x2x1x50x32xf32, #tpu.memory_space<vmem>> -> memref<1x2x1x50x32xf32, #tpu.memory_space<vmem>>
      %dma_start3A_2598 = tpu.memref_squeeze %dma_start3A_2597 : memref<1x2x1x50x32xf32, #tpu.memory_space<vmem>> -> memref<2x1x50x32xf32, #tpu.memory_space<vmem>>
      %dma_start3A_2599 = arith.constant 0 : i32
      %dma_start3A_2600 = arith.constant 0 : i32
      %dma_start3A_2601 = arith.constant 0 : i32
      %dma_start3A_2602 = tpu.memref_slice %dma_start3A_2598[%select_n3A_2143, %dma_start3A_2599, %dma_start3A_2600, %dma_start3A_2601] : memref<2x1x50x32xf32, #tpu.memory_space<vmem>> -> memref<1x1x50x32xf32, #tpu.memory_space<vmem>>
      %dma_start3A_2603 = tpu.memref_squeeze %dma_start3A_2602 : memref<1x1x50x32xf32, #tpu.memory_space<vmem>> -> memref<1x50x32xf32, #tpu.memory_space<vmem>>
      tpu.enqueue_dma source(%dma_start3A_2603 : memref<1x50x32xf32, #tpu.memory_space<vmem>>) target(%dma_start3A_2592 : memref<1x50x32xf32, #tpu.memory_space<hbm>>) target_semaphore(%dma_start3A_2589 : memref<!tpu.dma_semaphore, #tpu.memory_space<semaphore_mem>>)
      %dma_wait3A_2604 = arith.constant 3 : i32
      %dma_wait3A_2605 = arith.constant 0 : i32
      %dma_wait3A_2606 = arith.constant 3 : i32
      %dma_wait3A_2607 = arith.constant 0 : i32
      %dma_wait3A_2608 = arith.constant 0 : i32
      %dma_wait3A_2609 = arith.constant 0 : i32
      %dma_wait3A_2610 = arith.constant 0 : i32
      %dma_wait3A_2611 = tpu.memref_slice %arg6[%dma_wait3A_2604, %dma_wait3A_2607, %dma_wait3A_2608, %dma_wait3A_2609, %dma_wait3A_2610] : memref<8x2x1x50x32xf32, #tpu.memory_space<vmem>> -> memref<1x2x1x50x32xf32, #tpu.memory_space<vmem>>
      %dma_wait3A_2612 = tpu.memref_squeeze %dma_wait3A_2611 : memref<1x2x1x50x32xf32, #tpu.memory_space<vmem>> -> memref<2x1x50x32xf32, #tpu.memory_space<vmem>>
      %dma_wait3A_2613 = arith.constant 0 : i32
      %dma_wait3A_2614 = arith.constant 0 : i32
      %dma_wait3A_2615 = arith.constant 0 : i32
      %dma_wait3A_2616 = tpu.memref_slice %dma_wait3A_2612[%sub3A_2144, %dma_wait3A_2613, %dma_wait3A_2614, %dma_wait3A_2615] : memref<2x1x50x32xf32, #tpu.memory_space<vmem>> -> memref<1x1x50x32xf32, #tpu.memory_space<vmem>>
      %dma_wait3A_2617 = tpu.memref_squeeze %dma_wait3A_2616 : memref<1x1x50x32xf32, #tpu.memory_space<vmem>> -> memref<1x50x32xf32, #tpu.memory_space<vmem>>
      %dma_wait3A_2618 = arith.constant 0 : i32
      %dma_wait3A_2619 = arith.constant 0 : i32
      %dma_wait3A_2620 = tpu.memref_slice %dma_wait3A_2617[%dma_wait3A_2605, %dma_wait3A_2618, %dma_wait3A_2619] : memref<1x50x32xf32, #tpu.memory_space<vmem>> -> memref<1x50x32xf32, #tpu.memory_space<vmem>>
      %dma_wait3A_2621 = tpu.memref_squeeze %dma_wait3A_2620 : memref<1x50x32xf32, #tpu.memory_space<vmem>> -> memref<50x32xf32, #tpu.memory_space<vmem>>
      %dma_wait3A_2622 = arith.constant 0 : i32
      %dma_wait3A_2623 = arith.constant 0 : i32
      %dma_wait3A_2624 = tpu.memref_slice %arg3[%dma_wait3A_2622, %dma_wait3A_2623] : memref<1000000x32xf32, #tpu.memory_space<hbm>> -> memref<50x32xf32, #tpu.memory_space<hbm>>
      %dma_wait3A_2625 = tpu.memref_slice %arg8[%dma_wait3A_2606] : memref<8x!tpu.dma_semaphore, #tpu.memory_space<semaphore_mem>> -> memref<1x!tpu.dma_semaphore, #tpu.memory_space<semaphore_mem>>
      %dma_wait3A_2626 = tpu.memref_squeeze %dma_wait3A_2625 : memref<1x!tpu.dma_semaphore, #tpu.memory_space<semaphore_mem>> -> memref<!tpu.dma_semaphore, #tpu.memory_space<semaphore_mem>>
      %dma_wait3A_2627 = arith.constant 0 : i32
      %dma_wait3A_2628 = arith.constant 0 : i32
      %dma_wait3A_2629 = arith.constant 0 : i32
      %dma_wait3A_2630 = arith.constant 0 : i32
      %dma_wait3A_2631 = tpu.memref_slice %arg6[%dma_wait3A_2604, %dma_wait3A_2627, %dma_wait3A_2628, %dma_wait3A_2629, %dma_wait3A_2630] : memref<8x2x1x50x32xf32, #tpu.memory_space<vmem>> -> memref<1x2x1x50x32xf32, #tpu.memory_space<vmem>>
      %dma_wait3A_2632 = tpu.memref_squeeze %dma_wait3A_2631 : memref<1x2x1x50x32xf32, #tpu.memory_space<vmem>> -> memref<2x1x50x32xf32, #tpu.memory_space<vmem>>
      %dma_wait3A_2633 = arith.constant 0 : i32
      %dma_wait3A_2634 = arith.constant 0 : i32
      %dma_wait3A_2635 = arith.constant 0 : i32
      %dma_wait3A_2636 = tpu.memref_slice %dma_wait3A_2632[%sub3A_2144, %dma_wait3A_2633, %dma_wait3A_2634, %dma_wait3A_2635] : memref<2x1x50x32xf32, #tpu.memory_space<vmem>> -> memref<1x1x50x32xf32, #tpu.memory_space<vmem>>
      %dma_wait3A_2637 = tpu.memref_squeeze %dma_wait3A_2636 : memref<1x1x50x32xf32, #tpu.memory_space<vmem>> -> memref<1x50x32xf32, #tpu.memory_space<vmem>>
      %dma_wait3A_2638 = arith.constant 0 : i32
      %dma_wait3A_2639 = arith.constant 0 : i32
      %dma_wait3A_2640 = tpu.memref_slice %dma_wait3A_2637[%dma_wait3A_2605, %dma_wait3A_2638, %dma_wait3A_2639] : memref<1x50x32xf32, #tpu.memory_space<vmem>> -> memref<1x50x32xf32, #tpu.memory_space<vmem>>
      %dma_wait3A_2641 = tpu.memref_squeeze %dma_wait3A_2640 : memref<1x50x32xf32, #tpu.memory_space<vmem>> -> memref<50x32xf32, #tpu.memory_space<vmem>>
      %dma_wait3A_2642 = arith.constant 0 : i32
      %dma_wait3A_2643 = arith.constant 0 : i32
      %dma_wait3A_2644 = tpu.memref_slice %arg3[%dma_wait3A_2642, %dma_wait3A_2643] : memref<1000000x32xf32, #tpu.memory_space<hbm>> -> memref<50x32xf32, #tpu.memory_space<hbm>>
      tpu.wait_dma2 semaphore(%dma_wait3A_2626 : memref<!tpu.dma_semaphore, #tpu.memory_space<semaphore_mem>>) src(%dma_wait3A_2644 : memref<50x32xf32, #tpu.memory_space<hbm>>) dst(%dma_wait3A_2641 : memref<50x32xf32, #tpu.memory_space<vmem>>)
      %add3A_2645 = arith.constant 8 : i32
      %add3A_2646 = arith.addi %add3A_2544, %add3A_2645 : i32
      %dma_start3A_2647 = arith.constant 3 : i32
      %dma_start3A_2648 = arith.constant 0 : i32
      %dma_start3A_2649 = arith.constant 3 : i32
      %dma_start3A_2650 = arith.constant 0 : i32
      %dma_start3A_2651 = arith.constant 0 : i32
      %dma_start3A_2652 = arith.constant 0 : i32
      %dma_start3A_2653 = arith.constant 0 : i32
      %dma_start3A_2654 = tpu.memref_slice %arg6[%dma_start3A_2647, %dma_start3A_2650, %dma_start3A_2651, %dma_start3A_2652, %dma_start3A_2653] : memref<8x2x1x50x32xf32, #tpu.memory_space<vmem>> -> memref<1x2x1x50x32xf32, #tpu.memory_space<vmem>>
      %dma_start3A_2655 = tpu.memref_squeeze %dma_start3A_2654 : memref<1x2x1x50x32xf32, #tpu.memory_space<vmem>> -> memref<2x1x50x32xf32, #tpu.memory_space<vmem>>
      %dma_start3A_2656 = arith.constant 0 : i32
      %dma_start3A_2657 = arith.constant 0 : i32
      %dma_start3A_2658 = arith.constant 0 : i32
      %dma_start3A_2659 = tpu.memref_slice %dma_start3A_2655[%sub3A_2144, %dma_start3A_2656, %dma_start3A_2657, %dma_start3A_2658] : memref<2x1x50x32xf32, #tpu.memory_space<vmem>> -> memref<1x1x50x32xf32, #tpu.memory_space<vmem>>
      %dma_start3A_2660 = tpu.memref_squeeze %dma_start3A_2659 : memref<1x1x50x32xf32, #tpu.memory_space<vmem>> -> memref<1x50x32xf32, #tpu.memory_space<vmem>>
      %dma_start3A_2661 = arith.constant 0 : i32
      %dma_start3A_2662 = arith.constant 0 : i32
      %dma_start3A_2663 = tpu.memref_slice %dma_start3A_2660[%dma_start3A_2648, %dma_start3A_2661, %dma_start3A_2662] : memref<1x50x32xf32, #tpu.memory_space<vmem>> -> memref<1x50x32xf32, #tpu.memory_space<vmem>>
      %dma_start3A_2664 = tpu.memref_squeeze %dma_start3A_2663 : memref<1x50x32xf32, #tpu.memory_space<vmem>> -> memref<50x32xf32, #tpu.memory_space<vmem>>
      %dma_start3A_2665 = arith.constant 0 : i32
      %dma_start3A_2666 = tpu.memref_slice %arg5[%add3A_2646, %dma_start3A_2665] : memref<512x50xi32, #tpu.memory_space<vmem>> -> memref<1x50xi32, #tpu.memory_space<vmem>>
      %dma_start3A_2667 = tpu.memref_squeeze %dma_start3A_2666 : memref<1x50xi32, #tpu.memory_space<vmem>> -> memref<50xi32, #tpu.memory_space<vmem>>
      %dma_start3A_2668 = arith.constant 0 : i32
      %dma_start3A_2669 = arith.constant 0 : i32
      %dma_start3A_2670 = tpu.memref_slice %arg3[%dma_start3A_2668, %dma_start3A_2669] : memref<1000000x32xf32, #tpu.memory_space<hbm>> -> memref<1000000x32xf32, #tpu.memory_space<hbm>>
      %dma_start3A_2671 = tpu.memref_slice %arg7[%dma_start3A_2649] : memref<8x!tpu.dma_semaphore, #tpu.memory_space<semaphore_mem>> -> memref<1x!tpu.dma_semaphore, #tpu.memory_space<semaphore_mem>>
      %dma_start3A_2672 = tpu.memref_squeeze %dma_start3A_2671 : memref<1x!tpu.dma_semaphore, #tpu.memory_space<semaphore_mem>> -> memref<!tpu.dma_semaphore, #tpu.memory_space<semaphore_mem>>
      tpu.enqueue_indirect_dma source(%dma_start3A_2670 : memref<1000000x32xf32, #tpu.memory_space<hbm>>) target(%dma_start3A_2664 : memref<50x32xf32, #tpu.memory_space<vmem>>) offsets(%dma_start3A_2667 : memref<50xi32, #tpu.memory_space<vmem>>) semaphore(%dma_start3A_2672 : memref<!tpu.dma_semaphore, #tpu.memory_space<semaphore_mem>>)
      %mul3A_2673 = arith.constant 8 : i32
      %mul3A_2674 = arith.muli %scan3A_2134, %mul3A_2673 : i32
      %add3A_2675 = arith.constant 4 : i32
      %add3A_2676 = arith.addi %mul3A_2674, %add3A_2675 : i32
      %dma_wait3A_2677 = arith.constant 4 : i32
      %dma_wait3A_2678 = arith.constant 0 : i32
      %dma_wait3A_2679 = arith.constant 4 : i32
      %dma_wait3A_2680 = arith.constant 0 : i32
      %dma_wait3A_2681 = arith.constant 0 : i32
      %dma_wait3A_2682 = arith.constant 0 : i32
      %dma_wait3A_2683 = arith.constant 0 : i32
      %dma_wait3A_2684 = tpu.memref_slice %arg6[%dma_wait3A_2677, %dma_wait3A_2680, %dma_wait3A_2681, %dma_wait3A_2682, %dma_wait3A_2683] : memref<8x2x1x50x32xf32, #tpu.memory_space<vmem>> -> memref<1x2x1x50x32xf32, #tpu.memory_space<vmem>>
      %dma_wait3A_2685 = tpu.memref_squeeze %dma_wait3A_2684 : memref<1x2x1x50x32xf32, #tpu.memory_space<vmem>> -> memref<2x1x50x32xf32, #tpu.memory_space<vmem>>
      %dma_wait3A_2686 = arith.constant 0 : i32
      %dma_wait3A_2687 = arith.constant 0 : i32
      %dma_wait3A_2688 = arith.constant 0 : i32
      %dma_wait3A_2689 = tpu.memref_slice %dma_wait3A_2685[%select_n3A_2143, %dma_wait3A_2686, %dma_wait3A_2687, %dma_wait3A_2688] : memref<2x1x50x32xf32, #tpu.memory_space<vmem>> -> memref<1x1x50x32xf32, #tpu.memory_space<vmem>>
      %dma_wait3A_2690 = tpu.memref_squeeze %dma_wait3A_2689 : memref<1x1x50x32xf32, #tpu.memory_space<vmem>> -> memref<1x50x32xf32, #tpu.memory_space<vmem>>
      %dma_wait3A_2691 = arith.constant 0 : i32
      %dma_wait3A_2692 = arith.constant 0 : i32
      %dma_wait3A_2693 = tpu.memref_slice %dma_wait3A_2690[%dma_wait3A_2678, %dma_wait3A_2691, %dma_wait3A_2692] : memref<1x50x32xf32, #tpu.memory_space<vmem>> -> memref<1x50x32xf32, #tpu.memory_space<vmem>>
      %dma_wait3A_2694 = tpu.memref_squeeze %dma_wait3A_2693 : memref<1x50x32xf32, #tpu.memory_space<vmem>> -> memref<50x32xf32, #tpu.memory_space<vmem>>
      %dma_wait3A_2695 = arith.constant 0 : i32
      %dma_wait3A_2696 = tpu.memref_slice %arg5[%add3A_2676, %dma_wait3A_2695] : memref<512x50xi32, #tpu.memory_space<vmem>> -> memref<1x50xi32, #tpu.memory_space<vmem>>
      %dma_wait3A_2697 = tpu.memref_squeeze %dma_wait3A_2696 : memref<1x50xi32, #tpu.memory_space<vmem>> -> memref<50xi32, #tpu.memory_space<vmem>>
      %dma_wait3A_2698 = arith.constant 0 : i32
      %dma_wait3A_2699 = arith.constant 0 : i32
      %dma_wait3A_2700 = tpu.memref_slice %arg3[%dma_wait3A_2698, %dma_wait3A_2699] : memref<1000000x32xf32, #tpu.memory_space<hbm>> -> memref<1000000x32xf32, #tpu.memory_space<hbm>>
      %dma_wait3A_2701 = tpu.memref_slice %arg7[%dma_wait3A_2679] : memref<8x!tpu.dma_semaphore, #tpu.memory_space<semaphore_mem>> -> memref<1x!tpu.dma_semaphore, #tpu.memory_space<semaphore_mem>>
      %dma_wait3A_2702 = tpu.memref_squeeze %dma_wait3A_2701 : memref<1x!tpu.dma_semaphore, #tpu.memory_space<semaphore_mem>> -> memref<!tpu.dma_semaphore, #tpu.memory_space<semaphore_mem>>
      tpu.wait_indirect_dma semaphore(%dma_wait3A_2702 : memref<!tpu.dma_semaphore, #tpu.memory_space<semaphore_mem>>) src(%dma_wait3A_2700 : memref<1000000x32xf32, #tpu.memory_space<hbm>>) dst(%dma_wait3A_2694 : memref<50x32xf32, #tpu.memory_space<vmem>>)
      %add3A_2703 = arith.addi %mul3A_2, %add3A_2676 : i32
      %dma_start3A_2704 = arith.constant 4 : i32
      %dma_start3A_2705 = arith.constant 4 : i32
      %dma_start3A_2706 = arith.constant 0 : i32
      %dma_start3A_2707 = arith.constant 0 : i32
      %dma_start3A_2708 = arith.constant 0 : i32
      %dma_start3A_2709 = arith.constant 0 : i32
      %dma_start3A_2710 = tpu.memref_slice %arg6[%dma_start3A_2704, %dma_start3A_2706, %dma_start3A_2707, %dma_start3A_2708, %dma_start3A_2709] : memref<8x2x1x50x32xf32, #tpu.memory_space<vmem>> -> memref<1x2x1x50x32xf32, #tpu.memory_space<vmem>>
      %dma_start3A_2711 = tpu.memref_squeeze %dma_start3A_2710 : memref<1x2x1x50x32xf32, #tpu.memory_space<vmem>> -> memref<2x1x50x32xf32, #tpu.memory_space<vmem>>
      %dma_start3A_2712 = arith.constant 0 : i32
      %dma_start3A_2713 = arith.constant 0 : i32
      %dma_start3A_2714 = arith.constant 0 : i32
      %dma_start3A_2715 = tpu.memref_slice %dma_start3A_2711[%select_n3A_2143, %dma_start3A_2712, %dma_start3A_2713, %dma_start3A_2714] : memref<2x1x50x32xf32, #tpu.memory_space<vmem>> -> memref<1x1x50x32xf32, #tpu.memory_space<vmem>>
      %dma_start3A_2716 = tpu.memref_squeeze %dma_start3A_2715 : memref<1x1x50x32xf32, #tpu.memory_space<vmem>> -> memref<1x50x32xf32, #tpu.memory_space<vmem>>
      %dma_start3A_2717 = arith.constant 0 : i32
      %dma_start3A_2718 = arith.constant 0 : i32
      %dma_start3A_2719 = tpu.memref_slice %arg4[%add3A_2703, %dma_start3A_2717, %dma_start3A_2718] : memref<16384x50x32xf32, #tpu.memory_space<hbm>> -> memref<1x50x32xf32, #tpu.memory_space<hbm>>
      %dma_start3A_2720 = tpu.memref_slice %arg8[%dma_start3A_2705] : memref<8x!tpu.dma_semaphore, #tpu.memory_space<semaphore_mem>> -> memref<1x!tpu.dma_semaphore, #tpu.memory_space<semaphore_mem>>
      %dma_start3A_2721 = tpu.memref_squeeze %dma_start3A_2720 : memref<1x!tpu.dma_semaphore, #tpu.memory_space<semaphore_mem>> -> memref<!tpu.dma_semaphore, #tpu.memory_space<semaphore_mem>>
      %dma_start3A_2722 = arith.constant 0 : i32
      %dma_start3A_2723 = arith.constant 0 : i32
      %dma_start3A_2724 = tpu.memref_slice %arg4[%add3A_2703, %dma_start3A_2722, %dma_start3A_2723] : memref<16384x50x32xf32, #tpu.memory_space<hbm>> -> memref<1x50x32xf32, #tpu.memory_space<hbm>>
      %dma_start3A_2725 = arith.constant 0 : i32
      %dma_start3A_2726 = arith.constant 0 : i32
      %dma_start3A_2727 = arith.constant 0 : i32
      %dma_start3A_2728 = arith.constant 0 : i32
      %dma_start3A_2729 = tpu.memref_slice %arg6[%dma_start3A_2704, %dma_start3A_2725, %dma_start3A_2726, %dma_start3A_2727, %dma_start3A_2728] : memref<8x2x1x50x32xf32, #tpu.memory_space<vmem>> -> memref<1x2x1x50x32xf32, #tpu.memory_space<vmem>>
      %dma_start3A_2730 = tpu.memref_squeeze %dma_start3A_2729 : memref<1x2x1x50x32xf32, #tpu.memory_space<vmem>> -> memref<2x1x50x32xf32, #tpu.memory_space<vmem>>
      %dma_start3A_2731 = arith.constant 0 : i32
      %dma_start3A_2732 = arith.constant 0 : i32
      %dma_start3A_2733 = arith.constant 0 : i32
      %dma_start3A_2734 = tpu.memref_slice %dma_start3A_2730[%select_n3A_2143, %dma_start3A_2731, %dma_start3A_2732, %dma_start3A_2733] : memref<2x1x50x32xf32, #tpu.memory_space<vmem>> -> memref<1x1x50x32xf32, #tpu.memory_space<vmem>>
      %dma_start3A_2735 = tpu.memref_squeeze %dma_start3A_2734 : memref<1x1x50x32xf32, #tpu.memory_space<vmem>> -> memref<1x50x32xf32, #tpu.memory_space<vmem>>
      tpu.enqueue_dma source(%dma_start3A_2735 : memref<1x50x32xf32, #tpu.memory_space<vmem>>) target(%dma_start3A_2724 : memref<1x50x32xf32, #tpu.memory_space<hbm>>) target_semaphore(%dma_start3A_2721 : memref<!tpu.dma_semaphore, #tpu.memory_space<semaphore_mem>>)
      %dma_wait3A_2736 = arith.constant 4 : i32
      %dma_wait3A_2737 = arith.constant 0 : i32
      %dma_wait3A_2738 = arith.constant 4 : i32
      %dma_wait3A_2739 = arith.constant 0 : i32
      %dma_wait3A_2740 = arith.constant 0 : i32
      %dma_wait3A_2741 = arith.constant 0 : i32
      %dma_wait3A_2742 = arith.constant 0 : i32
      %dma_wait3A_2743 = tpu.memref_slice %arg6[%dma_wait3A_2736, %dma_wait3A_2739, %dma_wait3A_2740, %dma_wait3A_2741, %dma_wait3A_2742] : memref<8x2x1x50x32xf32, #tpu.memory_space<vmem>> -> memref<1x2x1x50x32xf32, #tpu.memory_space<vmem>>
      %dma_wait3A_2744 = tpu.memref_squeeze %dma_wait3A_2743 : memref<1x2x1x50x32xf32, #tpu.memory_space<vmem>> -> memref<2x1x50x32xf32, #tpu.memory_space<vmem>>
      %dma_wait3A_2745 = arith.constant 0 : i32
      %dma_wait3A_2746 = arith.constant 0 : i32
      %dma_wait3A_2747 = arith.constant 0 : i32
      %dma_wait3A_2748 = tpu.memref_slice %dma_wait3A_2744[%sub3A_2144, %dma_wait3A_2745, %dma_wait3A_2746, %dma_wait3A_2747] : memref<2x1x50x32xf32, #tpu.memory_space<vmem>> -> memref<1x1x50x32xf32, #tpu.memory_space<vmem>>
      %dma_wait3A_2749 = tpu.memref_squeeze %dma_wait3A_2748 : memref<1x1x50x32xf32, #tpu.memory_space<vmem>> -> memref<1x50x32xf32, #tpu.memory_space<vmem>>
      %dma_wait3A_2750 = arith.constant 0 : i32
      %dma_wait3A_2751 = arith.constant 0 : i32
      %dma_wait3A_2752 = tpu.memref_slice %dma_wait3A_2749[%dma_wait3A_2737, %dma_wait3A_2750, %dma_wait3A_2751] : memref<1x50x32xf32, #tpu.memory_space<vmem>> -> memref<1x50x32xf32, #tpu.memory_space<vmem>>
      %dma_wait3A_2753 = tpu.memref_squeeze %dma_wait3A_2752 : memref<1x50x32xf32, #tpu.memory_space<vmem>> -> memref<50x32xf32, #tpu.memory_space<vmem>>
      %dma_wait3A_2754 = arith.constant 0 : i32
      %dma_wait3A_2755 = arith.constant 0 : i32
      %dma_wait3A_2756 = tpu.memref_slice %arg3[%dma_wait3A_2754, %dma_wait3A_2755] : memref<1000000x32xf32, #tpu.memory_space<hbm>> -> memref<50x32xf32, #tpu.memory_space<hbm>>
      %dma_wait3A_2757 = tpu.memref_slice %arg8[%dma_wait3A_2738] : memref<8x!tpu.dma_semaphore, #tpu.memory_space<semaphore_mem>> -> memref<1x!tpu.dma_semaphore, #tpu.memory_space<semaphore_mem>>
      %dma_wait3A_2758 = tpu.memref_squeeze %dma_wait3A_2757 : memref<1x!tpu.dma_semaphore, #tpu.memory_space<semaphore_mem>> -> memref<!tpu.dma_semaphore, #tpu.memory_space<semaphore_mem>>
      %dma_wait3A_2759 = arith.constant 0 : i32
      %dma_wait3A_2760 = arith.constant 0 : i32
      %dma_wait3A_2761 = arith.constant 0 : i32
      %dma_wait3A_2762 = arith.constant 0 : i32
      %dma_wait3A_2763 = tpu.memref_slice %arg6[%dma_wait3A_2736, %dma_wait3A_2759, %dma_wait3A_2760, %dma_wait3A_2761, %dma_wait3A_2762] : memref<8x2x1x50x32xf32, #tpu.memory_space<vmem>> -> memref<1x2x1x50x32xf32, #tpu.memory_space<vmem>>
      %dma_wait3A_2764 = tpu.memref_squeeze %dma_wait3A_2763 : memref<1x2x1x50x32xf32, #tpu.memory_space<vmem>> -> memref<2x1x50x32xf32, #tpu.memory_space<vmem>>
      %dma_wait3A_2765 = arith.constant 0 : i32
      %dma_wait3A_2766 = arith.constant 0 : i32
      %dma_wait3A_2767 = arith.constant 0 : i32
      %dma_wait3A_2768 = tpu.memref_slice %dma_wait3A_2764[%sub3A_2144, %dma_wait3A_2765, %dma_wait3A_2766, %dma_wait3A_2767] : memref<2x1x50x32xf32, #tpu.memory_space<vmem>> -> memref<1x1x50x32xf32, #tpu.memory_space<vmem>>
      %dma_wait3A_2769 = tpu.memref_squeeze %dma_wait3A_2768 : memref<1x1x50x32xf32, #tpu.memory_space<vmem>> -> memref<1x50x32xf32, #tpu.memory_space<vmem>>
      %dma_wait3A_2770 = arith.constant 0 : i32
      %dma_wait3A_2771 = arith.constant 0 : i32
      %dma_wait3A_2772 = tpu.memref_slice %dma_wait3A_2769[%dma_wait3A_2737, %dma_wait3A_2770, %dma_wait3A_2771] : memref<1x50x32xf32, #tpu.memory_space<vmem>> -> memref<1x50x32xf32, #tpu.memory_space<vmem>>
      %dma_wait3A_2773 = tpu.memref_squeeze %dma_wait3A_2772 : memref<1x50x32xf32, #tpu.memory_space<vmem>> -> memref<50x32xf32, #tpu.memory_space<vmem>>
      %dma_wait3A_2774 = arith.constant 0 : i32
      %dma_wait3A_2775 = arith.constant 0 : i32
      %dma_wait3A_2776 = tpu.memref_slice %arg3[%dma_wait3A_2774, %dma_wait3A_2775] : memref<1000000x32xf32, #tpu.memory_space<hbm>> -> memref<50x32xf32, #tpu.memory_space<hbm>>
      tpu.wait_dma2 semaphore(%dma_wait3A_2758 : memref<!tpu.dma_semaphore, #tpu.memory_space<semaphore_mem>>) src(%dma_wait3A_2776 : memref<50x32xf32, #tpu.memory_space<hbm>>) dst(%dma_wait3A_2773 : memref<50x32xf32, #tpu.memory_space<vmem>>)
      %add3A_2777 = arith.constant 8 : i32
      %add3A_2778 = arith.addi %add3A_2676, %add3A_2777 : i32
      %dma_start3A_2779 = arith.constant 4 : i32
      %dma_start3A_2780 = arith.constant 0 : i32
      %dma_start3A_2781 = arith.constant 4 : i32
      %dma_start3A_2782 = arith.constant 0 : i32
      %dma_start3A_2783 = arith.constant 0 : i32
      %dma_start3A_2784 = arith.constant 0 : i32
      %dma_start3A_2785 = arith.constant 0 : i32
      %dma_start3A_2786 = tpu.memref_slice %arg6[%dma_start3A_2779, %dma_start3A_2782, %dma_start3A_2783, %dma_start3A_2784, %dma_start3A_2785] : memref<8x2x1x50x32xf32, #tpu.memory_space<vmem>> -> memref<1x2x1x50x32xf32, #tpu.memory_space<vmem>>
      %dma_start3A_2787 = tpu.memref_squeeze %dma_start3A_2786 : memref<1x2x1x50x32xf32, #tpu.memory_space<vmem>> -> memref<2x1x50x32xf32, #tpu.memory_space<vmem>>
      %dma_start3A_2788 = arith.constant 0 : i32
      %dma_start3A_2789 = arith.constant 0 : i32
      %dma_start3A_2790 = arith.constant 0 : i32
      %dma_start3A_2791 = tpu.memref_slice %dma_start3A_2787[%sub3A_2144, %dma_start3A_2788, %dma_start3A_2789, %dma_start3A_2790] : memref<2x1x50x32xf32, #tpu.memory_space<vmem>> -> memref<1x1x50x32xf32, #tpu.memory_space<vmem>>
      %dma_start3A_2792 = tpu.memref_squeeze %dma_start3A_2791 : memref<1x1x50x32xf32, #tpu.memory_space<vmem>> -> memref<1x50x32xf32, #tpu.memory_space<vmem>>
      %dma_start3A_2793 = arith.constant 0 : i32
      %dma_start3A_2794 = arith.constant 0 : i32
      %dma_start3A_2795 = tpu.memref_slice %dma_start3A_2792[%dma_start3A_2780, %dma_start3A_2793, %dma_start3A_2794] : memref<1x50x32xf32, #tpu.memory_space<vmem>> -> memref<1x50x32xf32, #tpu.memory_space<vmem>>
      %dma_start3A_2796 = tpu.memref_squeeze %dma_start3A_2795 : memref<1x50x32xf32, #tpu.memory_space<vmem>> -> memref<50x32xf32, #tpu.memory_space<vmem>>
      %dma_start3A_2797 = arith.constant 0 : i32
      %dma_start3A_2798 = tpu.memref_slice %arg5[%add3A_2778, %dma_start3A_2797] : memref<512x50xi32, #tpu.memory_space<vmem>> -> memref<1x50xi32, #tpu.memory_space<vmem>>
      %dma_start3A_2799 = tpu.memref_squeeze %dma_start3A_2798 : memref<1x50xi32, #tpu.memory_space<vmem>> -> memref<50xi32, #tpu.memory_space<vmem>>
      %dma_start3A_2800 = arith.constant 0 : i32
      %dma_start3A_2801 = arith.constant 0 : i32
      %dma_start3A_2802 = tpu.memref_slice %arg3[%dma_start3A_2800, %dma_start3A_2801] : memref<1000000x32xf32, #tpu.memory_space<hbm>> -> memref<1000000x32xf32, #tpu.memory_space<hbm>>
      %dma_start3A_2803 = tpu.memref_slice %arg7[%dma_start3A_2781] : memref<8x!tpu.dma_semaphore, #tpu.memory_space<semaphore_mem>> -> memref<1x!tpu.dma_semaphore, #tpu.memory_space<semaphore_mem>>
      %dma_start3A_2804 = tpu.memref_squeeze %dma_start3A_2803 : memref<1x!tpu.dma_semaphore, #tpu.memory_space<semaphore_mem>> -> memref<!tpu.dma_semaphore, #tpu.memory_space<semaphore_mem>>
      tpu.enqueue_indirect_dma source(%dma_start3A_2802 : memref<1000000x32xf32, #tpu.memory_space<hbm>>) target(%dma_start3A_2796 : memref<50x32xf32, #tpu.memory_space<vmem>>) offsets(%dma_start3A_2799 : memref<50xi32, #tpu.memory_space<vmem>>) semaphore(%dma_start3A_2804 : memref<!tpu.dma_semaphore, #tpu.memory_space<semaphore_mem>>)
      %mul3A_2805 = arith.constant 8 : i32
      %mul3A_2806 = arith.muli %scan3A_2134, %mul3A_2805 : i32
      %add3A_2807 = arith.constant 5 : i32
      %add3A_2808 = arith.addi %mul3A_2806, %add3A_2807 : i32
      %dma_wait3A_2809 = arith.constant 5 : i32
      %dma_wait3A_2810 = arith.constant 0 : i32
      %dma_wait3A_2811 = arith.constant 5 : i32
      %dma_wait3A_2812 = arith.constant 0 : i32
      %dma_wait3A_2813 = arith.constant 0 : i32
      %dma_wait3A_2814 = arith.constant 0 : i32
      %dma_wait3A_2815 = arith.constant 0 : i32
      %dma_wait3A_2816 = tpu.memref_slice %arg6[%dma_wait3A_2809, %dma_wait3A_2812, %dma_wait3A_2813, %dma_wait3A_2814, %dma_wait3A_2815] : memref<8x2x1x50x32xf32, #tpu.memory_space<vmem>> -> memref<1x2x1x50x32xf32, #tpu.memory_space<vmem>>
      %dma_wait3A_2817 = tpu.memref_squeeze %dma_wait3A_2816 : memref<1x2x1x50x32xf32, #tpu.memory_space<vmem>> -> memref<2x1x50x32xf32, #tpu.memory_space<vmem>>
      %dma_wait3A_2818 = arith.constant 0 : i32
      %dma_wait3A_2819 = arith.constant 0 : i32
      %dma_wait3A_2820 = arith.constant 0 : i32
      %dma_wait3A_2821 = tpu.memref_slice %dma_wait3A_2817[%select_n3A_2143, %dma_wait3A_2818, %dma_wait3A_2819, %dma_wait3A_2820] : memref<2x1x50x32xf32, #tpu.memory_space<vmem>> -> memref<1x1x50x32xf32, #tpu.memory_space<vmem>>
      %dma_wait3A_2822 = tpu.memref_squeeze %dma_wait3A_2821 : memref<1x1x50x32xf32, #tpu.memory_space<vmem>> -> memref<1x50x32xf32, #tpu.memory_space<vmem>>
      %dma_wait3A_2823 = arith.constant 0 : i32
      %dma_wait3A_2824 = arith.constant 0 : i32
      %dma_wait3A_2825 = tpu.memref_slice %dma_wait3A_2822[%dma_wait3A_2810, %dma_wait3A_2823, %dma_wait3A_2824] : memref<1x50x32xf32, #tpu.memory_space<vmem>> -> memref<1x50x32xf32, #tpu.memory_space<vmem>>
      %dma_wait3A_2826 = tpu.memref_squeeze %dma_wait3A_2825 : memref<1x50x32xf32, #tpu.memory_space<vmem>> -> memref<50x32xf32, #tpu.memory_space<vmem>>
      %dma_wait3A_2827 = arith.constant 0 : i32
      %dma_wait3A_2828 = tpu.memref_slice %arg5[%add3A_2808, %dma_wait3A_2827] : memref<512x50xi32, #tpu.memory_space<vmem>> -> memref<1x50xi32, #tpu.memory_space<vmem>>
      %dma_wait3A_2829 = tpu.memref_squeeze %dma_wait3A_2828 : memref<1x50xi32, #tpu.memory_space<vmem>> -> memref<50xi32, #tpu.memory_space<vmem>>
      %dma_wait3A_2830 = arith.constant 0 : i32
      %dma_wait3A_2831 = arith.constant 0 : i32
      %dma_wait3A_2832 = tpu.memref_slice %arg3[%dma_wait3A_2830, %dma_wait3A_2831] : memref<1000000x32xf32, #tpu.memory_space<hbm>> -> memref<1000000x32xf32, #tpu.memory_space<hbm>>
      %dma_wait3A_2833 = tpu.memref_slice %arg7[%dma_wait3A_2811] : memref<8x!tpu.dma_semaphore, #tpu.memory_space<semaphore_mem>> -> memref<1x!tpu.dma_semaphore, #tpu.memory_space<semaphore_mem>>
      %dma_wait3A_2834 = tpu.memref_squeeze %dma_wait3A_2833 : memref<1x!tpu.dma_semaphore, #tpu.memory_space<semaphore_mem>> -> memref<!tpu.dma_semaphore, #tpu.memory_space<semaphore_mem>>
      tpu.wait_indirect_dma semaphore(%dma_wait3A_2834 : memref<!tpu.dma_semaphore, #tpu.memory_space<semaphore_mem>>) src(%dma_wait3A_2832 : memref<1000000x32xf32, #tpu.memory_space<hbm>>) dst(%dma_wait3A_2826 : memref<50x32xf32, #tpu.memory_space<vmem>>)
      %add3A_2835 = arith.addi %mul3A_2, %add3A_2808 : i32
      %dma_start3A_2836 = arith.constant 5 : i32
      %dma_start3A_2837 = arith.constant 5 : i32
      %dma_start3A_2838 = arith.constant 0 : i32
      %dma_start3A_2839 = arith.constant 0 : i32
      %dma_start3A_2840 = arith.constant 0 : i32
      %dma_start3A_2841 = arith.constant 0 : i32
      %dma_start3A_2842 = tpu.memref_slice %arg6[%dma_start3A_2836, %dma_start3A_2838, %dma_start3A_2839, %dma_start3A_2840, %dma_start3A_2841] : memref<8x2x1x50x32xf32, #tpu.memory_space<vmem>> -> memref<1x2x1x50x32xf32, #tpu.memory_space<vmem>>
      %dma_start3A_2843 = tpu.memref_squeeze %dma_start3A_2842 : memref<1x2x1x50x32xf32, #tpu.memory_space<vmem>> -> memref<2x1x50x32xf32, #tpu.memory_space<vmem>>
      %dma_start3A_2844 = arith.constant 0 : i32
      %dma_start3A_2845 = arith.constant 0 : i32
      %dma_start3A_2846 = arith.constant 0 : i32
      %dma_start3A_2847 = tpu.memref_slice %dma_start3A_2843[%select_n3A_2143, %dma_start3A_2844, %dma_start3A_2845, %dma_start3A_2846] : memref<2x1x50x32xf32, #tpu.memory_space<vmem>> -> memref<1x1x50x32xf32, #tpu.memory_space<vmem>>
      %dma_start3A_2848 = tpu.memref_squeeze %dma_start3A_2847 : memref<1x1x50x32xf32, #tpu.memory_space<vmem>> -> memref<1x50x32xf32, #tpu.memory_space<vmem>>
      %dma_start3A_2849 = arith.constant 0 : i32
      %dma_start3A_2850 = arith.constant 0 : i32
      %dma_start3A_2851 = tpu.memref_slice %arg4[%add3A_2835, %dma_start3A_2849, %dma_start3A_2850] : memref<16384x50x32xf32, #tpu.memory_space<hbm>> -> memref<1x50x32xf32, #tpu.memory_space<hbm>>
      %dma_start3A_2852 = tpu.memref_slice %arg8[%dma_start3A_2837] : memref<8x!tpu.dma_semaphore, #tpu.memory_space<semaphore_mem>> -> memref<1x!tpu.dma_semaphore, #tpu.memory_space<semaphore_mem>>
      %dma_start3A_2853 = tpu.memref_squeeze %dma_start3A_2852 : memref<1x!tpu.dma_semaphore, #tpu.memory_space<semaphore_mem>> -> memref<!tpu.dma_semaphore, #tpu.memory_space<semaphore_mem>>
      %dma_start3A_2854 = arith.constant 0 : i32
      %dma_start3A_2855 = arith.constant 0 : i32
      %dma_start3A_2856 = tpu.memref_slice %arg4[%add3A_2835, %dma_start3A_2854, %dma_start3A_2855] : memref<16384x50x32xf32, #tpu.memory_space<hbm>> -> memref<1x50x32xf32, #tpu.memory_space<hbm>>
      %dma_start3A_2857 = arith.constant 0 : i32
      %dma_start3A_2858 = arith.constant 0 : i32
      %dma_start3A_2859 = arith.constant 0 : i32
      %dma_start3A_2860 = arith.constant 0 : i32
      %dma_start3A_2861 = tpu.memref_slice %arg6[%dma_start3A_2836, %dma_start3A_2857, %dma_start3A_2858, %dma_start3A_2859, %dma_start3A_2860] : memref<8x2x1x50x32xf32, #tpu.memory_space<vmem>> -> memref<1x2x1x50x32xf32, #tpu.memory_space<vmem>>
      %dma_start3A_2862 = tpu.memref_squeeze %dma_start3A_2861 : memref<1x2x1x50x32xf32, #tpu.memory_space<vmem>> -> memref<2x1x50x32xf32, #tpu.memory_space<vmem>>
      %dma_start3A_2863 = arith.constant 0 : i32
      %dma_start3A_2864 = arith.constant 0 : i32
      %dma_start3A_2865 = arith.constant 0 : i32
      %dma_start3A_2866 = tpu.memref_slice %dma_start3A_2862[%select_n3A_2143, %dma_start3A_2863, %dma_start3A_2864, %dma_start3A_2865] : memref<2x1x50x32xf32, #tpu.memory_space<vmem>> -> memref<1x1x50x32xf32, #tpu.memory_space<vmem>>
      %dma_start3A_2867 = tpu.memref_squeeze %dma_start3A_2866 : memref<1x1x50x32xf32, #tpu.memory_space<vmem>> -> memref<1x50x32xf32, #tpu.memory_space<vmem>>
      tpu.enqueue_dma source(%dma_start3A_2867 : memref<1x50x32xf32, #tpu.memory_space<vmem>>) target(%dma_start3A_2856 : memref<1x50x32xf32, #tpu.memory_space<hbm>>) target_semaphore(%dma_start3A_2853 : memref<!tpu.dma_semaphore, #tpu.memory_space<semaphore_mem>>)
      %dma_wait3A_2868 = arith.constant 5 : i32
      %dma_wait3A_2869 = arith.constant 0 : i32
      %dma_wait3A_2870 = arith.constant 5 : i32
      %dma_wait3A_2871 = arith.constant 0 : i32
      %dma_wait3A_2872 = arith.constant 0 : i32
      %dma_wait3A_2873 = arith.constant 0 : i32
      %dma_wait3A_2874 = arith.constant 0 : i32
      %dma_wait3A_2875 = tpu.memref_slice %arg6[%dma_wait3A_2868, %dma_wait3A_2871, %dma_wait3A_2872, %dma_wait3A_2873, %dma_wait3A_2874] : memref<8x2x1x50x32xf32, #tpu.memory_space<vmem>> -> memref<1x2x1x50x32xf32, #tpu.memory_space<vmem>>
      %dma_wait3A_2876 = tpu.memref_squeeze %dma_wait3A_2875 : memref<1x2x1x50x32xf32, #tpu.memory_space<vmem>> -> memref<2x1x50x32xf32, #tpu.memory_space<vmem>>
      %dma_wait3A_2877 = arith.constant 0 : i32
      %dma_wait3A_2878 = arith.constant 0 : i32
      %dma_wait3A_2879 = arith.constant 0 : i32
      %dma_wait3A_2880 = tpu.memref_slice %dma_wait3A_2876[%sub3A_2144, %dma_wait3A_2877, %dma_wait3A_2878, %dma_wait3A_2879] : memref<2x1x50x32xf32, #tpu.memory_space<vmem>> -> memref<1x1x50x32xf32, #tpu.memory_space<vmem>>
      %dma_wait3A_2881 = tpu.memref_squeeze %dma_wait3A_2880 : memref<1x1x50x32xf32, #tpu.memory_space<vmem>> -> memref<1x50x32xf32, #tpu.memory_space<vmem>>
      %dma_wait3A_2882 = arith.constant 0 : i32
      %dma_wait3A_2883 = arith.constant 0 : i32
      %dma_wait3A_2884 = tpu.memref_slice %dma_wait3A_2881[%dma_wait3A_2869, %dma_wait3A_2882, %dma_wait3A_2883] : memref<1x50x32xf32, #tpu.memory_space<vmem>> -> memref<1x50x32xf32, #tpu.memory_space<vmem>>
      %dma_wait3A_2885 = tpu.memref_squeeze %dma_wait3A_2884 : memref<1x50x32xf32, #tpu.memory_space<vmem>> -> memref<50x32xf32, #tpu.memory_space<vmem>>
      %dma_wait3A_2886 = arith.constant 0 : i32
      %dma_wait3A_2887 = arith.constant 0 : i32
      %dma_wait3A_2888 = tpu.memref_slice %arg3[%dma_wait3A_2886, %dma_wait3A_2887] : memref<1000000x32xf32, #tpu.memory_space<hbm>> -> memref<50x32xf32, #tpu.memory_space<hbm>>
      %dma_wait3A_2889 = tpu.memref_slice %arg8[%dma_wait3A_2870] : memref<8x!tpu.dma_semaphore, #tpu.memory_space<semaphore_mem>> -> memref<1x!tpu.dma_semaphore, #tpu.memory_space<semaphore_mem>>
      %dma_wait3A_2890 = tpu.memref_squeeze %dma_wait3A_2889 : memref<1x!tpu.dma_semaphore, #tpu.memory_space<semaphore_mem>> -> memref<!tpu.dma_semaphore, #tpu.memory_space<semaphore_mem>>
      %dma_wait3A_2891 = arith.constant 0 : i32
      %dma_wait3A_2892 = arith.constant 0 : i32
      %dma_wait3A_2893 = arith.constant 0 : i32
      %dma_wait3A_2894 = arith.constant 0 : i32
      %dma_wait3A_2895 = tpu.memref_slice %arg6[%dma_wait3A_2868, %dma_wait3A_2891, %dma_wait3A_2892, %dma_wait3A_2893, %dma_wait3A_2894] : memref<8x2x1x50x32xf32, #tpu.memory_space<vmem>> -> memref<1x2x1x50x32xf32, #tpu.memory_space<vmem>>
      %dma_wait3A_2896 = tpu.memref_squeeze %dma_wait3A_2895 : memref<1x2x1x50x32xf32, #tpu.memory_space<vmem>> -> memref<2x1x50x32xf32, #tpu.memory_space<vmem>>
      %dma_wait3A_2897 = arith.constant 0 : i32
      %dma_wait3A_2898 = arith.constant 0 : i32
      %dma_wait3A_2899 = arith.constant 0 : i32
      %dma_wait3A_2900 = tpu.memref_slice %dma_wait3A_2896[%sub3A_2144, %dma_wait3A_2897, %dma_wait3A_2898, %dma_wait3A_2899] : memref<2x1x50x32xf32, #tpu.memory_space<vmem>> -> memref<1x1x50x32xf32, #tpu.memory_space<vmem>>
      %dma_wait3A_2901 = tpu.memref_squeeze %dma_wait3A_2900 : memref<1x1x50x32xf32, #tpu.memory_space<vmem>> -> memref<1x50x32xf32, #tpu.memory_space<vmem>>
      %dma_wait3A_2902 = arith.constant 0 : i32
      %dma_wait3A_2903 = arith.constant 0 : i32
      %dma_wait3A_2904 = tpu.memref_slice %dma_wait3A_2901[%dma_wait3A_2869, %dma_wait3A_2902, %dma_wait3A_2903] : memref<1x50x32xf32, #tpu.memory_space<vmem>> -> memref<1x50x32xf32, #tpu.memory_space<vmem>>
      %dma_wait3A_2905 = tpu.memref_squeeze %dma_wait3A_2904 : memref<1x50x32xf32, #tpu.memory_space<vmem>> -> memref<50x32xf32, #tpu.memory_space<vmem>>
      %dma_wait3A_2906 = arith.constant 0 : i32
      %dma_wait3A_2907 = arith.constant 0 : i32
      %dma_wait3A_2908 = tpu.memref_slice %arg3[%dma_wait3A_2906, %dma_wait3A_2907] : memref<1000000x32xf32, #tpu.memory_space<hbm>> -> memref<50x32xf32, #tpu.memory_space<hbm>>
      tpu.wait_dma2 semaphore(%dma_wait3A_2890 : memref<!tpu.dma_semaphore, #tpu.memory_space<semaphore_mem>>) src(%dma_wait3A_2908 : memref<50x32xf32, #tpu.memory_space<hbm>>) dst(%dma_wait3A_2905 : memref<50x32xf32, #tpu.memory_space<vmem>>)
      %add3A_2909 = arith.constant 8 : i32
      %add3A_2910 = arith.addi %add3A_2808, %add3A_2909 : i32
      %dma_start3A_2911 = arith.constant 5 : i32
      %dma_start3A_2912 = arith.constant 0 : i32
      %dma_start3A_2913 = arith.constant 5 : i32
      %dma_start3A_2914 = arith.constant 0 : i32
      %dma_start3A_2915 = arith.constant 0 : i32
      %dma_start3A_2916 = arith.constant 0 : i32
      %dma_start3A_2917 = arith.constant 0 : i32
      %dma_start3A_2918 = tpu.memref_slice %arg6[%dma_start3A_2911, %dma_start3A_2914, %dma_start3A_2915, %dma_start3A_2916, %dma_start3A_2917] : memref<8x2x1x50x32xf32, #tpu.memory_space<vmem>> -> memref<1x2x1x50x32xf32, #tpu.memory_space<vmem>>
      %dma_start3A_2919 = tpu.memref_squeeze %dma_start3A_2918 : memref<1x2x1x50x32xf32, #tpu.memory_space<vmem>> -> memref<2x1x50x32xf32, #tpu.memory_space<vmem>>
      %dma_start3A_2920 = arith.constant 0 : i32
      %dma_start3A_2921 = arith.constant 0 : i32
      %dma_start3A_2922 = arith.constant 0 : i32
      %dma_start3A_2923 = tpu.memref_slice %dma_start3A_2919[%sub3A_2144, %dma_start3A_2920, %dma_start3A_2921, %dma_start3A_2922] : memref<2x1x50x32xf32, #tpu.memory_space<vmem>> -> memref<1x1x50x32xf32, #tpu.memory_space<vmem>>
      %dma_start3A_2924 = tpu.memref_squeeze %dma_start3A_2923 : memref<1x1x50x32xf32, #tpu.memory_space<vmem>> -> memref<1x50x32xf32, #tpu.memory_space<vmem>>
      %dma_start3A_2925 = arith.constant 0 : i32
      %dma_start3A_2926 = arith.constant 0 : i32
      %dma_start3A_2927 = tpu.memref_slice %dma_start3A_2924[%dma_start3A_2912, %dma_start3A_2925, %dma_start3A_2926] : memref<1x50x32xf32, #tpu.memory_space<vmem>> -> memref<1x50x32xf32, #tpu.memory_space<vmem>>
      %dma_start3A_2928 = tpu.memref_squeeze %dma_start3A_2927 : memref<1x50x32xf32, #tpu.memory_space<vmem>> -> memref<50x32xf32, #tpu.memory_space<vmem>>
      %dma_start3A_2929 = arith.constant 0 : i32
      %dma_start3A_2930 = tpu.memref_slice %arg5[%add3A_2910, %dma_start3A_2929] : memref<512x50xi32, #tpu.memory_space<vmem>> -> memref<1x50xi32, #tpu.memory_space<vmem>>
      %dma_start3A_2931 = tpu.memref_squeeze %dma_start3A_2930 : memref<1x50xi32, #tpu.memory_space<vmem>> -> memref<50xi32, #tpu.memory_space<vmem>>
      %dma_start3A_2932 = arith.constant 0 : i32
      %dma_start3A_2933 = arith.constant 0 : i32
      %dma_start3A_2934 = tpu.memref_slice %arg3[%dma_start3A_2932, %dma_start3A_2933] : memref<1000000x32xf32, #tpu.memory_space<hbm>> -> memref<1000000x32xf32, #tpu.memory_space<hbm>>
      %dma_start3A_2935 = tpu.memref_slice %arg7[%dma_start3A_2913] : memref<8x!tpu.dma_semaphore, #tpu.memory_space<semaphore_mem>> -> memref<1x!tpu.dma_semaphore, #tpu.memory_space<semaphore_mem>>
      %dma_start3A_2936 = tpu.memref_squeeze %dma_start3A_2935 : memref<1x!tpu.dma_semaphore, #tpu.memory_space<semaphore_mem>> -> memref<!tpu.dma_semaphore, #tpu.memory_space<semaphore_mem>>
      tpu.enqueue_indirect_dma source(%dma_start3A_2934 : memref<1000000x32xf32, #tpu.memory_space<hbm>>) target(%dma_start3A_2928 : memref<50x32xf32, #tpu.memory_space<vmem>>) offsets(%dma_start3A_2931 : memref<50xi32, #tpu.memory_space<vmem>>) semaphore(%dma_start3A_2936 : memref<!tpu.dma_semaphore, #tpu.memory_space<semaphore_mem>>)
      %mul3A_2937 = arith.constant 8 : i32
      %mul3A_2938 = arith.muli %scan3A_2134, %mul3A_2937 : i32
      %add3A_2939 = arith.constant 6 : i32
      %add3A_2940 = arith.addi %mul3A_2938, %add3A_2939 : i32
      %dma_wait3A_2941 = arith.constant 6 : i32
      %dma_wait3A_2942 = arith.constant 0 : i32
      %dma_wait3A_2943 = arith.constant 6 : i32
      %dma_wait3A_2944 = arith.constant 0 : i32
      %dma_wait3A_2945 = arith.constant 0 : i32
      %dma_wait3A_2946 = arith.constant 0 : i32
      %dma_wait3A_2947 = arith.constant 0 : i32
      %dma_wait3A_2948 = tpu.memref_slice %arg6[%dma_wait3A_2941, %dma_wait3A_2944, %dma_wait3A_2945, %dma_wait3A_2946, %dma_wait3A_2947] : memref<8x2x1x50x32xf32, #tpu.memory_space<vmem>> -> memref<1x2x1x50x32xf32, #tpu.memory_space<vmem>>
      %dma_wait3A_2949 = tpu.memref_squeeze %dma_wait3A_2948 : memref<1x2x1x50x32xf32, #tpu.memory_space<vmem>> -> memref<2x1x50x32xf32, #tpu.memory_space<vmem>>
      %dma_wait3A_2950 = arith.constant 0 : i32
      %dma_wait3A_2951 = arith.constant 0 : i32
      %dma_wait3A_2952 = arith.constant 0 : i32
      %dma_wait3A_2953 = tpu.memref_slice %dma_wait3A_2949[%select_n3A_2143, %dma_wait3A_2950, %dma_wait3A_2951, %dma_wait3A_2952] : memref<2x1x50x32xf32, #tpu.memory_space<vmem>> -> memref<1x1x50x32xf32, #tpu.memory_space<vmem>>
      %dma_wait3A_2954 = tpu.memref_squeeze %dma_wait3A_2953 : memref<1x1x50x32xf32, #tpu.memory_space<vmem>> -> memref<1x50x32xf32, #tpu.memory_space<vmem>>
      %dma_wait3A_2955 = arith.constant 0 : i32
      %dma_wait3A_2956 = arith.constant 0 : i32
      %dma_wait3A_2957 = tpu.memref_slice %dma_wait3A_2954[%dma_wait3A_2942, %dma_wait3A_2955, %dma_wait3A_2956] : memref<1x50x32xf32, #tpu.memory_space<vmem>> -> memref<1x50x32xf32, #tpu.memory_space<vmem>>
      %dma_wait3A_2958 = tpu.memref_squeeze %dma_wait3A_2957 : memref<1x50x32xf32, #tpu.memory_space<vmem>> -> memref<50x32xf32, #tpu.memory_space<vmem>>
      %dma_wait3A_2959 = arith.constant 0 : i32
      %dma_wait3A_2960 = tpu.memref_slice %arg5[%add3A_2940, %dma_wait3A_2959] : memref<512x50xi32, #tpu.memory_space<vmem>> -> memref<1x50xi32, #tpu.memory_space<vmem>>
      %dma_wait3A_2961 = tpu.memref_squeeze %dma_wait3A_2960 : memref<1x50xi32, #tpu.memory_space<vmem>> -> memref<50xi32, #tpu.memory_space<vmem>>
      %dma_wait3A_2962 = arith.constant 0 : i32
      %dma_wait3A_2963 = arith.constant 0 : i32
      %dma_wait3A_2964 = tpu.memref_slice %arg3[%dma_wait3A_2962, %dma_wait3A_2963] : memref<1000000x32xf32, #tpu.memory_space<hbm>> -> memref<1000000x32xf32, #tpu.memory_space<hbm>>
      %dma_wait3A_2965 = tpu.memref_slice %arg7[%dma_wait3A_2943] : memref<8x!tpu.dma_semaphore, #tpu.memory_space<semaphore_mem>> -> memref<1x!tpu.dma_semaphore, #tpu.memory_space<semaphore_mem>>
      %dma_wait3A_2966 = tpu.memref_squeeze %dma_wait3A_2965 : memref<1x!tpu.dma_semaphore, #tpu.memory_space<semaphore_mem>> -> memref<!tpu.dma_semaphore, #tpu.memory_space<semaphore_mem>>
      tpu.wait_indirect_dma semaphore(%dma_wait3A_2966 : memref<!tpu.dma_semaphore, #tpu.memory_space<semaphore_mem>>) src(%dma_wait3A_2964 : memref<1000000x32xf32, #tpu.memory_space<hbm>>) dst(%dma_wait3A_2958 : memref<50x32xf32, #tpu.memory_space<vmem>>)
      %add3A_2967 = arith.addi %mul3A_2, %add3A_2940 : i32
      %dma_start3A_2968 = arith.constant 6 : i32
      %dma_start3A_2969 = arith.constant 6 : i32
      %dma_start3A_2970 = arith.constant 0 : i32
      %dma_start3A_2971 = arith.constant 0 : i32
      %dma_start3A_2972 = arith.constant 0 : i32
      %dma_start3A_2973 = arith.constant 0 : i32
      %dma_start3A_2974 = tpu.memref_slice %arg6[%dma_start3A_2968, %dma_start3A_2970, %dma_start3A_2971, %dma_start3A_2972, %dma_start3A_2973] : memref<8x2x1x50x32xf32, #tpu.memory_space<vmem>> -> memref<1x2x1x50x32xf32, #tpu.memory_space<vmem>>
      %dma_start3A_2975 = tpu.memref_squeeze %dma_start3A_2974 : memref<1x2x1x50x32xf32, #tpu.memory_space<vmem>> -> memref<2x1x50x32xf32, #tpu.memory_space<vmem>>
      %dma_start3A_2976 = arith.constant 0 : i32
      %dma_start3A_2977 = arith.constant 0 : i32
      %dma_start3A_2978 = arith.constant 0 : i32
      %dma_start3A_2979 = tpu.memref_slice %dma_start3A_2975[%select_n3A_2143, %dma_start3A_2976, %dma_start3A_2977, %dma_start3A_2978] : memref<2x1x50x32xf32, #tpu.memory_space<vmem>> -> memref<1x1x50x32xf32, #tpu.memory_space<vmem>>
      %dma_start3A_2980 = tpu.memref_squeeze %dma_start3A_2979 : memref<1x1x50x32xf32, #tpu.memory_space<vmem>> -> memref<1x50x32xf32, #tpu.memory_space<vmem>>
      %dma_start3A_2981 = arith.constant 0 : i32
      %dma_start3A_2982 = arith.constant 0 : i32
      %dma_start3A_2983 = tpu.memref_slice %arg4[%add3A_2967, %dma_start3A_2981, %dma_start3A_2982] : memref<16384x50x32xf32, #tpu.memory_space<hbm>> -> memref<1x50x32xf32, #tpu.memory_space<hbm>>
      %dma_start3A_2984 = tpu.memref_slice %arg8[%dma_start3A_2969] : memref<8x!tpu.dma_semaphore, #tpu.memory_space<semaphore_mem>> -> memref<1x!tpu.dma_semaphore, #tpu.memory_space<semaphore_mem>>
      %dma_start3A_2985 = tpu.memref_squeeze %dma_start3A_2984 : memref<1x!tpu.dma_semaphore, #tpu.memory_space<semaphore_mem>> -> memref<!tpu.dma_semaphore, #tpu.memory_space<semaphore_mem>>
      %dma_start3A_2986 = arith.constant 0 : i32
      %dma_start3A_2987 = arith.constant 0 : i32
      %dma_start3A_2988 = tpu.memref_slice %arg4[%add3A_2967, %dma_start3A_2986, %dma_start3A_2987] : memref<16384x50x32xf32, #tpu.memory_space<hbm>> -> memref<1x50x32xf32, #tpu.memory_space<hbm>>
      %dma_start3A_2989 = arith.constant 0 : i32
      %dma_start3A_2990 = arith.constant 0 : i32
      %dma_start3A_2991 = arith.constant 0 : i32
      %dma_start3A_2992 = arith.constant 0 : i32
      %dma_start3A_2993 = tpu.memref_slice %arg6[%dma_start3A_2968, %dma_start3A_2989, %dma_start3A_2990, %dma_start3A_2991, %dma_start3A_2992] : memref<8x2x1x50x32xf32, #tpu.memory_space<vmem>> -> memref<1x2x1x50x32xf32, #tpu.memory_space<vmem>>
      %dma_start3A_2994 = tpu.memref_squeeze %dma_start3A_2993 : memref<1x2x1x50x32xf32, #tpu.memory_space<vmem>> -> memref<2x1x50x32xf32, #tpu.memory_space<vmem>>
      %dma_start3A_2995 = arith.constant 0 : i32
      %dma_start3A_2996 = arith.constant 0 : i32
      %dma_start3A_2997 = arith.constant 0 : i32
      %dma_start3A_2998 = tpu.memref_slice %dma_start3A_2994[%select_n3A_2143, %dma_start3A_2995, %dma_start3A_2996, %dma_start3A_2997] : memref<2x1x50x32xf32, #tpu.memory_space<vmem>> -> memref<1x1x50x32xf32, #tpu.memory_space<vmem>>
      %dma_start3A_2999 = tpu.memref_squeeze %dma_start3A_2998 : memref<1x1x50x32xf32, #tpu.memory_space<vmem>> -> memref<1x50x32xf32, #tpu.memory_space<vmem>>
      tpu.enqueue_dma source(%dma_start3A_2999 : memref<1x50x32xf32, #tpu.memory_space<vmem>>) target(%dma_start3A_2988 : memref<1x50x32xf32, #tpu.memory_space<hbm>>) target_semaphore(%dma_start3A_2985 : memref<!tpu.dma_semaphore, #tpu.memory_space<semaphore_mem>>)
      %dma_wait3A_3000 = arith.constant 6 : i32
      %dma_wait3A_3001 = arith.constant 0 : i32
      %dma_wait3A_3002 = arith.constant 6 : i32
      %dma_wait3A_3003 = arith.constant 0 : i32
      %dma_wait3A_3004 = arith.constant 0 : i32
      %dma_wait3A_3005 = arith.constant 0 : i32
      %dma_wait3A_3006 = arith.constant 0 : i32
      %dma_wait3A_3007 = tpu.memref_slice %arg6[%dma_wait3A_3000, %dma_wait3A_3003, %dma_wait3A_3004, %dma_wait3A_3005, %dma_wait3A_3006] : memref<8x2x1x50x32xf32, #tpu.memory_space<vmem>> -> memref<1x2x1x50x32xf32, #tpu.memory_space<vmem>>
      %dma_wait3A_3008 = tpu.memref_squeeze %dma_wait3A_3007 : memref<1x2x1x50x32xf32, #tpu.memory_space<vmem>> -> memref<2x1x50x32xf32, #tpu.memory_space<vmem>>
      %dma_wait3A_3009 = arith.constant 0 : i32
      %dma_wait3A_3010 = arith.constant 0 : i32
      %dma_wait3A_3011 = arith.constant 0 : i32
      %dma_wait3A_3012 = tpu.memref_slice %dma_wait3A_3008[%sub3A_2144, %dma_wait3A_3009, %dma_wait3A_3010, %dma_wait3A_3011] : memref<2x1x50x32xf32, #tpu.memory_space<vmem>> -> memref<1x1x50x32xf32, #tpu.memory_space<vmem>>
      %dma_wait3A_3013 = tpu.memref_squeeze %dma_wait3A_3012 : memref<1x1x50x32xf32, #tpu.memory_space<vmem>> -> memref<1x50x32xf32, #tpu.memory_space<vmem>>
      %dma_wait3A_3014 = arith.constant 0 : i32
      %dma_wait3A_3015 = arith.constant 0 : i32
      %dma_wait3A_3016 = tpu.memref_slice %dma_wait3A_3013[%dma_wait3A_3001, %dma_wait3A_3014, %dma_wait3A_3015] : memref<1x50x32xf32, #tpu.memory_space<vmem>> -> memref<1x50x32xf32, #tpu.memory_space<vmem>>
      %dma_wait3A_3017 = tpu.memref_squeeze %dma_wait3A_3016 : memref<1x50x32xf32, #tpu.memory_space<vmem>> -> memref<50x32xf32, #tpu.memory_space<vmem>>
      %dma_wait3A_3018 = arith.constant 0 : i32
      %dma_wait3A_3019 = arith.constant 0 : i32
      %dma_wait3A_3020 = tpu.memref_slice %arg3[%dma_wait3A_3018, %dma_wait3A_3019] : memref<1000000x32xf32, #tpu.memory_space<hbm>> -> memref<50x32xf32, #tpu.memory_space<hbm>>
      %dma_wait3A_3021 = tpu.memref_slice %arg8[%dma_wait3A_3002] : memref<8x!tpu.dma_semaphore, #tpu.memory_space<semaphore_mem>> -> memref<1x!tpu.dma_semaphore, #tpu.memory_space<semaphore_mem>>
      %dma_wait3A_3022 = tpu.memref_squeeze %dma_wait3A_3021 : memref<1x!tpu.dma_semaphore, #tpu.memory_space<semaphore_mem>> -> memref<!tpu.dma_semaphore, #tpu.memory_space<semaphore_mem>>
      %dma_wait3A_3023 = arith.constant 0 : i32
      %dma_wait3A_3024 = arith.constant 0 : i32
      %dma_wait3A_3025 = arith.constant 0 : i32
      %dma_wait3A_3026 = arith.constant 0 : i32
      %dma_wait3A_3027 = tpu.memref_slice %arg6[%dma_wait3A_3000, %dma_wait3A_3023, %dma_wait3A_3024, %dma_wait3A_3025, %dma_wait3A_3026] : memref<8x2x1x50x32xf32, #tpu.memory_space<vmem>> -> memref<1x2x1x50x32xf32, #tpu.memory_space<vmem>>
      %dma_wait3A_3028 = tpu.memref_squeeze %dma_wait3A_3027 : memref<1x2x1x50x32xf32, #tpu.memory_space<vmem>> -> memref<2x1x50x32xf32, #tpu.memory_space<vmem>>
      %dma_wait3A_3029 = arith.constant 0 : i32
      %dma_wait3A_3030 = arith.constant 0 : i32
      %dma_wait3A_3031 = arith.constant 0 : i32
      %dma_wait3A_3032 = tpu.memref_slice %dma_wait3A_3028[%sub3A_2144, %dma_wait3A_3029, %dma_wait3A_3030, %dma_wait3A_3031] : memref<2x1x50x32xf32, #tpu.memory_space<vmem>> -> memref<1x1x50x32xf32, #tpu.memory_space<vmem>>
      %dma_wait3A_3033 = tpu.memref_squeeze %dma_wait3A_3032 : memref<1x1x50x32xf32, #tpu.memory_space<vmem>> -> memref<1x50x32xf32, #tpu.memory_space<vmem>>
      %dma_wait3A_3034 = arith.constant 0 : i32
      %dma_wait3A_3035 = arith.constant 0 : i32
      %dma_wait3A_3036 = tpu.memref_slice %dma_wait3A_3033[%dma_wait3A_3001, %dma_wait3A_3034, %dma_wait3A_3035] : memref<1x50x32xf32, #tpu.memory_space<vmem>> -> memref<1x50x32xf32, #tpu.memory_space<vmem>>
      %dma_wait3A_3037 = tpu.memref_squeeze %dma_wait3A_3036 : memref<1x50x32xf32, #tpu.memory_space<vmem>> -> memref<50x32xf32, #tpu.memory_space<vmem>>
      %dma_wait3A_3038 = arith.constant 0 : i32
      %dma_wait3A_3039 = arith.constant 0 : i32
      %dma_wait3A_3040 = tpu.memref_slice %arg3[%dma_wait3A_3038, %dma_wait3A_3039] : memref<1000000x32xf32, #tpu.memory_space<hbm>> -> memref<50x32xf32, #tpu.memory_space<hbm>>
      tpu.wait_dma2 semaphore(%dma_wait3A_3022 : memref<!tpu.dma_semaphore, #tpu.memory_space<semaphore_mem>>) src(%dma_wait3A_3040 : memref<50x32xf32, #tpu.memory_space<hbm>>) dst(%dma_wait3A_3037 : memref<50x32xf32, #tpu.memory_space<vmem>>)
      %add3A_3041 = arith.constant 8 : i32
      %add3A_3042 = arith.addi %add3A_2940, %add3A_3041 : i32
      %dma_start3A_3043 = arith.constant 6 : i32
      %dma_start3A_3044 = arith.constant 0 : i32
      %dma_start3A_3045 = arith.constant 6 : i32
      %dma_start3A_3046 = arith.constant 0 : i32
      %dma_start3A_3047 = arith.constant 0 : i32
      %dma_start3A_3048 = arith.constant 0 : i32
      %dma_start3A_3049 = arith.constant 0 : i32
      %dma_start3A_3050 = tpu.memref_slice %arg6[%dma_start3A_3043, %dma_start3A_3046, %dma_start3A_3047, %dma_start3A_3048, %dma_start3A_3049] : memref<8x2x1x50x32xf32, #tpu.memory_space<vmem>> -> memref<1x2x1x50x32xf32, #tpu.memory_space<vmem>>
      %dma_start3A_3051 = tpu.memref_squeeze %dma_start3A_3050 : memref<1x2x1x50x32xf32, #tpu.memory_space<vmem>> -> memref<2x1x50x32xf32, #tpu.memory_space<vmem>>
      %dma_start3A_3052 = arith.constant 0 : i32
      %dma_start3A_3053 = arith.constant 0 : i32
      %dma_start3A_3054 = arith.constant 0 : i32
      %dma_start3A_3055 = tpu.memref_slice %dma_start3A_3051[%sub3A_2144, %dma_start3A_3052, %dma_start3A_3053, %dma_start3A_3054] : memref<2x1x50x32xf32, #tpu.memory_space<vmem>> -> memref<1x1x50x32xf32, #tpu.memory_space<vmem>>
      %dma_start3A_3056 = tpu.memref_squeeze %dma_start3A_3055 : memref<1x1x50x32xf32, #tpu.memory_space<vmem>> -> memref<1x50x32xf32, #tpu.memory_space<vmem>>
      %dma_start3A_3057 = arith.constant 0 : i32
      %dma_start3A_3058 = arith.constant 0 : i32
      %dma_start3A_3059 = tpu.memref_slice %dma_start3A_3056[%dma_start3A_3044, %dma_start3A_3057, %dma_start3A_3058] : memref<1x50x32xf32, #tpu.memory_space<vmem>> -> memref<1x50x32xf32, #tpu.memory_space<vmem>>
      %dma_start3A_3060 = tpu.memref_squeeze %dma_start3A_3059 : memref<1x50x32xf32, #tpu.memory_space<vmem>> -> memref<50x32xf32, #tpu.memory_space<vmem>>
      %dma_start3A_3061 = arith.constant 0 : i32
      %dma_start3A_3062 = tpu.memref_slice %arg5[%add3A_3042, %dma_start3A_3061] : memref<512x50xi32, #tpu.memory_space<vmem>> -> memref<1x50xi32, #tpu.memory_space<vmem>>
      %dma_start3A_3063 = tpu.memref_squeeze %dma_start3A_3062 : memref<1x50xi32, #tpu.memory_space<vmem>> -> memref<50xi32, #tpu.memory_space<vmem>>
      %dma_start3A_3064 = arith.constant 0 : i32
      %dma_start3A_3065 = arith.constant 0 : i32
      %dma_start3A_3066 = tpu.memref_slice %arg3[%dma_start3A_3064, %dma_start3A_3065] : memref<1000000x32xf32, #tpu.memory_space<hbm>> -> memref<1000000x32xf32, #tpu.memory_space<hbm>>
      %dma_start3A_3067 = tpu.memref_slice %arg7[%dma_start3A_3045] : memref<8x!tpu.dma_semaphore, #tpu.memory_space<semaphore_mem>> -> memref<1x!tpu.dma_semaphore, #tpu.memory_space<semaphore_mem>>
      %dma_start3A_3068 = tpu.memref_squeeze %dma_start3A_3067 : memref<1x!tpu.dma_semaphore, #tpu.memory_space<semaphore_mem>> -> memref<!tpu.dma_semaphore, #tpu.memory_space<semaphore_mem>>
      tpu.enqueue_indirect_dma source(%dma_start3A_3066 : memref<1000000x32xf32, #tpu.memory_space<hbm>>) target(%dma_start3A_3060 : memref<50x32xf32, #tpu.memory_space<vmem>>) offsets(%dma_start3A_3063 : memref<50xi32, #tpu.memory_space<vmem>>) semaphore(%dma_start3A_3068 : memref<!tpu.dma_semaphore, #tpu.memory_space<semaphore_mem>>)
      %mul3A_3069 = arith.constant 8 : i32
      %mul3A_3070 = arith.muli %scan3A_2134, %mul3A_3069 : i32
      %add3A_3071 = arith.constant 7 : i32
      %add3A_3072 = arith.addi %mul3A_3070, %add3A_3071 : i32
      %dma_wait3A_3073 = arith.constant 7 : i32
      %dma_wait3A_3074 = arith.constant 0 : i32
      %dma_wait3A_3075 = arith.constant 7 : i32
      %dma_wait3A_3076 = arith.constant 0 : i32
      %dma_wait3A_3077 = arith.constant 0 : i32
      %dma_wait3A_3078 = arith.constant 0 : i32
      %dma_wait3A_3079 = arith.constant 0 : i32
      %dma_wait3A_3080 = tpu.memref_slice %arg6[%dma_wait3A_3073, %dma_wait3A_3076, %dma_wait3A_3077, %dma_wait3A_3078, %dma_wait3A_3079] : memref<8x2x1x50x32xf32, #tpu.memory_space<vmem>> -> memref<1x2x1x50x32xf32, #tpu.memory_space<vmem>>
      %dma_wait3A_3081 = tpu.memref_squeeze %dma_wait3A_3080 : memref<1x2x1x50x32xf32, #tpu.memory_space<vmem>> -> memref<2x1x50x32xf32, #tpu.memory_space<vmem>>
      %dma_wait3A_3082 = arith.constant 0 : i32
      %dma_wait3A_3083 = arith.constant 0 : i32
      %dma_wait3A_3084 = arith.constant 0 : i32
      %dma_wait3A_3085 = tpu.memref_slice %dma_wait3A_3081[%select_n3A_2143, %dma_wait3A_3082, %dma_wait3A_3083, %dma_wait3A_3084] : memref<2x1x50x32xf32, #tpu.memory_space<vmem>> -> memref<1x1x50x32xf32, #tpu.memory_space<vmem>>
      %dma_wait3A_3086 = tpu.memref_squeeze %dma_wait3A_3085 : memref<1x1x50x32xf32, #tpu.memory_space<vmem>> -> memref<1x50x32xf32, #tpu.memory_space<vmem>>
      %dma_wait3A_3087 = arith.constant 0 : i32
      %dma_wait3A_3088 = arith.constant 0 : i32
      %dma_wait3A_3089 = tpu.memref_slice %dma_wait3A_3086[%dma_wait3A_3074, %dma_wait3A_3087, %dma_wait3A_3088] : memref<1x50x32xf32, #tpu.memory_space<vmem>> -> memref<1x50x32xf32, #tpu.memory_space<vmem>>
      %dma_wait3A_3090 = tpu.memref_squeeze %dma_wait3A_3089 : memref<1x50x32xf32, #tpu.memory_space<vmem>> -> memref<50x32xf32, #tpu.memory_space<vmem>>
      %dma_wait3A_3091 = arith.constant 0 : i32
      %dma_wait3A_3092 = tpu.memref_slice %arg5[%add3A_3072, %dma_wait3A_3091] : memref<512x50xi32, #tpu.memory_space<vmem>> -> memref<1x50xi32, #tpu.memory_space<vmem>>
      %dma_wait3A_3093 = tpu.memref_squeeze %dma_wait3A_3092 : memref<1x50xi32, #tpu.memory_space<vmem>> -> memref<50xi32, #tpu.memory_space<vmem>>
      %dma_wait3A_3094 = arith.constant 0 : i32
      %dma_wait3A_3095 = arith.constant 0 : i32
      %dma_wait3A_3096 = tpu.memref_slice %arg3[%dma_wait3A_3094, %dma_wait3A_3095] : memref<1000000x32xf32, #tpu.memory_space<hbm>> -> memref<1000000x32xf32, #tpu.memory_space<hbm>>
      %dma_wait3A_3097 = tpu.memref_slice %arg7[%dma_wait3A_3075] : memref<8x!tpu.dma_semaphore, #tpu.memory_space<semaphore_mem>> -> memref<1x!tpu.dma_semaphore, #tpu.memory_space<semaphore_mem>>
      %dma_wait3A_3098 = tpu.memref_squeeze %dma_wait3A_3097 : memref<1x!tpu.dma_semaphore, #tpu.memory_space<semaphore_mem>> -> memref<!tpu.dma_semaphore, #tpu.memory_space<semaphore_mem>>
      tpu.wait_indirect_dma semaphore(%dma_wait3A_3098 : memref<!tpu.dma_semaphore, #tpu.memory_space<semaphore_mem>>) src(%dma_wait3A_3096 : memref<1000000x32xf32, #tpu.memory_space<hbm>>) dst(%dma_wait3A_3090 : memref<50x32xf32, #tpu.memory_space<vmem>>)
      %add3A_3099 = arith.addi %mul3A_2, %add3A_3072 : i32
      %dma_start3A_3100 = arith.constant 7 : i32
      %dma_start3A_3101 = arith.constant 7 : i32
      %dma_start3A_3102 = arith.constant 0 : i32
      %dma_start3A_3103 = arith.constant 0 : i32
      %dma_start3A_3104 = arith.constant 0 : i32
      %dma_start3A_3105 = arith.constant 0 : i32
      %dma_start3A_3106 = tpu.memref_slice %arg6[%dma_start3A_3100, %dma_start3A_3102, %dma_start3A_3103, %dma_start3A_3104, %dma_start3A_3105] : memref<8x2x1x50x32xf32, #tpu.memory_space<vmem>> -> memref<1x2x1x50x32xf32, #tpu.memory_space<vmem>>
      %dma_start3A_3107 = tpu.memref_squeeze %dma_start3A_3106 : memref<1x2x1x50x32xf32, #tpu.memory_space<vmem>> -> memref<2x1x50x32xf32, #tpu.memory_space<vmem>>
      %dma_start3A_3108 = arith.constant 0 : i32
      %dma_start3A_3109 = arith.constant 0 : i32
      %dma_start3A_3110 = arith.constant 0 : i32
      %dma_start3A_3111 = tpu.memref_slice %dma_start3A_3107[%select_n3A_2143, %dma_start3A_3108, %dma_start3A_3109, %dma_start3A_3110] : memref<2x1x50x32xf32, #tpu.memory_space<vmem>> -> memref<1x1x50x32xf32, #tpu.memory_space<vmem>>
      %dma_start3A_3112 = tpu.memref_squeeze %dma_start3A_3111 : memref<1x1x50x32xf32, #tpu.memory_space<vmem>> -> memref<1x50x32xf32, #tpu.memory_space<vmem>>
      %dma_start3A_3113 = arith.constant 0 : i32
      %dma_start3A_3114 = arith.constant 0 : i32
      %dma_start3A_3115 = tpu.memref_slice %arg4[%add3A_3099, %dma_start3A_3113, %dma_start3A_3114] : memref<16384x50x32xf32, #tpu.memory_space<hbm>> -> memref<1x50x32xf32, #tpu.memory_space<hbm>>
      %dma_start3A_3116 = tpu.memref_slice %arg8[%dma_start3A_3101] : memref<8x!tpu.dma_semaphore, #tpu.memory_space<semaphore_mem>> -> memref<1x!tpu.dma_semaphore, #tpu.memory_space<semaphore_mem>>
      %dma_start3A_3117 = tpu.memref_squeeze %dma_start3A_3116 : memref<1x!tpu.dma_semaphore, #tpu.memory_space<semaphore_mem>> -> memref<!tpu.dma_semaphore, #tpu.memory_space<semaphore_mem>>
      %dma_start3A_3118 = arith.constant 0 : i32
      %dma_start3A_3119 = arith.constant 0 : i32
      %dma_start3A_3120 = tpu.memref_slice %arg4[%add3A_3099, %dma_start3A_3118, %dma_start3A_3119] : memref<16384x50x32xf32, #tpu.memory_space<hbm>> -> memref<1x50x32xf32, #tpu.memory_space<hbm>>
      %dma_start3A_3121 = arith.constant 0 : i32
      %dma_start3A_3122 = arith.constant 0 : i32
      %dma_start3A_3123 = arith.constant 0 : i32
      %dma_start3A_3124 = arith.constant 0 : i32
      %dma_start3A_3125 = tpu.memref_slice %arg6[%dma_start3A_3100, %dma_start3A_3121, %dma_start3A_3122, %dma_start3A_3123, %dma_start3A_3124] : memref<8x2x1x50x32xf32, #tpu.memory_space<vmem>> -> memref<1x2x1x50x32xf32, #tpu.memory_space<vmem>>
      %dma_start3A_3126 = tpu.memref_squeeze %dma_start3A_3125 : memref<1x2x1x50x32xf32, #tpu.memory_space<vmem>> -> memref<2x1x50x32xf32, #tpu.memory_space<vmem>>
      %dma_start3A_3127 = arith.constant 0 : i32
      %dma_start3A_3128 = arith.constant 0 : i32
      %dma_start3A_3129 = arith.constant 0 : i32
      %dma_start3A_3130 = tpu.memref_slice %dma_start3A_3126[%select_n3A_2143, %dma_start3A_3127, %dma_start3A_3128, %dma_start3A_3129] : memref<2x1x50x32xf32, #tpu.memory_space<vmem>> -> memref<1x1x50x32xf32, #tpu.memory_space<vmem>>
      %dma_start3A_3131 = tpu.memref_squeeze %dma_start3A_3130 : memref<1x1x50x32xf32, #tpu.memory_space<vmem>> -> memref<1x50x32xf32, #tpu.memory_space<vmem>>
      tpu.enqueue_dma source(%dma_start3A_3131 : memref<1x50x32xf32, #tpu.memory_space<vmem>>) target(%dma_start3A_3120 : memref<1x50x32xf32, #tpu.memory_space<hbm>>) target_semaphore(%dma_start3A_3117 : memref<!tpu.dma_semaphore, #tpu.memory_space<semaphore_mem>>)
      %dma_wait3A_3132 = arith.constant 7 : i32
      %dma_wait3A_3133 = arith.constant 0 : i32
      %dma_wait3A_3134 = arith.constant 7 : i32
      %dma_wait3A_3135 = arith.constant 0 : i32
      %dma_wait3A_3136 = arith.constant 0 : i32
      %dma_wait3A_3137 = arith.constant 0 : i32
      %dma_wait3A_3138 = arith.constant 0 : i32
      %dma_wait3A_3139 = tpu.memref_slice %arg6[%dma_wait3A_3132, %dma_wait3A_3135, %dma_wait3A_3136, %dma_wait3A_3137, %dma_wait3A_3138] : memref<8x2x1x50x32xf32, #tpu.memory_space<vmem>> -> memref<1x2x1x50x32xf32, #tpu.memory_space<vmem>>
      %dma_wait3A_3140 = tpu.memref_squeeze %dma_wait3A_3139 : memref<1x2x1x50x32xf32, #tpu.memory_space<vmem>> -> memref<2x1x50x32xf32, #tpu.memory_space<vmem>>
      %dma_wait3A_3141 = arith.constant 0 : i32
      %dma_wait3A_3142 = arith.constant 0 : i32
      %dma_wait3A_3143 = arith.constant 0 : i32
      %dma_wait3A_3144 = tpu.memref_slice %dma_wait3A_3140[%sub3A_2144, %dma_wait3A_3141, %dma_wait3A_3142, %dma_wait3A_3143] : memref<2x1x50x32xf32, #tpu.memory_space<vmem>> -> memref<1x1x50x32xf32, #tpu.memory_space<vmem>>
      %dma_wait3A_3145 = tpu.memref_squeeze %dma_wait3A_3144 : memref<1x1x50x32xf32, #tpu.memory_space<vmem>> -> memref<1x50x32xf32, #tpu.memory_space<vmem>>
      %dma_wait3A_3146 = arith.constant 0 : i32
      %dma_wait3A_3147 = arith.constant 0 : i32
      %dma_wait3A_3148 = tpu.memref_slice %dma_wait3A_3145[%dma_wait3A_3133, %dma_wait3A_3146, %dma_wait3A_3147] : memref<1x50x32xf32, #tpu.memory_space<vmem>> -> memref<1x50x32xf32, #tpu.memory_space<vmem>>
      %dma_wait3A_3149 = tpu.memref_squeeze %dma_wait3A_3148 : memref<1x50x32xf32, #tpu.memory_space<vmem>> -> memref<50x32xf32, #tpu.memory_space<vmem>>
      %dma_wait3A_3150 = arith.constant 0 : i32
      %dma_wait3A_3151 = arith.constant 0 : i32
      %dma_wait3A_3152 = tpu.memref_slice %arg3[%dma_wait3A_3150, %dma_wait3A_3151] : memref<1000000x32xf32, #tpu.memory_space<hbm>> -> memref<50x32xf32, #tpu.memory_space<hbm>>
      %dma_wait3A_3153 = tpu.memref_slice %arg8[%dma_wait3A_3134] : memref<8x!tpu.dma_semaphore, #tpu.memory_space<semaphore_mem>> -> memref<1x!tpu.dma_semaphore, #tpu.memory_space<semaphore_mem>>
      %dma_wait3A_3154 = tpu.memref_squeeze %dma_wait3A_3153 : memref<1x!tpu.dma_semaphore, #tpu.memory_space<semaphore_mem>> -> memref<!tpu.dma_semaphore, #tpu.memory_space<semaphore_mem>>
      %dma_wait3A_3155 = arith.constant 0 : i32
      %dma_wait3A_3156 = arith.constant 0 : i32
      %dma_wait3A_3157 = arith.constant 0 : i32
      %dma_wait3A_3158 = arith.constant 0 : i32
      %dma_wait3A_3159 = tpu.memref_slice %arg6[%dma_wait3A_3132, %dma_wait3A_3155, %dma_wait3A_3156, %dma_wait3A_3157, %dma_wait3A_3158] : memref<8x2x1x50x32xf32, #tpu.memory_space<vmem>> -> memref<1x2x1x50x32xf32, #tpu.memory_space<vmem>>
      %dma_wait3A_3160 = tpu.memref_squeeze %dma_wait3A_3159 : memref<1x2x1x50x32xf32, #tpu.memory_space<vmem>> -> memref<2x1x50x32xf32, #tpu.memory_space<vmem>>
      %dma_wait3A_3161 = arith.constant 0 : i32
      %dma_wait3A_3162 = arith.constant 0 : i32
      %dma_wait3A_3163 = arith.constant 0 : i32
      %dma_wait3A_3164 = tpu.memref_slice %dma_wait3A_3160[%sub3A_2144, %dma_wait3A_3161, %dma_wait3A_3162, %dma_wait3A_3163] : memref<2x1x50x32xf32, #tpu.memory_space<vmem>> -> memref<1x1x50x32xf32, #tpu.memory_space<vmem>>
      %dma_wait3A_3165 = tpu.memref_squeeze %dma_wait3A_3164 : memref<1x1x50x32xf32, #tpu.memory_space<vmem>> -> memref<1x50x32xf32, #tpu.memory_space<vmem>>
      %dma_wait3A_3166 = arith.constant 0 : i32
      %dma_wait3A_3167 = arith.constant 0 : i32
      %dma_wait3A_3168 = tpu.memref_slice %dma_wait3A_3165[%dma_wait3A_3133, %dma_wait3A_3166, %dma_wait3A_3167] : memref<1x50x32xf32, #tpu.memory_space<vmem>> -> memref<1x50x32xf32, #tpu.memory_space<vmem>>
      %dma_wait3A_3169 = tpu.memref_squeeze %dma_wait3A_3168 : memref<1x50x32xf32, #tpu.memory_space<vmem>> -> memref<50x32xf32, #tpu.memory_space<vmem>>
      %dma_wait3A_3170 = arith.constant 0 : i32
      %dma_wait3A_3171 = arith.constant 0 : i32
      %dma_wait3A_3172 = tpu.memref_slice %arg3[%dma_wait3A_3170, %dma_wait3A_3171] : memref<1000000x32xf32, #tpu.memory_space<hbm>> -> memref<50x32xf32, #tpu.memory_space<hbm>>
      tpu.wait_dma2 semaphore(%dma_wait3A_3154 : memref<!tpu.dma_semaphore, #tpu.memory_space<semaphore_mem>>) src(%dma_wait3A_3172 : memref<50x32xf32, #tpu.memory_space<hbm>>) dst(%dma_wait3A_3169 : memref<50x32xf32, #tpu.memory_space<vmem>>)
      %add3A_3173 = arith.constant 8 : i32
      %add3A_3174 = arith.addi %add3A_3072, %add3A_3173 : i32
      %dma_start3A_3175 = arith.constant 7 : i32
      %dma_start3A_3176 = arith.constant 0 : i32
      %dma_start3A_3177 = arith.constant 7 : i32
      %dma_start3A_3178 = arith.constant 0 : i32
      %dma_start3A_3179 = arith.constant 0 : i32
      %dma_start3A_3180 = arith.constant 0 : i32
      %dma_start3A_3181 = arith.constant 0 : i32
      %dma_start3A_3182 = tpu.memref_slice %arg6[%dma_start3A_3175, %dma_start3A_3178, %dma_start3A_3179, %dma_start3A_3180, %dma_start3A_3181] : memref<8x2x1x50x32xf32, #tpu.memory_space<vmem>> -> memref<1x2x1x50x32xf32, #tpu.memory_space<vmem>>
      %dma_start3A_3183 = tpu.memref_squeeze %dma_start3A_3182 : memref<1x2x1x50x32xf32, #tpu.memory_space<vmem>> -> memref<2x1x50x32xf32, #tpu.memory_space<vmem>>
      %dma_start3A_3184 = arith.constant 0 : i32
      %dma_start3A_3185 = arith.constant 0 : i32
      %dma_start3A_3186 = arith.constant 0 : i32
      %dma_start3A_3187 = tpu.memref_slice %dma_start3A_3183[%sub3A_2144, %dma_start3A_3184, %dma_start3A_3185, %dma_start3A_3186] : memref<2x1x50x32xf32, #tpu.memory_space<vmem>> -> memref<1x1x50x32xf32, #tpu.memory_space<vmem>>
      %dma_start3A_3188 = tpu.memref_squeeze %dma_start3A_3187 : memref<1x1x50x32xf32, #tpu.memory_space<vmem>> -> memref<1x50x32xf32, #tpu.memory_space<vmem>>
      %dma_start3A_3189 = arith.constant 0 : i32
      %dma_start3A_3190 = arith.constant 0 : i32
      %dma_start3A_3191 = tpu.memref_slice %dma_start3A_3188[%dma_start3A_3176, %dma_start3A_3189, %dma_start3A_3190] : memref<1x50x32xf32, #tpu.memory_space<vmem>> -> memref<1x50x32xf32, #tpu.memory_space<vmem>>
      %dma_start3A_3192 = tpu.memref_squeeze %dma_start3A_3191 : memref<1x50x32xf32, #tpu.memory_space<vmem>> -> memref<50x32xf32, #tpu.memory_space<vmem>>
      %dma_start3A_3193 = arith.constant 0 : i32
      %dma_start3A_3194 = tpu.memref_slice %arg5[%add3A_3174, %dma_start3A_3193] : memref<512x50xi32, #tpu.memory_space<vmem>> -> memref<1x50xi32, #tpu.memory_space<vmem>>
      %dma_start3A_3195 = tpu.memref_squeeze %dma_start3A_3194 : memref<1x50xi32, #tpu.memory_space<vmem>> -> memref<50xi32, #tpu.memory_space<vmem>>
      %dma_start3A_3196 = arith.constant 0 : i32
      %dma_start3A_3197 = arith.constant 0 : i32
      %dma_start3A_3198 = tpu.memref_slice %arg3[%dma_start3A_3196, %dma_start3A_3197] : memref<1000000x32xf32, #tpu.memory_space<hbm>> -> memref<1000000x32xf32, #tpu.memory_space<hbm>>
      %dma_start3A_3199 = tpu.memref_slice %arg7[%dma_start3A_3177] : memref<8x!tpu.dma_semaphore, #tpu.memory_space<semaphore_mem>> -> memref<1x!tpu.dma_semaphore, #tpu.memory_space<semaphore_mem>>
      %dma_start3A_3200 = tpu.memref_squeeze %dma_start3A_3199 : memref<1x!tpu.dma_semaphore, #tpu.memory_space<semaphore_mem>> -> memref<!tpu.dma_semaphore, #tpu.memory_space<semaphore_mem>>
      tpu.enqueue_indirect_dma source(%dma_start3A_3198 : memref<1000000x32xf32, #tpu.memory_space<hbm>>) target(%dma_start3A_3192 : memref<50x32xf32, #tpu.memory_space<vmem>>) offsets(%dma_start3A_3195 : memref<50xi32, #tpu.memory_space<vmem>>) semaphore(%dma_start3A_3200 : memref<!tpu.dma_semaphore, #tpu.memory_space<semaphore_mem>>)
    }
    %scan3A_957 = arith.constant 62 : i32
    %dma_wait3A_958 = arith.constant 504 : i32
    %dma_wait3A_959 = arith.constant 0 : i32
    %dma_wait3A_960 = arith.constant 1 : i32
    %dma_wait3A_961 = arith.constant 0 : i32
    %dma_wait3A_962 = arith.constant 0 : i32
    %dma_wait3A_963 = arith.constant 0 : i32
    %dma_wait3A_964 = arith.constant 0 : i32
    %dma_wait3A_965 = arith.constant 0 : i32
    %dma_wait3A_966 = arith.constant 0 : i32
    %dma_wait3A_967 = tpu.memref_slice %arg6[%dma_wait3A_959, %dma_wait3A_963, %dma_wait3A_964, %dma_wait3A_965, %dma_wait3A_966] : memref<8x2x1x50x32xf32, #tpu.memory_space<vmem>> -> memref<1x2x1x50x32xf32, #tpu.memory_space<vmem>>
    %dma_wait3A_968 = tpu.memref_squeeze %dma_wait3A_967 : memref<1x2x1x50x32xf32, #tpu.memory_space<vmem>> -> memref<2x1x50x32xf32, #tpu.memory_space<vmem>>
    %dma_wait3A_969 = arith.constant 0 : i32
    %dma_wait3A_970 = arith.constant 0 : i32
    %dma_wait3A_971 = arith.constant 0 : i32
    %dma_wait3A_972 = tpu.memref_slice %dma_wait3A_968[%dma_wait3A_960, %dma_wait3A_969, %dma_wait3A_970, %dma_wait3A_971] : memref<2x1x50x32xf32, #tpu.memory_space<vmem>> -> memref<1x1x50x32xf32, #tpu.memory_space<vmem>>
    %dma_wait3A_973 = tpu.memref_squeeze %dma_wait3A_972 : memref<1x1x50x32xf32, #tpu.memory_space<vmem>> -> memref<1x50x32xf32, #tpu.memory_space<vmem>>
    %dma_wait3A_974 = arith.constant 0 : i32
    %dma_wait3A_975 = arith.constant 0 : i32
    %dma_wait3A_976 = tpu.memref_slice %dma_wait3A_973[%dma_wait3A_961, %dma_wait3A_974, %dma_wait3A_975] : memref<1x50x32xf32, #tpu.memory_space<vmem>> -> memref<1x50x32xf32, #tpu.memory_space<vmem>>
    %dma_wait3A_977 = tpu.memref_squeeze %dma_wait3A_976 : memref<1x50x32xf32, #tpu.memory_space<vmem>> -> memref<50x32xf32, #tpu.memory_space<vmem>>
    %dma_wait3A_978 = arith.constant 0 : i32
    %dma_wait3A_979 = tpu.memref_slice %arg5[%dma_wait3A_958, %dma_wait3A_978] : memref<512x50xi32, #tpu.memory_space<vmem>> -> memref<1x50xi32, #tpu.memory_space<vmem>>
    %dma_wait3A_980 = tpu.memref_squeeze %dma_wait3A_979 : memref<1x50xi32, #tpu.memory_space<vmem>> -> memref<50xi32, #tpu.memory_space<vmem>>
    %dma_wait3A_981 = arith.constant 0 : i32
    %dma_wait3A_982 = arith.constant 0 : i32
    %dma_wait3A_983 = tpu.memref_slice %arg3[%dma_wait3A_981, %dma_wait3A_982] : memref<1000000x32xf32, #tpu.memory_space<hbm>> -> memref<1000000x32xf32, #tpu.memory_space<hbm>>
    %dma_wait3A_984 = tpu.memref_slice %arg7[%dma_wait3A_962] : memref<8x!tpu.dma_semaphore, #tpu.memory_space<semaphore_mem>> -> memref<1x!tpu.dma_semaphore, #tpu.memory_space<semaphore_mem>>
    %dma_wait3A_985 = tpu.memref_squeeze %dma_wait3A_984 : memref<1x!tpu.dma_semaphore, #tpu.memory_space<semaphore_mem>> -> memref<!tpu.dma_semaphore, #tpu.memory_space<semaphore_mem>>
    tpu.wait_indirect_dma semaphore(%dma_wait3A_985 : memref<!tpu.dma_semaphore, #tpu.memory_space<semaphore_mem>>) src(%dma_wait3A_983 : memref<1000000x32xf32, #tpu.memory_space<hbm>>) dst(%dma_wait3A_977 : memref<50x32xf32, #tpu.memory_space<vmem>>)
    %add3A_986 = arith.constant 504 : i32
    %add3A_987 = arith.addi %mul3A_2, %add3A_986 : i32
    %dma_start3A_988 = arith.constant 0 : i32
    %dma_start3A_989 = arith.constant 1 : i32
    %dma_start3A_990 = arith.constant 0 : i32
    %dma_start3A_991 = arith.constant 0 : i32
    %dma_start3A_992 = arith.constant 0 : i32
    %dma_start3A_993 = arith.constant 0 : i32
    %dma_start3A_994 = arith.constant 0 : i32
    %dma_start3A_995 = tpu.memref_slice %arg6[%dma_start3A_988, %dma_start3A_991, %dma_start3A_992, %dma_start3A_993, %dma_start3A_994] : memref<8x2x1x50x32xf32, #tpu.memory_space<vmem>> -> memref<1x2x1x50x32xf32, #tpu.memory_space<vmem>>
    %dma_start3A_996 = tpu.memref_squeeze %dma_start3A_995 : memref<1x2x1x50x32xf32, #tpu.memory_space<vmem>> -> memref<2x1x50x32xf32, #tpu.memory_space<vmem>>
    %dma_start3A_997 = arith.constant 0 : i32
    %dma_start3A_998 = arith.constant 0 : i32
    %dma_start3A_999 = arith.constant 0 : i32
    %dma_start3A_1000 = tpu.memref_slice %dma_start3A_996[%dma_start3A_989, %dma_start3A_997, %dma_start3A_998, %dma_start3A_999] : memref<2x1x50x32xf32, #tpu.memory_space<vmem>> -> memref<1x1x50x32xf32, #tpu.memory_space<vmem>>
    %dma_start3A_1001 = tpu.memref_squeeze %dma_start3A_1000 : memref<1x1x50x32xf32, #tpu.memory_space<vmem>> -> memref<1x50x32xf32, #tpu.memory_space<vmem>>
    %dma_start3A_1002 = arith.constant 0 : i32
    %dma_start3A_1003 = arith.constant 0 : i32
    %dma_start3A_1004 = tpu.memref_slice %arg4[%add3A_987, %dma_start3A_1002, %dma_start3A_1003] : memref<16384x50x32xf32, #tpu.memory_space<hbm>> -> memref<1x50x32xf32, #tpu.memory_space<hbm>>
    %dma_start3A_1005 = tpu.memref_slice %arg8[%dma_start3A_990] : memref<8x!tpu.dma_semaphore, #tpu.memory_space<semaphore_mem>> -> memref<1x!tpu.dma_semaphore, #tpu.memory_space<semaphore_mem>>
    %dma_start3A_1006 = tpu.memref_squeeze %dma_start3A_1005 : memref<1x!tpu.dma_semaphore, #tpu.memory_space<semaphore_mem>> -> memref<!tpu.dma_semaphore, #tpu.memory_space<semaphore_mem>>
    %dma_start3A_1007 = arith.constant 0 : i32
    %dma_start3A_1008 = arith.constant 0 : i32
    %dma_start3A_1009 = tpu.memref_slice %arg4[%add3A_987, %dma_start3A_1007, %dma_start3A_1008] : memref<16384x50x32xf32, #tpu.memory_space<hbm>> -> memref<1x50x32xf32, #tpu.memory_space<hbm>>
    %dma_start3A_1010 = arith.constant 0 : i32
    %dma_start3A_1011 = arith.constant 0 : i32
    %dma_start3A_1012 = arith.constant 0 : i32
    %dma_start3A_1013 = arith.constant 0 : i32
    %dma_start3A_1014 = tpu.memref_slice %arg6[%dma_start3A_988, %dma_start3A_1010, %dma_start3A_1011, %dma_start3A_1012, %dma_start3A_1013] : memref<8x2x1x50x32xf32, #tpu.memory_space<vmem>> -> memref<1x2x1x50x32xf32, #tpu.memory_space<vmem>>
    %dma_start3A_1015 = tpu.memref_squeeze %dma_start3A_1014 : memref<1x2x1x50x32xf32, #tpu.memory_space<vmem>> -> memref<2x1x50x32xf32, #tpu.memory_space<vmem>>
    %dma_start3A_1016 = arith.constant 0 : i32
    %dma_start3A_1017 = arith.constant 0 : i32
    %dma_start3A_1018 = arith.constant 0 : i32
    %dma_start3A_1019 = tpu.memref_slice %dma_start3A_1015[%dma_start3A_989, %dma_start3A_1016, %dma_start3A_1017, %dma_start3A_1018] : memref<2x1x50x32xf32, #tpu.memory_space<vmem>> -> memref<1x1x50x32xf32, #tpu.memory_space<vmem>>
    %dma_start3A_1020 = tpu.memref_squeeze %dma_start3A_1019 : memref<1x1x50x32xf32, #tpu.memory_space<vmem>> -> memref<1x50x32xf32, #tpu.memory_space<vmem>>
    tpu.enqueue_dma source(%dma_start3A_1020 : memref<1x50x32xf32, #tpu.memory_space<vmem>>) target(%dma_start3A_1009 : memref<1x50x32xf32, #tpu.memory_space<hbm>>) target_semaphore(%dma_start3A_1006 : memref<!tpu.dma_semaphore, #tpu.memory_space<semaphore_mem>>)
    %dma_wait3A_1021 = arith.constant 505 : i32
    %dma_wait3A_1022 = arith.constant 1 : i32
    %dma_wait3A_1023 = arith.constant 1 : i32
    %dma_wait3A_1024 = arith.constant 0 : i32
    %dma_wait3A_1025 = arith.constant 1 : i32
    %dma_wait3A_1026 = arith.constant 0 : i32
    %dma_wait3A_1027 = arith.constant 0 : i32
    %dma_wait3A_1028 = arith.constant 0 : i32
    %dma_wait3A_1029 = arith.constant 0 : i32
    %dma_wait3A_1030 = tpu.memref_slice %arg6[%dma_wait3A_1022, %dma_wait3A_1026, %dma_wait3A_1027, %dma_wait3A_1028, %dma_wait3A_1029] : memref<8x2x1x50x32xf32, #tpu.memory_space<vmem>> -> memref<1x2x1x50x32xf32, #tpu.memory_space<vmem>>
    %dma_wait3A_1031 = tpu.memref_squeeze %dma_wait3A_1030 : memref<1x2x1x50x32xf32, #tpu.memory_space<vmem>> -> memref<2x1x50x32xf32, #tpu.memory_space<vmem>>
    %dma_wait3A_1032 = arith.constant 0 : i32
    %dma_wait3A_1033 = arith.constant 0 : i32
    %dma_wait3A_1034 = arith.constant 0 : i32
    %dma_wait3A_1035 = tpu.memref_slice %dma_wait3A_1031[%dma_wait3A_1023, %dma_wait3A_1032, %dma_wait3A_1033, %dma_wait3A_1034] : memref<2x1x50x32xf32, #tpu.memory_space<vmem>> -> memref<1x1x50x32xf32, #tpu.memory_space<vmem>>
    %dma_wait3A_1036 = tpu.memref_squeeze %dma_wait3A_1035 : memref<1x1x50x32xf32, #tpu.memory_space<vmem>> -> memref<1x50x32xf32, #tpu.memory_space<vmem>>
    %dma_wait3A_1037 = arith.constant 0 : i32
    %dma_wait3A_1038 = arith.constant 0 : i32
    %dma_wait3A_1039 = tpu.memref_slice %dma_wait3A_1036[%dma_wait3A_1024, %dma_wait3A_1037, %dma_wait3A_1038] : memref<1x50x32xf32, #tpu.memory_space<vmem>> -> memref<1x50x32xf32, #tpu.memory_space<vmem>>
    %dma_wait3A_1040 = tpu.memref_squeeze %dma_wait3A_1039 : memref<1x50x32xf32, #tpu.memory_space<vmem>> -> memref<50x32xf32, #tpu.memory_space<vmem>>
    %dma_wait3A_1041 = arith.constant 0 : i32
    %dma_wait3A_1042 = tpu.memref_slice %arg5[%dma_wait3A_1021, %dma_wait3A_1041] : memref<512x50xi32, #tpu.memory_space<vmem>> -> memref<1x50xi32, #tpu.memory_space<vmem>>
    %dma_wait3A_1043 = tpu.memref_squeeze %dma_wait3A_1042 : memref<1x50xi32, #tpu.memory_space<vmem>> -> memref<50xi32, #tpu.memory_space<vmem>>
    %dma_wait3A_1044 = arith.constant 0 : i32
    %dma_wait3A_1045 = arith.constant 0 : i32
    %dma_wait3A_1046 = tpu.memref_slice %arg3[%dma_wait3A_1044, %dma_wait3A_1045] : memref<1000000x32xf32, #tpu.memory_space<hbm>> -> memref<1000000x32xf32, #tpu.memory_space<hbm>>
    %dma_wait3A_1047 = tpu.memref_slice %arg7[%dma_wait3A_1025] : memref<8x!tpu.dma_semaphore, #tpu.memory_space<semaphore_mem>> -> memref<1x!tpu.dma_semaphore, #tpu.memory_space<semaphore_mem>>
    %dma_wait3A_1048 = tpu.memref_squeeze %dma_wait3A_1047 : memref<1x!tpu.dma_semaphore, #tpu.memory_space<semaphore_mem>> -> memref<!tpu.dma_semaphore, #tpu.memory_space<semaphore_mem>>
    tpu.wait_indirect_dma semaphore(%dma_wait3A_1048 : memref<!tpu.dma_semaphore, #tpu.memory_space<semaphore_mem>>) src(%dma_wait3A_1046 : memref<1000000x32xf32, #tpu.memory_space<hbm>>) dst(%dma_wait3A_1040 : memref<50x32xf32, #tpu.memory_space<vmem>>)
    %add3A_1049 = arith.constant 505 : i32
    %add3A_1050 = arith.addi %mul3A_2, %add3A_1049 : i32
    %dma_start3A_1051 = arith.constant 1 : i32
    %dma_start3A_1052 = arith.constant 1 : i32
    %dma_start3A_1053 = arith.constant 1 : i32
    %dma_start3A_1054 = arith.constant 0 : i32
    %dma_start3A_1055 = arith.constant 0 : i32
    %dma_start3A_1056 = arith.constant 0 : i32
    %dma_start3A_1057 = arith.constant 0 : i32
    %dma_start3A_1058 = tpu.memref_slice %arg6[%dma_start3A_1051, %dma_start3A_1054, %dma_start3A_1055, %dma_start3A_1056, %dma_start3A_1057] : memref<8x2x1x50x32xf32, #tpu.memory_space<vmem>> -> memref<1x2x1x50x32xf32, #tpu.memory_space<vmem>>
    %dma_start3A_1059 = tpu.memref_squeeze %dma_start3A_1058 : memref<1x2x1x50x32xf32, #tpu.memory_space<vmem>> -> memref<2x1x50x32xf32, #tpu.memory_space<vmem>>
    %dma_start3A_1060 = arith.constant 0 : i32
    %dma_start3A_1061 = arith.constant 0 : i32
    %dma_start3A_1062 = arith.constant 0 : i32
    %dma_start3A_1063 = tpu.memref_slice %dma_start3A_1059[%dma_start3A_1052, %dma_start3A_1060, %dma_start3A_1061, %dma_start3A_1062] : memref<2x1x50x32xf32, #tpu.memory_space<vmem>> -> memref<1x1x50x32xf32, #tpu.memory_space<vmem>>
    %dma_start3A_1064 = tpu.memref_squeeze %dma_start3A_1063 : memref<1x1x50x32xf32, #tpu.memory_space<vmem>> -> memref<1x50x32xf32, #tpu.memory_space<vmem>>
    %dma_start3A_1065 = arith.constant 0 : i32
    %dma_start3A_1066 = arith.constant 0 : i32
    %dma_start3A_1067 = tpu.memref_slice %arg4[%add3A_1050, %dma_start3A_1065, %dma_start3A_1066] : memref<16384x50x32xf32, #tpu.memory_space<hbm>> -> memref<1x50x32xf32, #tpu.memory_space<hbm>>
    %dma_start3A_1068 = tpu.memref_slice %arg8[%dma_start3A_1053] : memref<8x!tpu.dma_semaphore, #tpu.memory_space<semaphore_mem>> -> memref<1x!tpu.dma_semaphore, #tpu.memory_space<semaphore_mem>>
    %dma_start3A_1069 = tpu.memref_squeeze %dma_start3A_1068 : memref<1x!tpu.dma_semaphore, #tpu.memory_space<semaphore_mem>> -> memref<!tpu.dma_semaphore, #tpu.memory_space<semaphore_mem>>
    %dma_start3A_1070 = arith.constant 0 : i32
    %dma_start3A_1071 = arith.constant 0 : i32
    %dma_start3A_1072 = tpu.memref_slice %arg4[%add3A_1050, %dma_start3A_1070, %dma_start3A_1071] : memref<16384x50x32xf32, #tpu.memory_space<hbm>> -> memref<1x50x32xf32, #tpu.memory_space<hbm>>
    %dma_start3A_1073 = arith.constant 0 : i32
    %dma_start3A_1074 = arith.constant 0 : i32
    %dma_start3A_1075 = arith.constant 0 : i32
    %dma_start3A_1076 = arith.constant 0 : i32
    %dma_start3A_1077 = tpu.memref_slice %arg6[%dma_start3A_1051, %dma_start3A_1073, %dma_start3A_1074, %dma_start3A_1075, %dma_start3A_1076] : memref<8x2x1x50x32xf32, #tpu.memory_space<vmem>> -> memref<1x2x1x50x32xf32, #tpu.memory_space<vmem>>
    %dma_start3A_1078 = tpu.memref_squeeze %dma_start3A_1077 : memref<1x2x1x50x32xf32, #tpu.memory_space<vmem>> -> memref<2x1x50x32xf32, #tpu.memory_space<vmem>>
    %dma_start3A_1079 = arith.constant 0 : i32
    %dma_start3A_1080 = arith.constant 0 : i32
    %dma_start3A_1081 = arith.constant 0 : i32
    %dma_start3A_1082 = tpu.memref_slice %dma_start3A_1078[%dma_start3A_1052, %dma_start3A_1079, %dma_start3A_1080, %dma_start3A_1081] : memref<2x1x50x32xf32, #tpu.memory_space<vmem>> -> memref<1x1x50x32xf32, #tpu.memory_space<vmem>>
    %dma_start3A_1083 = tpu.memref_squeeze %dma_start3A_1082 : memref<1x1x50x32xf32, #tpu.memory_space<vmem>> -> memref<1x50x32xf32, #tpu.memory_space<vmem>>
    tpu.enqueue_dma source(%dma_start3A_1083 : memref<1x50x32xf32, #tpu.memory_space<vmem>>) target(%dma_start3A_1072 : memref<1x50x32xf32, #tpu.memory_space<hbm>>) target_semaphore(%dma_start3A_1069 : memref<!tpu.dma_semaphore, #tpu.memory_space<semaphore_mem>>)
    %dma_wait3A_1084 = arith.constant 506 : i32
    %dma_wait3A_1085 = arith.constant 2 : i32
    %dma_wait3A_1086 = arith.constant 1 : i32
    %dma_wait3A_1087 = arith.constant 0 : i32
    %dma_wait3A_1088 = arith.constant 2 : i32
    %dma_wait3A_1089 = arith.constant 0 : i32
    %dma_wait3A_1090 = arith.constant 0 : i32
    %dma_wait3A_1091 = arith.constant 0 : i32
    %dma_wait3A_1092 = arith.constant 0 : i32
    %dma_wait3A_1093 = tpu.memref_slice %arg6[%dma_wait3A_1085, %dma_wait3A_1089, %dma_wait3A_1090, %dma_wait3A_1091, %dma_wait3A_1092] : memref<8x2x1x50x32xf32, #tpu.memory_space<vmem>> -> memref<1x2x1x50x32xf32, #tpu.memory_space<vmem>>
    %dma_wait3A_1094 = tpu.memref_squeeze %dma_wait3A_1093 : memref<1x2x1x50x32xf32, #tpu.memory_space<vmem>> -> memref<2x1x50x32xf32, #tpu.memory_space<vmem>>
    %dma_wait3A_1095 = arith.constant 0 : i32
    %dma_wait3A_1096 = arith.constant 0 : i32
    %dma_wait3A_1097 = arith.constant 0 : i32
    %dma_wait3A_1098 = tpu.memref_slice %dma_wait3A_1094[%dma_wait3A_1086, %dma_wait3A_1095, %dma_wait3A_1096, %dma_wait3A_1097] : memref<2x1x50x32xf32, #tpu.memory_space<vmem>> -> memref<1x1x50x32xf32, #tpu.memory_space<vmem>>
    %dma_wait3A_1099 = tpu.memref_squeeze %dma_wait3A_1098 : memref<1x1x50x32xf32, #tpu.memory_space<vmem>> -> memref<1x50x32xf32, #tpu.memory_space<vmem>>
    %dma_wait3A_1100 = arith.constant 0 : i32
    %dma_wait3A_1101 = arith.constant 0 : i32
    %dma_wait3A_1102 = tpu.memref_slice %dma_wait3A_1099[%dma_wait3A_1087, %dma_wait3A_1100, %dma_wait3A_1101] : memref<1x50x32xf32, #tpu.memory_space<vmem>> -> memref<1x50x32xf32, #tpu.memory_space<vmem>>
    %dma_wait3A_1103 = tpu.memref_squeeze %dma_wait3A_1102 : memref<1x50x32xf32, #tpu.memory_space<vmem>> -> memref<50x32xf32, #tpu.memory_space<vmem>>
    %dma_wait3A_1104 = arith.constant 0 : i32
    %dma_wait3A_1105 = tpu.memref_slice %arg5[%dma_wait3A_1084, %dma_wait3A_1104] : memref<512x50xi32, #tpu.memory_space<vmem>> -> memref<1x50xi32, #tpu.memory_space<vmem>>
    %dma_wait3A_1106 = tpu.memref_squeeze %dma_wait3A_1105 : memref<1x50xi32, #tpu.memory_space<vmem>> -> memref<50xi32, #tpu.memory_space<vmem>>
    %dma_wait3A_1107 = arith.constant 0 : i32
    %dma_wait3A_1108 = arith.constant 0 : i32
    %dma_wait3A_1109 = tpu.memref_slice %arg3[%dma_wait3A_1107, %dma_wait3A_1108] : memref<1000000x32xf32, #tpu.memory_space<hbm>> -> memref<1000000x32xf32, #tpu.memory_space<hbm>>
    %dma_wait3A_1110 = tpu.memref_slice %arg7[%dma_wait3A_1088] : memref<8x!tpu.dma_semaphore, #tpu.memory_space<semaphore_mem>> -> memref<1x!tpu.dma_semaphore, #tpu.memory_space<semaphore_mem>>
    %dma_wait3A_1111 = tpu.memref_squeeze %dma_wait3A_1110 : memref<1x!tpu.dma_semaphore, #tpu.memory_space<semaphore_mem>> -> memref<!tpu.dma_semaphore, #tpu.memory_space<semaphore_mem>>
    tpu.wait_indirect_dma semaphore(%dma_wait3A_1111 : memref<!tpu.dma_semaphore, #tpu.memory_space<semaphore_mem>>) src(%dma_wait3A_1109 : memref<1000000x32xf32, #tpu.memory_space<hbm>>) dst(%dma_wait3A_1103 : memref<50x32xf32, #tpu.memory_space<vmem>>)
    %add3A_1112 = arith.constant 506 : i32
    %add3A_1113 = arith.addi %mul3A_2, %add3A_1112 : i32
    %dma_start3A_1114 = arith.constant 2 : i32
    %dma_start3A_1115 = arith.constant 1 : i32
    %dma_start3A_1116 = arith.constant 2 : i32
    %dma_start3A_1117 = arith.constant 0 : i32
    %dma_start3A_1118 = arith.constant 0 : i32
    %dma_start3A_1119 = arith.constant 0 : i32
    %dma_start3A_1120 = arith.constant 0 : i32
    %dma_start3A_1121 = tpu.memref_slice %arg6[%dma_start3A_1114, %dma_start3A_1117, %dma_start3A_1118, %dma_start3A_1119, %dma_start3A_1120] : memref<8x2x1x50x32xf32, #tpu.memory_space<vmem>> -> memref<1x2x1x50x32xf32, #tpu.memory_space<vmem>>
    %dma_start3A_1122 = tpu.memref_squeeze %dma_start3A_1121 : memref<1x2x1x50x32xf32, #tpu.memory_space<vmem>> -> memref<2x1x50x32xf32, #tpu.memory_space<vmem>>
    %dma_start3A_1123 = arith.constant 0 : i32
    %dma_start3A_1124 = arith.constant 0 : i32
    %dma_start3A_1125 = arith.constant 0 : i32
    %dma_start3A_1126 = tpu.memref_slice %dma_start3A_1122[%dma_start3A_1115, %dma_start3A_1123, %dma_start3A_1124, %dma_start3A_1125] : memref<2x1x50x32xf32, #tpu.memory_space<vmem>> -> memref<1x1x50x32xf32, #tpu.memory_space<vmem>>
    %dma_start3A_1127 = tpu.memref_squeeze %dma_start3A_1126 : memref<1x1x50x32xf32, #tpu.memory_space<vmem>> -> memref<1x50x32xf32, #tpu.memory_space<vmem>>
    %dma_start3A_1128 = arith.constant 0 : i32
    %dma_start3A_1129 = arith.constant 0 : i32
    %dma_start3A_1130 = tpu.memref_slice %arg4[%add3A_1113, %dma_start3A_1128, %dma_start3A_1129] : memref<16384x50x32xf32, #tpu.memory_space<hbm>> -> memref<1x50x32xf32, #tpu.memory_space<hbm>>
    %dma_start3A_1131 = tpu.memref_slice %arg8[%dma_start3A_1116] : memref<8x!tpu.dma_semaphore, #tpu.memory_space<semaphore_mem>> -> memref<1x!tpu.dma_semaphore, #tpu.memory_space<semaphore_mem>>
    %dma_start3A_1132 = tpu.memref_squeeze %dma_start3A_1131 : memref<1x!tpu.dma_semaphore, #tpu.memory_space<semaphore_mem>> -> memref<!tpu.dma_semaphore, #tpu.memory_space<semaphore_mem>>
    %dma_start3A_1133 = arith.constant 0 : i32
    %dma_start3A_1134 = arith.constant 0 : i32
    %dma_start3A_1135 = tpu.memref_slice %arg4[%add3A_1113, %dma_start3A_1133, %dma_start3A_1134] : memref<16384x50x32xf32, #tpu.memory_space<hbm>> -> memref<1x50x32xf32, #tpu.memory_space<hbm>>
    %dma_start3A_1136 = arith.constant 0 : i32
    %dma_start3A_1137 = arith.constant 0 : i32
    %dma_start3A_1138 = arith.constant 0 : i32
    %dma_start3A_1139 = arith.constant 0 : i32
    %dma_start3A_1140 = tpu.memref_slice %arg6[%dma_start3A_1114, %dma_start3A_1136, %dma_start3A_1137, %dma_start3A_1138, %dma_start3A_1139] : memref<8x2x1x50x32xf32, #tpu.memory_space<vmem>> -> memref<1x2x1x50x32xf32, #tpu.memory_space<vmem>>
    %dma_start3A_1141 = tpu.memref_squeeze %dma_start3A_1140 : memref<1x2x1x50x32xf32, #tpu.memory_space<vmem>> -> memref<2x1x50x32xf32, #tpu.memory_space<vmem>>
    %dma_start3A_1142 = arith.constant 0 : i32
    %dma_start3A_1143 = arith.constant 0 : i32
    %dma_start3A_1144 = arith.constant 0 : i32
    %dma_start3A_1145 = tpu.memref_slice %dma_start3A_1141[%dma_start3A_1115, %dma_start3A_1142, %dma_start3A_1143, %dma_start3A_1144] : memref<2x1x50x32xf32, #tpu.memory_space<vmem>> -> memref<1x1x50x32xf32, #tpu.memory_space<vmem>>
    %dma_start3A_1146 = tpu.memref_squeeze %dma_start3A_1145 : memref<1x1x50x32xf32, #tpu.memory_space<vmem>> -> memref<1x50x32xf32, #tpu.memory_space<vmem>>
    tpu.enqueue_dma source(%dma_start3A_1146 : memref<1x50x32xf32, #tpu.memory_space<vmem>>) target(%dma_start3A_1135 : memref<1x50x32xf32, #tpu.memory_space<hbm>>) target_semaphore(%dma_start3A_1132 : memref<!tpu.dma_semaphore, #tpu.memory_space<semaphore_mem>>)
    %dma_wait3A_1147 = arith.constant 507 : i32
    %dma_wait3A_1148 = arith.constant 3 : i32
    %dma_wait3A_1149 = arith.constant 1 : i32
    %dma_wait3A_1150 = arith.constant 0 : i32
    %dma_wait3A_1151 = arith.constant 3 : i32
    %dma_wait3A_1152 = arith.constant 0 : i32
    %dma_wait3A_1153 = arith.constant 0 : i32
    %dma_wait3A_1154 = arith.constant 0 : i32
    %dma_wait3A_1155 = arith.constant 0 : i32
    %dma_wait3A_1156 = tpu.memref_slice %arg6[%dma_wait3A_1148, %dma_wait3A_1152, %dma_wait3A_1153, %dma_wait3A_1154, %dma_wait3A_1155] : memref<8x2x1x50x32xf32, #tpu.memory_space<vmem>> -> memref<1x2x1x50x32xf32, #tpu.memory_space<vmem>>
    %dma_wait3A_1157 = tpu.memref_squeeze %dma_wait3A_1156 : memref<1x2x1x50x32xf32, #tpu.memory_space<vmem>> -> memref<2x1x50x32xf32, #tpu.memory_space<vmem>>
    %dma_wait3A_1158 = arith.constant 0 : i32
    %dma_wait3A_1159 = arith.constant 0 : i32
    %dma_wait3A_1160 = arith.constant 0 : i32
    %dma_wait3A_1161 = tpu.memref_slice %dma_wait3A_1157[%dma_wait3A_1149, %dma_wait3A_1158, %dma_wait3A_1159, %dma_wait3A_1160] : memref<2x1x50x32xf32, #tpu.memory_space<vmem>> -> memref<1x1x50x32xf32, #tpu.memory_space<vmem>>
    %dma_wait3A_1162 = tpu.memref_squeeze %dma_wait3A_1161 : memref<1x1x50x32xf32, #tpu.memory_space<vmem>> -> memref<1x50x32xf32, #tpu.memory_space<vmem>>
    %dma_wait3A_1163 = arith.constant 0 : i32
    %dma_wait3A_1164 = arith.constant 0 : i32
    %dma_wait3A_1165 = tpu.memref_slice %dma_wait3A_1162[%dma_wait3A_1150, %dma_wait3A_1163, %dma_wait3A_1164] : memref<1x50x32xf32, #tpu.memory_space<vmem>> -> memref<1x50x32xf32, #tpu.memory_space<vmem>>
    %dma_wait3A_1166 = tpu.memref_squeeze %dma_wait3A_1165 : memref<1x50x32xf32, #tpu.memory_space<vmem>> -> memref<50x32xf32, #tpu.memory_space<vmem>>
    %dma_wait3A_1167 = arith.constant 0 : i32
    %dma_wait3A_1168 = tpu.memref_slice %arg5[%dma_wait3A_1147, %dma_wait3A_1167] : memref<512x50xi32, #tpu.memory_space<vmem>> -> memref<1x50xi32, #tpu.memory_space<vmem>>
    %dma_wait3A_1169 = tpu.memref_squeeze %dma_wait3A_1168 : memref<1x50xi32, #tpu.memory_space<vmem>> -> memref<50xi32, #tpu.memory_space<vmem>>
    %dma_wait3A_1170 = arith.constant 0 : i32
    %dma_wait3A_1171 = arith.constant 0 : i32
    %dma_wait3A_1172 = tpu.memref_slice %arg3[%dma_wait3A_1170, %dma_wait3A_1171] : memref<1000000x32xf32, #tpu.memory_space<hbm>> -> memref<1000000x32xf32, #tpu.memory_space<hbm>>
    %dma_wait3A_1173 = tpu.memref_slice %arg7[%dma_wait3A_1151] : memref<8x!tpu.dma_semaphore, #tpu.memory_space<semaphore_mem>> -> memref<1x!tpu.dma_semaphore, #tpu.memory_space<semaphore_mem>>
    %dma_wait3A_1174 = tpu.memref_squeeze %dma_wait3A_1173 : memref<1x!tpu.dma_semaphore, #tpu.memory_space<semaphore_mem>> -> memref<!tpu.dma_semaphore, #tpu.memory_space<semaphore_mem>>
    tpu.wait_indirect_dma semaphore(%dma_wait3A_1174 : memref<!tpu.dma_semaphore, #tpu.memory_space<semaphore_mem>>) src(%dma_wait3A_1172 : memref<1000000x32xf32, #tpu.memory_space<hbm>>) dst(%dma_wait3A_1166 : memref<50x32xf32, #tpu.memory_space<vmem>>)
    %add3A_1175 = arith.constant 507 : i32
    %add3A_1176 = arith.addi %mul3A_2, %add3A_1175 : i32
    %dma_start3A_1177 = arith.constant 3 : i32
    %dma_start3A_1178 = arith.constant 1 : i32
    %dma_start3A_1179 = arith.constant 3 : i32
    %dma_start3A_1180 = arith.constant 0 : i32
    %dma_start3A_1181 = arith.constant 0 : i32
    %dma_start3A_1182 = arith.constant 0 : i32
    %dma_start3A_1183 = arith.constant 0 : i32
    %dma_start3A_1184 = tpu.memref_slice %arg6[%dma_start3A_1177, %dma_start3A_1180, %dma_start3A_1181, %dma_start3A_1182, %dma_start3A_1183] : memref<8x2x1x50x32xf32, #tpu.memory_space<vmem>> -> memref<1x2x1x50x32xf32, #tpu.memory_space<vmem>>
    %dma_start3A_1185 = tpu.memref_squeeze %dma_start3A_1184 : memref<1x2x1x50x32xf32, #tpu.memory_space<vmem>> -> memref<2x1x50x32xf32, #tpu.memory_space<vmem>>
    %dma_start3A_1186 = arith.constant 0 : i32
    %dma_start3A_1187 = arith.constant 0 : i32
    %dma_start3A_1188 = arith.constant 0 : i32
    %dma_start3A_1189 = tpu.memref_slice %dma_start3A_1185[%dma_start3A_1178, %dma_start3A_1186, %dma_start3A_1187, %dma_start3A_1188] : memref<2x1x50x32xf32, #tpu.memory_space<vmem>> -> memref<1x1x50x32xf32, #tpu.memory_space<vmem>>
    %dma_start3A_1190 = tpu.memref_squeeze %dma_start3A_1189 : memref<1x1x50x32xf32, #tpu.memory_space<vmem>> -> memref<1x50x32xf32, #tpu.memory_space<vmem>>
    %dma_start3A_1191 = arith.constant 0 : i32
    %dma_start3A_1192 = arith.constant 0 : i32
    %dma_start3A_1193 = tpu.memref_slice %arg4[%add3A_1176, %dma_start3A_1191, %dma_start3A_1192] : memref<16384x50x32xf32, #tpu.memory_space<hbm>> -> memref<1x50x32xf32, #tpu.memory_space<hbm>>
    %dma_start3A_1194 = tpu.memref_slice %arg8[%dma_start3A_1179] : memref<8x!tpu.dma_semaphore, #tpu.memory_space<semaphore_mem>> -> memref<1x!tpu.dma_semaphore, #tpu.memory_space<semaphore_mem>>
    %dma_start3A_1195 = tpu.memref_squeeze %dma_start3A_1194 : memref<1x!tpu.dma_semaphore, #tpu.memory_space<semaphore_mem>> -> memref<!tpu.dma_semaphore, #tpu.memory_space<semaphore_mem>>
    %dma_start3A_1196 = arith.constant 0 : i32
    %dma_start3A_1197 = arith.constant 0 : i32
    %dma_start3A_1198 = tpu.memref_slice %arg4[%add3A_1176, %dma_start3A_1196, %dma_start3A_1197] : memref<16384x50x32xf32, #tpu.memory_space<hbm>> -> memref<1x50x32xf32, #tpu.memory_space<hbm>>
    %dma_start3A_1199 = arith.constant 0 : i32
    %dma_start3A_1200 = arith.constant 0 : i32
    %dma_start3A_1201 = arith.constant 0 : i32
    %dma_start3A_1202 = arith.constant 0 : i32
    %dma_start3A_1203 = tpu.memref_slice %arg6[%dma_start3A_1177, %dma_start3A_1199, %dma_start3A_1200, %dma_start3A_1201, %dma_start3A_1202] : memref<8x2x1x50x32xf32, #tpu.memory_space<vmem>> -> memref<1x2x1x50x32xf32, #tpu.memory_space<vmem>>
    %dma_start3A_1204 = tpu.memref_squeeze %dma_start3A_1203 : memref<1x2x1x50x32xf32, #tpu.memory_space<vmem>> -> memref<2x1x50x32xf32, #tpu.memory_space<vmem>>
    %dma_start3A_1205 = arith.constant 0 : i32
    %dma_start3A_1206 = arith.constant 0 : i32
    %dma_start3A_1207 = arith.constant 0 : i32
    %dma_start3A_1208 = tpu.memref_slice %dma_start3A_1204[%dma_start3A_1178, %dma_start3A_1205, %dma_start3A_1206, %dma_start3A_1207] : memref<2x1x50x32xf32, #tpu.memory_space<vmem>> -> memref<1x1x50x32xf32, #tpu.memory_space<vmem>>
    %dma_start3A_1209 = tpu.memref_squeeze %dma_start3A_1208 : memref<1x1x50x32xf32, #tpu.memory_space<vmem>> -> memref<1x50x32xf32, #tpu.memory_space<vmem>>
    tpu.enqueue_dma source(%dma_start3A_1209 : memref<1x50x32xf32, #tpu.memory_space<vmem>>) target(%dma_start3A_1198 : memref<1x50x32xf32, #tpu.memory_space<hbm>>) target_semaphore(%dma_start3A_1195 : memref<!tpu.dma_semaphore, #tpu.memory_space<semaphore_mem>>)
    %dma_wait3A_1210 = arith.constant 508 : i32
    %dma_wait3A_1211 = arith.constant 4 : i32
    %dma_wait3A_1212 = arith.constant 1 : i32
    %dma_wait3A_1213 = arith.constant 0 : i32
    %dma_wait3A_1214 = arith.constant 4 : i32
    %dma_wait3A_1215 = arith.constant 0 : i32
    %dma_wait3A_1216 = arith.constant 0 : i32
    %dma_wait3A_1217 = arith.constant 0 : i32
    %dma_wait3A_1218 = arith.constant 0 : i32
    %dma_wait3A_1219 = tpu.memref_slice %arg6[%dma_wait3A_1211, %dma_wait3A_1215, %dma_wait3A_1216, %dma_wait3A_1217, %dma_wait3A_1218] : memref<8x2x1x50x32xf32, #tpu.memory_space<vmem>> -> memref<1x2x1x50x32xf32, #tpu.memory_space<vmem>>
    %dma_wait3A_1220 = tpu.memref_squeeze %dma_wait3A_1219 : memref<1x2x1x50x32xf32, #tpu.memory_space<vmem>> -> memref<2x1x50x32xf32, #tpu.memory_space<vmem>>
    %dma_wait3A_1221 = arith.constant 0 : i32
    %dma_wait3A_1222 = arith.constant 0 : i32
    %dma_wait3A_1223 = arith.constant 0 : i32
    %dma_wait3A_1224 = tpu.memref_slice %dma_wait3A_1220[%dma_wait3A_1212, %dma_wait3A_1221, %dma_wait3A_1222, %dma_wait3A_1223] : memref<2x1x50x32xf32, #tpu.memory_space<vmem>> -> memref<1x1x50x32xf32, #tpu.memory_space<vmem>>
    %dma_wait3A_1225 = tpu.memref_squeeze %dma_wait3A_1224 : memref<1x1x50x32xf32, #tpu.memory_space<vmem>> -> memref<1x50x32xf32, #tpu.memory_space<vmem>>
    %dma_wait3A_1226 = arith.constant 0 : i32
    %dma_wait3A_1227 = arith.constant 0 : i32
    %dma_wait3A_1228 = tpu.memref_slice %dma_wait3A_1225[%dma_wait3A_1213, %dma_wait3A_1226, %dma_wait3A_1227] : memref<1x50x32xf32, #tpu.memory_space<vmem>> -> memref<1x50x32xf32, #tpu.memory_space<vmem>>
    %dma_wait3A_1229 = tpu.memref_squeeze %dma_wait3A_1228 : memref<1x50x32xf32, #tpu.memory_space<vmem>> -> memref<50x32xf32, #tpu.memory_space<vmem>>
    %dma_wait3A_1230 = arith.constant 0 : i32
    %dma_wait3A_1231 = tpu.memref_slice %arg5[%dma_wait3A_1210, %dma_wait3A_1230] : memref<512x50xi32, #tpu.memory_space<vmem>> -> memref<1x50xi32, #tpu.memory_space<vmem>>
    %dma_wait3A_1232 = tpu.memref_squeeze %dma_wait3A_1231 : memref<1x50xi32, #tpu.memory_space<vmem>> -> memref<50xi32, #tpu.memory_space<vmem>>
    %dma_wait3A_1233 = arith.constant 0 : i32
    %dma_wait3A_1234 = arith.constant 0 : i32
    %dma_wait3A_1235 = tpu.memref_slice %arg3[%dma_wait3A_1233, %dma_wait3A_1234] : memref<1000000x32xf32, #tpu.memory_space<hbm>> -> memref<1000000x32xf32, #tpu.memory_space<hbm>>
    %dma_wait3A_1236 = tpu.memref_slice %arg7[%dma_wait3A_1214] : memref<8x!tpu.dma_semaphore, #tpu.memory_space<semaphore_mem>> -> memref<1x!tpu.dma_semaphore, #tpu.memory_space<semaphore_mem>>
    %dma_wait3A_1237 = tpu.memref_squeeze %dma_wait3A_1236 : memref<1x!tpu.dma_semaphore, #tpu.memory_space<semaphore_mem>> -> memref<!tpu.dma_semaphore, #tpu.memory_space<semaphore_mem>>
    tpu.wait_indirect_dma semaphore(%dma_wait3A_1237 : memref<!tpu.dma_semaphore, #tpu.memory_space<semaphore_mem>>) src(%dma_wait3A_1235 : memref<1000000x32xf32, #tpu.memory_space<hbm>>) dst(%dma_wait3A_1229 : memref<50x32xf32, #tpu.memory_space<vmem>>)
    %add3A_1238 = arith.constant 508 : i32
    %add3A_1239 = arith.addi %mul3A_2, %add3A_1238 : i32
    %dma_start3A_1240 = arith.constant 4 : i32
    %dma_start3A_1241 = arith.constant 1 : i32
    %dma_start3A_1242 = arith.constant 4 : i32
    %dma_start3A_1243 = arith.constant 0 : i32
    %dma_start3A_1244 = arith.constant 0 : i32
    %dma_start3A_1245 = arith.constant 0 : i32
    %dma_start3A_1246 = arith.constant 0 : i32
    %dma_start3A_1247 = tpu.memref_slice %arg6[%dma_start3A_1240, %dma_start3A_1243, %dma_start3A_1244, %dma_start3A_1245, %dma_start3A_1246] : memref<8x2x1x50x32xf32, #tpu.memory_space<vmem>> -> memref<1x2x1x50x32xf32, #tpu.memory_space<vmem>>
    %dma_start3A_1248 = tpu.memref_squeeze %dma_start3A_1247 : memref<1x2x1x50x32xf32, #tpu.memory_space<vmem>> -> memref<2x1x50x32xf32, #tpu.memory_space<vmem>>
    %dma_start3A_1249 = arith.constant 0 : i32
    %dma_start3A_1250 = arith.constant 0 : i32
    %dma_start3A_1251 = arith.constant 0 : i32
    %dma_start3A_1252 = tpu.memref_slice %dma_start3A_1248[%dma_start3A_1241, %dma_start3A_1249, %dma_start3A_1250, %dma_start3A_1251] : memref<2x1x50x32xf32, #tpu.memory_space<vmem>> -> memref<1x1x50x32xf32, #tpu.memory_space<vmem>>
    %dma_start3A_1253 = tpu.memref_squeeze %dma_start3A_1252 : memref<1x1x50x32xf32, #tpu.memory_space<vmem>> -> memref<1x50x32xf32, #tpu.memory_space<vmem>>
    %dma_start3A_1254 = arith.constant 0 : i32
    %dma_start3A_1255 = arith.constant 0 : i32
    %dma_start3A_1256 = tpu.memref_slice %arg4[%add3A_1239, %dma_start3A_1254, %dma_start3A_1255] : memref<16384x50x32xf32, #tpu.memory_space<hbm>> -> memref<1x50x32xf32, #tpu.memory_space<hbm>>
    %dma_start3A_1257 = tpu.memref_slice %arg8[%dma_start3A_1242] : memref<8x!tpu.dma_semaphore, #tpu.memory_space<semaphore_mem>> -> memref<1x!tpu.dma_semaphore, #tpu.memory_space<semaphore_mem>>
    %dma_start3A_1258 = tpu.memref_squeeze %dma_start3A_1257 : memref<1x!tpu.dma_semaphore, #tpu.memory_space<semaphore_mem>> -> memref<!tpu.dma_semaphore, #tpu.memory_space<semaphore_mem>>
    %dma_start3A_1259 = arith.constant 0 : i32
    %dma_start3A_1260 = arith.constant 0 : i32
    %dma_start3A_1261 = tpu.memref_slice %arg4[%add3A_1239, %dma_start3A_1259, %dma_start3A_1260] : memref<16384x50x32xf32, #tpu.memory_space<hbm>> -> memref<1x50x32xf32, #tpu.memory_space<hbm>>
    %dma_start3A_1262 = arith.constant 0 : i32
    %dma_start3A_1263 = arith.constant 0 : i32
    %dma_start3A_1264 = arith.constant 0 : i32
    %dma_start3A_1265 = arith.constant 0 : i32
    %dma_start3A_1266 = tpu.memref_slice %arg6[%dma_start3A_1240, %dma_start3A_1262, %dma_start3A_1263, %dma_start3A_1264, %dma_start3A_1265] : memref<8x2x1x50x32xf32, #tpu.memory_space<vmem>> -> memref<1x2x1x50x32xf32, #tpu.memory_space<vmem>>
    %dma_start3A_1267 = tpu.memref_squeeze %dma_start3A_1266 : memref<1x2x1x50x32xf32, #tpu.memory_space<vmem>> -> memref<2x1x50x32xf32, #tpu.memory_space<vmem>>
    %dma_start3A_1268 = arith.constant 0 : i32
    %dma_start3A_1269 = arith.constant 0 : i32
    %dma_start3A_1270 = arith.constant 0 : i32
    %dma_start3A_1271 = tpu.memref_slice %dma_start3A_1267[%dma_start3A_1241, %dma_start3A_1268, %dma_start3A_1269, %dma_start3A_1270] : memref<2x1x50x32xf32, #tpu.memory_space<vmem>> -> memref<1x1x50x32xf32, #tpu.memory_space<vmem>>
    %dma_start3A_1272 = tpu.memref_squeeze %dma_start3A_1271 : memref<1x1x50x32xf32, #tpu.memory_space<vmem>> -> memref<1x50x32xf32, #tpu.memory_space<vmem>>
    tpu.enqueue_dma source(%dma_start3A_1272 : memref<1x50x32xf32, #tpu.memory_space<vmem>>) target(%dma_start3A_1261 : memref<1x50x32xf32, #tpu.memory_space<hbm>>) target_semaphore(%dma_start3A_1258 : memref<!tpu.dma_semaphore, #tpu.memory_space<semaphore_mem>>)
    %dma_wait3A_1273 = arith.constant 509 : i32
    %dma_wait3A_1274 = arith.constant 5 : i32
    %dma_wait3A_1275 = arith.constant 1 : i32
    %dma_wait3A_1276 = arith.constant 0 : i32
    %dma_wait3A_1277 = arith.constant 5 : i32
    %dma_wait3A_1278 = arith.constant 0 : i32
    %dma_wait3A_1279 = arith.constant 0 : i32
    %dma_wait3A_1280 = arith.constant 0 : i32
    %dma_wait3A_1281 = arith.constant 0 : i32
    %dma_wait3A_1282 = tpu.memref_slice %arg6[%dma_wait3A_1274, %dma_wait3A_1278, %dma_wait3A_1279, %dma_wait3A_1280, %dma_wait3A_1281] : memref<8x2x1x50x32xf32, #tpu.memory_space<vmem>> -> memref<1x2x1x50x32xf32, #tpu.memory_space<vmem>>
    %dma_wait3A_1283 = tpu.memref_squeeze %dma_wait3A_1282 : memref<1x2x1x50x32xf32, #tpu.memory_space<vmem>> -> memref<2x1x50x32xf32, #tpu.memory_space<vmem>>
    %dma_wait3A_1284 = arith.constant 0 : i32
    %dma_wait3A_1285 = arith.constant 0 : i32
    %dma_wait3A_1286 = arith.constant 0 : i32
    %dma_wait3A_1287 = tpu.memref_slice %dma_wait3A_1283[%dma_wait3A_1275, %dma_wait3A_1284, %dma_wait3A_1285, %dma_wait3A_1286] : memref<2x1x50x32xf32, #tpu.memory_space<vmem>> -> memref<1x1x50x32xf32, #tpu.memory_space<vmem>>
    %dma_wait3A_1288 = tpu.memref_squeeze %dma_wait3A_1287 : memref<1x1x50x32xf32, #tpu.memory_space<vmem>> -> memref<1x50x32xf32, #tpu.memory_space<vmem>>
    %dma_wait3A_1289 = arith.constant 0 : i32
    %dma_wait3A_1290 = arith.constant 0 : i32
    %dma_wait3A_1291 = tpu.memref_slice %dma_wait3A_1288[%dma_wait3A_1276, %dma_wait3A_1289, %dma_wait3A_1290] : memref<1x50x32xf32, #tpu.memory_space<vmem>> -> memref<1x50x32xf32, #tpu.memory_space<vmem>>
    %dma_wait3A_1292 = tpu.memref_squeeze %dma_wait3A_1291 : memref<1x50x32xf32, #tpu.memory_space<vmem>> -> memref<50x32xf32, #tpu.memory_space<vmem>>
    %dma_wait3A_1293 = arith.constant 0 : i32
    %dma_wait3A_1294 = tpu.memref_slice %arg5[%dma_wait3A_1273, %dma_wait3A_1293] : memref<512x50xi32, #tpu.memory_space<vmem>> -> memref<1x50xi32, #tpu.memory_space<vmem>>
    %dma_wait3A_1295 = tpu.memref_squeeze %dma_wait3A_1294 : memref<1x50xi32, #tpu.memory_space<vmem>> -> memref<50xi32, #tpu.memory_space<vmem>>
    %dma_wait3A_1296 = arith.constant 0 : i32
    %dma_wait3A_1297 = arith.constant 0 : i32
    %dma_wait3A_1298 = tpu.memref_slice %arg3[%dma_wait3A_1296, %dma_wait3A_1297] : memref<1000000x32xf32, #tpu.memory_space<hbm>> -> memref<1000000x32xf32, #tpu.memory_space<hbm>>
    %dma_wait3A_1299 = tpu.memref_slice %arg7[%dma_wait3A_1277] : memref<8x!tpu.dma_semaphore, #tpu.memory_space<semaphore_mem>> -> memref<1x!tpu.dma_semaphore, #tpu.memory_space<semaphore_mem>>
    %dma_wait3A_1300 = tpu.memref_squeeze %dma_wait3A_1299 : memref<1x!tpu.dma_semaphore, #tpu.memory_space<semaphore_mem>> -> memref<!tpu.dma_semaphore, #tpu.memory_space<semaphore_mem>>
    tpu.wait_indirect_dma semaphore(%dma_wait3A_1300 : memref<!tpu.dma_semaphore, #tpu.memory_space<semaphore_mem>>) src(%dma_wait3A_1298 : memref<1000000x32xf32, #tpu.memory_space<hbm>>) dst(%dma_wait3A_1292 : memref<50x32xf32, #tpu.memory_space<vmem>>)
    %add3A_1301 = arith.constant 509 : i32
    %add3A_1302 = arith.addi %mul3A_2, %add3A_1301 : i32
    %dma_start3A_1303 = arith.constant 5 : i32
    %dma_start3A_1304 = arith.constant 1 : i32
    %dma_start3A_1305 = arith.constant 5 : i32
    %dma_start3A_1306 = arith.constant 0 : i32
    %dma_start3A_1307 = arith.constant 0 : i32
    %dma_start3A_1308 = arith.constant 0 : i32
    %dma_start3A_1309 = arith.constant 0 : i32
    %dma_start3A_1310 = tpu.memref_slice %arg6[%dma_start3A_1303, %dma_start3A_1306, %dma_start3A_1307, %dma_start3A_1308, %dma_start3A_1309] : memref<8x2x1x50x32xf32, #tpu.memory_space<vmem>> -> memref<1x2x1x50x32xf32, #tpu.memory_space<vmem>>
    %dma_start3A_1311 = tpu.memref_squeeze %dma_start3A_1310 : memref<1x2x1x50x32xf32, #tpu.memory_space<vmem>> -> memref<2x1x50x32xf32, #tpu.memory_space<vmem>>
    %dma_start3A_1312 = arith.constant 0 : i32
    %dma_start3A_1313 = arith.constant 0 : i32
    %dma_start3A_1314 = arith.constant 0 : i32
    %dma_start3A_1315 = tpu.memref_slice %dma_start3A_1311[%dma_start3A_1304, %dma_start3A_1312, %dma_start3A_1313, %dma_start3A_1314] : memref<2x1x50x32xf32, #tpu.memory_space<vmem>> -> memref<1x1x50x32xf32, #tpu.memory_space<vmem>>
    %dma_start3A_1316 = tpu.memref_squeeze %dma_start3A_1315 : memref<1x1x50x32xf32, #tpu.memory_space<vmem>> -> memref<1x50x32xf32, #tpu.memory_space<vmem>>
    %dma_start3A_1317 = arith.constant 0 : i32
    %dma_start3A_1318 = arith.constant 0 : i32
    %dma_start3A_1319 = tpu.memref_slice %arg4[%add3A_1302, %dma_start3A_1317, %dma_start3A_1318] : memref<16384x50x32xf32, #tpu.memory_space<hbm>> -> memref<1x50x32xf32, #tpu.memory_space<hbm>>
    %dma_start3A_1320 = tpu.memref_slice %arg8[%dma_start3A_1305] : memref<8x!tpu.dma_semaphore, #tpu.memory_space<semaphore_mem>> -> memref<1x!tpu.dma_semaphore, #tpu.memory_space<semaphore_mem>>
    %dma_start3A_1321 = tpu.memref_squeeze %dma_start3A_1320 : memref<1x!tpu.dma_semaphore, #tpu.memory_space<semaphore_mem>> -> memref<!tpu.dma_semaphore, #tpu.memory_space<semaphore_mem>>
    %dma_start3A_1322 = arith.constant 0 : i32
    %dma_start3A_1323 = arith.constant 0 : i32
    %dma_start3A_1324 = tpu.memref_slice %arg4[%add3A_1302, %dma_start3A_1322, %dma_start3A_1323] : memref<16384x50x32xf32, #tpu.memory_space<hbm>> -> memref<1x50x32xf32, #tpu.memory_space<hbm>>
    %dma_start3A_1325 = arith.constant 0 : i32
    %dma_start3A_1326 = arith.constant 0 : i32
    %dma_start3A_1327 = arith.constant 0 : i32
    %dma_start3A_1328 = arith.constant 0 : i32
    %dma_start3A_1329 = tpu.memref_slice %arg6[%dma_start3A_1303, %dma_start3A_1325, %dma_start3A_1326, %dma_start3A_1327, %dma_start3A_1328] : memref<8x2x1x50x32xf32, #tpu.memory_space<vmem>> -> memref<1x2x1x50x32xf32, #tpu.memory_space<vmem>>
    %dma_start3A_1330 = tpu.memref_squeeze %dma_start3A_1329 : memref<1x2x1x50x32xf32, #tpu.memory_space<vmem>> -> memref<2x1x50x32xf32, #tpu.memory_space<vmem>>
    %dma_start3A_1331 = arith.constant 0 : i32
    %dma_start3A_1332 = arith.constant 0 : i32
    %dma_start3A_1333 = arith.constant 0 : i32
    %dma_start3A_1334 = tpu.memref_slice %dma_start3A_1330[%dma_start3A_1304, %dma_start3A_1331, %dma_start3A_1332, %dma_start3A_1333] : memref<2x1x50x32xf32, #tpu.memory_space<vmem>> -> memref<1x1x50x32xf32, #tpu.memory_space<vmem>>
    %dma_start3A_1335 = tpu.memref_squeeze %dma_start3A_1334 : memref<1x1x50x32xf32, #tpu.memory_space<vmem>> -> memref<1x50x32xf32, #tpu.memory_space<vmem>>
    tpu.enqueue_dma source(%dma_start3A_1335 : memref<1x50x32xf32, #tpu.memory_space<vmem>>) target(%dma_start3A_1324 : memref<1x50x32xf32, #tpu.memory_space<hbm>>) target_semaphore(%dma_start3A_1321 : memref<!tpu.dma_semaphore, #tpu.memory_space<semaphore_mem>>)
    %dma_wait3A_1336 = arith.constant 510 : i32
    %dma_wait3A_1337 = arith.constant 6 : i32
    %dma_wait3A_1338 = arith.constant 1 : i32
    %dma_wait3A_1339 = arith.constant 0 : i32
    %dma_wait3A_1340 = arith.constant 6 : i32
    %dma_wait3A_1341 = arith.constant 0 : i32
    %dma_wait3A_1342 = arith.constant 0 : i32
    %dma_wait3A_1343 = arith.constant 0 : i32
    %dma_wait3A_1344 = arith.constant 0 : i32
    %dma_wait3A_1345 = tpu.memref_slice %arg6[%dma_wait3A_1337, %dma_wait3A_1341, %dma_wait3A_1342, %dma_wait3A_1343, %dma_wait3A_1344] : memref<8x2x1x50x32xf32, #tpu.memory_space<vmem>> -> memref<1x2x1x50x32xf32, #tpu.memory_space<vmem>>
    %dma_wait3A_1346 = tpu.memref_squeeze %dma_wait3A_1345 : memref<1x2x1x50x32xf32, #tpu.memory_space<vmem>> -> memref<2x1x50x32xf32, #tpu.memory_space<vmem>>
    %dma_wait3A_1347 = arith.constant 0 : i32
    %dma_wait3A_1348 = arith.constant 0 : i32
    %dma_wait3A_1349 = arith.constant 0 : i32
    %dma_wait3A_1350 = tpu.memref_slice %dma_wait3A_1346[%dma_wait3A_1338, %dma_wait3A_1347, %dma_wait3A_1348, %dma_wait3A_1349] : memref<2x1x50x32xf32, #tpu.memory_space<vmem>> -> memref<1x1x50x32xf32, #tpu.memory_space<vmem>>
    %dma_wait3A_1351 = tpu.memref_squeeze %dma_wait3A_1350 : memref<1x1x50x32xf32, #tpu.memory_space<vmem>> -> memref<1x50x32xf32, #tpu.memory_space<vmem>>
    %dma_wait3A_1352 = arith.constant 0 : i32
    %dma_wait3A_1353 = arith.constant 0 : i32
    %dma_wait3A_1354 = tpu.memref_slice %dma_wait3A_1351[%dma_wait3A_1339, %dma_wait3A_1352, %dma_wait3A_1353] : memref<1x50x32xf32, #tpu.memory_space<vmem>> -> memref<1x50x32xf32, #tpu.memory_space<vmem>>
    %dma_wait3A_1355 = tpu.memref_squeeze %dma_wait3A_1354 : memref<1x50x32xf32, #tpu.memory_space<vmem>> -> memref<50x32xf32, #tpu.memory_space<vmem>>
    %dma_wait3A_1356 = arith.constant 0 : i32
    %dma_wait3A_1357 = tpu.memref_slice %arg5[%dma_wait3A_1336, %dma_wait3A_1356] : memref<512x50xi32, #tpu.memory_space<vmem>> -> memref<1x50xi32, #tpu.memory_space<vmem>>
    %dma_wait3A_1358 = tpu.memref_squeeze %dma_wait3A_1357 : memref<1x50xi32, #tpu.memory_space<vmem>> -> memref<50xi32, #tpu.memory_space<vmem>>
    %dma_wait3A_1359 = arith.constant 0 : i32
    %dma_wait3A_1360 = arith.constant 0 : i32
    %dma_wait3A_1361 = tpu.memref_slice %arg3[%dma_wait3A_1359, %dma_wait3A_1360] : memref<1000000x32xf32, #tpu.memory_space<hbm>> -> memref<1000000x32xf32, #tpu.memory_space<hbm>>
    %dma_wait3A_1362 = tpu.memref_slice %arg7[%dma_wait3A_1340] : memref<8x!tpu.dma_semaphore, #tpu.memory_space<semaphore_mem>> -> memref<1x!tpu.dma_semaphore, #tpu.memory_space<semaphore_mem>>
    %dma_wait3A_1363 = tpu.memref_squeeze %dma_wait3A_1362 : memref<1x!tpu.dma_semaphore, #tpu.memory_space<semaphore_mem>> -> memref<!tpu.dma_semaphore, #tpu.memory_space<semaphore_mem>>
    tpu.wait_indirect_dma semaphore(%dma_wait3A_1363 : memref<!tpu.dma_semaphore, #tpu.memory_space<semaphore_mem>>) src(%dma_wait3A_1361 : memref<1000000x32xf32, #tpu.memory_space<hbm>>) dst(%dma_wait3A_1355 : memref<50x32xf32, #tpu.memory_space<vmem>>)
    %add3A_1364 = arith.constant 510 : i32
    %add3A_1365 = arith.addi %mul3A_2, %add3A_1364 : i32
    %dma_start3A_1366 = arith.constant 6 : i32
    %dma_start3A_1367 = arith.constant 1 : i32
    %dma_start3A_1368 = arith.constant 6 : i32
    %dma_start3A_1369 = arith.constant 0 : i32
    %dma_start3A_1370 = arith.constant 0 : i32
    %dma_start3A_1371 = arith.constant 0 : i32
    %dma_start3A_1372 = arith.constant 0 : i32
    %dma_start3A_1373 = tpu.memref_slice %arg6[%dma_start3A_1366, %dma_start3A_1369, %dma_start3A_1370, %dma_start3A_1371, %dma_start3A_1372] : memref<8x2x1x50x32xf32, #tpu.memory_space<vmem>> -> memref<1x2x1x50x32xf32, #tpu.memory_space<vmem>>
    %dma_start3A_1374 = tpu.memref_squeeze %dma_start3A_1373 : memref<1x2x1x50x32xf32, #tpu.memory_space<vmem>> -> memref<2x1x50x32xf32, #tpu.memory_space<vmem>>
    %dma_start3A_1375 = arith.constant 0 : i32
    %dma_start3A_1376 = arith.constant 0 : i32
    %dma_start3A_1377 = arith.constant 0 : i32
    %dma_start3A_1378 = tpu.memref_slice %dma_start3A_1374[%dma_start3A_1367, %dma_start3A_1375, %dma_start3A_1376, %dma_start3A_1377] : memref<2x1x50x32xf32, #tpu.memory_space<vmem>> -> memref<1x1x50x32xf32, #tpu.memory_space<vmem>>
    %dma_start3A_1379 = tpu.memref_squeeze %dma_start3A_1378 : memref<1x1x50x32xf32, #tpu.memory_space<vmem>> -> memref<1x50x32xf32, #tpu.memory_space<vmem>>
    %dma_start3A_1380 = arith.constant 0 : i32
    %dma_start3A_1381 = arith.constant 0 : i32
    %dma_start3A_1382 = tpu.memref_slice %arg4[%add3A_1365, %dma_start3A_1380, %dma_start3A_1381] : memref<16384x50x32xf32, #tpu.memory_space<hbm>> -> memref<1x50x32xf32, #tpu.memory_space<hbm>>
    %dma_start3A_1383 = tpu.memref_slice %arg8[%dma_start3A_1368] : memref<8x!tpu.dma_semaphore, #tpu.memory_space<semaphore_mem>> -> memref<1x!tpu.dma_semaphore, #tpu.memory_space<semaphore_mem>>
    %dma_start3A_1384 = tpu.memref_squeeze %dma_start3A_1383 : memref<1x!tpu.dma_semaphore, #tpu.memory_space<semaphore_mem>> -> memref<!tpu.dma_semaphore, #tpu.memory_space<semaphore_mem>>
    %dma_start3A_1385 = arith.constant 0 : i32
    %dma_start3A_1386 = arith.constant 0 : i32
    %dma_start3A_1387 = tpu.memref_slice %arg4[%add3A_1365, %dma_start3A_1385, %dma_start3A_1386] : memref<16384x50x32xf32, #tpu.memory_space<hbm>> -> memref<1x50x32xf32, #tpu.memory_space<hbm>>
    %dma_start3A_1388 = arith.constant 0 : i32
    %dma_start3A_1389 = arith.constant 0 : i32
    %dma_start3A_1390 = arith.constant 0 : i32
    %dma_start3A_1391 = arith.constant 0 : i32
    %dma_start3A_1392 = tpu.memref_slice %arg6[%dma_start3A_1366, %dma_start3A_1388, %dma_start3A_1389, %dma_start3A_1390, %dma_start3A_1391] : memref<8x2x1x50x32xf32, #tpu.memory_space<vmem>> -> memref<1x2x1x50x32xf32, #tpu.memory_space<vmem>>
    %dma_start3A_1393 = tpu.memref_squeeze %dma_start3A_1392 : memref<1x2x1x50x32xf32, #tpu.memory_space<vmem>> -> memref<2x1x50x32xf32, #tpu.memory_space<vmem>>
    %dma_start3A_1394 = arith.constant 0 : i32
    %dma_start3A_1395 = arith.constant 0 : i32
    %dma_start3A_1396 = arith.constant 0 : i32
    %dma_start3A_1397 = tpu.memref_slice %dma_start3A_1393[%dma_start3A_1367, %dma_start3A_1394, %dma_start3A_1395, %dma_start3A_1396] : memref<2x1x50x32xf32, #tpu.memory_space<vmem>> -> memref<1x1x50x32xf32, #tpu.memory_space<vmem>>
    %dma_start3A_1398 = tpu.memref_squeeze %dma_start3A_1397 : memref<1x1x50x32xf32, #tpu.memory_space<vmem>> -> memref<1x50x32xf32, #tpu.memory_space<vmem>>
    tpu.enqueue_dma source(%dma_start3A_1398 : memref<1x50x32xf32, #tpu.memory_space<vmem>>) target(%dma_start3A_1387 : memref<1x50x32xf32, #tpu.memory_space<hbm>>) target_semaphore(%dma_start3A_1384 : memref<!tpu.dma_semaphore, #tpu.memory_space<semaphore_mem>>)
    %dma_wait3A_1399 = arith.constant 511 : i32
    %dma_wait3A_1400 = arith.constant 7 : i32
    %dma_wait3A_1401 = arith.constant 1 : i32
    %dma_wait3A_1402 = arith.constant 0 : i32
    %dma_wait3A_1403 = arith.constant 7 : i32
    %dma_wait3A_1404 = arith.constant 0 : i32
    %dma_wait3A_1405 = arith.constant 0 : i32
    %dma_wait3A_1406 = arith.constant 0 : i32
    %dma_wait3A_1407 = arith.constant 0 : i32
    %dma_wait3A_1408 = tpu.memref_slice %arg6[%dma_wait3A_1400, %dma_wait3A_1404, %dma_wait3A_1405, %dma_wait3A_1406, %dma_wait3A_1407] : memref<8x2x1x50x32xf32, #tpu.memory_space<vmem>> -> memref<1x2x1x50x32xf32, #tpu.memory_space<vmem>>
    %dma_wait3A_1409 = tpu.memref_squeeze %dma_wait3A_1408 : memref<1x2x1x50x32xf32, #tpu.memory_space<vmem>> -> memref<2x1x50x32xf32, #tpu.memory_space<vmem>>
    %dma_wait3A_1410 = arith.constant 0 : i32
    %dma_wait3A_1411 = arith.constant 0 : i32
    %dma_wait3A_1412 = arith.constant 0 : i32
    %dma_wait3A_1413 = tpu.memref_slice %dma_wait3A_1409[%dma_wait3A_1401, %dma_wait3A_1410, %dma_wait3A_1411, %dma_wait3A_1412] : memref<2x1x50x32xf32, #tpu.memory_space<vmem>> -> memref<1x1x50x32xf32, #tpu.memory_space<vmem>>
    %dma_wait3A_1414 = tpu.memref_squeeze %dma_wait3A_1413 : memref<1x1x50x32xf32, #tpu.memory_space<vmem>> -> memref<1x50x32xf32, #tpu.memory_space<vmem>>
    %dma_wait3A_1415 = arith.constant 0 : i32
    %dma_wait3A_1416 = arith.constant 0 : i32
    %dma_wait3A_1417 = tpu.memref_slice %dma_wait3A_1414[%dma_wait3A_1402, %dma_wait3A_1415, %dma_wait3A_1416] : memref<1x50x32xf32, #tpu.memory_space<vmem>> -> memref<1x50x32xf32, #tpu.memory_space<vmem>>
    %dma_wait3A_1418 = tpu.memref_squeeze %dma_wait3A_1417 : memref<1x50x32xf32, #tpu.memory_space<vmem>> -> memref<50x32xf32, #tpu.memory_space<vmem>>
    %dma_wait3A_1419 = arith.constant 0 : i32
    %dma_wait3A_1420 = tpu.memref_slice %arg5[%dma_wait3A_1399, %dma_wait3A_1419] : memref<512x50xi32, #tpu.memory_space<vmem>> -> memref<1x50xi32, #tpu.memory_space<vmem>>
    %dma_wait3A_1421 = tpu.memref_squeeze %dma_wait3A_1420 : memref<1x50xi32, #tpu.memory_space<vmem>> -> memref<50xi32, #tpu.memory_space<vmem>>
    %dma_wait3A_1422 = arith.constant 0 : i32
    %dma_wait3A_1423 = arith.constant 0 : i32
    %dma_wait3A_1424 = tpu.memref_slice %arg3[%dma_wait3A_1422, %dma_wait3A_1423] : memref<1000000x32xf32, #tpu.memory_space<hbm>> -> memref<1000000x32xf32, #tpu.memory_space<hbm>>
    %dma_wait3A_1425 = tpu.memref_slice %arg7[%dma_wait3A_1403] : memref<8x!tpu.dma_semaphore, #tpu.memory_space<semaphore_mem>> -> memref<1x!tpu.dma_semaphore, #tpu.memory_space<semaphore_mem>>
    %dma_wait3A_1426 = tpu.memref_squeeze %dma_wait3A_1425 : memref<1x!tpu.dma_semaphore, #tpu.memory_space<semaphore_mem>> -> memref<!tpu.dma_semaphore, #tpu.memory_space<semaphore_mem>>
    tpu.wait_indirect_dma semaphore(%dma_wait3A_1426 : memref<!tpu.dma_semaphore, #tpu.memory_space<semaphore_mem>>) src(%dma_wait3A_1424 : memref<1000000x32xf32, #tpu.memory_space<hbm>>) dst(%dma_wait3A_1418 : memref<50x32xf32, #tpu.memory_space<vmem>>)
    %add3A_1427 = arith.constant 511 : i32
    %add3A_1428 = arith.addi %mul3A_2, %add3A_1427 : i32
    %dma_start3A_1429 = arith.constant 7 : i32
    %dma_start3A_1430 = arith.constant 1 : i32
    %dma_start3A_1431 = arith.constant 7 : i32
    %dma_start3A_1432 = arith.constant 0 : i32
    %dma_start3A_1433 = arith.constant 0 : i32
    %dma_start3A_1434 = arith.constant 0 : i32
    %dma_start3A_1435 = arith.constant 0 : i32
    %dma_start3A_1436 = tpu.memref_slice %arg6[%dma_start3A_1429, %dma_start3A_1432, %dma_start3A_1433, %dma_start3A_1434, %dma_start3A_1435] : memref<8x2x1x50x32xf32, #tpu.memory_space<vmem>> -> memref<1x2x1x50x32xf32, #tpu.memory_space<vmem>>
    %dma_start3A_1437 = tpu.memref_squeeze %dma_start3A_1436 : memref<1x2x1x50x32xf32, #tpu.memory_space<vmem>> -> memref<2x1x50x32xf32, #tpu.memory_space<vmem>>
    %dma_start3A_1438 = arith.constant 0 : i32
    %dma_start3A_1439 = arith.constant 0 : i32
    %dma_start3A_1440 = arith.constant 0 : i32
    %dma_start3A_1441 = tpu.memref_slice %dma_start3A_1437[%dma_start3A_1430, %dma_start3A_1438, %dma_start3A_1439, %dma_start3A_1440] : memref<2x1x50x32xf32, #tpu.memory_space<vmem>> -> memref<1x1x50x32xf32, #tpu.memory_space<vmem>>
    %dma_start3A_1442 = tpu.memref_squeeze %dma_start3A_1441 : memref<1x1x50x32xf32, #tpu.memory_space<vmem>> -> memref<1x50x32xf32, #tpu.memory_space<vmem>>
    %dma_start3A_1443 = arith.constant 0 : i32
    %dma_start3A_1444 = arith.constant 0 : i32
    %dma_start3A_1445 = tpu.memref_slice %arg4[%add3A_1428, %dma_start3A_1443, %dma_start3A_1444] : memref<16384x50x32xf32, #tpu.memory_space<hbm>> -> memref<1x50x32xf32, #tpu.memory_space<hbm>>
    %dma_start3A_1446 = tpu.memref_slice %arg8[%dma_start3A_1431] : memref<8x!tpu.dma_semaphore, #tpu.memory_space<semaphore_mem>> -> memref<1x!tpu.dma_semaphore, #tpu.memory_space<semaphore_mem>>
    %dma_start3A_1447 = tpu.memref_squeeze %dma_start3A_1446 : memref<1x!tpu.dma_semaphore, #tpu.memory_space<semaphore_mem>> -> memref<!tpu.dma_semaphore, #tpu.memory_space<semaphore_mem>>
    %dma_start3A_1448 = arith.constant 0 : i32
    %dma_start3A_1449 = arith.constant 0 : i32
    %dma_start3A_1450 = tpu.memref_slice %arg4[%add3A_1428, %dma_start3A_1448, %dma_start3A_1449] : memref<16384x50x32xf32, #tpu.memory_space<hbm>> -> memref<1x50x32xf32, #tpu.memory_space<hbm>>
    %dma_start3A_1451 = arith.constant 0 : i32
    %dma_start3A_1452 = arith.constant 0 : i32
    %dma_start3A_1453 = arith.constant 0 : i32
    %dma_start3A_1454 = arith.constant 0 : i32
    %dma_start3A_1455 = tpu.memref_slice %arg6[%dma_start3A_1429, %dma_start3A_1451, %dma_start3A_1452, %dma_start3A_1453, %dma_start3A_1454] : memref<8x2x1x50x32xf32, #tpu.memory_space<vmem>> -> memref<1x2x1x50x32xf32, #tpu.memory_space<vmem>>
    %dma_start3A_1456 = tpu.memref_squeeze %dma_start3A_1455 : memref<1x2x1x50x32xf32, #tpu.memory_space<vmem>> -> memref<2x1x50x32xf32, #tpu.memory_space<vmem>>
    %dma_start3A_1457 = arith.constant 0 : i32
    %dma_start3A_1458 = arith.constant 0 : i32
    %dma_start3A_1459 = arith.constant 0 : i32
    %dma_start3A_1460 = tpu.memref_slice %dma_start3A_1456[%dma_start3A_1430, %dma_start3A_1457, %dma_start3A_1458, %dma_start3A_1459] : memref<2x1x50x32xf32, #tpu.memory_space<vmem>> -> memref<1x1x50x32xf32, #tpu.memory_space<vmem>>
    %dma_start3A_1461 = tpu.memref_squeeze %dma_start3A_1460 : memref<1x1x50x32xf32, #tpu.memory_space<vmem>> -> memref<1x50x32xf32, #tpu.memory_space<vmem>>
    tpu.enqueue_dma source(%dma_start3A_1461 : memref<1x50x32xf32, #tpu.memory_space<vmem>>) target(%dma_start3A_1450 : memref<1x50x32xf32, #tpu.memory_space<hbm>>) target_semaphore(%dma_start3A_1447 : memref<!tpu.dma_semaphore, #tpu.memory_space<semaphore_mem>>)
    %dma_wait3A_1462 = arith.constant 0 : i32
    %dma_wait3A_1463 = arith.constant 0 : i32
    %dma_wait3A_1464 = arith.constant 0 : i32
    %dma_wait3A_1465 = arith.constant 0 : i32
    %dma_wait3A_1466 = arith.constant 0 : i32
    %dma_wait3A_1467 = arith.constant 0 : i32
    %dma_wait3A_1468 = arith.constant 0 : i32
    %dma_wait3A_1469 = arith.constant 0 : i32
    %dma_wait3A_1470 = tpu.memref_slice %arg6[%dma_wait3A_1462, %dma_wait3A_1466, %dma_wait3A_1467, %dma_wait3A_1468, %dma_wait3A_1469] : memref<8x2x1x50x32xf32, #tpu.memory_space<vmem>> -> memref<1x2x1x50x32xf32, #tpu.memory_space<vmem>>
    %dma_wait3A_1471 = tpu.memref_squeeze %dma_wait3A_1470 : memref<1x2x1x50x32xf32, #tpu.memory_space<vmem>> -> memref<2x1x50x32xf32, #tpu.memory_space<vmem>>
    %dma_wait3A_1472 = arith.constant 0 : i32
    %dma_wait3A_1473 = arith.constant 0 : i32
    %dma_wait3A_1474 = arith.constant 0 : i32
    %dma_wait3A_1475 = tpu.memref_slice %dma_wait3A_1471[%dma_wait3A_1463, %dma_wait3A_1472, %dma_wait3A_1473, %dma_wait3A_1474] : memref<2x1x50x32xf32, #tpu.memory_space<vmem>> -> memref<1x1x50x32xf32, #tpu.memory_space<vmem>>
    %dma_wait3A_1476 = tpu.memref_squeeze %dma_wait3A_1475 : memref<1x1x50x32xf32, #tpu.memory_space<vmem>> -> memref<1x50x32xf32, #tpu.memory_space<vmem>>
    %dma_wait3A_1477 = arith.constant 0 : i32
    %dma_wait3A_1478 = arith.constant 0 : i32
    %dma_wait3A_1479 = tpu.memref_slice %dma_wait3A_1476[%dma_wait3A_1464, %dma_wait3A_1477, %dma_wait3A_1478] : memref<1x50x32xf32, #tpu.memory_space<vmem>> -> memref<1x50x32xf32, #tpu.memory_space<vmem>>
    %dma_wait3A_1480 = tpu.memref_squeeze %dma_wait3A_1479 : memref<1x50x32xf32, #tpu.memory_space<vmem>> -> memref<50x32xf32, #tpu.memory_space<vmem>>
    %dma_wait3A_1481 = arith.constant 0 : i32
    %dma_wait3A_1482 = arith.constant 0 : i32
    %dma_wait3A_1483 = tpu.memref_slice %arg3[%dma_wait3A_1481, %dma_wait3A_1482] : memref<1000000x32xf32, #tpu.memory_space<hbm>> -> memref<50x32xf32, #tpu.memory_space<hbm>>
    %dma_wait3A_1484 = tpu.memref_slice %arg8[%dma_wait3A_1465] : memref<8x!tpu.dma_semaphore, #tpu.memory_space<semaphore_mem>> -> memref<1x!tpu.dma_semaphore, #tpu.memory_space<semaphore_mem>>
    %dma_wait3A_1485 = tpu.memref_squeeze %dma_wait3A_1484 : memref<1x!tpu.dma_semaphore, #tpu.memory_space<semaphore_mem>> -> memref<!tpu.dma_semaphore, #tpu.memory_space<semaphore_mem>>
    %dma_wait3A_1486 = arith.constant 0 : i32
    %dma_wait3A_1487 = arith.constant 0 : i32
    %dma_wait3A_1488 = arith.constant 0 : i32
    %dma_wait3A_1489 = arith.constant 0 : i32
    %dma_wait3A_1490 = tpu.memref_slice %arg6[%dma_wait3A_1462, %dma_wait3A_1486, %dma_wait3A_1487, %dma_wait3A_1488, %dma_wait3A_1489] : memref<8x2x1x50x32xf32, #tpu.memory_space<vmem>> -> memref<1x2x1x50x32xf32, #tpu.memory_space<vmem>>
    %dma_wait3A_1491 = tpu.memref_squeeze %dma_wait3A_1490 : memref<1x2x1x50x32xf32, #tpu.memory_space<vmem>> -> memref<2x1x50x32xf32, #tpu.memory_space<vmem>>
    %dma_wait3A_1492 = arith.constant 0 : i32
    %dma_wait3A_1493 = arith.constant 0 : i32
    %dma_wait3A_1494 = arith.constant 0 : i32
    %dma_wait3A_1495 = tpu.memref_slice %dma_wait3A_1491[%dma_wait3A_1463, %dma_wait3A_1492, %dma_wait3A_1493, %dma_wait3A_1494] : memref<2x1x50x32xf32, #tpu.memory_space<vmem>> -> memref<1x1x50x32xf32, #tpu.memory_space<vmem>>
    %dma_wait3A_1496 = tpu.memref_squeeze %dma_wait3A_1495 : memref<1x1x50x32xf32, #tpu.memory_space<vmem>> -> memref<1x50x32xf32, #tpu.memory_space<vmem>>
    %dma_wait3A_1497 = arith.constant 0 : i32
    %dma_wait3A_1498 = arith.constant 0 : i32
    %dma_wait3A_1499 = tpu.memref_slice %dma_wait3A_1496[%dma_wait3A_1464, %dma_wait3A_1497, %dma_wait3A_1498] : memref<1x50x32xf32, #tpu.memory_space<vmem>> -> memref<1x50x32xf32, #tpu.memory_space<vmem>>
    %dma_wait3A_1500 = tpu.memref_squeeze %dma_wait3A_1499 : memref<1x50x32xf32, #tpu.memory_space<vmem>> -> memref<50x32xf32, #tpu.memory_space<vmem>>
    %dma_wait3A_1501 = arith.constant 0 : i32
    %dma_wait3A_1502 = arith.constant 0 : i32
    %dma_wait3A_1503 = tpu.memref_slice %arg3[%dma_wait3A_1501, %dma_wait3A_1502] : memref<1000000x32xf32, #tpu.memory_space<hbm>> -> memref<50x32xf32, #tpu.memory_space<hbm>>
    tpu.wait_dma2 semaphore(%dma_wait3A_1485 : memref<!tpu.dma_semaphore, #tpu.memory_space<semaphore_mem>>) src(%dma_wait3A_1503 : memref<50x32xf32, #tpu.memory_space<hbm>>) dst(%dma_wait3A_1500 : memref<50x32xf32, #tpu.memory_space<vmem>>)
    %dma_wait3A_1504 = arith.constant 0 : i32
    %dma_wait3A_1505 = arith.constant 1 : i32
    %dma_wait3A_1506 = arith.constant 0 : i32
    %dma_wait3A_1507 = arith.constant 0 : i32
    %dma_wait3A_1508 = arith.constant 0 : i32
    %dma_wait3A_1509 = arith.constant 0 : i32
    %dma_wait3A_1510 = arith.constant 0 : i32
    %dma_wait3A_1511 = arith.constant 0 : i32
    %dma_wait3A_1512 = tpu.memref_slice %arg6[%dma_wait3A_1504, %dma_wait3A_1508, %dma_wait3A_1509, %dma_wait3A_1510, %dma_wait3A_1511] : memref<8x2x1x50x32xf32, #tpu.memory_space<vmem>> -> memref<1x2x1x50x32xf32, #tpu.memory_space<vmem>>
    %dma_wait3A_1513 = tpu.memref_squeeze %dma_wait3A_1512 : memref<1x2x1x50x32xf32, #tpu.memory_space<vmem>> -> memref<2x1x50x32xf32, #tpu.memory_space<vmem>>
    %dma_wait3A_1514 = arith.constant 0 : i32
    %dma_wait3A_1515 = arith.constant 0 : i32
    %dma_wait3A_1516 = arith.constant 0 : i32
    %dma_wait3A_1517 = tpu.memref_slice %dma_wait3A_1513[%dma_wait3A_1505, %dma_wait3A_1514, %dma_wait3A_1515, %dma_wait3A_1516] : memref<2x1x50x32xf32, #tpu.memory_space<vmem>> -> memref<1x1x50x32xf32, #tpu.memory_space<vmem>>
    %dma_wait3A_1518 = tpu.memref_squeeze %dma_wait3A_1517 : memref<1x1x50x32xf32, #tpu.memory_space<vmem>> -> memref<1x50x32xf32, #tpu.memory_space<vmem>>
    %dma_wait3A_1519 = arith.constant 0 : i32
    %dma_wait3A_1520 = arith.constant 0 : i32
    %dma_wait3A_1521 = tpu.memref_slice %dma_wait3A_1518[%dma_wait3A_1506, %dma_wait3A_1519, %dma_wait3A_1520] : memref<1x50x32xf32, #tpu.memory_space<vmem>> -> memref<1x50x32xf32, #tpu.memory_space<vmem>>
    %dma_wait3A_1522 = tpu.memref_squeeze %dma_wait3A_1521 : memref<1x50x32xf32, #tpu.memory_space<vmem>> -> memref<50x32xf32, #tpu.memory_space<vmem>>
    %dma_wait3A_1523 = arith.constant 0 : i32
    %dma_wait3A_1524 = arith.constant 0 : i32
    %dma_wait3A_1525 = tpu.memref_slice %arg3[%dma_wait3A_1523, %dma_wait3A_1524] : memref<1000000x32xf32, #tpu.memory_space<hbm>> -> memref<50x32xf32, #tpu.memory_space<hbm>>
    %dma_wait3A_1526 = tpu.memref_slice %arg8[%dma_wait3A_1507] : memref<8x!tpu.dma_semaphore, #tpu.memory_space<semaphore_mem>> -> memref<1x!tpu.dma_semaphore, #tpu.memory_space<semaphore_mem>>
    %dma_wait3A_1527 = tpu.memref_squeeze %dma_wait3A_1526 : memref<1x!tpu.dma_semaphore, #tpu.memory_space<semaphore_mem>> -> memref<!tpu.dma_semaphore, #tpu.memory_space<semaphore_mem>>
    %dma_wait3A_1528 = arith.constant 0 : i32
    %dma_wait3A_1529 = arith.constant 0 : i32
    %dma_wait3A_1530 = arith.constant 0 : i32
    %dma_wait3A_1531 = arith.constant 0 : i32
    %dma_wait3A_1532 = tpu.memref_slice %arg6[%dma_wait3A_1504, %dma_wait3A_1528, %dma_wait3A_1529, %dma_wait3A_1530, %dma_wait3A_1531] : memref<8x2x1x50x32xf32, #tpu.memory_space<vmem>> -> memref<1x2x1x50x32xf32, #tpu.memory_space<vmem>>
    %dma_wait3A_1533 = tpu.memref_squeeze %dma_wait3A_1532 : memref<1x2x1x50x32xf32, #tpu.memory_space<vmem>> -> memref<2x1x50x32xf32, #tpu.memory_space<vmem>>
    %dma_wait3A_1534 = arith.constant 0 : i32
    %dma_wait3A_1535 = arith.constant 0 : i32
    %dma_wait3A_1536 = arith.constant 0 : i32
    %dma_wait3A_1537 = tpu.memref_slice %dma_wait3A_1533[%dma_wait3A_1505, %dma_wait3A_1534, %dma_wait3A_1535, %dma_wait3A_1536] : memref<2x1x50x32xf32, #tpu.memory_space<vmem>> -> memref<1x1x50x32xf32, #tpu.memory_space<vmem>>
    %dma_wait3A_1538 = tpu.memref_squeeze %dma_wait3A_1537 : memref<1x1x50x32xf32, #tpu.memory_space<vmem>> -> memref<1x50x32xf32, #tpu.memory_space<vmem>>
    %dma_wait3A_1539 = arith.constant 0 : i32
    %dma_wait3A_1540 = arith.constant 0 : i32
    %dma_wait3A_1541 = tpu.memref_slice %dma_wait3A_1538[%dma_wait3A_1506, %dma_wait3A_1539, %dma_wait3A_1540] : memref<1x50x32xf32, #tpu.memory_space<vmem>> -> memref<1x50x32xf32, #tpu.memory_space<vmem>>
    %dma_wait3A_1542 = tpu.memref_squeeze %dma_wait3A_1541 : memref<1x50x32xf32, #tpu.memory_space<vmem>> -> memref<50x32xf32, #tpu.memory_space<vmem>>
    %dma_wait3A_1543 = arith.constant 0 : i32
    %dma_wait3A_1544 = arith.constant 0 : i32
    %dma_wait3A_1545 = tpu.memref_slice %arg3[%dma_wait3A_1543, %dma_wait3A_1544] : memref<1000000x32xf32, #tpu.memory_space<hbm>> -> memref<50x32xf32, #tpu.memory_space<hbm>>
    tpu.wait_dma2 semaphore(%dma_wait3A_1527 : memref<!tpu.dma_semaphore, #tpu.memory_space<semaphore_mem>>) src(%dma_wait3A_1545 : memref<50x32xf32, #tpu.memory_space<hbm>>) dst(%dma_wait3A_1542 : memref<50x32xf32, #tpu.memory_space<vmem>>)
    %dma_wait3A_1546 = arith.constant 1 : i32
    %dma_wait3A_1547 = arith.constant 0 : i32
    %dma_wait3A_1548 = arith.constant 0 : i32
    %dma_wait3A_1549 = arith.constant 1 : i32
    %dma_wait3A_1550 = arith.constant 0 : i32
    %dma_wait3A_1551 = arith.constant 0 : i32
    %dma_wait3A_1552 = arith.constant 0 : i32
    %dma_wait3A_1553 = arith.constant 0 : i32
    %dma_wait3A_1554 = tpu.memref_slice %arg6[%dma_wait3A_1546, %dma_wait3A_1550, %dma_wait3A_1551, %dma_wait3A_1552, %dma_wait3A_1553] : memref<8x2x1x50x32xf32, #tpu.memory_space<vmem>> -> memref<1x2x1x50x32xf32, #tpu.memory_space<vmem>>
    %dma_wait3A_1555 = tpu.memref_squeeze %dma_wait3A_1554 : memref<1x2x1x50x32xf32, #tpu.memory_space<vmem>> -> memref<2x1x50x32xf32, #tpu.memory_space<vmem>>
    %dma_wait3A_1556 = arith.constant 0 : i32
    %dma_wait3A_1557 = arith.constant 0 : i32
    %dma_wait3A_1558 = arith.constant 0 : i32
    %dma_wait3A_1559 = tpu.memref_slice %dma_wait3A_1555[%dma_wait3A_1547, %dma_wait3A_1556, %dma_wait3A_1557, %dma_wait3A_1558] : memref<2x1x50x32xf32, #tpu.memory_space<vmem>> -> memref<1x1x50x32xf32, #tpu.memory_space<vmem>>
    %dma_wait3A_1560 = tpu.memref_squeeze %dma_wait3A_1559 : memref<1x1x50x32xf32, #tpu.memory_space<vmem>> -> memref<1x50x32xf32, #tpu.memory_space<vmem>>
    %dma_wait3A_1561 = arith.constant 0 : i32
    %dma_wait3A_1562 = arith.constant 0 : i32
    %dma_wait3A_1563 = tpu.memref_slice %dma_wait3A_1560[%dma_wait3A_1548, %dma_wait3A_1561, %dma_wait3A_1562] : memref<1x50x32xf32, #tpu.memory_space<vmem>> -> memref<1x50x32xf32, #tpu.memory_space<vmem>>
    %dma_wait3A_1564 = tpu.memref_squeeze %dma_wait3A_1563 : memref<1x50x32xf32, #tpu.memory_space<vmem>> -> memref<50x32xf32, #tpu.memory_space<vmem>>
    %dma_wait3A_1565 = arith.constant 0 : i32
    %dma_wait3A_1566 = arith.constant 0 : i32
    %dma_wait3A_1567 = tpu.memref_slice %arg3[%dma_wait3A_1565, %dma_wait3A_1566] : memref<1000000x32xf32, #tpu.memory_space<hbm>> -> memref<50x32xf32, #tpu.memory_space<hbm>>
    %dma_wait3A_1568 = tpu.memref_slice %arg8[%dma_wait3A_1549] : memref<8x!tpu.dma_semaphore, #tpu.memory_space<semaphore_mem>> -> memref<1x!tpu.dma_semaphore, #tpu.memory_space<semaphore_mem>>
    %dma_wait3A_1569 = tpu.memref_squeeze %dma_wait3A_1568 : memref<1x!tpu.dma_semaphore, #tpu.memory_space<semaphore_mem>> -> memref<!tpu.dma_semaphore, #tpu.memory_space<semaphore_mem>>
    %dma_wait3A_1570 = arith.constant 0 : i32
    %dma_wait3A_1571 = arith.constant 0 : i32
    %dma_wait3A_1572 = arith.constant 0 : i32
    %dma_wait3A_1573 = arith.constant 0 : i32
    %dma_wait3A_1574 = tpu.memref_slice %arg6[%dma_wait3A_1546, %dma_wait3A_1570, %dma_wait3A_1571, %dma_wait3A_1572, %dma_wait3A_1573] : memref<8x2x1x50x32xf32, #tpu.memory_space<vmem>> -> memref<1x2x1x50x32xf32, #tpu.memory_space<vmem>>
    %dma_wait3A_1575 = tpu.memref_squeeze %dma_wait3A_1574 : memref<1x2x1x50x32xf32, #tpu.memory_space<vmem>> -> memref<2x1x50x32xf32, #tpu.memory_space<vmem>>
    %dma_wait3A_1576 = arith.constant 0 : i32
    %dma_wait3A_1577 = arith.constant 0 : i32
    %dma_wait3A_1578 = arith.constant 0 : i32
    %dma_wait3A_1579 = tpu.memref_slice %dma_wait3A_1575[%dma_wait3A_1547, %dma_wait3A_1576, %dma_wait3A_1577, %dma_wait3A_1578] : memref<2x1x50x32xf32, #tpu.memory_space<vmem>> -> memref<1x1x50x32xf32, #tpu.memory_space<vmem>>
    %dma_wait3A_1580 = tpu.memref_squeeze %dma_wait3A_1579 : memref<1x1x50x32xf32, #tpu.memory_space<vmem>> -> memref<1x50x32xf32, #tpu.memory_space<vmem>>
    %dma_wait3A_1581 = arith.constant 0 : i32
    %dma_wait3A_1582 = arith.constant 0 : i32
    %dma_wait3A_1583 = tpu.memref_slice %dma_wait3A_1580[%dma_wait3A_1548, %dma_wait3A_1581, %dma_wait3A_1582] : memref<1x50x32xf32, #tpu.memory_space<vmem>> -> memref<1x50x32xf32, #tpu.memory_space<vmem>>
    %dma_wait3A_1584 = tpu.memref_squeeze %dma_wait3A_1583 : memref<1x50x32xf32, #tpu.memory_space<vmem>> -> memref<50x32xf32, #tpu.memory_space<vmem>>
    %dma_wait3A_1585 = arith.constant 0 : i32
    %dma_wait3A_1586 = arith.constant 0 : i32
    %dma_wait3A_1587 = tpu.memref_slice %arg3[%dma_wait3A_1585, %dma_wait3A_1586] : memref<1000000x32xf32, #tpu.memory_space<hbm>> -> memref<50x32xf32, #tpu.memory_space<hbm>>
    tpu.wait_dma2 semaphore(%dma_wait3A_1569 : memref<!tpu.dma_semaphore, #tpu.memory_space<semaphore_mem>>) src(%dma_wait3A_1587 : memref<50x32xf32, #tpu.memory_space<hbm>>) dst(%dma_wait3A_1584 : memref<50x32xf32, #tpu.memory_space<vmem>>)
    %dma_wait3A_1588 = arith.constant 1 : i32
    %dma_wait3A_1589 = arith.constant 1 : i32
    %dma_wait3A_1590 = arith.constant 0 : i32
    %dma_wait3A_1591 = arith.constant 1 : i32
    %dma_wait3A_1592 = arith.constant 0 : i32
    %dma_wait3A_1593 = arith.constant 0 : i32
    %dma_wait3A_1594 = arith.constant 0 : i32
    %dma_wait3A_1595 = arith.constant 0 : i32
    %dma_wait3A_1596 = tpu.memref_slice %arg6[%dma_wait3A_1588, %dma_wait3A_1592, %dma_wait3A_1593, %dma_wait3A_1594, %dma_wait3A_1595] : memref<8x2x1x50x32xf32, #tpu.memory_space<vmem>> -> memref<1x2x1x50x32xf32, #tpu.memory_space<vmem>>
    %dma_wait3A_1597 = tpu.memref_squeeze %dma_wait3A_1596 : memref<1x2x1x50x32xf32, #tpu.memory_space<vmem>> -> memref<2x1x50x32xf32, #tpu.memory_space<vmem>>
    %dma_wait3A_1598 = arith.constant 0 : i32
    %dma_wait3A_1599 = arith.constant 0 : i32
    %dma_wait3A_1600 = arith.constant 0 : i32
    %dma_wait3A_1601 = tpu.memref_slice %dma_wait3A_1597[%dma_wait3A_1589, %dma_wait3A_1598, %dma_wait3A_1599, %dma_wait3A_1600] : memref<2x1x50x32xf32, #tpu.memory_space<vmem>> -> memref<1x1x50x32xf32, #tpu.memory_space<vmem>>
    %dma_wait3A_1602 = tpu.memref_squeeze %dma_wait3A_1601 : memref<1x1x50x32xf32, #tpu.memory_space<vmem>> -> memref<1x50x32xf32, #tpu.memory_space<vmem>>
    %dma_wait3A_1603 = arith.constant 0 : i32
    %dma_wait3A_1604 = arith.constant 0 : i32
    %dma_wait3A_1605 = tpu.memref_slice %dma_wait3A_1602[%dma_wait3A_1590, %dma_wait3A_1603, %dma_wait3A_1604] : memref<1x50x32xf32, #tpu.memory_space<vmem>> -> memref<1x50x32xf32, #tpu.memory_space<vmem>>
    %dma_wait3A_1606 = tpu.memref_squeeze %dma_wait3A_1605 : memref<1x50x32xf32, #tpu.memory_space<vmem>> -> memref<50x32xf32, #tpu.memory_space<vmem>>
    %dma_wait3A_1607 = arith.constant 0 : i32
    %dma_wait3A_1608 = arith.constant 0 : i32
    %dma_wait3A_1609 = tpu.memref_slice %arg3[%dma_wait3A_1607, %dma_wait3A_1608] : memref<1000000x32xf32, #tpu.memory_space<hbm>> -> memref<50x32xf32, #tpu.memory_space<hbm>>
    %dma_wait3A_1610 = tpu.memref_slice %arg8[%dma_wait3A_1591] : memref<8x!tpu.dma_semaphore, #tpu.memory_space<semaphore_mem>> -> memref<1x!tpu.dma_semaphore, #tpu.memory_space<semaphore_mem>>
    %dma_wait3A_1611 = tpu.memref_squeeze %dma_wait3A_1610 : memref<1x!tpu.dma_semaphore, #tpu.memory_space<semaphore_mem>> -> memref<!tpu.dma_semaphore, #tpu.memory_space<semaphore_mem>>
    %dma_wait3A_1612 = arith.constant 0 : i32
    %dma_wait3A_1613 = arith.constant 0 : i32
    %dma_wait3A_1614 = arith.constant 0 : i32
    %dma_wait3A_1615 = arith.constant 0 : i32
    %dma_wait3A_1616 = tpu.memref_slice %arg6[%dma_wait3A_1588, %dma_wait3A_1612, %dma_wait3A_1613, %dma_wait3A_1614, %dma_wait3A_1615] : memref<8x2x1x50x32xf32, #tpu.memory_space<vmem>> -> memref<1x2x1x50x32xf32, #tpu.memory_space<vmem>>
    %dma_wait3A_1617 = tpu.memref_squeeze %dma_wait3A_1616 : memref<1x2x1x50x32xf32, #tpu.memory_space<vmem>> -> memref<2x1x50x32xf32, #tpu.memory_space<vmem>>
    %dma_wait3A_1618 = arith.constant 0 : i32
    %dma_wait3A_1619 = arith.constant 0 : i32
    %dma_wait3A_1620 = arith.constant 0 : i32
    %dma_wait3A_1621 = tpu.memref_slice %dma_wait3A_1617[%dma_wait3A_1589, %dma_wait3A_1618, %dma_wait3A_1619, %dma_wait3A_1620] : memref<2x1x50x32xf32, #tpu.memory_space<vmem>> -> memref<1x1x50x32xf32, #tpu.memory_space<vmem>>
    %dma_wait3A_1622 = tpu.memref_squeeze %dma_wait3A_1621 : memref<1x1x50x32xf32, #tpu.memory_space<vmem>> -> memref<1x50x32xf32, #tpu.memory_space<vmem>>
    %dma_wait3A_1623 = arith.constant 0 : i32
    %dma_wait3A_1624 = arith.constant 0 : i32
    %dma_wait3A_1625 = tpu.memref_slice %dma_wait3A_1622[%dma_wait3A_1590, %dma_wait3A_1623, %dma_wait3A_1624] : memref<1x50x32xf32, #tpu.memory_space<vmem>> -> memref<1x50x32xf32, #tpu.memory_space<vmem>>
    %dma_wait3A_1626 = tpu.memref_squeeze %dma_wait3A_1625 : memref<1x50x32xf32, #tpu.memory_space<vmem>> -> memref<50x32xf32, #tpu.memory_space<vmem>>
    %dma_wait3A_1627 = arith.constant 0 : i32
    %dma_wait3A_1628 = arith.constant 0 : i32
    %dma_wait3A_1629 = tpu.memref_slice %arg3[%dma_wait3A_1627, %dma_wait3A_1628] : memref<1000000x32xf32, #tpu.memory_space<hbm>> -> memref<50x32xf32, #tpu.memory_space<hbm>>
    tpu.wait_dma2 semaphore(%dma_wait3A_1611 : memref<!tpu.dma_semaphore, #tpu.memory_space<semaphore_mem>>) src(%dma_wait3A_1629 : memref<50x32xf32, #tpu.memory_space<hbm>>) dst(%dma_wait3A_1626 : memref<50x32xf32, #tpu.memory_space<vmem>>)
    %dma_wait3A_1630 = arith.constant 2 : i32
    %dma_wait3A_1631 = arith.constant 0 : i32
    %dma_wait3A_1632 = arith.constant 0 : i32
    %dma_wait3A_1633 = arith.constant 2 : i32
    %dma_wait3A_1634 = arith.constant 0 : i32
    %dma_wait3A_1635 = arith.constant 0 : i32
    %dma_wait3A_1636 = arith.constant 0 : i32
    %dma_wait3A_1637 = arith.constant 0 : i32
    %dma_wait3A_1638 = tpu.memref_slice %arg6[%dma_wait3A_1630, %dma_wait3A_1634, %dma_wait3A_1635, %dma_wait3A_1636, %dma_wait3A_1637] : memref<8x2x1x50x32xf32, #tpu.memory_space<vmem>> -> memref<1x2x1x50x32xf32, #tpu.memory_space<vmem>>
    %dma_wait3A_1639 = tpu.memref_squeeze %dma_wait3A_1638 : memref<1x2x1x50x32xf32, #tpu.memory_space<vmem>> -> memref<2x1x50x32xf32, #tpu.memory_space<vmem>>
    %dma_wait3A_1640 = arith.constant 0 : i32
    %dma_wait3A_1641 = arith.constant 0 : i32
    %dma_wait3A_1642 = arith.constant 0 : i32
    %dma_wait3A_1643 = tpu.memref_slice %dma_wait3A_1639[%dma_wait3A_1631, %dma_wait3A_1640, %dma_wait3A_1641, %dma_wait3A_1642] : memref<2x1x50x32xf32, #tpu.memory_space<vmem>> -> memref<1x1x50x32xf32, #tpu.memory_space<vmem>>
    %dma_wait3A_1644 = tpu.memref_squeeze %dma_wait3A_1643 : memref<1x1x50x32xf32, #tpu.memory_space<vmem>> -> memref<1x50x32xf32, #tpu.memory_space<vmem>>
    %dma_wait3A_1645 = arith.constant 0 : i32
    %dma_wait3A_1646 = arith.constant 0 : i32
    %dma_wait3A_1647 = tpu.memref_slice %dma_wait3A_1644[%dma_wait3A_1632, %dma_wait3A_1645, %dma_wait3A_1646] : memref<1x50x32xf32, #tpu.memory_space<vmem>> -> memref<1x50x32xf32, #tpu.memory_space<vmem>>
    %dma_wait3A_1648 = tpu.memref_squeeze %dma_wait3A_1647 : memref<1x50x32xf32, #tpu.memory_space<vmem>> -> memref<50x32xf32, #tpu.memory_space<vmem>>
    %dma_wait3A_1649 = arith.constant 0 : i32
    %dma_wait3A_1650 = arith.constant 0 : i32
    %dma_wait3A_1651 = tpu.memref_slice %arg3[%dma_wait3A_1649, %dma_wait3A_1650] : memref<1000000x32xf32, #tpu.memory_space<hbm>> -> memref<50x32xf32, #tpu.memory_space<hbm>>
    %dma_wait3A_1652 = tpu.memref_slice %arg8[%dma_wait3A_1633] : memref<8x!tpu.dma_semaphore, #tpu.memory_space<semaphore_mem>> -> memref<1x!tpu.dma_semaphore, #tpu.memory_space<semaphore_mem>>
    %dma_wait3A_1653 = tpu.memref_squeeze %dma_wait3A_1652 : memref<1x!tpu.dma_semaphore, #tpu.memory_space<semaphore_mem>> -> memref<!tpu.dma_semaphore, #tpu.memory_space<semaphore_mem>>
    %dma_wait3A_1654 = arith.constant 0 : i32
    %dma_wait3A_1655 = arith.constant 0 : i32
    %dma_wait3A_1656 = arith.constant 0 : i32
    %dma_wait3A_1657 = arith.constant 0 : i32
    %dma_wait3A_1658 = tpu.memref_slice %arg6[%dma_wait3A_1630, %dma_wait3A_1654, %dma_wait3A_1655, %dma_wait3A_1656, %dma_wait3A_1657] : memref<8x2x1x50x32xf32, #tpu.memory_space<vmem>> -> memref<1x2x1x50x32xf32, #tpu.memory_space<vmem>>
    %dma_wait3A_1659 = tpu.memref_squeeze %dma_wait3A_1658 : memref<1x2x1x50x32xf32, #tpu.memory_space<vmem>> -> memref<2x1x50x32xf32, #tpu.memory_space<vmem>>
    %dma_wait3A_1660 = arith.constant 0 : i32
    %dma_wait3A_1661 = arith.constant 0 : i32
    %dma_wait3A_1662 = arith.constant 0 : i32
    %dma_wait3A_1663 = tpu.memref_slice %dma_wait3A_1659[%dma_wait3A_1631, %dma_wait3A_1660, %dma_wait3A_1661, %dma_wait3A_1662] : memref<2x1x50x32xf32, #tpu.memory_space<vmem>> -> memref<1x1x50x32xf32, #tpu.memory_space<vmem>>
    %dma_wait3A_1664 = tpu.memref_squeeze %dma_wait3A_1663 : memref<1x1x50x32xf32, #tpu.memory_space<vmem>> -> memref<1x50x32xf32, #tpu.memory_space<vmem>>
    %dma_wait3A_1665 = arith.constant 0 : i32
    %dma_wait3A_1666 = arith.constant 0 : i32
    %dma_wait3A_1667 = tpu.memref_slice %dma_wait3A_1664[%dma_wait3A_1632, %dma_wait3A_1665, %dma_wait3A_1666] : memref<1x50x32xf32, #tpu.memory_space<vmem>> -> memref<1x50x32xf32, #tpu.memory_space<vmem>>
    %dma_wait3A_1668 = tpu.memref_squeeze %dma_wait3A_1667 : memref<1x50x32xf32, #tpu.memory_space<vmem>> -> memref<50x32xf32, #tpu.memory_space<vmem>>
    %dma_wait3A_1669 = arith.constant 0 : i32
    %dma_wait3A_1670 = arith.constant 0 : i32
    %dma_wait3A_1671 = tpu.memref_slice %arg3[%dma_wait3A_1669, %dma_wait3A_1670] : memref<1000000x32xf32, #tpu.memory_space<hbm>> -> memref<50x32xf32, #tpu.memory_space<hbm>>
    tpu.wait_dma2 semaphore(%dma_wait3A_1653 : memref<!tpu.dma_semaphore, #tpu.memory_space<semaphore_mem>>) src(%dma_wait3A_1671 : memref<50x32xf32, #tpu.memory_space<hbm>>) dst(%dma_wait3A_1668 : memref<50x32xf32, #tpu.memory_space<vmem>>)
    %dma_wait3A_1672 = arith.constant 2 : i32
    %dma_wait3A_1673 = arith.constant 1 : i32
    %dma_wait3A_1674 = arith.constant 0 : i32
    %dma_wait3A_1675 = arith.constant 2 : i32
    %dma_wait3A_1676 = arith.constant 0 : i32
    %dma_wait3A_1677 = arith.constant 0 : i32
    %dma_wait3A_1678 = arith.constant 0 : i32
    %dma_wait3A_1679 = arith.constant 0 : i32
    %dma_wait3A_1680 = tpu.memref_slice %arg6[%dma_wait3A_1672, %dma_wait3A_1676, %dma_wait3A_1677, %dma_wait3A_1678, %dma_wait3A_1679] : memref<8x2x1x50x32xf32, #tpu.memory_space<vmem>> -> memref<1x2x1x50x32xf32, #tpu.memory_space<vmem>>
    %dma_wait3A_1681 = tpu.memref_squeeze %dma_wait3A_1680 : memref<1x2x1x50x32xf32, #tpu.memory_space<vmem>> -> memref<2x1x50x32xf32, #tpu.memory_space<vmem>>
    %dma_wait3A_1682 = arith.constant 0 : i32
    %dma_wait3A_1683 = arith.constant 0 : i32
    %dma_wait3A_1684 = arith.constant 0 : i32
    %dma_wait3A_1685 = tpu.memref_slice %dma_wait3A_1681[%dma_wait3A_1673, %dma_wait3A_1682, %dma_wait3A_1683, %dma_wait3A_1684] : memref<2x1x50x32xf32, #tpu.memory_space<vmem>> -> memref<1x1x50x32xf32, #tpu.memory_space<vmem>>
    %dma_wait3A_1686 = tpu.memref_squeeze %dma_wait3A_1685 : memref<1x1x50x32xf32, #tpu.memory_space<vmem>> -> memref<1x50x32xf32, #tpu.memory_space<vmem>>
    %dma_wait3A_1687 = arith.constant 0 : i32
    %dma_wait3A_1688 = arith.constant 0 : i32
    %dma_wait3A_1689 = tpu.memref_slice %dma_wait3A_1686[%dma_wait3A_1674, %dma_wait3A_1687, %dma_wait3A_1688] : memref<1x50x32xf32, #tpu.memory_space<vmem>> -> memref<1x50x32xf32, #tpu.memory_space<vmem>>
    %dma_wait3A_1690 = tpu.memref_squeeze %dma_wait3A_1689 : memref<1x50x32xf32, #tpu.memory_space<vmem>> -> memref<50x32xf32, #tpu.memory_space<vmem>>
    %dma_wait3A_1691 = arith.constant 0 : i32
    %dma_wait3A_1692 = arith.constant 0 : i32
    %dma_wait3A_1693 = tpu.memref_slice %arg3[%dma_wait3A_1691, %dma_wait3A_1692] : memref<1000000x32xf32, #tpu.memory_space<hbm>> -> memref<50x32xf32, #tpu.memory_space<hbm>>
    %dma_wait3A_1694 = tpu.memref_slice %arg8[%dma_wait3A_1675] : memref<8x!tpu.dma_semaphore, #tpu.memory_space<semaphore_mem>> -> memref<1x!tpu.dma_semaphore, #tpu.memory_space<semaphore_mem>>
    %dma_wait3A_1695 = tpu.memref_squeeze %dma_wait3A_1694 : memref<1x!tpu.dma_semaphore, #tpu.memory_space<semaphore_mem>> -> memref<!tpu.dma_semaphore, #tpu.memory_space<semaphore_mem>>
    %dma_wait3A_1696 = arith.constant 0 : i32
    %dma_wait3A_1697 = arith.constant 0 : i32
    %dma_wait3A_1698 = arith.constant 0 : i32
    %dma_wait3A_1699 = arith.constant 0 : i32
    %dma_wait3A_1700 = tpu.memref_slice %arg6[%dma_wait3A_1672, %dma_wait3A_1696, %dma_wait3A_1697, %dma_wait3A_1698, %dma_wait3A_1699] : memref<8x2x1x50x32xf32, #tpu.memory_space<vmem>> -> memref<1x2x1x50x32xf32, #tpu.memory_space<vmem>>
    %dma_wait3A_1701 = tpu.memref_squeeze %dma_wait3A_1700 : memref<1x2x1x50x32xf32, #tpu.memory_space<vmem>> -> memref<2x1x50x32xf32, #tpu.memory_space<vmem>>
    %dma_wait3A_1702 = arith.constant 0 : i32
    %dma_wait3A_1703 = arith.constant 0 : i32
    %dma_wait3A_1704 = arith.constant 0 : i32
    %dma_wait3A_1705 = tpu.memref_slice %dma_wait3A_1701[%dma_wait3A_1673, %dma_wait3A_1702, %dma_wait3A_1703, %dma_wait3A_1704] : memref<2x1x50x32xf32, #tpu.memory_space<vmem>> -> memref<1x1x50x32xf32, #tpu.memory_space<vmem>>
    %dma_wait3A_1706 = tpu.memref_squeeze %dma_wait3A_1705 : memref<1x1x50x32xf32, #tpu.memory_space<vmem>> -> memref<1x50x32xf32, #tpu.memory_space<vmem>>
    %dma_wait3A_1707 = arith.constant 0 : i32
    %dma_wait3A_1708 = arith.constant 0 : i32
    %dma_wait3A_1709 = tpu.memref_slice %dma_wait3A_1706[%dma_wait3A_1674, %dma_wait3A_1707, %dma_wait3A_1708] : memref<1x50x32xf32, #tpu.memory_space<vmem>> -> memref<1x50x32xf32, #tpu.memory_space<vmem>>
    %dma_wait3A_1710 = tpu.memref_squeeze %dma_wait3A_1709 : memref<1x50x32xf32, #tpu.memory_space<vmem>> -> memref<50x32xf32, #tpu.memory_space<vmem>>
    %dma_wait3A_1711 = arith.constant 0 : i32
    %dma_wait3A_1712 = arith.constant 0 : i32
    %dma_wait3A_1713 = tpu.memref_slice %arg3[%dma_wait3A_1711, %dma_wait3A_1712] : memref<1000000x32xf32, #tpu.memory_space<hbm>> -> memref<50x32xf32, #tpu.memory_space<hbm>>
    tpu.wait_dma2 semaphore(%dma_wait3A_1695 : memref<!tpu.dma_semaphore, #tpu.memory_space<semaphore_mem>>) src(%dma_wait3A_1713 : memref<50x32xf32, #tpu.memory_space<hbm>>) dst(%dma_wait3A_1710 : memref<50x32xf32, #tpu.memory_space<vmem>>)
    %dma_wait3A_1714 = arith.constant 3 : i32
    %dma_wait3A_1715 = arith.constant 0 : i32
    %dma_wait3A_1716 = arith.constant 0 : i32
    %dma_wait3A_1717 = arith.constant 3 : i32
    %dma_wait3A_1718 = arith.constant 0 : i32
    %dma_wait3A_1719 = arith.constant 0 : i32
    %dma_wait3A_1720 = arith.constant 0 : i32
    %dma_wait3A_1721 = arith.constant 0 : i32
    %dma_wait3A_1722 = tpu.memref_slice %arg6[%dma_wait3A_1714, %dma_wait3A_1718, %dma_wait3A_1719, %dma_wait3A_1720, %dma_wait3A_1721] : memref<8x2x1x50x32xf32, #tpu.memory_space<vmem>> -> memref<1x2x1x50x32xf32, #tpu.memory_space<vmem>>
    %dma_wait3A_1723 = tpu.memref_squeeze %dma_wait3A_1722 : memref<1x2x1x50x32xf32, #tpu.memory_space<vmem>> -> memref<2x1x50x32xf32, #tpu.memory_space<vmem>>
    %dma_wait3A_1724 = arith.constant 0 : i32
    %dma_wait3A_1725 = arith.constant 0 : i32
    %dma_wait3A_1726 = arith.constant 0 : i32
    %dma_wait3A_1727 = tpu.memref_slice %dma_wait3A_1723[%dma_wait3A_1715, %dma_wait3A_1724, %dma_wait3A_1725, %dma_wait3A_1726] : memref<2x1x50x32xf32, #tpu.memory_space<vmem>> -> memref<1x1x50x32xf32, #tpu.memory_space<vmem>>
    %dma_wait3A_1728 = tpu.memref_squeeze %dma_wait3A_1727 : memref<1x1x50x32xf32, #tpu.memory_space<vmem>> -> memref<1x50x32xf32, #tpu.memory_space<vmem>>
    %dma_wait3A_1729 = arith.constant 0 : i32
    %dma_wait3A_1730 = arith.constant 0 : i32
    %dma_wait3A_1731 = tpu.memref_slice %dma_wait3A_1728[%dma_wait3A_1716, %dma_wait3A_1729, %dma_wait3A_1730] : memref<1x50x32xf32, #tpu.memory_space<vmem>> -> memref<1x50x32xf32, #tpu.memory_space<vmem>>
    %dma_wait3A_1732 = tpu.memref_squeeze %dma_wait3A_1731 : memref<1x50x32xf32, #tpu.memory_space<vmem>> -> memref<50x32xf32, #tpu.memory_space<vmem>>
    %dma_wait3A_1733 = arith.constant 0 : i32
    %dma_wait3A_1734 = arith.constant 0 : i32
    %dma_wait3A_1735 = tpu.memref_slice %arg3[%dma_wait3A_1733, %dma_wait3A_1734] : memref<1000000x32xf32, #tpu.memory_space<hbm>> -> memref<50x32xf32, #tpu.memory_space<hbm>>
    %dma_wait3A_1736 = tpu.memref_slice %arg8[%dma_wait3A_1717] : memref<8x!tpu.dma_semaphore, #tpu.memory_space<semaphore_mem>> -> memref<1x!tpu.dma_semaphore, #tpu.memory_space<semaphore_mem>>
    %dma_wait3A_1737 = tpu.memref_squeeze %dma_wait3A_1736 : memref<1x!tpu.dma_semaphore, #tpu.memory_space<semaphore_mem>> -> memref<!tpu.dma_semaphore, #tpu.memory_space<semaphore_mem>>
    %dma_wait3A_1738 = arith.constant 0 : i32
    %dma_wait3A_1739 = arith.constant 0 : i32
    %dma_wait3A_1740 = arith.constant 0 : i32
    %dma_wait3A_1741 = arith.constant 0 : i32
    %dma_wait3A_1742 = tpu.memref_slice %arg6[%dma_wait3A_1714, %dma_wait3A_1738, %dma_wait3A_1739, %dma_wait3A_1740, %dma_wait3A_1741] : memref<8x2x1x50x32xf32, #tpu.memory_space<vmem>> -> memref<1x2x1x50x32xf32, #tpu.memory_space<vmem>>
    %dma_wait3A_1743 = tpu.memref_squeeze %dma_wait3A_1742 : memref<1x2x1x50x32xf32, #tpu.memory_space<vmem>> -> memref<2x1x50x32xf32, #tpu.memory_space<vmem>>
    %dma_wait3A_1744 = arith.constant 0 : i32
    %dma_wait3A_1745 = arith.constant 0 : i32
    %dma_wait3A_1746 = arith.constant 0 : i32
    %dma_wait3A_1747 = tpu.memref_slice %dma_wait3A_1743[%dma_wait3A_1715, %dma_wait3A_1744, %dma_wait3A_1745, %dma_wait3A_1746] : memref<2x1x50x32xf32, #tpu.memory_space<vmem>> -> memref<1x1x50x32xf32, #tpu.memory_space<vmem>>
    %dma_wait3A_1748 = tpu.memref_squeeze %dma_wait3A_1747 : memref<1x1x50x32xf32, #tpu.memory_space<vmem>> -> memref<1x50x32xf32, #tpu.memory_space<vmem>>
    %dma_wait3A_1749 = arith.constant 0 : i32
    %dma_wait3A_1750 = arith.constant 0 : i32
    %dma_wait3A_1751 = tpu.memref_slice %dma_wait3A_1748[%dma_wait3A_1716, %dma_wait3A_1749, %dma_wait3A_1750] : memref<1x50x32xf32, #tpu.memory_space<vmem>> -> memref<1x50x32xf32, #tpu.memory_space<vmem>>
    %dma_wait3A_1752 = tpu.memref_squeeze %dma_wait3A_1751 : memref<1x50x32xf32, #tpu.memory_space<vmem>> -> memref<50x32xf32, #tpu.memory_space<vmem>>
    %dma_wait3A_1753 = arith.constant 0 : i32
    %dma_wait3A_1754 = arith.constant 0 : i32
    %dma_wait3A_1755 = tpu.memref_slice %arg3[%dma_wait3A_1753, %dma_wait3A_1754] : memref<1000000x32xf32, #tpu.memory_space<hbm>> -> memref<50x32xf32, #tpu.memory_space<hbm>>
    tpu.wait_dma2 semaphore(%dma_wait3A_1737 : memref<!tpu.dma_semaphore, #tpu.memory_space<semaphore_mem>>) src(%dma_wait3A_1755 : memref<50x32xf32, #tpu.memory_space<hbm>>) dst(%dma_wait3A_1752 : memref<50x32xf32, #tpu.memory_space<vmem>>)
    %dma_wait3A_1756 = arith.constant 3 : i32
    %dma_wait3A_1757 = arith.constant 1 : i32
    %dma_wait3A_1758 = arith.constant 0 : i32
    %dma_wait3A_1759 = arith.constant 3 : i32
    %dma_wait3A_1760 = arith.constant 0 : i32
    %dma_wait3A_1761 = arith.constant 0 : i32
    %dma_wait3A_1762 = arith.constant 0 : i32
    %dma_wait3A_1763 = arith.constant 0 : i32
    %dma_wait3A_1764 = tpu.memref_slice %arg6[%dma_wait3A_1756, %dma_wait3A_1760, %dma_wait3A_1761, %dma_wait3A_1762, %dma_wait3A_1763] : memref<8x2x1x50x32xf32, #tpu.memory_space<vmem>> -> memref<1x2x1x50x32xf32, #tpu.memory_space<vmem>>
    %dma_wait3A_1765 = tpu.memref_squeeze %dma_wait3A_1764 : memref<1x2x1x50x32xf32, #tpu.memory_space<vmem>> -> memref<2x1x50x32xf32, #tpu.memory_space<vmem>>
    %dma_wait3A_1766 = arith.constant 0 : i32
    %dma_wait3A_1767 = arith.constant 0 : i32
    %dma_wait3A_1768 = arith.constant 0 : i32
    %dma_wait3A_1769 = tpu.memref_slice %dma_wait3A_1765[%dma_wait3A_1757, %dma_wait3A_1766, %dma_wait3A_1767, %dma_wait3A_1768] : memref<2x1x50x32xf32, #tpu.memory_space<vmem>> -> memref<1x1x50x32xf32, #tpu.memory_space<vmem>>
    %dma_wait3A_1770 = tpu.memref_squeeze %dma_wait3A_1769 : memref<1x1x50x32xf32, #tpu.memory_space<vmem>> -> memref<1x50x32xf32, #tpu.memory_space<vmem>>
    %dma_wait3A_1771 = arith.constant 0 : i32
    %dma_wait3A_1772 = arith.constant 0 : i32
    %dma_wait3A_1773 = tpu.memref_slice %dma_wait3A_1770[%dma_wait3A_1758, %dma_wait3A_1771, %dma_wait3A_1772] : memref<1x50x32xf32, #tpu.memory_space<vmem>> -> memref<1x50x32xf32, #tpu.memory_space<vmem>>
    %dma_wait3A_1774 = tpu.memref_squeeze %dma_wait3A_1773 : memref<1x50x32xf32, #tpu.memory_space<vmem>> -> memref<50x32xf32, #tpu.memory_space<vmem>>
    %dma_wait3A_1775 = arith.constant 0 : i32
    %dma_wait3A_1776 = arith.constant 0 : i32
    %dma_wait3A_1777 = tpu.memref_slice %arg3[%dma_wait3A_1775, %dma_wait3A_1776] : memref<1000000x32xf32, #tpu.memory_space<hbm>> -> memref<50x32xf32, #tpu.memory_space<hbm>>
    %dma_wait3A_1778 = tpu.memref_slice %arg8[%dma_wait3A_1759] : memref<8x!tpu.dma_semaphore, #tpu.memory_space<semaphore_mem>> -> memref<1x!tpu.dma_semaphore, #tpu.memory_space<semaphore_mem>>
    %dma_wait3A_1779 = tpu.memref_squeeze %dma_wait3A_1778 : memref<1x!tpu.dma_semaphore, #tpu.memory_space<semaphore_mem>> -> memref<!tpu.dma_semaphore, #tpu.memory_space<semaphore_mem>>
    %dma_wait3A_1780 = arith.constant 0 : i32
    %dma_wait3A_1781 = arith.constant 0 : i32
    %dma_wait3A_1782 = arith.constant 0 : i32
    %dma_wait3A_1783 = arith.constant 0 : i32
    %dma_wait3A_1784 = tpu.memref_slice %arg6[%dma_wait3A_1756, %dma_wait3A_1780, %dma_wait3A_1781, %dma_wait3A_1782, %dma_wait3A_1783] : memref<8x2x1x50x32xf32, #tpu.memory_space<vmem>> -> memref<1x2x1x50x32xf32, #tpu.memory_space<vmem>>
    %dma_wait3A_1785 = tpu.memref_squeeze %dma_wait3A_1784 : memref<1x2x1x50x32xf32, #tpu.memory_space<vmem>> -> memref<2x1x50x32xf32, #tpu.memory_space<vmem>>
    %dma_wait3A_1786 = arith.constant 0 : i32
    %dma_wait3A_1787 = arith.constant 0 : i32
    %dma_wait3A_1788 = arith.constant 0 : i32
    %dma_wait3A_1789 = tpu.memref_slice %dma_wait3A_1785[%dma_wait3A_1757, %dma_wait3A_1786, %dma_wait3A_1787, %dma_wait3A_1788] : memref<2x1x50x32xf32, #tpu.memory_space<vmem>> -> memref<1x1x50x32xf32, #tpu.memory_space<vmem>>
    %dma_wait3A_1790 = tpu.memref_squeeze %dma_wait3A_1789 : memref<1x1x50x32xf32, #tpu.memory_space<vmem>> -> memref<1x50x32xf32, #tpu.memory_space<vmem>>
    %dma_wait3A_1791 = arith.constant 0 : i32
    %dma_wait3A_1792 = arith.constant 0 : i32
    %dma_wait3A_1793 = tpu.memref_slice %dma_wait3A_1790[%dma_wait3A_1758, %dma_wait3A_1791, %dma_wait3A_1792] : memref<1x50x32xf32, #tpu.memory_space<vmem>> -> memref<1x50x32xf32, #tpu.memory_space<vmem>>
    %dma_wait3A_1794 = tpu.memref_squeeze %dma_wait3A_1793 : memref<1x50x32xf32, #tpu.memory_space<vmem>> -> memref<50x32xf32, #tpu.memory_space<vmem>>
    %dma_wait3A_1795 = arith.constant 0 : i32
    %dma_wait3A_1796 = arith.constant 0 : i32
    %dma_wait3A_1797 = tpu.memref_slice %arg3[%dma_wait3A_1795, %dma_wait3A_1796] : memref<1000000x32xf32, #tpu.memory_space<hbm>> -> memref<50x32xf32, #tpu.memory_space<hbm>>
    tpu.wait_dma2 semaphore(%dma_wait3A_1779 : memref<!tpu.dma_semaphore, #tpu.memory_space<semaphore_mem>>) src(%dma_wait3A_1797 : memref<50x32xf32, #tpu.memory_space<hbm>>) dst(%dma_wait3A_1794 : memref<50x32xf32, #tpu.memory_space<vmem>>)
    %dma_wait3A_1798 = arith.constant 4 : i32
    %dma_wait3A_1799 = arith.constant 0 : i32
    %dma_wait3A_1800 = arith.constant 0 : i32
    %dma_wait3A_1801 = arith.constant 4 : i32
    %dma_wait3A_1802 = arith.constant 0 : i32
    %dma_wait3A_1803 = arith.constant 0 : i32
    %dma_wait3A_1804 = arith.constant 0 : i32
    %dma_wait3A_1805 = arith.constant 0 : i32
    %dma_wait3A_1806 = tpu.memref_slice %arg6[%dma_wait3A_1798, %dma_wait3A_1802, %dma_wait3A_1803, %dma_wait3A_1804, %dma_wait3A_1805] : memref<8x2x1x50x32xf32, #tpu.memory_space<vmem>> -> memref<1x2x1x50x32xf32, #tpu.memory_space<vmem>>
    %dma_wait3A_1807 = tpu.memref_squeeze %dma_wait3A_1806 : memref<1x2x1x50x32xf32, #tpu.memory_space<vmem>> -> memref<2x1x50x32xf32, #tpu.memory_space<vmem>>
    %dma_wait3A_1808 = arith.constant 0 : i32
    %dma_wait3A_1809 = arith.constant 0 : i32
    %dma_wait3A_1810 = arith.constant 0 : i32
    %dma_wait3A_1811 = tpu.memref_slice %dma_wait3A_1807[%dma_wait3A_1799, %dma_wait3A_1808, %dma_wait3A_1809, %dma_wait3A_1810] : memref<2x1x50x32xf32, #tpu.memory_space<vmem>> -> memref<1x1x50x32xf32, #tpu.memory_space<vmem>>
    %dma_wait3A_1812 = tpu.memref_squeeze %dma_wait3A_1811 : memref<1x1x50x32xf32, #tpu.memory_space<vmem>> -> memref<1x50x32xf32, #tpu.memory_space<vmem>>
    %dma_wait3A_1813 = arith.constant 0 : i32
    %dma_wait3A_1814 = arith.constant 0 : i32
    %dma_wait3A_1815 = tpu.memref_slice %dma_wait3A_1812[%dma_wait3A_1800, %dma_wait3A_1813, %dma_wait3A_1814] : memref<1x50x32xf32, #tpu.memory_space<vmem>> -> memref<1x50x32xf32, #tpu.memory_space<vmem>>
    %dma_wait3A_1816 = tpu.memref_squeeze %dma_wait3A_1815 : memref<1x50x32xf32, #tpu.memory_space<vmem>> -> memref<50x32xf32, #tpu.memory_space<vmem>>
    %dma_wait3A_1817 = arith.constant 0 : i32
    %dma_wait3A_1818 = arith.constant 0 : i32
    %dma_wait3A_1819 = tpu.memref_slice %arg3[%dma_wait3A_1817, %dma_wait3A_1818] : memref<1000000x32xf32, #tpu.memory_space<hbm>> -> memref<50x32xf32, #tpu.memory_space<hbm>>
    %dma_wait3A_1820 = tpu.memref_slice %arg8[%dma_wait3A_1801] : memref<8x!tpu.dma_semaphore, #tpu.memory_space<semaphore_mem>> -> memref<1x!tpu.dma_semaphore, #tpu.memory_space<semaphore_mem>>
    %dma_wait3A_1821 = tpu.memref_squeeze %dma_wait3A_1820 : memref<1x!tpu.dma_semaphore, #tpu.memory_space<semaphore_mem>> -> memref<!tpu.dma_semaphore, #tpu.memory_space<semaphore_mem>>
    %dma_wait3A_1822 = arith.constant 0 : i32
    %dma_wait3A_1823 = arith.constant 0 : i32
    %dma_wait3A_1824 = arith.constant 0 : i32
    %dma_wait3A_1825 = arith.constant 0 : i32
    %dma_wait3A_1826 = tpu.memref_slice %arg6[%dma_wait3A_1798, %dma_wait3A_1822, %dma_wait3A_1823, %dma_wait3A_1824, %dma_wait3A_1825] : memref<8x2x1x50x32xf32, #tpu.memory_space<vmem>> -> memref<1x2x1x50x32xf32, #tpu.memory_space<vmem>>
    %dma_wait3A_1827 = tpu.memref_squeeze %dma_wait3A_1826 : memref<1x2x1x50x32xf32, #tpu.memory_space<vmem>> -> memref<2x1x50x32xf32, #tpu.memory_space<vmem>>
    %dma_wait3A_1828 = arith.constant 0 : i32
    %dma_wait3A_1829 = arith.constant 0 : i32
    %dma_wait3A_1830 = arith.constant 0 : i32
    %dma_wait3A_1831 = tpu.memref_slice %dma_wait3A_1827[%dma_wait3A_1799, %dma_wait3A_1828, %dma_wait3A_1829, %dma_wait3A_1830] : memref<2x1x50x32xf32, #tpu.memory_space<vmem>> -> memref<1x1x50x32xf32, #tpu.memory_space<vmem>>
    %dma_wait3A_1832 = tpu.memref_squeeze %dma_wait3A_1831 : memref<1x1x50x32xf32, #tpu.memory_space<vmem>> -> memref<1x50x32xf32, #tpu.memory_space<vmem>>
    %dma_wait3A_1833 = arith.constant 0 : i32
    %dma_wait3A_1834 = arith.constant 0 : i32
    %dma_wait3A_1835 = tpu.memref_slice %dma_wait3A_1832[%dma_wait3A_1800, %dma_wait3A_1833, %dma_wait3A_1834] : memref<1x50x32xf32, #tpu.memory_space<vmem>> -> memref<1x50x32xf32, #tpu.memory_space<vmem>>
    %dma_wait3A_1836 = tpu.memref_squeeze %dma_wait3A_1835 : memref<1x50x32xf32, #tpu.memory_space<vmem>> -> memref<50x32xf32, #tpu.memory_space<vmem>>
    %dma_wait3A_1837 = arith.constant 0 : i32
    %dma_wait3A_1838 = arith.constant 0 : i32
    %dma_wait3A_1839 = tpu.memref_slice %arg3[%dma_wait3A_1837, %dma_wait3A_1838] : memref<1000000x32xf32, #tpu.memory_space<hbm>> -> memref<50x32xf32, #tpu.memory_space<hbm>>
    tpu.wait_dma2 semaphore(%dma_wait3A_1821 : memref<!tpu.dma_semaphore, #tpu.memory_space<semaphore_mem>>) src(%dma_wait3A_1839 : memref<50x32xf32, #tpu.memory_space<hbm>>) dst(%dma_wait3A_1836 : memref<50x32xf32, #tpu.memory_space<vmem>>)
    %dma_wait3A_1840 = arith.constant 4 : i32
    %dma_wait3A_1841 = arith.constant 1 : i32
    %dma_wait3A_1842 = arith.constant 0 : i32
    %dma_wait3A_1843 = arith.constant 4 : i32
    %dma_wait3A_1844 = arith.constant 0 : i32
    %dma_wait3A_1845 = arith.constant 0 : i32
    %dma_wait3A_1846 = arith.constant 0 : i32
    %dma_wait3A_1847 = arith.constant 0 : i32
    %dma_wait3A_1848 = tpu.memref_slice %arg6[%dma_wait3A_1840, %dma_wait3A_1844, %dma_wait3A_1845, %dma_wait3A_1846, %dma_wait3A_1847] : memref<8x2x1x50x32xf32, #tpu.memory_space<vmem>> -> memref<1x2x1x50x32xf32, #tpu.memory_space<vmem>>
    %dma_wait3A_1849 = tpu.memref_squeeze %dma_wait3A_1848 : memref<1x2x1x50x32xf32, #tpu.memory_space<vmem>> -> memref<2x1x50x32xf32, #tpu.memory_space<vmem>>
    %dma_wait3A_1850 = arith.constant 0 : i32
    %dma_wait3A_1851 = arith.constant 0 : i32
    %dma_wait3A_1852 = arith.constant 0 : i32
    %dma_wait3A_1853 = tpu.memref_slice %dma_wait3A_1849[%dma_wait3A_1841, %dma_wait3A_1850, %dma_wait3A_1851, %dma_wait3A_1852] : memref<2x1x50x32xf32, #tpu.memory_space<vmem>> -> memref<1x1x50x32xf32, #tpu.memory_space<vmem>>
    %dma_wait3A_1854 = tpu.memref_squeeze %dma_wait3A_1853 : memref<1x1x50x32xf32, #tpu.memory_space<vmem>> -> memref<1x50x32xf32, #tpu.memory_space<vmem>>
    %dma_wait3A_1855 = arith.constant 0 : i32
    %dma_wait3A_1856 = arith.constant 0 : i32
    %dma_wait3A_1857 = tpu.memref_slice %dma_wait3A_1854[%dma_wait3A_1842, %dma_wait3A_1855, %dma_wait3A_1856] : memref<1x50x32xf32, #tpu.memory_space<vmem>> -> memref<1x50x32xf32, #tpu.memory_space<vmem>>
    %dma_wait3A_1858 = tpu.memref_squeeze %dma_wait3A_1857 : memref<1x50x32xf32, #tpu.memory_space<vmem>> -> memref<50x32xf32, #tpu.memory_space<vmem>>
    %dma_wait3A_1859 = arith.constant 0 : i32
    %dma_wait3A_1860 = arith.constant 0 : i32
    %dma_wait3A_1861 = tpu.memref_slice %arg3[%dma_wait3A_1859, %dma_wait3A_1860] : memref<1000000x32xf32, #tpu.memory_space<hbm>> -> memref<50x32xf32, #tpu.memory_space<hbm>>
    %dma_wait3A_1862 = tpu.memref_slice %arg8[%dma_wait3A_1843] : memref<8x!tpu.dma_semaphore, #tpu.memory_space<semaphore_mem>> -> memref<1x!tpu.dma_semaphore, #tpu.memory_space<semaphore_mem>>
    %dma_wait3A_1863 = tpu.memref_squeeze %dma_wait3A_1862 : memref<1x!tpu.dma_semaphore, #tpu.memory_space<semaphore_mem>> -> memref<!tpu.dma_semaphore, #tpu.memory_space<semaphore_mem>>
    %dma_wait3A_1864 = arith.constant 0 : i32
    %dma_wait3A_1865 = arith.constant 0 : i32
    %dma_wait3A_1866 = arith.constant 0 : i32
    %dma_wait3A_1867 = arith.constant 0 : i32
    %dma_wait3A_1868 = tpu.memref_slice %arg6[%dma_wait3A_1840, %dma_wait3A_1864, %dma_wait3A_1865, %dma_wait3A_1866, %dma_wait3A_1867] : memref<8x2x1x50x32xf32, #tpu.memory_space<vmem>> -> memref<1x2x1x50x32xf32, #tpu.memory_space<vmem>>
    %dma_wait3A_1869 = tpu.memref_squeeze %dma_wait3A_1868 : memref<1x2x1x50x32xf32, #tpu.memory_space<vmem>> -> memref<2x1x50x32xf32, #tpu.memory_space<vmem>>
    %dma_wait3A_1870 = arith.constant 0 : i32
    %dma_wait3A_1871 = arith.constant 0 : i32
    %dma_wait3A_1872 = arith.constant 0 : i32
    %dma_wait3A_1873 = tpu.memref_slice %dma_wait3A_1869[%dma_wait3A_1841, %dma_wait3A_1870, %dma_wait3A_1871, %dma_wait3A_1872] : memref<2x1x50x32xf32, #tpu.memory_space<vmem>> -> memref<1x1x50x32xf32, #tpu.memory_space<vmem>>
    %dma_wait3A_1874 = tpu.memref_squeeze %dma_wait3A_1873 : memref<1x1x50x32xf32, #tpu.memory_space<vmem>> -> memref<1x50x32xf32, #tpu.memory_space<vmem>>
    %dma_wait3A_1875 = arith.constant 0 : i32
    %dma_wait3A_1876 = arith.constant 0 : i32
    %dma_wait3A_1877 = tpu.memref_slice %dma_wait3A_1874[%dma_wait3A_1842, %dma_wait3A_1875, %dma_wait3A_1876] : memref<1x50x32xf32, #tpu.memory_space<vmem>> -> memref<1x50x32xf32, #tpu.memory_space<vmem>>
    %dma_wait3A_1878 = tpu.memref_squeeze %dma_wait3A_1877 : memref<1x50x32xf32, #tpu.memory_space<vmem>> -> memref<50x32xf32, #tpu.memory_space<vmem>>
    %dma_wait3A_1879 = arith.constant 0 : i32
    %dma_wait3A_1880 = arith.constant 0 : i32
    %dma_wait3A_1881 = tpu.memref_slice %arg3[%dma_wait3A_1879, %dma_wait3A_1880] : memref<1000000x32xf32, #tpu.memory_space<hbm>> -> memref<50x32xf32, #tpu.memory_space<hbm>>
    tpu.wait_dma2 semaphore(%dma_wait3A_1863 : memref<!tpu.dma_semaphore, #tpu.memory_space<semaphore_mem>>) src(%dma_wait3A_1881 : memref<50x32xf32, #tpu.memory_space<hbm>>) dst(%dma_wait3A_1878 : memref<50x32xf32, #tpu.memory_space<vmem>>)
    %dma_wait3A_1882 = arith.constant 5 : i32
    %dma_wait3A_1883 = arith.constant 0 : i32
    %dma_wait3A_1884 = arith.constant 0 : i32
    %dma_wait3A_1885 = arith.constant 5 : i32
    %dma_wait3A_1886 = arith.constant 0 : i32
    %dma_wait3A_1887 = arith.constant 0 : i32
    %dma_wait3A_1888 = arith.constant 0 : i32
    %dma_wait3A_1889 = arith.constant 0 : i32
    %dma_wait3A_1890 = tpu.memref_slice %arg6[%dma_wait3A_1882, %dma_wait3A_1886, %dma_wait3A_1887, %dma_wait3A_1888, %dma_wait3A_1889] : memref<8x2x1x50x32xf32, #tpu.memory_space<vmem>> -> memref<1x2x1x50x32xf32, #tpu.memory_space<vmem>>
    %dma_wait3A_1891 = tpu.memref_squeeze %dma_wait3A_1890 : memref<1x2x1x50x32xf32, #tpu.memory_space<vmem>> -> memref<2x1x50x32xf32, #tpu.memory_space<vmem>>
    %dma_wait3A_1892 = arith.constant 0 : i32
    %dma_wait3A_1893 = arith.constant 0 : i32
    %dma_wait3A_1894 = arith.constant 0 : i32
    %dma_wait3A_1895 = tpu.memref_slice %dma_wait3A_1891[%dma_wait3A_1883, %dma_wait3A_1892, %dma_wait3A_1893, %dma_wait3A_1894] : memref<2x1x50x32xf32, #tpu.memory_space<vmem>> -> memref<1x1x50x32xf32, #tpu.memory_space<vmem>>
    %dma_wait3A_1896 = tpu.memref_squeeze %dma_wait3A_1895 : memref<1x1x50x32xf32, #tpu.memory_space<vmem>> -> memref<1x50x32xf32, #tpu.memory_space<vmem>>
    %dma_wait3A_1897 = arith.constant 0 : i32
    %dma_wait3A_1898 = arith.constant 0 : i32
    %dma_wait3A_1899 = tpu.memref_slice %dma_wait3A_1896[%dma_wait3A_1884, %dma_wait3A_1897, %dma_wait3A_1898] : memref<1x50x32xf32, #tpu.memory_space<vmem>> -> memref<1x50x32xf32, #tpu.memory_space<vmem>>
    %dma_wait3A_1900 = tpu.memref_squeeze %dma_wait3A_1899 : memref<1x50x32xf32, #tpu.memory_space<vmem>> -> memref<50x32xf32, #tpu.memory_space<vmem>>
    %dma_wait3A_1901 = arith.constant 0 : i32
    %dma_wait3A_1902 = arith.constant 0 : i32
    %dma_wait3A_1903 = tpu.memref_slice %arg3[%dma_wait3A_1901, %dma_wait3A_1902] : memref<1000000x32xf32, #tpu.memory_space<hbm>> -> memref<50x32xf32, #tpu.memory_space<hbm>>
    %dma_wait3A_1904 = tpu.memref_slice %arg8[%dma_wait3A_1885] : memref<8x!tpu.dma_semaphore, #tpu.memory_space<semaphore_mem>> -> memref<1x!tpu.dma_semaphore, #tpu.memory_space<semaphore_mem>>
    %dma_wait3A_1905 = tpu.memref_squeeze %dma_wait3A_1904 : memref<1x!tpu.dma_semaphore, #tpu.memory_space<semaphore_mem>> -> memref<!tpu.dma_semaphore, #tpu.memory_space<semaphore_mem>>
    %dma_wait3A_1906 = arith.constant 0 : i32
    %dma_wait3A_1907 = arith.constant 0 : i32
    %dma_wait3A_1908 = arith.constant 0 : i32
    %dma_wait3A_1909 = arith.constant 0 : i32
    %dma_wait3A_1910 = tpu.memref_slice %arg6[%dma_wait3A_1882, %dma_wait3A_1906, %dma_wait3A_1907, %dma_wait3A_1908, %dma_wait3A_1909] : memref<8x2x1x50x32xf32, #tpu.memory_space<vmem>> -> memref<1x2x1x50x32xf32, #tpu.memory_space<vmem>>
    %dma_wait3A_1911 = tpu.memref_squeeze %dma_wait3A_1910 : memref<1x2x1x50x32xf32, #tpu.memory_space<vmem>> -> memref<2x1x50x32xf32, #tpu.memory_space<vmem>>
    %dma_wait3A_1912 = arith.constant 0 : i32
    %dma_wait3A_1913 = arith.constant 0 : i32
    %dma_wait3A_1914 = arith.constant 0 : i32
    %dma_wait3A_1915 = tpu.memref_slice %dma_wait3A_1911[%dma_wait3A_1883, %dma_wait3A_1912, %dma_wait3A_1913, %dma_wait3A_1914] : memref<2x1x50x32xf32, #tpu.memory_space<vmem>> -> memref<1x1x50x32xf32, #tpu.memory_space<vmem>>
    %dma_wait3A_1916 = tpu.memref_squeeze %dma_wait3A_1915 : memref<1x1x50x32xf32, #tpu.memory_space<vmem>> -> memref<1x50x32xf32, #tpu.memory_space<vmem>>
    %dma_wait3A_1917 = arith.constant 0 : i32
    %dma_wait3A_1918 = arith.constant 0 : i32
    %dma_wait3A_1919 = tpu.memref_slice %dma_wait3A_1916[%dma_wait3A_1884, %dma_wait3A_1917, %dma_wait3A_1918] : memref<1x50x32xf32, #tpu.memory_space<vmem>> -> memref<1x50x32xf32, #tpu.memory_space<vmem>>
    %dma_wait3A_1920 = tpu.memref_squeeze %dma_wait3A_1919 : memref<1x50x32xf32, #tpu.memory_space<vmem>> -> memref<50x32xf32, #tpu.memory_space<vmem>>
    %dma_wait3A_1921 = arith.constant 0 : i32
    %dma_wait3A_1922 = arith.constant 0 : i32
    %dma_wait3A_1923 = tpu.memref_slice %arg3[%dma_wait3A_1921, %dma_wait3A_1922] : memref<1000000x32xf32, #tpu.memory_space<hbm>> -> memref<50x32xf32, #tpu.memory_space<hbm>>
    tpu.wait_dma2 semaphore(%dma_wait3A_1905 : memref<!tpu.dma_semaphore, #tpu.memory_space<semaphore_mem>>) src(%dma_wait3A_1923 : memref<50x32xf32, #tpu.memory_space<hbm>>) dst(%dma_wait3A_1920 : memref<50x32xf32, #tpu.memory_space<vmem>>)
    %dma_wait3A_1924 = arith.constant 5 : i32
    %dma_wait3A_1925 = arith.constant 1 : i32
    %dma_wait3A_1926 = arith.constant 0 : i32
    %dma_wait3A_1927 = arith.constant 5 : i32
    %dma_wait3A_1928 = arith.constant 0 : i32
    %dma_wait3A_1929 = arith.constant 0 : i32
    %dma_wait3A_1930 = arith.constant 0 : i32
    %dma_wait3A_1931 = arith.constant 0 : i32
    %dma_wait3A_1932 = tpu.memref_slice %arg6[%dma_wait3A_1924, %dma_wait3A_1928, %dma_wait3A_1929, %dma_wait3A_1930, %dma_wait3A_1931] : memref<8x2x1x50x32xf32, #tpu.memory_space<vmem>> -> memref<1x2x1x50x32xf32, #tpu.memory_space<vmem>>
    %dma_wait3A_1933 = tpu.memref_squeeze %dma_wait3A_1932 : memref<1x2x1x50x32xf32, #tpu.memory_space<vmem>> -> memref<2x1x50x32xf32, #tpu.memory_space<vmem>>
    %dma_wait3A_1934 = arith.constant 0 : i32
    %dma_wait3A_1935 = arith.constant 0 : i32
    %dma_wait3A_1936 = arith.constant 0 : i32
    %dma_wait3A_1937 = tpu.memref_slice %dma_wait3A_1933[%dma_wait3A_1925, %dma_wait3A_1934, %dma_wait3A_1935, %dma_wait3A_1936] : memref<2x1x50x32xf32, #tpu.memory_space<vmem>> -> memref<1x1x50x32xf32, #tpu.memory_space<vmem>>
    %dma_wait3A_1938 = tpu.memref_squeeze %dma_wait3A_1937 : memref<1x1x50x32xf32, #tpu.memory_space<vmem>> -> memref<1x50x32xf32, #tpu.memory_space<vmem>>
    %dma_wait3A_1939 = arith.constant 0 : i32
    %dma_wait3A_1940 = arith.constant 0 : i32
    %dma_wait3A_1941 = tpu.memref_slice %dma_wait3A_1938[%dma_wait3A_1926, %dma_wait3A_1939, %dma_wait3A_1940] : memref<1x50x32xf32, #tpu.memory_space<vmem>> -> memref<1x50x32xf32, #tpu.memory_space<vmem>>
    %dma_wait3A_1942 = tpu.memref_squeeze %dma_wait3A_1941 : memref<1x50x32xf32, #tpu.memory_space<vmem>> -> memref<50x32xf32, #tpu.memory_space<vmem>>
    %dma_wait3A_1943 = arith.constant 0 : i32
    %dma_wait3A_1944 = arith.constant 0 : i32
    %dma_wait3A_1945 = tpu.memref_slice %arg3[%dma_wait3A_1943, %dma_wait3A_1944] : memref<1000000x32xf32, #tpu.memory_space<hbm>> -> memref<50x32xf32, #tpu.memory_space<hbm>>
    %dma_wait3A_1946 = tpu.memref_slice %arg8[%dma_wait3A_1927] : memref<8x!tpu.dma_semaphore, #tpu.memory_space<semaphore_mem>> -> memref<1x!tpu.dma_semaphore, #tpu.memory_space<semaphore_mem>>
    %dma_wait3A_1947 = tpu.memref_squeeze %dma_wait3A_1946 : memref<1x!tpu.dma_semaphore, #tpu.memory_space<semaphore_mem>> -> memref<!tpu.dma_semaphore, #tpu.memory_space<semaphore_mem>>
    %dma_wait3A_1948 = arith.constant 0 : i32
    %dma_wait3A_1949 = arith.constant 0 : i32
    %dma_wait3A_1950 = arith.constant 0 : i32
    %dma_wait3A_1951 = arith.constant 0 : i32
    %dma_wait3A_1952 = tpu.memref_slice %arg6[%dma_wait3A_1924, %dma_wait3A_1948, %dma_wait3A_1949, %dma_wait3A_1950, %dma_wait3A_1951] : memref<8x2x1x50x32xf32, #tpu.memory_space<vmem>> -> memref<1x2x1x50x32xf32, #tpu.memory_space<vmem>>
    %dma_wait3A_1953 = tpu.memref_squeeze %dma_wait3A_1952 : memref<1x2x1x50x32xf32, #tpu.memory_space<vmem>> -> memref<2x1x50x32xf32, #tpu.memory_space<vmem>>
    %dma_wait3A_1954 = arith.constant 0 : i32
    %dma_wait3A_1955 = arith.constant 0 : i32
    %dma_wait3A_1956 = arith.constant 0 : i32
    %dma_wait3A_1957 = tpu.memref_slice %dma_wait3A_1953[%dma_wait3A_1925, %dma_wait3A_1954, %dma_wait3A_1955, %dma_wait3A_1956] : memref<2x1x50x32xf32, #tpu.memory_space<vmem>> -> memref<1x1x50x32xf32, #tpu.memory_space<vmem>>
    %dma_wait3A_1958 = tpu.memref_squeeze %dma_wait3A_1957 : memref<1x1x50x32xf32, #tpu.memory_space<vmem>> -> memref<1x50x32xf32, #tpu.memory_space<vmem>>
    %dma_wait3A_1959 = arith.constant 0 : i32
    %dma_wait3A_1960 = arith.constant 0 : i32
    %dma_wait3A_1961 = tpu.memref_slice %dma_wait3A_1958[%dma_wait3A_1926, %dma_wait3A_1959, %dma_wait3A_1960] : memref<1x50x32xf32, #tpu.memory_space<vmem>> -> memref<1x50x32xf32, #tpu.memory_space<vmem>>
    %dma_wait3A_1962 = tpu.memref_squeeze %dma_wait3A_1961 : memref<1x50x32xf32, #tpu.memory_space<vmem>> -> memref<50x32xf32, #tpu.memory_space<vmem>>
    %dma_wait3A_1963 = arith.constant 0 : i32
    %dma_wait3A_1964 = arith.constant 0 : i32
    %dma_wait3A_1965 = tpu.memref_slice %arg3[%dma_wait3A_1963, %dma_wait3A_1964] : memref<1000000x32xf32, #tpu.memory_space<hbm>> -> memref<50x32xf32, #tpu.memory_space<hbm>>
    tpu.wait_dma2 semaphore(%dma_wait3A_1947 : memref<!tpu.dma_semaphore, #tpu.memory_space<semaphore_mem>>) src(%dma_wait3A_1965 : memref<50x32xf32, #tpu.memory_space<hbm>>) dst(%dma_wait3A_1962 : memref<50x32xf32, #tpu.memory_space<vmem>>)
    %dma_wait3A_1966 = arith.constant 6 : i32
    %dma_wait3A_1967 = arith.constant 0 : i32
    %dma_wait3A_1968 = arith.constant 0 : i32
    %dma_wait3A_1969 = arith.constant 6 : i32
    %dma_wait3A_1970 = arith.constant 0 : i32
    %dma_wait3A_1971 = arith.constant 0 : i32
    %dma_wait3A_1972 = arith.constant 0 : i32
    %dma_wait3A_1973 = arith.constant 0 : i32
    %dma_wait3A_1974 = tpu.memref_slice %arg6[%dma_wait3A_1966, %dma_wait3A_1970, %dma_wait3A_1971, %dma_wait3A_1972, %dma_wait3A_1973] : memref<8x2x1x50x32xf32, #tpu.memory_space<vmem>> -> memref<1x2x1x50x32xf32, #tpu.memory_space<vmem>>
    %dma_wait3A_1975 = tpu.memref_squeeze %dma_wait3A_1974 : memref<1x2x1x50x32xf32, #tpu.memory_space<vmem>> -> memref<2x1x50x32xf32, #tpu.memory_space<vmem>>
    %dma_wait3A_1976 = arith.constant 0 : i32
    %dma_wait3A_1977 = arith.constant 0 : i32
    %dma_wait3A_1978 = arith.constant 0 : i32
    %dma_wait3A_1979 = tpu.memref_slice %dma_wait3A_1975[%dma_wait3A_1967, %dma_wait3A_1976, %dma_wait3A_1977, %dma_wait3A_1978] : memref<2x1x50x32xf32, #tpu.memory_space<vmem>> -> memref<1x1x50x32xf32, #tpu.memory_space<vmem>>
    %dma_wait3A_1980 = tpu.memref_squeeze %dma_wait3A_1979 : memref<1x1x50x32xf32, #tpu.memory_space<vmem>> -> memref<1x50x32xf32, #tpu.memory_space<vmem>>
    %dma_wait3A_1981 = arith.constant 0 : i32
    %dma_wait3A_1982 = arith.constant 0 : i32
    %dma_wait3A_1983 = tpu.memref_slice %dma_wait3A_1980[%dma_wait3A_1968, %dma_wait3A_1981, %dma_wait3A_1982] : memref<1x50x32xf32, #tpu.memory_space<vmem>> -> memref<1x50x32xf32, #tpu.memory_space<vmem>>
    %dma_wait3A_1984 = tpu.memref_squeeze %dma_wait3A_1983 : memref<1x50x32xf32, #tpu.memory_space<vmem>> -> memref<50x32xf32, #tpu.memory_space<vmem>>
    %dma_wait3A_1985 = arith.constant 0 : i32
    %dma_wait3A_1986 = arith.constant 0 : i32
    %dma_wait3A_1987 = tpu.memref_slice %arg3[%dma_wait3A_1985, %dma_wait3A_1986] : memref<1000000x32xf32, #tpu.memory_space<hbm>> -> memref<50x32xf32, #tpu.memory_space<hbm>>
    %dma_wait3A_1988 = tpu.memref_slice %arg8[%dma_wait3A_1969] : memref<8x!tpu.dma_semaphore, #tpu.memory_space<semaphore_mem>> -> memref<1x!tpu.dma_semaphore, #tpu.memory_space<semaphore_mem>>
    %dma_wait3A_1989 = tpu.memref_squeeze %dma_wait3A_1988 : memref<1x!tpu.dma_semaphore, #tpu.memory_space<semaphore_mem>> -> memref<!tpu.dma_semaphore, #tpu.memory_space<semaphore_mem>>
    %dma_wait3A_1990 = arith.constant 0 : i32
    %dma_wait3A_1991 = arith.constant 0 : i32
    %dma_wait3A_1992 = arith.constant 0 : i32
    %dma_wait3A_1993 = arith.constant 0 : i32
    %dma_wait3A_1994 = tpu.memref_slice %arg6[%dma_wait3A_1966, %dma_wait3A_1990, %dma_wait3A_1991, %dma_wait3A_1992, %dma_wait3A_1993] : memref<8x2x1x50x32xf32, #tpu.memory_space<vmem>> -> memref<1x2x1x50x32xf32, #tpu.memory_space<vmem>>
    %dma_wait3A_1995 = tpu.memref_squeeze %dma_wait3A_1994 : memref<1x2x1x50x32xf32, #tpu.memory_space<vmem>> -> memref<2x1x50x32xf32, #tpu.memory_space<vmem>>
    %dma_wait3A_1996 = arith.constant 0 : i32
    %dma_wait3A_1997 = arith.constant 0 : i32
    %dma_wait3A_1998 = arith.constant 0 : i32
    %dma_wait3A_1999 = tpu.memref_slice %dma_wait3A_1995[%dma_wait3A_1967, %dma_wait3A_1996, %dma_wait3A_1997, %dma_wait3A_1998] : memref<2x1x50x32xf32, #tpu.memory_space<vmem>> -> memref<1x1x50x32xf32, #tpu.memory_space<vmem>>
    %dma_wait3A_2000 = tpu.memref_squeeze %dma_wait3A_1999 : memref<1x1x50x32xf32, #tpu.memory_space<vmem>> -> memref<1x50x32xf32, #tpu.memory_space<vmem>>
    %dma_wait3A_2001 = arith.constant 0 : i32
    %dma_wait3A_2002 = arith.constant 0 : i32
    %dma_wait3A_2003 = tpu.memref_slice %dma_wait3A_2000[%dma_wait3A_1968, %dma_wait3A_2001, %dma_wait3A_2002] : memref<1x50x32xf32, #tpu.memory_space<vmem>> -> memref<1x50x32xf32, #tpu.memory_space<vmem>>
    %dma_wait3A_2004 = tpu.memref_squeeze %dma_wait3A_2003 : memref<1x50x32xf32, #tpu.memory_space<vmem>> -> memref<50x32xf32, #tpu.memory_space<vmem>>
    %dma_wait3A_2005 = arith.constant 0 : i32
    %dma_wait3A_2006 = arith.constant 0 : i32
    %dma_wait3A_2007 = tpu.memref_slice %arg3[%dma_wait3A_2005, %dma_wait3A_2006] : memref<1000000x32xf32, #tpu.memory_space<hbm>> -> memref<50x32xf32, #tpu.memory_space<hbm>>
    tpu.wait_dma2 semaphore(%dma_wait3A_1989 : memref<!tpu.dma_semaphore, #tpu.memory_space<semaphore_mem>>) src(%dma_wait3A_2007 : memref<50x32xf32, #tpu.memory_space<hbm>>) dst(%dma_wait3A_2004 : memref<50x32xf32, #tpu.memory_space<vmem>>)
    %dma_wait3A_2008 = arith.constant 6 : i32
    %dma_wait3A_2009 = arith.constant 1 : i32
    %dma_wait3A_2010 = arith.constant 0 : i32
    %dma_wait3A_2011 = arith.constant 6 : i32
    %dma_wait3A_2012 = arith.constant 0 : i32
    %dma_wait3A_2013 = arith.constant 0 : i32
    %dma_wait3A_2014 = arith.constant 0 : i32
    %dma_wait3A_2015 = arith.constant 0 : i32
    %dma_wait3A_2016 = tpu.memref_slice %arg6[%dma_wait3A_2008, %dma_wait3A_2012, %dma_wait3A_2013, %dma_wait3A_2014, %dma_wait3A_2015] : memref<8x2x1x50x32xf32, #tpu.memory_space<vmem>> -> memref<1x2x1x50x32xf32, #tpu.memory_space<vmem>>
    %dma_wait3A_2017 = tpu.memref_squeeze %dma_wait3A_2016 : memref<1x2x1x50x32xf32, #tpu.memory_space<vmem>> -> memref<2x1x50x32xf32, #tpu.memory_space<vmem>>
    %dma_wait3A_2018 = arith.constant 0 : i32
    %dma_wait3A_2019 = arith.constant 0 : i32
    %dma_wait3A_2020 = arith.constant 0 : i32
    %dma_wait3A_2021 = tpu.memref_slice %dma_wait3A_2017[%dma_wait3A_2009, %dma_wait3A_2018, %dma_wait3A_2019, %dma_wait3A_2020] : memref<2x1x50x32xf32, #tpu.memory_space<vmem>> -> memref<1x1x50x32xf32, #tpu.memory_space<vmem>>
    %dma_wait3A_2022 = tpu.memref_squeeze %dma_wait3A_2021 : memref<1x1x50x32xf32, #tpu.memory_space<vmem>> -> memref<1x50x32xf32, #tpu.memory_space<vmem>>
    %dma_wait3A_2023 = arith.constant 0 : i32
    %dma_wait3A_2024 = arith.constant 0 : i32
    %dma_wait3A_2025 = tpu.memref_slice %dma_wait3A_2022[%dma_wait3A_2010, %dma_wait3A_2023, %dma_wait3A_2024] : memref<1x50x32xf32, #tpu.memory_space<vmem>> -> memref<1x50x32xf32, #tpu.memory_space<vmem>>
    %dma_wait3A_2026 = tpu.memref_squeeze %dma_wait3A_2025 : memref<1x50x32xf32, #tpu.memory_space<vmem>> -> memref<50x32xf32, #tpu.memory_space<vmem>>
    %dma_wait3A_2027 = arith.constant 0 : i32
    %dma_wait3A_2028 = arith.constant 0 : i32
    %dma_wait3A_2029 = tpu.memref_slice %arg3[%dma_wait3A_2027, %dma_wait3A_2028] : memref<1000000x32xf32, #tpu.memory_space<hbm>> -> memref<50x32xf32, #tpu.memory_space<hbm>>
    %dma_wait3A_2030 = tpu.memref_slice %arg8[%dma_wait3A_2011] : memref<8x!tpu.dma_semaphore, #tpu.memory_space<semaphore_mem>> -> memref<1x!tpu.dma_semaphore, #tpu.memory_space<semaphore_mem>>
    %dma_wait3A_2031 = tpu.memref_squeeze %dma_wait3A_2030 : memref<1x!tpu.dma_semaphore, #tpu.memory_space<semaphore_mem>> -> memref<!tpu.dma_semaphore, #tpu.memory_space<semaphore_mem>>
    %dma_wait3A_2032 = arith.constant 0 : i32
    %dma_wait3A_2033 = arith.constant 0 : i32
    %dma_wait3A_2034 = arith.constant 0 : i32
    %dma_wait3A_2035 = arith.constant 0 : i32
    %dma_wait3A_2036 = tpu.memref_slice %arg6[%dma_wait3A_2008, %dma_wait3A_2032, %dma_wait3A_2033, %dma_wait3A_2034, %dma_wait3A_2035] : memref<8x2x1x50x32xf32, #tpu.memory_space<vmem>> -> memref<1x2x1x50x32xf32, #tpu.memory_space<vmem>>
    %dma_wait3A_2037 = tpu.memref_squeeze %dma_wait3A_2036 : memref<1x2x1x50x32xf32, #tpu.memory_space<vmem>> -> memref<2x1x50x32xf32, #tpu.memory_space<vmem>>
    %dma_wait3A_2038 = arith.constant 0 : i32
    %dma_wait3A_2039 = arith.constant 0 : i32
    %dma_wait3A_2040 = arith.constant 0 : i32
    %dma_wait3A_2041 = tpu.memref_slice %dma_wait3A_2037[%dma_wait3A_2009, %dma_wait3A_2038, %dma_wait3A_2039, %dma_wait3A_2040] : memref<2x1x50x32xf32, #tpu.memory_space<vmem>> -> memref<1x1x50x32xf32, #tpu.memory_space<vmem>>
    %dma_wait3A_2042 = tpu.memref_squeeze %dma_wait3A_2041 : memref<1x1x50x32xf32, #tpu.memory_space<vmem>> -> memref<1x50x32xf32, #tpu.memory_space<vmem>>
    %dma_wait3A_2043 = arith.constant 0 : i32
    %dma_wait3A_2044 = arith.constant 0 : i32
    %dma_wait3A_2045 = tpu.memref_slice %dma_wait3A_2042[%dma_wait3A_2010, %dma_wait3A_2043, %dma_wait3A_2044] : memref<1x50x32xf32, #tpu.memory_space<vmem>> -> memref<1x50x32xf32, #tpu.memory_space<vmem>>
    %dma_wait3A_2046 = tpu.memref_squeeze %dma_wait3A_2045 : memref<1x50x32xf32, #tpu.memory_space<vmem>> -> memref<50x32xf32, #tpu.memory_space<vmem>>
    %dma_wait3A_2047 = arith.constant 0 : i32
    %dma_wait3A_2048 = arith.constant 0 : i32
    %dma_wait3A_2049 = tpu.memref_slice %arg3[%dma_wait3A_2047, %dma_wait3A_2048] : memref<1000000x32xf32, #tpu.memory_space<hbm>> -> memref<50x32xf32, #tpu.memory_space<hbm>>
    tpu.wait_dma2 semaphore(%dma_wait3A_2031 : memref<!tpu.dma_semaphore, #tpu.memory_space<semaphore_mem>>) src(%dma_wait3A_2049 : memref<50x32xf32, #tpu.memory_space<hbm>>) dst(%dma_wait3A_2046 : memref<50x32xf32, #tpu.memory_space<vmem>>)
    %dma_wait3A_2050 = arith.constant 7 : i32
    %dma_wait3A_2051 = arith.constant 0 : i32
    %dma_wait3A_2052 = arith.constant 0 : i32
    %dma_wait3A_2053 = arith.constant 7 : i32
    %dma_wait3A_2054 = arith.constant 0 : i32
    %dma_wait3A_2055 = arith.constant 0 : i32
    %dma_wait3A_2056 = arith.constant 0 : i32
    %dma_wait3A_2057 = arith.constant 0 : i32
    %dma_wait3A_2058 = tpu.memref_slice %arg6[%dma_wait3A_2050, %dma_wait3A_2054, %dma_wait3A_2055, %dma_wait3A_2056, %dma_wait3A_2057] : memref<8x2x1x50x32xf32, #tpu.memory_space<vmem>> -> memref<1x2x1x50x32xf32, #tpu.memory_space<vmem>>
    %dma_wait3A_2059 = tpu.memref_squeeze %dma_wait3A_2058 : memref<1x2x1x50x32xf32, #tpu.memory_space<vmem>> -> memref<2x1x50x32xf32, #tpu.memory_space<vmem>>
    %dma_wait3A_2060 = arith.constant 0 : i32
    %dma_wait3A_2061 = arith.constant 0 : i32
    %dma_wait3A_2062 = arith.constant 0 : i32
    %dma_wait3A_2063 = tpu.memref_slice %dma_wait3A_2059[%dma_wait3A_2051, %dma_wait3A_2060, %dma_wait3A_2061, %dma_wait3A_2062] : memref<2x1x50x32xf32, #tpu.memory_space<vmem>> -> memref<1x1x50x32xf32, #tpu.memory_space<vmem>>
    %dma_wait3A_2064 = tpu.memref_squeeze %dma_wait3A_2063 : memref<1x1x50x32xf32, #tpu.memory_space<vmem>> -> memref<1x50x32xf32, #tpu.memory_space<vmem>>
    %dma_wait3A_2065 = arith.constant 0 : i32
    %dma_wait3A_2066 = arith.constant 0 : i32
    %dma_wait3A_2067 = tpu.memref_slice %dma_wait3A_2064[%dma_wait3A_2052, %dma_wait3A_2065, %dma_wait3A_2066] : memref<1x50x32xf32, #tpu.memory_space<vmem>> -> memref<1x50x32xf32, #tpu.memory_space<vmem>>
    %dma_wait3A_2068 = tpu.memref_squeeze %dma_wait3A_2067 : memref<1x50x32xf32, #tpu.memory_space<vmem>> -> memref<50x32xf32, #tpu.memory_space<vmem>>
    %dma_wait3A_2069 = arith.constant 0 : i32
    %dma_wait3A_2070 = arith.constant 0 : i32
    %dma_wait3A_2071 = tpu.memref_slice %arg3[%dma_wait3A_2069, %dma_wait3A_2070] : memref<1000000x32xf32, #tpu.memory_space<hbm>> -> memref<50x32xf32, #tpu.memory_space<hbm>>
    %dma_wait3A_2072 = tpu.memref_slice %arg8[%dma_wait3A_2053] : memref<8x!tpu.dma_semaphore, #tpu.memory_space<semaphore_mem>> -> memref<1x!tpu.dma_semaphore, #tpu.memory_space<semaphore_mem>>
    %dma_wait3A_2073 = tpu.memref_squeeze %dma_wait3A_2072 : memref<1x!tpu.dma_semaphore, #tpu.memory_space<semaphore_mem>> -> memref<!tpu.dma_semaphore, #tpu.memory_space<semaphore_mem>>
    %dma_wait3A_2074 = arith.constant 0 : i32
    %dma_wait3A_2075 = arith.constant 0 : i32
    %dma_wait3A_2076 = arith.constant 0 : i32
    %dma_wait3A_2077 = arith.constant 0 : i32
    %dma_wait3A_2078 = tpu.memref_slice %arg6[%dma_wait3A_2050, %dma_wait3A_2074, %dma_wait3A_2075, %dma_wait3A_2076, %dma_wait3A_2077] : memref<8x2x1x50x32xf32, #tpu.memory_space<vmem>> -> memref<1x2x1x50x32xf32, #tpu.memory_space<vmem>>
    %dma_wait3A_2079 = tpu.memref_squeeze %dma_wait3A_2078 : memref<1x2x1x50x32xf32, #tpu.memory_space<vmem>> -> memref<2x1x50x32xf32, #tpu.memory_space<vmem>>
    %dma_wait3A_2080 = arith.constant 0 : i32
    %dma_wait3A_2081 = arith.constant 0 : i32
    %dma_wait3A_2082 = arith.constant 0 : i32
    %dma_wait3A_2083 = tpu.memref_slice %dma_wait3A_2079[%dma_wait3A_2051, %dma_wait3A_2080, %dma_wait3A_2081, %dma_wait3A_2082] : memref<2x1x50x32xf32, #tpu.memory_space<vmem>> -> memref<1x1x50x32xf32, #tpu.memory_space<vmem>>
    %dma_wait3A_2084 = tpu.memref_squeeze %dma_wait3A_2083 : memref<1x1x50x32xf32, #tpu.memory_space<vmem>> -> memref<1x50x32xf32, #tpu.memory_space<vmem>>
    %dma_wait3A_2085 = arith.constant 0 : i32
    %dma_wait3A_2086 = arith.constant 0 : i32
    %dma_wait3A_2087 = tpu.memref_slice %dma_wait3A_2084[%dma_wait3A_2052, %dma_wait3A_2085, %dma_wait3A_2086] : memref<1x50x32xf32, #tpu.memory_space<vmem>> -> memref<1x50x32xf32, #tpu.memory_space<vmem>>
    %dma_wait3A_2088 = tpu.memref_squeeze %dma_wait3A_2087 : memref<1x50x32xf32, #tpu.memory_space<vmem>> -> memref<50x32xf32, #tpu.memory_space<vmem>>
    %dma_wait3A_2089 = arith.constant 0 : i32
    %dma_wait3A_2090 = arith.constant 0 : i32
    %dma_wait3A_2091 = tpu.memref_slice %arg3[%dma_wait3A_2089, %dma_wait3A_2090] : memref<1000000x32xf32, #tpu.memory_space<hbm>> -> memref<50x32xf32, #tpu.memory_space<hbm>>
    tpu.wait_dma2 semaphore(%dma_wait3A_2073 : memref<!tpu.dma_semaphore, #tpu.memory_space<semaphore_mem>>) src(%dma_wait3A_2091 : memref<50x32xf32, #tpu.memory_space<hbm>>) dst(%dma_wait3A_2088 : memref<50x32xf32, #tpu.memory_space<vmem>>)
    %dma_wait3A_2092 = arith.constant 7 : i32
    %dma_wait3A_2093 = arith.constant 1 : i32
    %dma_wait3A_2094 = arith.constant 0 : i32
    %dma_wait3A_2095 = arith.constant 7 : i32
    %dma_wait3A_2096 = arith.constant 0 : i32
    %dma_wait3A_2097 = arith.constant 0 : i32
    %dma_wait3A_2098 = arith.constant 0 : i32
    %dma_wait3A_2099 = arith.constant 0 : i32
    %dma_wait3A_2100 = tpu.memref_slice %arg6[%dma_wait3A_2092, %dma_wait3A_2096, %dma_wait3A_2097, %dma_wait3A_2098, %dma_wait3A_2099] : memref<8x2x1x50x32xf32, #tpu.memory_space<vmem>> -> memref<1x2x1x50x32xf32, #tpu.memory_space<vmem>>
    %dma_wait3A_2101 = tpu.memref_squeeze %dma_wait3A_2100 : memref<1x2x1x50x32xf32, #tpu.memory_space<vmem>> -> memref<2x1x50x32xf32, #tpu.memory_space<vmem>>
    %dma_wait3A_2102 = arith.constant 0 : i32
    %dma_wait3A_2103 = arith.constant 0 : i32
    %dma_wait3A_2104 = arith.constant 0 : i32
    %dma_wait3A_2105 = tpu.memref_slice %dma_wait3A_2101[%dma_wait3A_2093, %dma_wait3A_2102, %dma_wait3A_2103, %dma_wait3A_2104] : memref<2x1x50x32xf32, #tpu.memory_space<vmem>> -> memref<1x1x50x32xf32, #tpu.memory_space<vmem>>
    %dma_wait3A_2106 = tpu.memref_squeeze %dma_wait3A_2105 : memref<1x1x50x32xf32, #tpu.memory_space<vmem>> -> memref<1x50x32xf32, #tpu.memory_space<vmem>>
    %dma_wait3A_2107 = arith.constant 0 : i32
    %dma_wait3A_2108 = arith.constant 0 : i32
    %dma_wait3A_2109 = tpu.memref_slice %dma_wait3A_2106[%dma_wait3A_2094, %dma_wait3A_2107, %dma_wait3A_2108] : memref<1x50x32xf32, #tpu.memory_space<vmem>> -> memref<1x50x32xf32, #tpu.memory_space<vmem>>
    %dma_wait3A_2110 = tpu.memref_squeeze %dma_wait3A_2109 : memref<1x50x32xf32, #tpu.memory_space<vmem>> -> memref<50x32xf32, #tpu.memory_space<vmem>>
    %dma_wait3A_2111 = arith.constant 0 : i32
    %dma_wait3A_2112 = arith.constant 0 : i32
    %dma_wait3A_2113 = tpu.memref_slice %arg3[%dma_wait3A_2111, %dma_wait3A_2112] : memref<1000000x32xf32, #tpu.memory_space<hbm>> -> memref<50x32xf32, #tpu.memory_space<hbm>>
    %dma_wait3A_2114 = tpu.memref_slice %arg8[%dma_wait3A_2095] : memref<8x!tpu.dma_semaphore, #tpu.memory_space<semaphore_mem>> -> memref<1x!tpu.dma_semaphore, #tpu.memory_space<semaphore_mem>>
    %dma_wait3A_2115 = tpu.memref_squeeze %dma_wait3A_2114 : memref<1x!tpu.dma_semaphore, #tpu.memory_space<semaphore_mem>> -> memref<!tpu.dma_semaphore, #tpu.memory_space<semaphore_mem>>
    %dma_wait3A_2116 = arith.constant 0 : i32
    %dma_wait3A_2117 = arith.constant 0 : i32
    %dma_wait3A_2118 = arith.constant 0 : i32
    %dma_wait3A_2119 = arith.constant 0 : i32
    %dma_wait3A_2120 = tpu.memref_slice %arg6[%dma_wait3A_2092, %dma_wait3A_2116, %dma_wait3A_2117, %dma_wait3A_2118, %dma_wait3A_2119] : memref<8x2x1x50x32xf32, #tpu.memory_space<vmem>> -> memref<1x2x1x50x32xf32, #tpu.memory_space<vmem>>
    %dma_wait3A_2121 = tpu.memref_squeeze %dma_wait3A_2120 : memref<1x2x1x50x32xf32, #tpu.memory_space<vmem>> -> memref<2x1x50x32xf32, #tpu.memory_space<vmem>>
    %dma_wait3A_2122 = arith.constant 0 : i32
    %dma_wait3A_2123 = arith.constant 0 : i32
    %dma_wait3A_2124 = arith.constant 0 : i32
    %dma_wait3A_2125 = tpu.memref_slice %dma_wait3A_2121[%dma_wait3A_2093, %dma_wait3A_2122, %dma_wait3A_2123, %dma_wait3A_2124] : memref<2x1x50x32xf32, #tpu.memory_space<vmem>> -> memref<1x1x50x32xf32, #tpu.memory_space<vmem>>
    %dma_wait3A_2126 = tpu.memref_squeeze %dma_wait3A_2125 : memref<1x1x50x32xf32, #tpu.memory_space<vmem>> -> memref<1x50x32xf32, #tpu.memory_space<vmem>>
    %dma_wait3A_2127 = arith.constant 0 : i32
    %dma_wait3A_2128 = arith.constant 0 : i32
    %dma_wait3A_2129 = tpu.memref_slice %dma_wait3A_2126[%dma_wait3A_2094, %dma_wait3A_2127, %dma_wait3A_2128] : memref<1x50x32xf32, #tpu.memory_space<vmem>> -> memref<1x50x32xf32, #tpu.memory_space<vmem>>
    %dma_wait3A_2130 = tpu.memref_squeeze %dma_wait3A_2129 : memref<1x50x32xf32, #tpu.memory_space<vmem>> -> memref<50x32xf32, #tpu.memory_space<vmem>>
    %dma_wait3A_2131 = arith.constant 0 : i32
    %dma_wait3A_2132 = arith.constant 0 : i32
    %dma_wait3A_2133 = tpu.memref_slice %arg3[%dma_wait3A_2131, %dma_wait3A_2132] : memref<1000000x32xf32, #tpu.memory_space<hbm>> -> memref<50x32xf32, #tpu.memory_space<hbm>>
    tpu.wait_dma2 semaphore(%dma_wait3A_2115 : memref<!tpu.dma_semaphore, #tpu.memory_space<semaphore_mem>>) src(%dma_wait3A_2133 : memref<50x32xf32, #tpu.memory_space<hbm>>) dst(%dma_wait3A_2130 : memref<50x32xf32, #tpu.memory_space<vmem>>)
    return
  }
}

</mosaic_0001>

<sc_bundles>
// kernel: kernel.3.cloned.1.call-start
scs
__scs_entry_jumppad:
0x0: {  	(pc) =	sbr.rel $0x88, $3  }
0x1: {  	(tag) =	ssettag $0x0;
	lr =	simm.s32 $0x1  }
0x2: {  	[smem:$0x3F9F] =	sst lr;
	_ =	strace $0xD0000000  }
0x3: {  	_ = 	snop  }
0x4: {  	_ = 	snop  }
0x5: {  	_ = 	snop  }
0x6: {  	_ = 	snop  }
0x7: {  	_ = 	snop  }
__scs_overlays_trampoline_lowered:
0x8: {  	[smem:$0x3FAE] =	sst s0  }
0x9: {  	[smem:$0x3FAF] =	sst s1  }
0xa: {  	[smem:$0x3FB0] =	sst s2  }
0xb: {  	[smem:$0x3FB1] =	sst s3  }
0xc: {  	[smem:$0x3FB2] =	sst s4  }
0xd: {  	[smem:$0x3FB3] =	sst s5  }
0xe: {  	[smem:$0x3FB4] =	sst s6  }
0xf: {  	[smem:$0x3FB5] =	sst s7  }
0x10: {  	[smem:$0x3FB6] =	sst s8  }
0x11: {  	[smem:$0x3FB7] =	sst s9;
	s0 =	simm.s32 @!p0 $0x0  }
0x12: {  	s1 =	sld [smem:$0x3F9D];
	s0 =	simm.s32 @p0 $0x1  }
0x13: {  	[smem:$0x3FB8] =	sst s0;
	s0 =	simm.s32 @!p1 $0x0  }
0x14: {  	s2 =	sld [smem:$0x3F9C];
	s0 =	simm.s32 @p1 $0x1  }
0x15: {  	[smem:$0x3FB9] =	sst s0;
	s0 =	simm.s32 @!p2 $0x0  }
0x16: {  	s3 =	sld [smem:$0x3FDB];
	s0 =	simm.s32 @p2 $0x1  }
0x17: {  	s4 =	simm.s32 $0x1BF5;
	[smem:$0x3FBB] =	sst s0  }
0x18: {  	s0 =	sld [smem:$0x3F9E];
	_ =	swait.ge [sflag:s4], $0x0  }
0x19: {  	s7 =	sld [smem:$0x3F9F]  }
0x1a: {  	s8 =	sadd.s32 $0xFFFFE003, lr  }
0x1b: {  	s9 =	sadd.s32 $0xFFFFFEF7, lr;
	s5 =	simm.s32 $0xFFFFFFFF;
	p2 =	slt.u32 s8, $0xFFFFF086  }
0x1c: {  	p1 =	slt.u32 s9, $0xF7A;
	s5 =	simm.s32 @!p2 $0x0  }
0x1d: {  	s5 =	simm.s32 @p1 $0x1;
	p0 =	seq.s32 s7, s2  }
0x1e: {  	s7 =	smul.u32 @!p0 $0xF7A, s2;
	p2 =	seq.s32 @!p0 s5, $0x0  }
0x1f: {  	s9 =	smul.u32 $0xF7A, s1;
	s8 =	simm.s32 @!p0 $0x1BF5;
	p2 =	por !p2, p0  }
0x20: {  	[sflag:s8] =	ssyncset.s32 @!p0 $0xFFFFF086;
	s6 =	sadd.s32 @!p0 s3, s7;
	s7 =	simm.s32 @!p0 $0x108  }
0x21: {  	s3 =	sadd.s32 s3, s9;
	s6 =	sadd.s32 @!p0 $0x88, s6;
	s7 =	simm.s32 @p2 $0x1082  }
0x22: {  	[simem:s7], [sflag:s8] =	dma.local @!p0 [hbm:s6], $0xF7A  }
0x23: {  	s9 =	sor.u32 $0xD0000000, s2;
	s6 =	simm.s32 $0x108;
	_ =	swait.ge @!p0 [sflag:s8], $0x0  }
0x24: {  	s3 =	sadd.s32 $0x88, s3;
	s6 =	simm.s32 @!p1 $0x1082;
	[sflag:s4] =	ssyncset.s32 $0xFFFFF086  }
0x25: {  	[simem:s6], [sflag:s4] =	dma.local [hbm:s3], $0xF7A  }
0x26: {  	[smem:$0x3F9F] =	sst s1;
	(tag) =	ssettag s2;
	_ =	strace s9  }
0x27: {  	s1 =	sld [smem:$0x3FAF]  }
0x28: {  	s2 =	sld [smem:$0x3FB0]  }
0x29: {  	s4 =	sld [smem:$0x3FB2]  }
0x2a: {  	p0 =	seq.s32 s5, $0x0;
	s5 =	sld [smem:$0x3FB3]  }
0x2b: {  	s6 =	sld [smem:$0x3FB4]  }
0x2c: {  	s7 =	sld [smem:$0x3FB5]  }
0x2d: {  	s3 =	simm.s32 $0x108;
	s8 =	sld [smem:$0x3FB6]  }
0x2e: {  	s3 =	simm.s32 @!p0 $0x1082;
	s9 =	sld [smem:$0x3FB7]  }
0x2f: {  	lr =	sadd.s32 s0, s3;
	s0 =	sld [smem:$0x3FAE]  }
0x30: {  	s3 =	sld [smem:$0x3FB1]  }
0x31: {  	[smem:$0x3FBA] =	sst s10  }
0x32: {  	s10 =	sld [smem:$0x3FB8];
	_ =	sdelay $0x3  }
0x33: {  	p0 =	seq.s32 s10, $0x1;
	s10 =	sld [smem:$0x3FBA];
	_ =	sdelay $0x3  }
0x34: {  	[smem:$0x3FBA] =	sst s10  }
0x35: {  	s10 =	sld [smem:$0x3FB9];
	_ =	sdelay $0x3  }
0x36: {  	p1 =	seq.s32 s10, $0x1;
	s10 =	sld [smem:$0x3FBA];
	_ =	sdelay $0x3  }
0x37: {  	[smem:$0x3FBA] =	sst s10  }
0x38: {  	s10 =	sld [smem:$0x3FBB]  }
0x39: {  	_ = 	snop;
	(pc) =	sbr.ind lr, $3  }
0x3a: {  	_ = 	snop  }
0x3b: {  	_ = 	snop  }
0x3c: {  	p2 =	seq.s32 s10, $0x1;
	s10 =	sld [smem:$0x3FBA]  }
0x3d: {  	_ =	shalt  }
0x3e: {  	_ =	shalt  }
0x3f: {  	_ =	shalt  }
0x40: {  	_ =	shalt  }
0x41: {  	_ =	shalt  }
0x42: {  	_ =	shalt  }
0x43: {  	_ =	shalt  }
0x44: {  	_ =	shalt  }
0x45: {  	_ =	shalt  }
0x46: {  	_ =	shalt  }
0x47: {  	_ =	shalt  }
0x48: {  	_ =	shalt  }
0x49: {  	_ =	shalt  }
0x4a: {  	_ =	shalt  }
0x4b: {  	_ =	shalt  }
0x4c: {  	_ =	shalt  }
0x4d: {  	_ =	shalt  }
0x4e: {  	_ =	shalt  }
0x4f: {  	_ =	shalt  }
0x50: {  	_ =	shalt  }
0x51: {  	_ =	shalt  }
0x52: {  	_ =	shalt  }
0x53: {  	_ =	shalt  }
0x54: {  	_ =	shalt  }
0x55: {  	_ =	shalt  }
0x56: {  	_ =	shalt  }
0x57: {  	_ =	shalt  }
0x58: {  	_ =	shalt  }
0x59: {  	_ =	shalt  }
0x5a: {  	_ =	shalt  }
0x5b: {  	_ =	shalt  }
0x5c: {  	_ =	shalt  }
0x5d: {  	_ =	shalt  }
0x5e: {  	_ =	shalt  }
0x5f: {  	_ =	shalt  }
0x60: {  	_ =	shalt  }
0x61: {  	_ =	shalt  }
0x62: {  	_ =	shalt  }
0x63: {  	_ =	shalt  }
0x64: {  	_ =	shalt  }
0x65: {  	_ =	shalt  }
0x66: {  	_ =	shalt  }
0x67: {  	_ =	shalt  }
0x68: {  	_ =	shalt  }
0x69: {  	_ =	shalt  }
0x6a: {  	_ =	shalt  }
0x6b: {  	_ =	shalt  }
0x6c: {  	_ =	shalt  }
0x6d: {  	_ =	shalt  }
0x6e: {  	_ =	shalt  }
0x6f: {  	_ =	shalt  }
0x70: {  	_ =	shalt  }
0x71: {  	_ =	shalt  }
0x72: {  	_ =	shalt  }
0x73: {  	_ =	shalt  }
0x74: {  	_ =	shalt  }
0x75: {  	_ =	shalt  }
0x76: {  	_ =	shalt  }
0x77: {  	_ =	shalt  }
0x78: {  	_ =	shalt  }
0x79: {  	_ =	shalt  }
0x7a: {  	_ =	shalt  }
0x7b: {  	_ =	shalt  }
0x7c: {  	_ =	shalt  }
0x7d: {  	_ =	shalt  }
0x7e: {  	_ =	shalt  }
0x7f: {  	_ =	shalt  }
0x80: {  	_ =	shalt  }
0x81: {  	_ =	shalt  }
0x82: {  	_ =	shalt  }
0x83: {  	_ =	shalt  }
0x84: {  	_ =	shalt  }
0x85: {  	_ =	shalt  }
0x86: {  	_ =	shalt  }
0x87: {  	_ =	shalt  }
.Lfunc_end0:
.L_simem_size_0:
called_computation.1_lowered:
.L_overlay_start_0:
0x88: {  	s2 =	sld [smem:$0x3FD9]  }
0x89: {  	s3 =	sld [smem:$0x3FFE];
	_ =	sdelay $0x1  }
0x8a: {  	s1 =	srdreg.scid  }
0x8b: {  	s0 =	sand.u32 $0x1, s1  }
0x8c: {  	s17 =	sshll.u32 s0, $0xA;
	s2 =	sadd.s32 s3, s2  }
0x8d: {  	s2 =	sadd.s32 s2, s17  }
0x8e: {  	[smem:$0x3FC6] =	sst s2  }
0x8f: {  	_ = 	snop  }
0x90: {  	s2 =	sld [smem:$0x3FD0];
	(tm) =	ssettm $0x1  }
0x91: {  	s18 =	sld [smem:$0x3FFB];
	_ =	sdelay $0x3  }
0x92: {  	_ =	strace s18  }
0x93: {  	s3 =	sld [smem:$0x3FFC];
	_ =	sdelay $0x3  }
0x94: {  	_ =	strace s3  }
0x95: {  	s3 =	sld [smem:$0x3FFD];
	_ =	sdelay $0x3  }
0x96: {  	_ =	strace s3  }
0x97: {  	_ =	strace $0x8FFFFFFF  }
0x98: {  	s19 =	sld [smem:$0x3FDB];
	_ =	sdelay $0x1  }
0x99: {  	s4 =	simm.s32 $_scs_section_size  }
0x9a: {  	s5 =	simm.s32 $_size__tile_overlayer_lowered;
	s6 =	simm.s32 $_tile_overlayer_lowered  }
0x9b: {  	s22 =	simm.s32 $0x1BFF;
	s21 =	sshll.u32 s6, $0x1;
	s3 =	sadd.s32 s4, s19  }
0x9c: {  	s7 =	simm.s32 $0x0;
	s20 =	sshll.u32 s5, $0x1;
	s5 =	sadd.s32 s21, s3  }
0x9d: {  	[timem:s7], [sflag:s22] =	dma.local [hbm:s5], s20  }
0x9e: {  	_ =	swait.ge [sflag:s22], s20  }
0x9f: {  	s4 =	ssub.s32 $0x0, s20;
	[sflag:s22] =	ssyncset.done $0x0  }
0xa0: {  	[sflag:s22] =	ssyncadd.s32 s4;
	_ =	sdelay $0x1  }
0xa1: {  	s23 =	simm.s32 $0x1B8B  }
0xa2: {  	_ =	swait.ge [sflag:s23], $0x1  }
0xa3: {  	[sflag:s23] =	ssyncset.done $0x0  }
0xa4: {  	s25 =	simm.s32 $0x1B8E;
	s24 =	sld [smem:$0x3FFE];
	[sflag:s23] =	ssyncadd.s32 $0xFFFFFFFF  }
0xa5: {  	s26 =	simm.s32 $execute0_lowered;
	[smem:$0x3FD2] =	sst s25  }
0xa6: {  	s5 =	sshll.u32 s26, $0x1;
	_ =	strace $0x80000046;
	[dreg:$0x1] =	wrdreg $0xFFFFFFFF  }
0xa7: {  	s28 =	simm.s32 $_size_execute0_lowered;
	s3 =	sadd.s32 s3, s5;
	[dreg:$0x0] =	wrdreg $0x0  }
0xa8: {  	s5 =	sshll.u32 s28, $0x1;
	[dreg:$0x2] =	wrdreg s3  }
0xa9: {  	[dreg:$0x3] =	wrdreg s5  }
0xaa: {  	[dreg:$0x4] =	wrdreg $0xC0  }
0xab: {  	_ =	task [dreg:s7], $0x5FFFF  }
0xac: {  	[dreg:$0x1] =	wrdreg $0xFFFFFFFF  }
0xad: {  	[dreg:$0x0] =	wrdreg $0x60  }
0xae: {  	[dreg:$0x2] =	wrdreg s24  }
0xaf: {  	[dreg:$0x3] =	wrdreg s2  }
0xb0: {  	[dreg:$0x4] =	wrdreg $0x9  }
0xb1: {  	_ =	task.clear_ibuf [dreg:s7], $0x5FFFF;
	_ =	strace $0x90000046  }
0xb2: {  	s29 =	simm.s32 $0x9;
	_ =	strace $0x80000048  }
0xb3: {  	_ =	swait.ge [sflag:s29], $0x1  }
0xb4: {  	[sflag:s29] =	ssyncadd.s32 $0xFFFFFFFF  }
0xb5: {  	_ =	strace $0x90000048  }
0xb6: {  	_ =	sfence  }
0xb7: {  	s30 =	sld [smem:$0x0];
	_ =	sdelay $0x2  }
0xb8: {  	s31 =	sshll.u32 s1, $0xD;
	s1 =	sshrl.u32 s1, $0x2  }
0xb9: {  	s3 =	sand.u32 $0x4000, s31;
	s1 =	sadd.s32 s1, s30  }
0xba: {  	s0 =	sor.u32 s3, s0;
	s1 =	sshll.u32 s1, $0x11  }
0xbb: {  	s0 =	sor.u32 s1, s0  }
0xbc: {  	s0 =	sadd.s32 $0x8F2B, s0  }
0xbd: {  	[sflag:s0] =	ssyncadd.remote.s32 $0x1  }
0xbe: {  	_ =	sfence.sel $0xFFFF  }
0xbf: {  	[dreg:$0x0] =	wrdreg $0xFFFFFFFF;
	(pc) =	sbr.abs _section_cstart, $3  }
0xc0: {  	[dreg:$0x1] =	wrdreg $0xFFFFFFFF  }
0xc1: {  	_ =	task.clear_ibuf [dreg:s7], $0x2FFFF;
	_ =	strace $0x9FFFFFFF  }
0xc2: {  	(tm) =	ssettm $0x7FFFFFFF  }
0xc3: {  	_ =	shalt  }
tec
execute0_lowered:
.L_overlay_start_1:
0x0: {  	(tag) =	ssettag $0x1  }
0x1: {  	s0 =	srdreg.scid  }
0x2: {  	s9 =	stileid.u32;
	s0 =	sand.u32 $0x1, s0  }
0x3: {  	s1 =	rddreg [dreg:$0x0];
	s3 =	sshll.u32 s9, $0xA;
	s5 =	sshll.u32 s0, $0x9  }
0x4: {  	s4 =	rddreg [dreg:$0x1];
	s5 =	sor.u32 s5, s3  }
0x5: {  	s2 =	simm.s32 $0x0;
	s10 =	simm.s32 $0x4;
	s3 =	smul.u32 $0x7, s5  }
0x6: {  	s28 =	simm.s32 $0x9;
	s30 =	simm.s32 $0xC;
	s6 =	smul.u32 $0xC8, s5  }
0x7: {  	s31 =	simm.s32 $0xF;
	s29 =	simm.s32 $0x10;
	[smem:$0x7FF] =	sst s2  }
0x8: {  	s22 =	smul.u32 $0x32000, s9;
	s7 =	sadd.s32 s3, s1;
	s6 =	sadd.s32 s4, s6  }
0x9: {  	_ =	strace $0x80000047;
	s7 =	sadd.s32 $0xA00, s7;
	[dreg:$0x3] =	wrdreg s6  }
0xa: {  	s12 =	ssub.s32 $0x2, s0;
	s13 =	sadd.s32 $0xC8, s6;
	[dreg:$0x4] =	wrdreg s7  }
0xb: {  	s0 =	smul.u32 $0x19000, s0;
	s14 =	sadd.s32 $0x190, s6;
	[dreg:$0x5] =	wrdreg s13  }
0xc: {  	s8 =	sshrl.u32 s12, $0x1;
	s15 =	sadd.s32 $0x258, s6;
	[dreg:$0x6] =	wrdreg s14  }
0xd: {  	s5 =	smul.u32 $0x640, s5;
	s16 =	sadd.s32 $0x320, s6;
	[dreg:$0x7] =	wrdreg s15  }
0xe: {  	s3 =	sadd.s32 $0xF42E00, s1;
	s17 =	sadd.s32 $0x3E8, s6;
	[dreg:$0x8] =	wrdreg s16  }
0xf: {  	s1 =	ssub.s32 s12, s8;
	s18 =	sadd.s32 $0x4B0, s6;
	[dreg:$0x9] =	wrdreg s17  }
0x10: {  	s5 =	sshrl.u32 s5, $0x3;
	s6 =	sadd.s32 $0x578, s6;
	[dreg:$0xa] =	wrdreg s18  }
0x11: {  	s5 =	sadd.s32 s4, s5;
	s1 =	smax.u32 s1, $0x1;
	[dreg:$0xb] =	wrdreg s6  }
0x12: {  	s8 =	simm.s32 $0x3;
	s19 =	sadd.s32 $0x189C0, s5;
	[dreg:$0x14] =	wrdreg s1  }
0x13: {  	s12 =	simm.s32 $0x5;
	s20 =	sadd.s32 $0x18A88, s5;
	[dreg:$0xc] =	wrdreg s19  }
0x14: {  	s4 =	sadd.s32 s22, s4;
	s21 =	sadd.s32 $0x18B50, s5;
	[dreg:$0xd] =	wrdreg s20  }
0x15: {  	s23 =	sadd.s32 $0x18C18, s5;
	s24 =	sadd.s32 $0x18CE0, s5;
	[dreg:$0xe] =	wrdreg s21  }
0x16: {  	s25 =	sadd.s32 $0x18DA8, s5;
	s26 =	sadd.s32 $0x18E70, s5;
	[dreg:$0xf] =	wrdreg s23  }
0x17: {  	s5 =	sadd.s32 $0x18F38, s5;
	s0 =	sadd.s32 s0, s4;
	[dreg:$0x10] =	wrdreg s24  }
0x18: {  	s18 =	simm.s32 $0x7640;
	s6 =	simm.s32 $0x2;
	[dreg:$0x11] =	wrdreg s25  }
0x19: {  	s14 =	simm.s32 $0x6;
	s16 =	simm.s32 $0x7;
	[dreg:$0x12] =	wrdreg s26  }
0x1a: {  	s1 =	simm.s32 $0xD;
	s4 =	simm.s32 $0x0;
	[dreg:$0x13] =	wrdreg s5  }
0x1b: {  	s0 =	sadd.s32 $0x640, s0;
	s24 =	simm.s32 $0x32;
	s23 =	simm.s32 $0x82C0  }
0x1c: {  	s25 =	simm.s32 $0x8;
	s19 =	simm.s32 $0x1;
	s20 =	simm.s32 $0xA  }
0x1d: {  	s21 =	simm.s32 $0xB;
	s26 =	simm.s32 $0xE;
	[dreg:$0x15] =	wrdreg s0  }
.LBB2_1:
0x1e: {  	[dreg:$0x16] =	wrdreg s4  }
0x1f: {  	s0 =	rddreg [dreg:$0x4];
	s5 =	simm.s32 $0x11  }
0x20: {  	[tilespmem:s2], [sflag:$0x11] =	stream.linear.gather [hbm4b:s0+s2], $0x7000, $0x38;
	[tilespmem:$0xD400] =	vst v63  }
0x21: {  	_ =	swait.ge [sflag:s5], $0x7000  }
0x22: {  	[sflag:s5] =	ssyncset.done $0x0  }
0x23: {  	s4 =	simm.s32 $0x7000;
	[sflag:s5] =	ssyncadd.s32 $0xFFFF9000  }
0x24: {  	[tilespmem:s4], [sflag:$0x1] =	stream.indirect.gather [hbm4b:s3+s24], $0x20, s2, s24, $0xb8;
	[tilespmem:$0xD400] =	vst v63  }
0x25: {  	s7 =	simm.s32 $0x38;
	s5 =	simm.s32 $0x7C80  }
0x26: {  	[tilespmem:s5], [sflag:$0x2] =	stream.indirect.gather [hbm4b:s3+s24], $0x20, s7, s24, $0xb8;
	[tilespmem:$0xD400] =	vst v63  }
0x27: {  	s9 =	simm.s32 $0x70;
	s7 =	simm.s32 $0x8900  }
0x28: {  	[tilespmem:s7], [sflag:$0x3] =	stream.indirect.gather [hbm4b:s3+s24], $0x20, s9, s24, $0xb8;
	[tilespmem:$0xD400] =	vst v63  }
0x29: {  	s11 =	simm.s32 $0xA8;
	s9 =	simm.s32 $0x9580  }
0x2a: {  	[tilespmem:s9], [sflag:$0x4] =	stream.indirect.gather [hbm4b:s3+s24], $0x20, s11, s24, $0xb8;
	[tilespmem:$0xD400] =	vst v63  }
0x2b: {  	s13 =	simm.s32 $0xE0;
	s11 =	simm.s32 $0xA200  }
0x2c: {  	[tilespmem:s11], [sflag:$0x5] =	stream.indirect.gather [hbm4b:s3+s24], $0x20, s13, s24, $0xb8;
	[tilespmem:$0xD400] =	vst v63  }
0x2d: {  	s15 =	simm.s32 $0x118;
	s13 =	simm.s32 $0xAE80  }
0x2e: {  	[tilespmem:s13], [sflag:$0x6] =	stream.indirect.gather [hbm4b:s3+s24], $0x20, s15, s24, $0xb8;
	[tilespmem:$0xD400] =	vst v63  }
0x2f: {  	s17 =	simm.s32 $0x150;
	s15 =	simm.s32 $0xBB00  }
0x30: {  	[tilespmem:s15], [sflag:$0x7] =	stream.indirect.gather [hbm4b:s3+s24], $0x20, s17, s24, $0xb8;
	[tilespmem:$0xD400] =	vst v63  }
0x31: {  	s0 =	simm.s32 $0x188;
	s17 =	simm.s32 $0xC780  }
0x32: {  	[tilespmem:s17], [sflag:$0x8] =	stream.indirect.gather [hbm4b:s3+s24], $0x20, s0, s24, $0xb8;
	[tilespmem:$0xD400] =	vst v63  }
0x33: {  	_ =	swait.ge [sflag:s19], $0x640  }
0x34: {  	[sflag:s19] =	ssyncset.done $0x0  }
0x35: {  	s0 =	rddreg [dreg:$0x3];
	[sflag:s19] =	ssyncadd.s32 $0xFFFFF9C0  }
0x36: {  	[hbm4b:s0+s2] =	stream.linear.scatter [tilespmem:s4], [sflag:$0x9], $0x640, $0x38;
	[tilespmem:$0xD400] =	vst v63  }
0x37: {  	s4 =	simm.s32 $0x1C0  }
0x38: {  	[tilespmem:s18], [sflag:$0x1] =	stream.indirect.gather [hbm4b:s3+s24], $0x20, s4, s24, $0xb8;
	[tilespmem:$0xD400] =	vst v63  }
0x39: {  	_ =	swait.ge [sflag:s6], $0x640  }
0x3a: {  	[sflag:s6] =	ssyncset.done $0x0  }
0x3b: {  	s4 =	rddreg [dreg:$0x5];
	[sflag:s6] =	ssyncadd.s32 $0xFFFFF9C0  }
0x3c: {  	[hbm4b:s4+s2] =	stream.linear.scatter [tilespmem:s5], [sflag:$0xA], $0x640, $0x38;
	[tilespmem:$0xD400] =	vst v63  }
0x3d: {  	s18 =	simm.s32 $0x1F8  }
0x3e: {  	[tilespmem:s23], [sflag:$0x2] =	stream.indirect.gather [hbm4b:s3+s24], $0x20, s18, s24, $0xb8;
	[tilespmem:$0xD400] =	vst v63  }
0x3f: {  	_ =	swait.ge [sflag:s8], $0x640  }
0x40: {  	[sflag:s8] =	ssyncset.done $0x0  }
0x41: {  	s4 =	rddreg [dreg:$0x6];
	[sflag:s8] =	ssyncadd.s32 $0xFFFFF9C0  }
0x42: {  	[hbm4b:s4+s2] =	stream.linear.scatter [tilespmem:s7], [sflag:$0xB], $0x640, $0x38;
	[tilespmem:$0xD400] =	vst v63  }
0x43: {  	s22 =	simm.s32 $0x8F40;
	s5 =	simm.s32 $0x230  }
0x44: {  	[tilespmem:s22], [sflag:$0x3] =	stream.indirect.gather [hbm4b:s3+s24], $0x20, s5, s24, $0xb8;
	[tilespmem:$0xD400] =	vst v63  }
0x45: {  	_ =	swait.ge [sflag:s10], $0x640  }
0x46: {  	[sflag:s10] =	ssyncset.done $0x0  }
0x47: {  	s7 =	rddreg [dreg:$0x7];
	[sflag:s10] =	ssyncadd.s32 $0xFFFFF9C0  }
0x48: {  	[hbm4b:s7+s2] =	stream.linear.scatter [tilespmem:s9], [sflag:$0xC], $0x640, $0x38;
	[tilespmem:$0xD400] =	vst v63  }
0x49: {  	s18 =	simm.s32 $0x268;
	s22 =	simm.s32 $0x9BC0  }
0x4a: {  	[tilespmem:s22], [sflag:$0x4] =	stream.indirect.gather [hbm4b:s3+s24], $0x20, s18, s24, $0xb8;
	[tilespmem:$0xD400] =	vst v63  }
0x4b: {  	_ =	swait.ge [sflag:s12], $0x640  }
0x4c: {  	[sflag:s12] =	ssyncset.done $0x0  }
0x4d: {  	s23 =	rddreg [dreg:$0x8];
	[sflag:s12] =	ssyncadd.s32 $0xFFFFF9C0  }
0x4e: {  	[hbm4b:s23+s2] =	stream.linear.scatter [tilespmem:s11], [sflag:$0xD], $0x640, $0x38;
	[tilespmem:$0xD400] =	vst v63  }
0x4f: {  	s4 =	simm.s32 $0x2A0;
	s5 =	simm.s32 $0xA840  }
0x50: {  	[tilespmem:s5], [sflag:$0x5] =	stream.indirect.gather [hbm4b:s3+s24], $0x20, s4, s24, $0xb8;
	[tilespmem:$0xD400] =	vst v63  }
0x51: {  	_ =	swait.ge [sflag:s14], $0x640  }
0x52: {  	[sflag:s14] =	ssyncset.done $0x0  }
0x53: {  	s7 =	rddreg [dreg:$0x9];
	[sflag:s14] =	ssyncadd.s32 $0xFFFFF9C0  }
0x54: {  	[hbm4b:s7+s2] =	stream.linear.scatter [tilespmem:s13], [sflag:$0xE], $0x640, $0x38;
	[tilespmem:$0xD400] =	vst v63  }
0x55: {  	s9 =	simm.s32 $0x2D8;
	s11 =	simm.s32 $0xB4C0  }
0x56: {  	[tilespmem:s11], [sflag:$0x6] =	stream.indirect.gather [hbm4b:s3+s24], $0x20, s9, s24, $0xb8;
	[tilespmem:$0xD400] =	vst v63  }
0x57: {  	_ =	swait.ge [sflag:s16], $0x640  }
0x58: {  	[sflag:s16] =	ssyncset.done $0x0  }
0x59: {  	s13 =	rddreg [dreg:$0xa];
	[sflag:s16] =	ssyncadd.s32 $0xFFFFF9C0  }
0x5a: {  	[hbm4b:s13+s2] =	stream.linear.scatter [tilespmem:s15], [sflag:$0xF], $0x640, $0x38;
	[tilespmem:$0xD400] =	vst v63  }
0x5b: {  	s18 =	simm.s32 $0x310;
	s23 =	simm.s32 $0xC140  }
0x5c: {  	[tilespmem:s23], [sflag:$0x7] =	stream.indirect.gather [hbm4b:s3+s24], $0x20, s18, s24, $0xb8;
	[tilespmem:$0xD400] =	vst v63  }
0x5d: {  	_ =	swait.ge [sflag:s25], $0x640  }
0x5e: {  	[sflag:s25] =	ssyncset.done $0x0  }
0x5f: {  	s11 =	sand.u32 $0x1, s19;
	s5 =	rddreg [dreg:$0xb];
	[sflag:s25] =	ssyncadd.s32 $0xFFFFF9C0  }
0x60: {  	[hbm4b:s5+s2] =	stream.linear.scatter [tilespmem:s17], [sflag:$0x10], $0x640, $0x38;
	[tilespmem:$0xD400] =	vst v63  }
0x61: {  	s7 =	simm.s32 $0x348;
	s9 =	simm.s32 $0xCDC0;
	s4 =	smul.u32 $0x640, s11  }
0x62: {  	[tilespmem:s9], [sflag:$0x8] =	stream.indirect.gather [hbm4b:s3+s24], $0x20, s7, s24, $0xb8;
	[tilespmem:$0xD400] =	vst v63  }
0x63: {  	_ =	swait.ge [sflag:s19], $0x640  }
0x64: {  	s13 =	sor.u32 $0x7000, s4;
	[sflag:s19] =	ssyncset.done $0x0  }
0x65: {  	s5 =	sxor.u32 $0x1, s11;
	s0 =	rddreg [dreg:$0x15];
	[sflag:s19] =	ssyncadd.s32 $0xFFFFF9C0  }
0x66: {  	[hbm4b:s0+s2] =	stream.linear.scatter [tilespmem:s13], [sflag:$0x9], $0x640, $0x38;
	[tilespmem:$0xD400] =	vst v63  }
0x67: {  	s5 =	smul.u32 $0x640, s5;
	_ =	swait.ge [sflag:s28], $0x640  }
0x68: {  	[sflag:s28] =	ssyncset.done $0x0  }
0x69: {  	s17 =	simm.s32 $0x380;
	s15 =	sor.u32 $0x7000, s5;
	[sflag:s28] =	ssyncadd.s32 $0xFFFFF9C0  }
0x6a: {  	[tilespmem:s15], [sflag:$0x1] =	stream.indirect.gather [hbm4b:s3+s24], $0x20, s17, s24, $0xb8;
	[tilespmem:$0xD400] =	vst v63  }
0x6b: {  	_ =	swait.ge [sflag:s6], $0x640  }
0x6c: {  	[sflag:s6] =	ssyncset.done $0x0  }
0x6d: {  	s18 =	sadd.s32 $0x7C80, s4;
	s23 =	sadd.s32 $0xC8, s0;
	[sflag:s6] =	ssyncadd.s32 $0xFFFFF9C0  }
0x6e: {  	[hbm4b:s23+s2] =	stream.linear.scatter [tilespmem:s18], [sflag:$0xA], $0x640, $0x38;
	[tilespmem:$0xD400] =	vst v63  }
0x6f: {  	_ =	swait.ge [sflag:s20], $0x640  }
0x70: {  	[sflag:s20] =	ssyncset.done $0x0  }
0x71: {  	s11 =	sadd.s32 $0x7C80, s5;
	s13 =	simm.s32 $0x3B8;
	[sflag:s20] =	ssyncadd.s32 $0xFFFFF9C0  }
0x72: {  	[tilespmem:s11], [sflag:$0x2] =	stream.indirect.gather [hbm4b:s3+s24], $0x20, s13, s24, $0xb8;
	[tilespmem:$0xD400] =	vst v63  }
0x73: {  	_ =	swait.ge [sflag:s8], $0x640  }
0x74: {  	[sflag:s8] =	ssyncset.done $0x0  }
0x75: {  	s15 =	sadd.s32 $0x8900, s4;
	s17 =	sadd.s32 $0x190, s0;
	[sflag:s8] =	ssyncadd.s32 $0xFFFFF9C0  }
0x76: {  	[hbm4b:s17+s2] =	stream.linear.scatter [tilespmem:s15], [sflag:$0xB], $0x640, $0x38;
	[tilespmem:$0xD400] =	vst v63  }
0x77: {  	_ =	swait.ge [sflag:s21], $0x640  }
0x78: {  	[sflag:s21] =	ssyncset.done $0x0  }
0x79: {  	s18 =	sadd.s32 $0x8900, s5;
	s23 =	simm.s32 $0x3F0;
	[sflag:s21] =	ssyncadd.s32 $0xFFFFF9C0  }
0x7a: {  	[tilespmem:s18], [sflag:$0x3] =	stream.indirect.gather [hbm4b:s3+s24], $0x20, s23, s24, $0xb8;
	[tilespmem:$0xD400] =	vst v63  }
0x7b: {  	_ =	swait.ge [sflag:s10], $0x640  }
0x7c: {  	[sflag:s10] =	ssyncset.done $0x0  }
0x7d: {  	s11 =	sadd.s32 $0x9580, s4;
	s13 =	sadd.s32 $0x258, s0;
	[sflag:s10] =	ssyncadd.s32 $0xFFFFF9C0  }
0x7e: {  	[hbm4b:s13+s2] =	stream.linear.scatter [tilespmem:s11], [sflag:$0xC], $0x640, $0x38;
	[tilespmem:$0xD400] =	vst v63  }
0x7f: {  	_ =	swait.ge [sflag:s30], $0x640  }
0x80: {  	[sflag:s30] =	ssyncset.done $0x0  }
0x81: {  	s15 =	sadd.s32 $0x9580, s5;
	s17 =	simm.s32 $0x428;
	[sflag:s30] =	ssyncadd.s32 $0xFFFFF9C0  }
0x82: {  	[tilespmem:s15], [sflag:$0x4] =	stream.indirect.gather [hbm4b:s3+s24], $0x20, s17, s24, $0xb8;
	[tilespmem:$0xD400] =	vst v63  }
0x83: {  	_ =	swait.ge [sflag:s12], $0x640  }
0x84: {  	[sflag:s12] =	ssyncset.done $0x0  }
0x85: {  	s18 =	sadd.s32 $0xA200, s4;
	s23 =	sadd.s32 $0x320, s0;
	[sflag:s12] =	ssyncadd.s32 $0xFFFFF9C0  }
0x86: {  	[hbm4b:s23+s2] =	stream.linear.scatter [tilespmem:s18], [sflag:$0xD], $0x640, $0x38;
	[tilespmem:$0xD400] =	vst v63  }
0x87: {  	_ =	swait.ge [sflag:s1], $0x640  }
0x88: {  	[sflag:s1] =	ssyncset.done $0x0  }
0x89: {  	s11 =	sadd.s32 $0xA200, s5;
	s13 =	simm.s32 $0x460;
	[sflag:s1] =	ssyncadd.s32 $0xFFFFF9C0  }
0x8a: {  	[tilespmem:s11], [sflag:$0x5] =	stream.indirect.gather [hbm4b:s3+s24], $0x20, s13, s24, $0xb8;
	[tilespmem:$0xD400] =	vst v63  }
0x8b: {  	_ =	swait.ge [sflag:s14], $0x640  }
0x8c: {  	[sflag:s14] =	ssyncset.done $0x0  }
0x8d: {  	s15 =	sadd.s32 $0xAE80, s4;
	s17 =	sadd.s32 $0x3E8, s0;
	[sflag:s14] =	ssyncadd.s32 $0xFFFFF9C0  }
0x8e: {  	[hbm4b:s17+s2] =	stream.linear.scatter [tilespmem:s15], [sflag:$0xE], $0x640, $0x38;
	[tilespmem:$0xD400] =	vst v63  }
0x8f: {  	_ =	swait.ge [sflag:s26], $0x640  }
0x90: {  	[sflag:s26] =	ssyncset.done $0x0  }
0x91: {  	s18 =	sadd.s32 $0xAE80, s5;
	s23 =	simm.s32 $0x498;
	[sflag:s26] =	ssyncadd.s32 $0xFFFFF9C0  }
0x92: {  	[tilespmem:s18], [sflag:$0x6] =	stream.indirect.gather [hbm4b:s3+s24], $0x20, s23, s24, $0xb8;
	[tilespmem:$0xD400] =	vst v63  }
0x93: {  	_ =	swait.ge [sflag:s16], $0x640  }
0x94: {  	[sflag:s16] =	ssyncset.done $0x0  }
0x95: {  	s11 =	sadd.s32 $0xBB00, s4;
	s13 =	sadd.s32 $0x4B0, s0;
	[sflag:s16] =	ssyncadd.s32 $0xFFFFF9C0  }
0x96: {  	[hbm4b:s13+s2] =	stream.linear.scatter [tilespmem:s11], [sflag:$0xF], $0x640, $0x38;
	[tilespmem:$0xD400] =	vst v63  }
0x97: {  	_ =	swait.ge [sflag:s31], $0x640  }
0x98: {  	[sflag:s31] =	ssyncset.done $0x0  }
0x99: {  	s15 =	sadd.s32 $0xBB00, s5;
	s17 =	simm.s32 $0x4D0;
	[sflag:s31] =	ssyncadd.s32 $0xFFFFF9C0  }
0x9a: {  	[tilespmem:s15], [sflag:$0x7] =	stream.indirect.gather [hbm4b:s3+s24], $0x20, s17, s24, $0xb8;
	[tilespmem:$0xD400] =	vst v63  }
0x9b: {  	s7 =	simm.s32 $0x700;
	_ =	swait.ge [sflag:s25], $0x640  }
0x9c: {  	s4 =	sadd.s32 $0xC780, s4;
	s18 =	simm.s32 $0x2;
	[sflag:s25] =	ssyncset.done $0x0  }
0x9d: {  	s23 =	sadd.s32 $0x578, s0;
	s9 =	sand.u32 $0x1, s18;
	[sflag:s25] =	ssyncadd.s32 $0xFFFFF9C0  }
0x9e: {  	[hbm4b:s23+s2] =	stream.linear.scatter [tilespmem:s4], [sflag:$0x10], $0x640, $0x38;
	[tilespmem:$0xD400] =	vst v63  }
0x9f: {  	s11 =	sxor.u32 $0x1, s9;
	s13 =	simm.s32 $0xE00;
	_ =	swait.ge [sflag:s29], $0x640  }
0xa0: {  	s15 =	simm.s32 $0x3;
	s17 =	simm.s32 $0x508;
	[sflag:s29] =	ssyncset.done $0x0  }
0xa1: {  	s4 =	sadd.s32 $0xC780, s5;
	s5 =	sadd.s32 $0x640, s0;
	[sflag:s29] =	ssyncadd.s32 $0xFFFFF9C0  }
.LBB2_2:
0xa2: {  	[tilespmem:s4], [sflag:$0x8] =	stream.indirect.gather [hbm4b:s3+s24], $0x20, s17, s24, $0xb8;
	[tilespmem:$0xD400] =	vst v63  }
0xa3: {  	s23 =	smov.u32 s13  }
0xa4: {  	s17 =	smul.u32 $0x640, s9;
	s9 =	sand.u32 $0x1, s15;
	_ =	swait.ge [sflag:s19], $0x640  }
0xa5: {  	p0 =	sne.s32 s13, $0x1AB00;
	s18 =	sxor.u32 $0x1, s9;
	[sflag:s19] =	ssyncset.done $0x0  }
0xa6: {  	s13 =	sadd.s32 $0x700, s13;
	s4 =	sor.u32 $0x7000, s17;
	[sflag:s19] =	ssyncadd.s32 $0xFFFFF9C0  }
0xa7: {  	[hbm4b:s5+s2] =	stream.linear.scatter [tilespmem:s4], [sflag:$0x9], $0x640, $0x38;
	[tilespmem:$0xD400] =	vst v63  }
0xa8: {  	s4 =	smul.u32 $0x640, s11;
	s11 =	smov.u32 s18;
	_ =	swait.ge [sflag:s28], $0x640  }
0xa9: {  	s18 =	sshra.s32 s7, $0x2;
	s7 =	smov.u32 s23;
	[sflag:s28] =	ssyncset.done $0x0  }
0xaa: {  	s0 =	sadd.s32 $0x380, s18;
	s23 =	sor.u32 $0x7000, s4;
	[sflag:s28] =	ssyncadd.s32 $0xFFFFF9C0  }
0xab: {  	[tilespmem:s23], [sflag:$0x1] =	stream.indirect.gather [hbm4b:s3+s24], $0x20, s0, s24, $0xb8;
	[tilespmem:$0xD400] =	vst v63  }
0xac: {  	_ =	swait.ge [sflag:s6], $0x640  }
0xad: {  	[sflag:s6] =	ssyncset.done $0x0  }
0xae: {  	s0 =	sadd.s32 $0x7C80, s17;
	s23 =	sadd.s32 $0xC8, s5;
	[sflag:s6] =	ssyncadd.s32 $0xFFFFF9C0  }
0xaf: {  	[hbm4b:s23+s2] =	stream.linear.scatter [tilespmem:s0], [sflag:$0xA], $0x640, $0x38;
	[tilespmem:$0xD400] =	vst v63  }
0xb0: {  	_ =	swait.ge [sflag:s20], $0x640  }
0xb1: {  	[sflag:s20] =	ssyncset.done $0x0  }
0xb2: {  	s0 =	sadd.s32 $0x7C80, s4;
	s23 =	sadd.s32 $0x3B8, s18;
	[sflag:s20] =	ssyncadd.s32 $0xFFFFF9C0  }
0xb3: {  	[tilespmem:s0], [sflag:$0x2] =	stream.indirect.gather [hbm4b:s3+s24], $0x20, s23, s24, $0xb8;
	[tilespmem:$0xD400] =	vst v63  }
0xb4: {  	_ =	swait.ge [sflag:s8], $0x640  }
0xb5: {  	[sflag:s8] =	ssyncset.done $0x0  }
0xb6: {  	s0 =	sadd.s32 $0x8900, s17;
	s23 =	sadd.s32 $0x190, s5;
	[sflag:s8] =	ssyncadd.s32 $0xFFFFF9C0  }
0xb7: {  	[hbm4b:s23+s2] =	stream.linear.scatter [tilespmem:s0], [sflag:$0xB], $0x640, $0x38;
	[tilespmem:$0xD400] =	vst v63  }
0xb8: {  	_ =	swait.ge [sflag:s21], $0x640  }
0xb9: {  	[sflag:s21] =	ssyncset.done $0x0  }
0xba: {  	s0 =	sadd.s32 $0x8900, s4;
	s23 =	sadd.s32 $0x3F0, s18;
	[sflag:s21] =	ssyncadd.s32 $0xFFFFF9C0  }
0xbb: {  	[tilespmem:s0], [sflag:$0x3] =	stream.indirect.gather [hbm4b:s3+s24], $0x20, s23, s24, $0xb8;
	[tilespmem:$0xD400] =	vst v63  }
0xbc: {  	_ =	swait.ge [sflag:s10], $0x640  }
0xbd: {  	[sflag:s10] =	ssyncset.done $0x0  }
0xbe: {  	s0 =	sadd.s32 $0x9580, s17;
	s23 =	sadd.s32 $0x258, s5;
	[sflag:s10] =	ssyncadd.s32 $0xFFFFF9C0  }
0xbf: {  	[hbm4b:s23+s2] =	stream.linear.scatter [tilespmem:s0], [sflag:$0xC], $0x640, $0x38;
	[tilespmem:$0xD400] =	vst v63  }
0xc0: {  	_ =	swait.ge [sflag:s30], $0x640  }
0xc1: {  	[sflag:s30] =	ssyncset.done $0x0  }
0xc2: {  	s0 =	sadd.s32 $0x9580, s4;
	s23 =	sadd.s32 $0x428, s18;
	[sflag:s30] =	ssyncadd.s32 $0xFFFFF9C0  }
0xc3: {  	[tilespmem:s0], [sflag:$0x4] =	stream.indirect.gather [hbm4b:s3+s24], $0x20, s23, s24, $0xb8;
	[tilespmem:$0xD400] =	vst v63  }
0xc4: {  	_ =	swait.ge [sflag:s12], $0x640  }
0xc5: {  	[sflag:s12] =	ssyncset.done $0x0  }
0xc6: {  	s0 =	sadd.s32 $0xA200, s17;
	s23 =	sadd.s32 $0x320, s5;
	[sflag:s12] =	ssyncadd.s32 $0xFFFFF9C0  }
0xc7: {  	[hbm4b:s23+s2] =	stream.linear.scatter [tilespmem:s0], [sflag:$0xD], $0x640, $0x38;
	[tilespmem:$0xD400] =	vst v63  }
0xc8: {  	_ =	swait.ge [sflag:s1], $0x640  }
0xc9: {  	[sflag:s1] =	ssyncset.done $0x0  }
0xca: {  	s0 =	sadd.s32 $0xA200, s4;
	s23 =	sadd.s32 $0x460, s18;
	[sflag:s1] =	ssyncadd.s32 $0xFFFFF9C0  }
0xcb: {  	[tilespmem:s0], [sflag:$0x5] =	stream.indirect.gather [hbm4b:s3+s24], $0x20, s23, s24, $0xb8;
	[tilespmem:$0xD400] =	vst v63  }
0xcc: {  	_ =	swait.ge [sflag:s14], $0x640  }
0xcd: {  	[sflag:s14] =	ssyncset.done $0x0  }
0xce: {  	s0 =	sadd.s32 $0xAE80, s17;
	s23 =	sadd.s32 $0x3E8, s5;
	[sflag:s14] =	ssyncadd.s32 $0xFFFFF9C0  }
0xcf: {  	[hbm4b:s23+s2] =	stream.linear.scatter [tilespmem:s0], [sflag:$0xE], $0x640, $0x38;
	[tilespmem:$0xD400] =	vst v63  }
0xd0: {  	_ =	swait.ge [sflag:s26], $0x640  }
0xd1: {  	[sflag:s26] =	ssyncset.done $0x0  }
0xd2: {  	s0 =	sadd.s32 $0xAE80, s4;
	s23 =	sadd.s32 $0x498, s18;
	[sflag:s26] =	ssyncadd.s32 $0xFFFFF9C0  }
0xd3: {  	[tilespmem:s0], [sflag:$0x6] =	stream.indirect.gather [hbm4b:s3+s24], $0x20, s23, s24, $0xb8;
	[tilespmem:$0xD400] =	vst v63  }
0xd4: {  	_ =	swait.ge [sflag:s16], $0x640  }
0xd5: {  	[sflag:s16] =	ssyncset.done $0x0  }
0xd6: {  	s0 =	sadd.s32 $0xBB00, s17;
	s23 =	sadd.s32 $0x4B0, s5;
	[sflag:s16] =	ssyncadd.s32 $0xFFFFF9C0  }
0xd7: {  	[hbm4b:s23+s2] =	stream.linear.scatter [tilespmem:s0], [sflag:$0xF], $0x640, $0x38;
	[tilespmem:$0xD400] =	vst v63  }
0xd8: {  	_ =	swait.ge [sflag:s31], $0x640  }
0xd9: {  	[sflag:s31] =	ssyncset.done $0x0  }
0xda: {  	s0 =	sadd.s32 $0xBB00, s4;
	s23 =	sadd.s32 $0x4D0, s18;
	[sflag:s31] =	ssyncadd.s32 $0xFFFFF9C0  }
0xdb: {  	[tilespmem:s0], [sflag:$0x7] =	stream.indirect.gather [hbm4b:s3+s24], $0x20, s23, s24, $0xb8;
	[tilespmem:$0xD400] =	vst v63  }
0xdc: {  	_ =	swait.ge [sflag:s25], $0x640  }
0xdd: {  	s0 =	sadd.s32 $0x578, s5;
	[sflag:s25] =	ssyncset.done $0x0  }
.Ltmp0:
0xde: {  	s17 =	sadd.s32 $0xC780, s17;
	[sflag:s25] =	ssyncadd.s32 $0xFFFFF9C0;
	(pc) =	sbr.rel @p0 .LBB2_2-.Ltmp0, $4  }
0xdf: {  	[hbm4b:s0+s2] =	stream.linear.scatter [tilespmem:s17], [sflag:$0x10], $0x640, $0x38;
	[tilespmem:$0xD400] =	vst v63  }
0xe0: {  	_ =	swait.ge [sflag:s29], $0x640  }
0xe1: {  	s4 =	sadd.s32 $0xC780, s4;
	s5 =	sadd.s32 $0x640, s5;
	[sflag:s29] =	ssyncset.done $0x0  }
0xe2: {  	s15 =	sadd.s32 $0x1, s15;
	s17 =	sadd.s32 $0x508, s18;
	[sflag:s29] =	ssyncadd.s32 $0xFFFFF9C0  }
0xe3: {  	[tilespmem:s4], [sflag:$0x8] =	stream.indirect.gather [hbm4b:s3+s24], $0x20, s17, s24, $0xb8;
	[tilespmem:$0xD400] =	vst v63  }
0xe4: {  	s4 =	smul.u32 $0x640, s9;
	_ =	swait.ge [sflag:s19], $0x640  }
0xe5: {  	[sflag:s19] =	ssyncset.done $0x0  }
0xe6: {  	s0 =	sor.u32 $0x7000, s4;
	[sflag:s19] =	ssyncadd.s32 $0xFFFFF9C0  }
0xe7: {  	[hbm4b:s5+s2] =	stream.linear.scatter [tilespmem:s0], [sflag:$0x9], $0x640, $0x38;
	[tilespmem:$0xD400] =	vst v63  }
0xe8: {  	s9 =	smul.u32 $0x640, s11;
	_ =	swait.ge [sflag:s28], $0x640  }
0xe9: {  	s7 =	sshra.s32 s7, $0x2;
	[sflag:s28] =	ssyncset.done $0x0  }
0xea: {  	s17 =	sadd.s32 $0x380, s7;
	s15 =	sor.u32 $0x7000, s9;
	[sflag:s28] =	ssyncadd.s32 $0xFFFFF9C0  }
0xeb: {  	[tilespmem:s15], [sflag:$0x1] =	stream.indirect.gather [hbm4b:s3+s24], $0x20, s17, s24, $0xb8;
	[tilespmem:$0xD400] =	vst v63  }
0xec: {  	_ =	swait.ge [sflag:s6], $0x640  }
0xed: {  	[sflag:s6] =	ssyncset.done $0x0  }
0xee: {  	s23 =	sadd.s32 $0xC8, s5;
	s18 =	sadd.s32 $0x7C80, s4;
	[sflag:s6] =	ssyncadd.s32 $0xFFFFF9C0  }
0xef: {  	[hbm4b:s23+s2] =	stream.linear.scatter [tilespmem:s18], [sflag:$0xA], $0x640, $0x38;
	[tilespmem:$0xD400] =	vst v63  }
0xf0: {  	_ =	swait.ge [sflag:s20], $0x640  }
0xf1: {  	[sflag:s20] =	ssyncset.done $0x0  }
0xf2: {  	s13 =	sadd.s32 $0x3B8, s7;
	s11 =	sadd.s32 $0x7C80, s9;
	[sflag:s20] =	ssyncadd.s32 $0xFFFFF9C0  }
0xf3: {  	[tilespmem:s11], [sflag:$0x2] =	stream.indirect.gather [hbm4b:s3+s24], $0x20, s13, s24, $0xb8;
	[tilespmem:$0xD400] =	vst v63  }
0xf4: {  	_ =	swait.ge [sflag:s8], $0x640  }
0xf5: {  	[sflag:s8] =	ssyncset.done $0x0  }
0xf6: {  	s15 =	sadd.s32 $0x8900, s4;
	s17 =	sadd.s32 $0x190, s5;
	[sflag:s8] =	ssyncadd.s32 $0xFFFFF9C0  }
0xf7: {  	[hbm4b:s17+s2] =	stream.linear.scatter [tilespmem:s15], [sflag:$0xB], $0x640, $0x38;
	[tilespmem:$0xD400] =	vst v63  }
0xf8: {  	_ =	swait.ge [sflag:s21], $0x640  }
0xf9: {  	[sflag:s21] =	ssyncset.done $0x0  }
0xfa: {  	s18 =	sadd.s32 $0x8900, s9;
	s23 =	sadd.s32 $0x3F0, s7;
	[sflag:s21] =	ssyncadd.s32 $0xFFFFF9C0  }
0xfb: {  	[tilespmem:s18], [sflag:$0x3] =	stream.indirect.gather [hbm4b:s3+s24], $0x20, s23, s24, $0xb8;
	[tilespmem:$0xD400] =	vst v63  }
0xfc: {  	_ =	swait.ge [sflag:s10], $0x640  }
0xfd: {  	[sflag:s10] =	ssyncset.done $0x0  }
0xfe: {  	s11 =	sadd.s32 $0x9580, s4;
	s13 =	sadd.s32 $0x258, s5;
	[sflag:s10] =	ssyncadd.s32 $0xFFFFF9C0  }
0xff: {  	[hbm4b:s13+s2] =	stream.linear.scatter [tilespmem:s11], [sflag:$0xC], $0x640, $0x38;
	[tilespmem:$0xD400] =	vst v63  }
0x100: {  	_ =	swait.ge [sflag:s30], $0x640  }
0x101: {  	[sflag:s30] =	ssyncset.done $0x0  }
0x102: {  	s15 =	sadd.s32 $0x9580, s9;
	s17 =	sadd.s32 $0x428, s7;
	[sflag:s30] =	ssyncadd.s32 $0xFFFFF9C0  }
0x103: {  	[tilespmem:s15], [sflag:$0x4] =	stream.indirect.gather [hbm4b:s3+s24], $0x20, s17, s24, $0xb8;
	[tilespmem:$0xD400] =	vst v63  }
0x104: {  	_ =	swait.ge [sflag:s12], $0x640  }
0x105: {  	[sflag:s12] =	ssyncset.done $0x0  }
0x106: {  	s18 =	sadd.s32 $0xA200, s4;
	s23 =	sadd.s32 $0x320, s5;
	[sflag:s12] =	ssyncadd.s32 $0xFFFFF9C0  }
0x107: {  	[hbm4b:s23+s2] =	stream.linear.scatter [tilespmem:s18], [sflag:$0xD], $0x640, $0x38;
	[tilespmem:$0xD400] =	vst v63  }
0x108: {  	_ =	swait.ge [sflag:s1], $0x640  }
0x109: {  	[sflag:s1] =	ssyncset.done $0x0  }
0x10a: {  	s11 =	sadd.s32 $0xA200, s9;
	s13 =	sadd.s32 $0x460, s7;
	[sflag:s1] =	ssyncadd.s32 $0xFFFFF9C0  }
0x10b: {  	[tilespmem:s11], [sflag:$0x5] =	stream.indirect.gather [hbm4b:s3+s24], $0x20, s13, s24, $0xb8;
	[tilespmem:$0xD400] =	vst v63  }
0x10c: {  	_ =	swait.ge [sflag:s14], $0x640  }
0x10d: {  	[sflag:s14] =	ssyncset.done $0x0  }
0x10e: {  	s15 =	sadd.s32 $0xAE80, s4;
	s17 =	sadd.s32 $0x3E8, s5;
	[sflag:s14] =	ssyncadd.s32 $0xFFFFF9C0  }
0x10f: {  	[hbm4b:s17+s2] =	stream.linear.scatter [tilespmem:s15], [sflag:$0xE], $0x640, $0x38;
	[tilespmem:$0xD400] =	vst v63  }
0x110: {  	_ =	swait.ge [sflag:s26], $0x640  }
0x111: {  	[sflag:s26] =	ssyncset.done $0x0  }
0x112: {  	s18 =	sadd.s32 $0xAE80, s9;
	s23 =	sadd.s32 $0x498, s7;
	[sflag:s26] =	ssyncadd.s32 $0xFFFFF9C0  }
0x113: {  	[tilespmem:s18], [sflag:$0x6] =	stream.indirect.gather [hbm4b:s3+s24], $0x20, s23, s24, $0xb8;
	[tilespmem:$0xD400] =	vst v63  }
0x114: {  	_ =	swait.ge [sflag:s16], $0x640  }
0x115: {  	[sflag:s16] =	ssyncset.done $0x0  }
0x116: {  	s13 =	sadd.s32 $0xBB00, s4;
	s15 =	sadd.s32 $0x4B0, s5;
	[sflag:s16] =	ssyncadd.s32 $0xFFFFF9C0  }
0x117: {  	[hbm4b:s15+s2] =	stream.linear.scatter [tilespmem:s13], [sflag:$0xF], $0x640, $0x38;
	[tilespmem:$0xD400] =	vst v63  }
0x118: {  	_ =	swait.ge [sflag:s31], $0x640  }
0x119: {  	[sflag:s31] =	ssyncset.done $0x0  }
0x11a: {  	s17 =	sadd.s32 $0xBB00, s9;
	s18 =	sadd.s32 $0x4D0, s7;
	[sflag:s31] =	ssyncadd.s32 $0xFFFFF9C0  }
0x11b: {  	[tilespmem:s17], [sflag:$0x7] =	stream.indirect.gather [hbm4b:s3+s24], $0x20, s18, s24, $0xb8;
	[tilespmem:$0xD400] =	vst v63  }
0x11c: {  	_ =	swait.ge [sflag:s25], $0x640  }
0x11d: {  	[sflag:s25] =	ssyncset.done $0x0  }
0x11e: {  	s4 =	sadd.s32 $0xC780, s4;
	s23 =	sadd.s32 $0x578, s5;
	[sflag:s25] =	ssyncadd.s32 $0xFFFFF9C0  }
0x11f: {  	[hbm4b:s23+s2] =	stream.linear.scatter [tilespmem:s4], [sflag:$0x10], $0x640, $0x38;
	[tilespmem:$0xD400] =	vst v63  }
0x120: {  	_ =	swait.ge [sflag:s29], $0x640  }
0x121: {  	[sflag:s29] =	ssyncset.done $0x0  }
0x122: {  	s5 =	sadd.s32 $0x508, s7;
	s4 =	sadd.s32 $0xC780, s9;
	[sflag:s29] =	ssyncadd.s32 $0xFFFFF9C0  }
0x123: {  	[tilespmem:s4], [sflag:$0x8] =	stream.indirect.gather [hbm4b:s3+s24], $0x20, s5, s24, $0xb8;
	[tilespmem:$0xD400] =	vst v63  }
0x124: {  	_ =	swait.ge [sflag:s19], $0x640  }
0x125: {  	[sflag:s19] =	ssyncset.done $0x0  }
0x126: {  	s18 =	simm.s32 $0x7640;
	s7 =	rddreg [dreg:$0xc];
	[sflag:s19] =	ssyncadd.s32 $0xFFFFF9C0  }
0x127: {  	[hbm4b:s7+s2] =	stream.linear.scatter [tilespmem:s18], [sflag:$0x9], $0x640, $0x38;
	[tilespmem:$0xD400] =	vst v63  }
0x128: {  	_ =	swait.ge [sflag:s6], $0x640  }
0x129: {  	[sflag:s6] =	ssyncset.done $0x0  }
0x12a: {  	s23 =	simm.s32 $0x82C0;
	s9 =	rddreg [dreg:$0xd];
	[sflag:s6] =	ssyncadd.s32 $0xFFFFF9C0  }
0x12b: {  	[hbm4b:s9+s2] =	stream.linear.scatter [tilespmem:s23], [sflag:$0xA], $0x640, $0x38;
	[tilespmem:$0xD400] =	vst v63  }
0x12c: {  	_ =	swait.ge [sflag:s8], $0x640  }
0x12d: {  	[sflag:s8] =	ssyncset.done $0x0  }
0x12e: {  	s13 =	simm.s32 $0x8F40;
	s11 =	rddreg [dreg:$0xe];
	[sflag:s8] =	ssyncadd.s32 $0xFFFFF9C0  }
0x12f: {  	[hbm4b:s11+s2] =	stream.linear.scatter [tilespmem:s13], [sflag:$0xB], $0x640, $0x38;
	[tilespmem:$0xD400] =	vst v63  }
0x130: {  	_ =	swait.ge [sflag:s10], $0x640  }
0x131: {  	[sflag:s10] =	ssyncset.done $0x0  }
0x132: {  	s15 =	rddreg [dreg:$0xf];
	[sflag:s10] =	ssyncadd.s32 $0xFFFFF9C0  }
0x133: {  	[hbm4b:s15+s2] =	stream.linear.scatter [tilespmem:s22], [sflag:$0xC], $0x640, $0x38;
	[tilespmem:$0xD400] =	vst v63  }
0x134: {  	_ =	swait.ge [sflag:s12], $0x640  }
0x135: {  	[sflag:s12] =	ssyncset.done $0x0  }
0x136: {  	s22 =	simm.s32 $0xA840;
	s17 =	rddreg [dreg:$0x10];
	[sflag:s12] =	ssyncadd.s32 $0xFFFFF9C0  }
0x137: {  	[hbm4b:s17+s2] =	stream.linear.scatter [tilespmem:s22], [sflag:$0xD], $0x640, $0x38;
	[tilespmem:$0xD400] =	vst v63  }
0x138: {  	_ =	swait.ge [sflag:s14], $0x640  }
0x139: {  	[sflag:s14] =	ssyncset.done $0x0  }
0x13a: {  	s7 =	simm.s32 $0xB4C0;
	s5 =	rddreg [dreg:$0x11];
	[sflag:s14] =	ssyncadd.s32 $0xFFFFF9C0  }
0x13b: {  	[hbm4b:s5+s2] =	stream.linear.scatter [tilespmem:s7], [sflag:$0xE], $0x640, $0x38;
	[tilespmem:$0xD400] =	vst v63  }
0x13c: {  	_ =	swait.ge [sflag:s16], $0x640  }
0x13d: {  	[sflag:s16] =	ssyncset.done $0x0  }
0x13e: {  	s11 =	simm.s32 $0xC140;
	s9 =	rddreg [dreg:$0x12];
	[sflag:s16] =	ssyncadd.s32 $0xFFFFF9C0  }
0x13f: {  	[hbm4b:s9+s2] =	stream.linear.scatter [tilespmem:s11], [sflag:$0xF], $0x640, $0x38;
	[tilespmem:$0xD400] =	vst v63  }
0x140: {  	_ =	swait.ge [sflag:s25], $0x640  }
0x141: {  	[sflag:s25] =	ssyncset.done $0x0  }
0x142: {  	s15 =	simm.s32 $0xCDC0;
	s13 =	rddreg [dreg:$0x13];
	[sflag:s25] =	ssyncadd.s32 $0xFFFFF9C0  }
0x143: {  	[hbm4b:s13+s2] =	stream.linear.scatter [tilespmem:s15], [sflag:$0x10], $0x640, $0x38;
	[tilespmem:$0xD400] =	vst v63  }
0x144: {  	_ =	swait.ge [sflag:s28], $0x640  }
0x145: {  	[sflag:s28] =	ssyncset.done $0x0  }
0x146: {  	[sflag:s28] =	ssyncadd.s32 $0xFFFFF9C0  }
0x147: {  	_ =	swait.ge [sflag:s28], $0x640  }
0x148: {  	[sflag:s28] =	ssyncset.done $0x0  }
0x149: {  	[sflag:s28] =	ssyncadd.s32 $0xFFFFF9C0  }
0x14a: {  	_ =	swait.ge [sflag:s20], $0x640  }
0x14b: {  	[sflag:s20] =	ssyncset.done $0x0  }
0x14c: {  	[sflag:s20] =	ssyncadd.s32 $0xFFFFF9C0  }
0x14d: {  	_ =	swait.ge [sflag:s20], $0x640  }
0x14e: {  	[sflag:s20] =	ssyncset.done $0x0  }
0x14f: {  	[sflag:s20] =	ssyncadd.s32 $0xFFFFF9C0  }
0x150: {  	_ =	swait.ge [sflag:s21], $0x640  }
0x151: {  	[sflag:s21] =	ssyncset.done $0x0  }
0x152: {  	[sflag:s21] =	ssyncadd.s32 $0xFFFFF9C0  }
0x153: {  	_ =	swait.ge [sflag:s21], $0x640  }
0x154: {  	[sflag:s21] =	ssyncset.done $0x0  }
0x155: {  	[sflag:s21] =	ssyncadd.s32 $0xFFFFF9C0  }
0x156: {  	_ =	swait.ge [sflag:s30], $0x640  }
0x157: {  	[sflag:s30] =	ssyncset.done $0x0  }
0x158: {  	[sflag:s30] =	ssyncadd.s32 $0xFFFFF9C0  }
0x159: {  	_ =	swait.ge [sflag:s30], $0x640  }
0x15a: {  	[sflag:s30] =	ssyncset.done $0x0  }
0x15b: {  	[sflag:s30] =	ssyncadd.s32 $0xFFFFF9C0  }
0x15c: {  	_ =	swait.ge [sflag:s1], $0x640  }
0x15d: {  	[sflag:s1] =	ssyncset.done $0x0  }
0x15e: {  	[sflag:s1] =	ssyncadd.s32 $0xFFFFF9C0  }
0x15f: {  	_ =	swait.ge [sflag:s1], $0x640  }
0x160: {  	[sflag:s1] =	ssyncset.done $0x0  }
0x161: {  	[sflag:s1] =	ssyncadd.s32 $0xFFFFF9C0  }
0x162: {  	_ =	swait.ge [sflag:s26], $0x640  }
0x163: {  	[sflag:s26] =	ssyncset.done $0x0  }
0x164: {  	[sflag:s26] =	ssyncadd.s32 $0xFFFFF9C0  }
0x165: {  	_ =	swait.ge [sflag:s26], $0x640  }
0x166: {  	[sflag:s26] =	ssyncset.done $0x0  }
0x167: {  	[sflag:s26] =	ssyncadd.s32 $0xFFFFF9C0  }
0x168: {  	_ =	swait.ge [sflag:s31], $0x640  }
0x169: {  	[sflag:s31] =	ssyncset.done $0x0  }
0x16a: {  	[sflag:s31] =	ssyncadd.s32 $0xFFFFF9C0  }
0x16b: {  	_ =	swait.ge [sflag:s31], $0x640  }
0x16c: {  	[sflag:s31] =	ssyncset.done $0x0  }
0x16d: {  	[sflag:s31] =	ssyncadd.s32 $0xFFFFF9C0  }
0x16e: {  	_ =	swait.ge [sflag:s29], $0x640  }
0x16f: {  	[sflag:s29] =	ssyncset.done $0x0  }
0x170: {  	[sflag:s29] =	ssyncadd.s32 $0xFFFFF9C0  }
0x171: {  	_ =	swait.ge [sflag:s29], $0x640  }
0x172: {  	s17 =	rddreg [dreg:$0x16]  }
0x173: {  	s22 =	rddreg [dreg:$0x14];
	s4 =	sadd.s32 $0x1, s17  }
0x174: {  	p0 =	sne.s32 s4, s22  }
.Ltmp1:
0x175: {  	_ = 	snop;
	(pc) =	sbr.rel @p0 .LBB2_1-.Ltmp1, $3  }
0x176: {  	_ =	sdelay $0x1  }
0x177: {  	[sflag:s29] =	ssyncset.done $0x0  }
0x178: {  	[sflag:s29] =	ssyncadd.s32 $0xFFFFF9C0  }
0x179: {  	_ =	sfence.sel $0x180000  }
0x17a: {  	[bflag:$0x0] =	sbarrier.arrive $0xFFFF  }
0x17b: {  	_ =	strace $0x90000047  }
0x17c: {  	s0 =	stileid.u32;
	[bflag:$0x2] =	sbarrier.arrive $0xFFFF  }
0x17d: {  	p0 =	sne.s32 s0, $0x0;
	s0 =	rddreg [dreg:$0x2]  }
0x17e: {  	s0 =	sadd.s32 @!p0 $0x100000, s0  }
0x17f: {  	[sflag:s0] =	ssyncadd.tile.s32 @!p0 $0x1;
	_ =	shalt  }
.Lfunc_end2:
_tile_overlayer_lowered:
.L_overlay_start_2:
0x180: {  	(tag) =	ssettag $0x2  }
0x181: {  	s0 =	rddreg [dreg:$0x0];
	s2 =	stileid.u32  }
0x182: {  	s1 =	rddreg [dreg:$0x1];
	p0 =	sne.s32 s2, $0x0  }
0x183: {  	s3 =	rddreg [dreg:$0x2];
	[bflag:$0x3] =	sbarrier.arrive $0xFFFF;
	s2 =	simm.s32 @!p0 $0x1C11  }
0x184: {  	[timem:s3], [sflag:s2] =	dma.local @!p0 [hbm:s0], s1  }
0x185: {  	s0 =	simm.s32 @!p0 $0x11  }
0x186: {  	_ =	swait.ge @!p0 [sflag:s0], s1  }
0x187: {  	s1 =	ssub.s32 @!p0 $0x0, s1;
	[sflag:s0] =	ssyncset.done @!p0 $0x0  }
0x188: {  	[sflag:s0] =	ssyncadd.s32 @!p0 s1  }
0x189: {  	[bflag:$0x3] =	sbarrier.arrive $0xFFFF  }
0x18a: {  	_ =	shalt  }

// kernel: sparse-core-data-format-call.cloned.1.call-start
scs
called_computation_lowered:
.L_overlay_start_0:
0x0: {  	s2 =	sld [smem:$0x3FD9]  }
0x1: {  	s3 =	sld [smem:$0x3FFE];
	_ =	sdelay $0x1  }
0x2: {  	s1 =	srdreg.scid  }
0x3: {  	s0 =	sand.u32 $0x1, s1  }
0x4: {  	s18 =	sshll.u32 s0, $0xA;
	s2 =	sadd.s32 s3, s2  }
0x5: {  	s2 =	sadd.s32 s2, s18  }
0x6: {  	[smem:$0x3FC6] =	sst s2  }
0x7: {  	_ = 	snop  }
0x8: {  	s2 =	sld [smem:$0x3FD0];
	(tm) =	ssettm $0x1  }
0x9: {  	s19 =	sld [smem:$0x3FFB];
	_ =	sdelay $0x3  }
0xa: {  	_ =	strace s19  }
0xb: {  	s3 =	sld [smem:$0x3FFC];
	_ =	sdelay $0x3  }
0xc: {  	_ =	strace s3  }
0xd: {  	s3 =	sld [smem:$0x3FFD];
	_ =	sdelay $0x3  }
0xe: {  	_ =	strace s3  }
0xf: {  	_ =	strace $0x8FFFFFFF  }
0x10: {  	s20 =	sld [smem:$0x3FDB];
	_ =	sdelay $0x1  }
0x11: {  	s4 =	simm.s32 $_scs_section_size  }
0x12: {  	s5 =	simm.s32 $_size__tile_overlayer_lowered;
	s6 =	simm.s32 $_tile_overlayer_lowered  }
0x13: {  	s23 =	simm.s32 $0x1BFF;
	s22 =	sshll.u32 s6, $0x1;
	s3 =	sadd.s32 s4, s20  }
0x14: {  	s7 =	simm.s32 $0x0;
	s21 =	sshll.u32 s5, $0x1;
	s5 =	sadd.s32 s22, s3  }
0x15: {  	[timem:s7], [sflag:s23] =	dma.local [hbm:s5], s21  }
0x16: {  	_ =	swait.ge [sflag:s23], s21  }
0x17: {  	s4 =	ssub.s32 $0x0, s21;
	[sflag:s23] =	ssyncset.done $0x0  }
0x18: {  	[sflag:s23] =	ssyncadd.s32 s4;
	_ =	sdelay $0x1  }
0x19: {  	s24 =	simm.s32 $0x1B8B  }
0x1a: {  	_ =	swait.ge [sflag:s24], $0x1  }
0x1b: {  	[sflag:s24] =	ssyncset.done $0x0  }
0x1c: {  	s26 =	simm.s32 $0x1B8E;
	s25 =	sld [smem:$0x3FFE];
	[sflag:s24] =	ssyncadd.s32 $0xFFFFFFFF  }
0x1d: {  	s27 =	simm.s32 $execute0_lowered;
	[smem:$0x3FD2] =	sst s26  }
0x1e: {  	s5 =	sshll.u32 s27, $0x1;
	_ =	strace $0x80000049;
	[dreg:$0x1] =	wrdreg $0xFFFFFFFF  }
0x1f: {  	s28 =	simm.s32 $_size_execute0_lowered;
	s3 =	sadd.s32 s3, s5;
	[dreg:$0x0] =	wrdreg $0x0  }
0x20: {  	s5 =	sshll.u32 s28, $0x1;
	[dreg:$0x2] =	wrdreg s3  }
0x21: {  	[dreg:$0x3] =	wrdreg s5  }
0x22: {  	[dreg:$0x4] =	wrdreg $0xC0  }
0x23: {  	_ =	task [dreg:s7], $0x5FFFF  }
0x24: {  	[dreg:$0x1] =	wrdreg $0xFFFFFFFF  }
0x25: {  	[dreg:$0x0] =	wrdreg $0x60  }
0x26: {  	[dreg:$0x2] =	wrdreg s25  }
0x27: {  	[dreg:$0x3] =	wrdreg s2  }
0x28: {  	[dreg:$0x4] =	wrdreg $0x9  }
0x29: {  	_ =	task.clear_ibuf [dreg:s7], $0x5FFFF;
	_ =	strace $0x90000049  }
0x2a: {  	s29 =	simm.s32 $0x9;
	_ =	strace $0x8000004B  }
0x2b: {  	_ =	swait.ge [sflag:s29], $0x1  }
0x2c: {  	[sflag:s29] =	ssyncadd.s32 $0xFFFFFFFF  }
0x2d: {  	_ =	strace $0x9000004B  }
0x2e: {  	_ =	sfence  }
0x2f: {  	s30 =	sld [smem:$0x0];
	_ =	sdelay $0x2  }
0x30: {  	s31 =	sshll.u32 s1, $0xD;
	s1 =	sshrl.u32 s1, $0x2  }
0x31: {  	s3 =	sand.u32 $0x4000, s31;
	s1 =	sadd.s32 s1, s30  }
0x32: {  	s0 =	sor.u32 s3, s0;
	s1 =	sshll.u32 s1, $0x11  }
0x33: {  	s0 =	sor.u32 s1, s0  }
0x34: {  	s0 =	sadd.s32 $0x8F2B, s0  }
0x35: {  	[sflag:s0] =	ssyncadd.remote.s32 $0x1  }
0x36: {  	_ =	sfence.sel $0xFFFF  }
0x37: {  	[dreg:$0x0] =	wrdreg $0xFFFFFFFF;
	(pc) =	sbr.abs _section_cstart, $3  }
0x38: {  	[dreg:$0x1] =	wrdreg $0xFFFFFFFF  }
0x39: {  	_ =	task.clear_ibuf [dreg:s7], $0x2FFFF;
	_ =	strace $0x9FFFFFFF  }
0x3a: {  	(tm) =	ssettm $0x7FFFFFFF  }
0x3b: {  	_ =	shalt  }
tec
execute0_lowered:
.L_overlay_start_1:
0x0: {  	(tag) =	ssettag $0x1  }
0x1: {  	s0 =	srdreg.scid  }
0x2: {  	s1 =	sshll.u32 s0, $0x4  }
0x3: {  	s0 =	stileid.u32;
	s1 =	sand.u32 $0x10, s1  }
0x4: {  	s1 =	sor.u32 s0, s1  }
0x5: {  	s6 =	rddreg [dreg:$0x0];
	s4 =	simm.s32 $0x1;
	s2 =	sshll.u32 s1, $0x7  }
0x6: {  	s7 =	simm.s32 $0x2;
	s12 =	simm.s32 $0x0;
	s1 =	ssub.s32 $0x4000, s2  }
0x7: {  	s8 =	simm.s32 $0x20000;
	s13 =	simm.s32 $0x0;
	s3 =	sand.u32 $0xF80, s1  }
0x8: {  	s9 =	simm.s32 $0x0;
	s5 =	sshrl.u32 s1, $0xC;
	p0 =	sne.s32 s3, $0x0  }
.Ltmp0:
0x9: {  	s1 =	rddreg [dreg:$0x2];
	s4 =	simm.s32 @!p0 $0x0;
	(pc) =	sbr.rel .LBB1_1-.Ltmp0, $4  }
0xa: {  	s11 =	simm.s32 $0x0;
	s3 =	rddreg [dreg:$0x1];
	s5 =	sadd.s32 s4, s5  }
0xb: {  	_ =	strace $0x8000004A;
	s4 =	simm.s32 $0x1;
	s5 =	smul.u32 $0x32, s5  }
0xc: {  	s6 =	sadd.s32 $0xA00, s6;
	s10 =	smov.u32 s2;
	[sflag:s4] =	ssyncpa.u1 $0x0  }
0xd: {  	p0 =	por $0x0, $0x0;
	[sflag:s7] =	ssyncpa.u1 $0x0;
	s7 =	sor.u32 $0x1, s5  }
.LBB1_4:
0xe: {  	s16 =	sshll.u32 s13, $0x3;
	s17 =	sand.u32 $0x78, s13  }
0xf: {  	s30 =	sand.u32 $0xF800, s13;
	s12 =	sshll.u32 s12, $0x10;
	s16 =	sand.u32 $0x3C00, s16  }
0x10: {  	s31 =	sand.u32 $0x7, s13;
	s16 =	sor.u32 s17, s16;
	s17 =	sadd.s32 s3, s30  }
0x11: {  	s13 =	sshll.u32 s31, $0x12;
	s16 =	sshrl.u32 s16, $0x3;
	s12 =	sadd.s32 s12, s17  }
0x12: {  	[tilespmem:s15+$0x0 ss:$0x81] =	vst.msk $0xffff, v0;
	s13 =	sor.u32 $0x400, s13;
	s12 =	sadd.s32 s16, s12  }
0x13: {  	[hbm4b:s12+s13] =	stream.strided.scatter [tilespmem:s14], [sflag:$0x2], $0x1000, s8, s13, $0x20;
	[tilespmem:$0x4040] =	vst v63  }
.LBB1_5:
0x14: {  	s14 =	sadd.s32 $0x1, s9  }
0x15: {  	s12 =	sadd.s32 $0x1000, s10;
	s16 =	smov.u32 s10;
	p2 =	sgt.s32 s14, $0x31  }
0x16: {  	s16 =	smov.u32 @p2 s12  }
0x17: {  	s14 =	simm.s32 @p2 $0x0;
	p2 =	sgt.s32 s16, $0x3FFF  }
0x18: {  	s16 =	smov.u32 @p2 s2;
	p2 =	sne.s32 s11, s7  }
.Ltmp1:
0x19: {  	p1 =	slt.u32 s11, $0x2;
	(pc) =	sbr.rel @!p2 .LBB1_6-.Ltmp1, $4  }
0x1a: {  	s15 =	simm.s32 @!p1 $0x2  }
0x1b: {  	s13 =	smov.u32 s10;
	p0 =	por !p0, !p0;
	_ =	swait.ge @!p1 [sflag:s15], $0x1000  }
0x1c: {  	s12 =	smov.u32 s9;
	[sflag:s15] =	ssyncset.done @!p1 $0x0;
	s9 =	smov.u32 s14  }
0x1d: {  	s11 =	sadd.s32 $0x1, s11;
	[sflag:s15] =	ssyncadd.s32 @!p1 $0xFFFFF000;
	s10 =	smov.u32 s16  }
.LBB1_1:
0x1e: {  	p1 =	sge.u32 s11, s5  }
0x1f: {  	s14 =	sand.u32 @!p1 $0x1FFFFFF, s9  }
0x20: {  	s15 =	smulhi.u32 @!p1 $0x4924925, s14;
	_ =	sdelay $0x1  }
0x21: {  	s15 =	smul.u32 @!p1 $0x38, s15  }
0x22: {  	s16 =	sxor.u32 @!p1 $0xFFFFFFFF, s11;
	s17 =	smul.u32 @!p1 $0x380, s10  }
0x23: {  	s31 =	sadd.s32 $0xFFFFFFFF, s11;
	s16 =	sshll.u32 @!p1 s16, $0xC;
	s14 =	ssub.s32 @!p1 s14, s15  }
0x24: {  	s15 =	sand.u32 @!p1 $0x1000, s16;
	s16 =	sadd.s32 @!p1 s6, s17;
	s14 =	sshll.u32 @!p1 s14, $0x4  }
0x25: {  	s17 =	simm.s32 @!p1 $0x1C00;
	s14 =	sadd.s32 @!p1 s14, s16;
	s16 =	simm.s32 @!p1 $0x20  }
0x26: {  	[tilespmem:s15], [sflag:$0x1] =	stream.strided.gather @!p1 [hbm4b:s14+s16], $0x1000, s17, s16, $0x38;
	[tilespmem:$0x4040] =	vst v63  }
0x27: {  	p1 =	sge.u32 s31, s5  }
.Ltmp2:
0x28: {  	_ = 	snop;
	(pc) =	sbr.rel @p1 .LBB1_5-.Ltmp2, $1  }
0x29: {  	_ =	sdelay $0x3  }
0x2a: {  	s14 =	simm.s32 $0x1  }
0x2b: {  	_ =	swait.ge [sflag:s4], $0x1000;
	s14 =	simm.s32 @!p0 $0x0  }
0x2c: {  	[sflag:s4] =	ssyncset.done $0x0;
	s15 =	sshll.u32 s14, $0xC  }
0x2d: {  	[sflag:s4] =	ssyncadd.s32 $0xFFFFF000;
	s18 =	sor.u32 $0x10, s15  }
0x2e: {  	s14 =	smul.u32 $0x4080, s14;
	v1 =	vld [tilespmem:s18+$0x0]  }
0x2f: {  	s30 =	sand.u32 $0x1, s11;
	v0 =	vld [tilespmem:s18+$0xFFFFFFF0]  }
0x30: {  	s15 =	smul.u32 $0x4080, s30;
	s14 =	sshrl.u32 s14, $0x2  }
0x31: {  	s16 =	sor.u32 $0x2000, s14  }
0x32: {  	s31 =	sshrl.u32 s15, $0x2;
	s15 =	sadd.s32 $0x0, s16  }
0x33: {  	s17 =	simm.s32 $0x4;
	s18 =	sadd.s32 $0x20, s18;
	s14 =	sor.u32 $0x2000, s31;
	[tilespmem:s15+$0x810 ss:$0x81] =	vst.msk $0xffff, v1  }
.LBB1_3:
0x34: {  	v1 =	vld [tilespmem:s18+$0x0];
	p1 =	sne.s32 s17, $0x1FC;
	[tilespmem:s15+$0x0 ss:$0x81] =	vst.msk $0xffff, v0;
	s15 =	smov.u32 s17;
	s17 =	sadd.s32 $0x4, s17  }
.Ltmp3:
0x35: {  	v0 =	vld [tilespmem:s18+$0xFFFFFFF0];
	(pc) =	sbr.rel @p1 .LBB1_3-.Ltmp3, $4  }
0x36: {  	_ = 	snop  }
0x37: {  	s15 =	sshra.s32 s15, $0x2  }
0x38: {  	s15 =	sadd.s32 s15, s16  }
0x39: {  	s18 =	sadd.s32 $0x20, s18;
	[tilespmem:s15+$0x810 ss:$0x81] =	vst.msk $0xffff, v1  }
.Ltmp4:
0x3a: {  	_ = 	snop;
	(pc) =	sbr.rel .LBB1_4-.Ltmp4, $1  }
0x3b: {  	_ =	sdelay $0x3  }
.LBB1_6:
0x3c: {  	_ =	sfence.sel $0x180000  }
0x3d: {  	s2 =	simm.s32 $0x1;
	[bflag:$0x0] =	sbarrier.arrive $0xFFFF  }
0x3e: {  	s31 =	simm.s32 $0x2;
	[sflag:s2] =	ssyncpa.u1 $0x1  }
0x3f: {  	[sflag:s31] =	ssyncpa.u1 $0x1  }
0x40: {  	p0 =	sne.s32 s0, $0x0;
	_ =	strace $0x9000004A  }
0x41: {  	s0 =	sadd.s32 @!p0 $0x100000, s1;
	[bflag:$0x2] =	sbarrier.arrive $0xFFFF  }
0x42: {  	[sflag:s0] =	ssyncadd.tile.s32 @!p0 $0x1;
	_ =	shalt  }
.Lfunc_end1:
_tile_overlayer_lowered:
.L_overlay_start_2:
0x43: {  	(tag) =	ssettag $0x2  }
0x44: {  	s0 =	rddreg [dreg:$0x0];
	s2 =	stileid.u32  }
0x45: {  	s1 =	rddreg [dreg:$0x1];
	p0 =	sne.s32 s2, $0x0  }
0x46: {  	s3 =	rddreg [dreg:$0x2];
	[bflag:$0x3] =	sbarrier.arrive $0xFFFF;
	s2 =	simm.s32 @!p0 $0x1C01  }
0x47: {  	[timem:s3], [sflag:s2] =	dma.local @!p0 [hbm:s0], s1  }
0x48: {  	s0 =	simm.s32 @!p0 $0x1  }
0x49: {  	_ =	swait.ge @!p0 [sflag:s0], s1  }
0x4a: {  	s1 =	ssub.s32 @!p0 $0x0, s1;
	[sflag:s0] =	ssyncset.done @!p0 $0x0  }
0x4b: {  	[sflag:s0] =	ssyncadd.s32 @!p0 s1  }
0x4c: {  	[bflag:$0x3] =	sbarrier.arrive $0xFFFF  }
0x4d: {  	_ =	shalt  }

</sc_bundles>
